<compile_context>
chip_gen: v7x
topology: tpu7x:2x2x1
jax: 0.10.2.dev20260603
libtpu: 0.0.44.dev20260713+nightly
codegen_flags: <defaults>
</compile_context>

<pallas_src>
import functools

import jax
import jax.numpy as jnp
from jax import lax
from jax.experimental import pallas as pl
from jax.experimental.pallas import tpu as pltpu
from jax.experimental.pallas import tpu_sc as plsc

CH = 128
DEPTH = 8
BIG = 2**30
NEG = float("-inf")


def _score_topk_kernel(n_real, n_blocks, bn, topk, q_ref, keys_ref, idx_ref,
                       s3_ref, accv_ref, accp_ref, idx3_ref):
    nb = pl.program_id(0)
    nq = q_ref.shape[0]
    ngrp = nq // 8

    s = jax.lax.dot_general(
        q_ref[...], keys_ref[...],
        dimension_numbers=(((1,), (1,)), ((), ())),
        preferred_element_type=jnp.float32,
        precision=jax.lax.Precision.DEFAULT)
    base = nb * bn
    gc = base + jax.lax.broadcasted_iota(jnp.int32, (nq, bn), 1)
    s = jnp.where(gc < n_real, s, NEG)
    s3_ref[...] = s.reshape(ngrp, 8, bn)

    first = nb == 0
    zero8 = jnp.zeros((8, CH), jnp.int32)

    def do_pair(h, _):
        for g in (4 * h, 4 * h + 1, 4 * h + 2, 4 * h + 3):
            accv = [jnp.where(first, NEG, accv_ref[g, l])
                    for l in range(DEPTH)]
            accp = [jnp.where(first, 0, accp_ref[g, l])
                    for l in range(DEPTH)]
            for c in range(bn // CH):
                new_v = s3_ref[g, :, c * CH:(c + 1) * CH]
                new_p = zero8 + (nb * (bn // CH) + c)
                nxt_v, nxt_p = [], []
                ge_prev = None
                for l in range(DEPTH):
                    ge = accv[l] >= new_v
                    if l == 0:
                        nxt_v.append(jnp.maximum(accv[0], new_v))
                        ins_p = new_p
                    else:
                        nxt_v.append(jnp.maximum(
                            jnp.minimum(accv[l - 1], new_v), accv[l]))
                        ins_p = jnp.where(ge_prev, new_p, accp[l - 1])
                    nxt_p.append(jnp.where(ge, accp[l], ins_p))
                    ge_prev = ge
                accv, accp = nxt_v, nxt_p
            for l in range(DEPTH):
                accv_ref[g, l] = accv[l]
                accp_ref[g, l] = accp[l]
        return 0

    jax.lax.fori_loop(0, ngrp // 4, do_pair, 0)

    @pl.when(nb == n_blocks - 1)
    def _merge():
        kcol = jax.lax.broadcasted_iota(jnp.int32, (8, topk), 1)
        lanecand = jax.lax.broadcasted_iota(jnp.int32, (8, CH * DEPTH),
                                            1) % CH

        def merge_group(g, _):
            vals = jnp.concatenate([accv_ref[g, l] for l in range(DEPTH)],
                                   axis=1)
            poss = jnp.concatenate([accp_ref[g, l] for l in range(DEPTH)],
                                   axis=1)
            poss = poss * CH + lanecand

            def one_k(k, carry):
                vals, idx = carry
                m = jnp.max(vals, axis=1, keepdims=True)
                sel = vals == m
                pos = jnp.min(jnp.where(sel, poss, BIG), axis=1,
                              keepdims=True)
                vals = jnp.where(sel & (poss == pos), NEG, vals)
                idx = jnp.where(kcol == k, pos, idx)
                return vals, idx

            _, idx = jax.lax.fori_loop(
                0, topk, one_k, (vals, jnp.zeros((8, topk), jnp.int32)))
            idx3_ref[g] = idx
            return 0

        jax.lax.fori_loop(0, ngrp, merge_group, 0)
        idx_ref[...] = idx3_ref[...].reshape(nq, topk)


def _topk_indices(qf, keys, topk):
    nq, d = qf.shape
    n = keys.shape[0]
    bn = 2048
    n_blocks = -(-n // bn)
    n_pad = n_blocks * bn
    keys_p = jnp.pad(keys, ((0, n_pad - n), (0, 0)))
    kern = functools.partial(_score_topk_kernel, n, n_blocks, bn, topk)
    idx = pl.pallas_call(
        kern,
        grid=(n_blocks,),
        in_specs=[
            pl.BlockSpec((nq, d), lambda j: (0, 0)),
            pl.BlockSpec((bn, d), lambda j: (j, 0)),
        ],
        out_specs=pl.BlockSpec((nq, topk), lambda j: (0, 0)),
        out_shape=jax.ShapeDtypeStruct((nq, topk), jnp.int32),
        scratch_shapes=[
            pltpu.VMEM((nq // 8, 8, bn), jnp.float32),
            pltpu.VMEM((nq // 8, DEPTH, 8, CH), jnp.float32),
            pltpu.VMEM((nq // 8, DEPTH, 8, CH), jnp.int32),
            pltpu.VMEM((nq // 8, 8, topk), jnp.int32),
        ],
        compiler_params=pltpu.CompilerParams(
            dimension_semantics=("arbitrary",)),
    )(qf, keys_p)
    return idx


_SC_CORES = 2
_SC_SUBCORES = 16


def _sc_gather(keys, values, idx_flat):
    n_rows, d = keys.shape
    b = idx_flat.shape[0]
    nw = _SC_CORES * _SC_SUBCORES
    b_per_w = b // nw
    chunk = 64
    n_chunks = b_per_w // chunk
    mesh = plsc.VectorSubcoreMesh(core_axis_name="c", subcore_axis_name="s")

    @functools.partial(
        pl.kernel, mesh=mesh,
        out_type=(jax.ShapeDtypeStruct((b, d), jnp.float32),
                  jax.ShapeDtypeStruct((b, d), jnp.float32)),
        scratch_types=[
            pltpu.VMEM((b_per_w,), jnp.int32),
            pltpu.VMEM((chunk, d), jnp.float32),
            pltpu.VMEM((chunk, d), jnp.float32),
            pltpu.VMEM((chunk, d), jnp.float32),
            pltpu.VMEM((chunk, d), jnp.float32),
            pltpu.SemaphoreType.DMA,
            pltpu.SemaphoreType.DMA,
        ],
    )
    def gather_kernel(keys_hbm, values_hbm, idx_hbm, k_out, v_out,
                      idx_v, bk0, bk1, bv0, bv1, sem_k, sem_v):
        wid = lax.axis_index("s") * _SC_CORES + lax.axis_index("c")
        base = wid * b_per_w
        pltpu.sync_copy(idx_hbm.at[pl.ds(base, b_per_w)], idx_v)
        bks, bvs = (bk0, bk1), (bv0, bv1)
        prev = None
        for c in range(n_chunks):
            idx_c = idx_v.at[pl.ds(c * chunk, chunk)]
            ck = pltpu.async_copy(keys_hbm.at[idx_c], bks[c % 2], sem_k)
            cv = pltpu.async_copy(values_hbm.at[idx_c], bvs[c % 2], sem_v)
            if prev is not None:
                pc, pck, pcv = prev
                pck.wait()
                pcv.wait()
                off = base + pc * chunk
                pltpu.sync_copy(bks[pc % 2], k_out.at[pl.ds(off, chunk)])
                pltpu.sync_copy(bvs[pc % 2], v_out.at[pl.ds(off, chunk)])
            prev = (c, ck, cv)
        pc, pck, pcv = prev
        pck.wait()
        pcv.wait()
        off = base + pc * chunk
        pltpu.sync_copy(bks[pc % 2], k_out.at[pl.ds(off, chunk)])
        pltpu.sync_copy(bvs[pc % 2], v_out.at[pl.ds(off, chunk)])

    return gather_kernel(keys, values, idx_flat)


def kernel(q, keys, values, topk):
    b, t, d = q.shape
    k_eff = min(32, keys.shape[0])
    qf = q.reshape(b * t, d)
    idx = _topk_indices(qf, keys, k_eff)
    k_mem, v_mem = _sc_gather(keys, values, idx.reshape(-1))
    k_mem = k_mem.reshape(b, t, k_eff, d)
    v_mem = v_mem.reshape(b, t, k_eff, values.shape[1])
    return (k_mem, v_mem)

# --- scband reference (transcript-rebuilt; emitter-appended) ---
"""Pipeline reference for scband-memory-bank-88759794139161 (READ-ONLY COPY).

The authoritative reference and input builder live on the scoring server;
editing this copy changes nothing except your own understanding.
"""

import jax, jax.numpy as jnp
import numpy as np


def setup_inputs(seed: int = 0) -> dict:
    key = jax.random.key(seed)
    k1, k2, k3 = jax.random.split(key, 3)
    q = jax.random.normal(k1, (32, 16, 256), dtype=jnp.float32)
    keys = jax.random.normal(k2, (100000, 256), dtype=jnp.float32)
    values = jax.random.normal(k3, (100000, 256), dtype=jnp.float32)
    return {"q": q, "keys": keys, "values": values, "topk": 32}


def reference(q, keys, values, topk):
    # scores = einsum('btd,nd->btn', q, keys)
    scores = jnp.einsum('btd,nd->btn', q, keys)
    k_eff = min(32, keys.shape[0])
    _, idx = jax.lax.top_k(scores, k_eff)  # idx: [B, T, k_eff]
    idx = idx + jnp.zeros_like(idx) * jnp.asarray(topk).astype(idx.dtype)
    K_mem = jnp.take(keys, idx, axis=0)    # [B, T, k_eff, Dk]
    V_mem = jnp.take(values, idx, axis=0)  # [B, T, k_eff, Dv]
    return (K_mem, V_mem)

if __name__ == "__main__":
    import jax
    _d = setup_inputs()
    print(jax.jit(kernel)(*tuple(_d.values())))

</pallas_src>

<mosaic_0001>
#map = affine_map<(d0, d1) -> (0, 0)>
#map1 = affine_map<(d0, d1) -> (0)>
module attributes {stable_mosaic.version = 14 : i64} {
  func.func @gather_kernel(%arg0: i32, %arg1: i32, %arg2: memref<100000x256xf32, #tpu.memory_space<hbm>>, %arg3: memref<100000x256xf32, #tpu.memory_space<hbm>>, %arg4: memref<16384xi32, #tpu.memory_space<hbm>>, %arg5: memref<16384x256xf32, #tpu.memory_space<hbm>>, %arg6: memref<16384x256xf32, #tpu.memory_space<hbm>>, %arg7: memref<512xi32, #tpu.memory_space<vmem>>, %arg8: memref<64x256xf32, #tpu.memory_space<vmem>>, %arg9: memref<64x256xf32, #tpu.memory_space<vmem>>, %arg10: memref<64x256xf32, #tpu.memory_space<vmem>>, %arg11: memref<64x256xf32, #tpu.memory_space<vmem>>, %arg12: memref<!tpu.dma_semaphore, #tpu.memory_space<semaphore_mem>>, %arg13: memref<!tpu.dma_semaphore, #tpu.memory_space<semaphore_mem>>) attributes {dimension_semantics = [#tpu.dimension_semantics<core_parallel>, #tpu.dimension_semantics<subcore_parallel>], iteration_bounds = array<i64: 2, 16>, scalar_prefetch = 0 : i64, scratch_operands = 7 : i64, tpu.core_type = #tpu.core_type<sc_vector_subcore>, window_params = [{transform_indices = #map}, {transform_indices = #map}, {transform_indices = #map1}, {transform_indices = #map}, {transform_indices = #map}]} {
    %mul3A = arith.constant 2 : i32
    %mul3A_0 = arith.muli %arg1, %mul3A : i32
    %add3A = arith.addi %mul3A_0, %arg0 : i32
    %mul3A_1 = arith.constant 512 : i32
    %mul3A_2 = arith.muli %add3A, %mul3A_1 : i32
    "tpu.region"() ({
      %run_scoped3A = tpu.sem_alloc : memref<!tpu.dma_semaphore, #tpu.memory_space<semaphore_mem>>
      %dma_start3A_177 = tpu.memref_slice %arg4[%mul3A_2] : memref<16384xi32, #tpu.memory_space<hbm>> -> memref<512xi32, #tpu.memory_space<hbm>>
      %dma_start3A_178 = tpu.memref_slice %arg4[%mul3A_2] : memref<16384xi32, #tpu.memory_space<hbm>> -> memref<512xi32, #tpu.memory_space<hbm>>
      tpu.enqueue_dma source(%dma_start3A_178 : memref<512xi32, #tpu.memory_space<hbm>>) target(%arg7 : memref<512xi32, #tpu.memory_space<vmem>>) target_semaphore(%run_scoped3A : memref<!tpu.dma_semaphore, #tpu.memory_space<semaphore_mem>>)
      %dma_wait3A_179 = tpu.memref_slice %arg4[%mul3A_2] : memref<16384xi32, #tpu.memory_space<hbm>> -> memref<512xi32, #tpu.memory_space<hbm>>
      %dma_wait3A_180 = tpu.memref_slice %arg4[%mul3A_2] : memref<16384xi32, #tpu.memory_space<hbm>> -> memref<512xi32, #tpu.memory_space<hbm>>
      tpu.wait_dma2 semaphore(%run_scoped3A : memref<!tpu.dma_semaphore, #tpu.memory_space<semaphore_mem>>) src(%dma_wait3A_180 : memref<512xi32, #tpu.memory_space<hbm>>) dst(%arg7 : memref<512xi32, #tpu.memory_space<vmem>>)
      tpu.yield
    }) : () -> ()
    %dma_start3A = arith.constant 0 : i32
    %dma_start3A_3 = tpu.memref_slice %arg7[%dma_start3A] : memref<512xi32, #tpu.memory_space<vmem>> -> memref<64xi32, #tpu.memory_space<vmem>>
    %dma_start3A_4 = arith.constant 0 : i32
    %dma_start3A_5 = arith.constant 0 : i32
    %dma_start3A_6 = tpu.memref_slice %arg2[%dma_start3A_4, %dma_start3A_5] : memref<100000x256xf32, #tpu.memory_space<hbm>> -> memref<100000x256xf32, #tpu.memory_space<hbm>>
    tpu.enqueue_indirect_dma source(%dma_start3A_6 : memref<100000x256xf32, #tpu.memory_space<hbm>>) target(%arg8 : memref<64x256xf32, #tpu.memory_space<vmem>>) offsets(%dma_start3A_3 : memref<64xi32, #tpu.memory_space<vmem>>) semaphore(%arg12 : memref<!tpu.dma_semaphore, #tpu.memory_space<semaphore_mem>>)
    %dma_start3A_7 = arith.constant 0 : i32
    %dma_start3A_8 = tpu.memref_slice %arg7[%dma_start3A_7] : memref<512xi32, #tpu.memory_space<vmem>> -> memref<64xi32, #tpu.memory_space<vmem>>
    %dma_start3A_9 = arith.constant 0 : i32
    %dma_start3A_10 = arith.constant 0 : i32
    %dma_start3A_11 = tpu.memref_slice %arg3[%dma_start3A_9, %dma_start3A_10] : memref<100000x256xf32, #tpu.memory_space<hbm>> -> memref<100000x256xf32, #tpu.memory_space<hbm>>
    tpu.enqueue_indirect_dma source(%dma_start3A_11 : memref<100000x256xf32, #tpu.memory_space<hbm>>) target(%arg10 : memref<64x256xf32, #tpu.memory_space<vmem>>) offsets(%dma_start3A_8 : memref<64xi32, #tpu.memory_space<vmem>>) semaphore(%arg13 : memref<!tpu.dma_semaphore, #tpu.memory_space<semaphore_mem>>)
    %dma_start3A_12 = arith.constant 64 : i32
    %dma_start3A_13 = tpu.memref_slice %arg7[%dma_start3A_12] : memref<512xi32, #tpu.memory_space<vmem>> -> memref<64xi32, #tpu.memory_space<vmem>>
    %dma_start3A_14 = arith.constant 0 : i32
    %dma_start3A_15 = arith.constant 0 : i32
    %dma_start3A_16 = tpu.memref_slice %arg2[%dma_start3A_14, %dma_start3A_15] : memref<100000x256xf32, #tpu.memory_space<hbm>> -> memref<100000x256xf32, #tpu.memory_space<hbm>>
    tpu.enqueue_indirect_dma source(%dma_start3A_16 : memref<100000x256xf32, #tpu.memory_space<hbm>>) target(%arg9 : memref<64x256xf32, #tpu.memory_space<vmem>>) offsets(%dma_start3A_13 : memref<64xi32, #tpu.memory_space<vmem>>) semaphore(%arg12 : memref<!tpu.dma_semaphore, #tpu.memory_space<semaphore_mem>>)
    %dma_start3A_17 = arith.constant 64 : i32
    %dma_start3A_18 = tpu.memref_slice %arg7[%dma_start3A_17] : memref<512xi32, #tpu.memory_space<vmem>> -> memref<64xi32, #tpu.memory_space<vmem>>
    %dma_start3A_19 = arith.constant 0 : i32
    %dma_start3A_20 = arith.constant 0 : i32
    %dma_start3A_21 = tpu.memref_slice %arg3[%dma_start3A_19, %dma_start3A_20] : memref<100000x256xf32, #tpu.memory_space<hbm>> -> memref<100000x256xf32, #tpu.memory_space<hbm>>
    tpu.enqueue_indirect_dma source(%dma_start3A_21 : memref<100000x256xf32, #tpu.memory_space<hbm>>) target(%arg11 : memref<64x256xf32, #tpu.memory_space<vmem>>) offsets(%dma_start3A_18 : memref<64xi32, #tpu.memory_space<vmem>>) semaphore(%arg13 : memref<!tpu.dma_semaphore, #tpu.memory_space<semaphore_mem>>)
    %dma_wait3A = arith.constant 0 : i32
    %dma_wait3A_22 = tpu.memref_slice %arg7[%dma_wait3A] : memref<512xi32, #tpu.memory_space<vmem>> -> memref<64xi32, #tpu.memory_space<vmem>>
    %dma_wait3A_23 = arith.constant 0 : i32
    %dma_wait3A_24 = arith.constant 0 : i32
    %dma_wait3A_25 = tpu.memref_slice %arg2[%dma_wait3A_23, %dma_wait3A_24] : memref<100000x256xf32, #tpu.memory_space<hbm>> -> memref<100000x256xf32, #tpu.memory_space<hbm>>
    tpu.wait_indirect_dma semaphore(%arg12 : memref<!tpu.dma_semaphore, #tpu.memory_space<semaphore_mem>>) src(%dma_wait3A_25 : memref<100000x256xf32, #tpu.memory_space<hbm>>) dst(%arg8 : memref<64x256xf32, #tpu.memory_space<vmem>>)
    %dma_wait3A_26 = arith.constant 0 : i32
    %dma_wait3A_27 = tpu.memref_slice %arg7[%dma_wait3A_26] : memref<512xi32, #tpu.memory_space<vmem>> -> memref<64xi32, #tpu.memory_space<vmem>>
    %dma_wait3A_28 = arith.constant 0 : i32
    %dma_wait3A_29 = arith.constant 0 : i32
    %dma_wait3A_30 = tpu.memref_slice %arg3[%dma_wait3A_28, %dma_wait3A_29] : memref<100000x256xf32, #tpu.memory_space<hbm>> -> memref<100000x256xf32, #tpu.memory_space<hbm>>
    tpu.wait_indirect_dma semaphore(%arg13 : memref<!tpu.dma_semaphore, #tpu.memory_space<semaphore_mem>>) src(%dma_wait3A_30 : memref<100000x256xf32, #tpu.memory_space<hbm>>) dst(%arg10 : memref<64x256xf32, #tpu.memory_space<vmem>>)
    %add3A_31 = arith.constant 0 : i32
    %add3A_32 = arith.addi %mul3A_2, %add3A_31 : i32
    "tpu.region"() ({
      %run_scoped3A = tpu.sem_alloc : memref<!tpu.dma_semaphore, #tpu.memory_space<semaphore_mem>>
      %dma_start3A_177 = arith.constant 0 : i32
      %dma_start3A_178 = tpu.memref_slice %arg5[%add3A_32, %dma_start3A_177] : memref<16384x256xf32, #tpu.memory_space<hbm>> -> memref<64x256xf32, #tpu.memory_space<hbm>>
      %dma_start3A_179 = arith.constant 0 : i32
      %dma_start3A_180 = tpu.memref_slice %arg5[%add3A_32, %dma_start3A_179] : memref<16384x256xf32, #tpu.memory_space<hbm>> -> memref<64x256xf32, #tpu.memory_space<hbm>>
      tpu.enqueue_dma source(%arg8 : memref<64x256xf32, #tpu.memory_space<vmem>>) target(%dma_start3A_180 : memref<64x256xf32, #tpu.memory_space<hbm>>) target_semaphore(%run_scoped3A : memref<!tpu.dma_semaphore, #tpu.memory_space<semaphore_mem>>)
      %dma_wait3A_181 = arith.constant 0 : i32
      %dma_wait3A_182 = tpu.memref_slice %arg5[%add3A_32, %dma_wait3A_181] : memref<16384x256xf32, #tpu.memory_space<hbm>> -> memref<64x256xf32, #tpu.memory_space<hbm>>
      %dma_wait3A_183 = arith.constant 0 : i32
      %dma_wait3A_184 = tpu.memref_slice %arg5[%add3A_32, %dma_wait3A_183] : memref<16384x256xf32, #tpu.memory_space<hbm>> -> memref<64x256xf32, #tpu.memory_space<hbm>>
      tpu.wait_dma2 semaphore(%run_scoped3A : memref<!tpu.dma_semaphore, #tpu.memory_space<semaphore_mem>>) src(%arg8 : memref<64x256xf32, #tpu.memory_space<vmem>>) dst(%dma_wait3A_184 : memref<64x256xf32, #tpu.memory_space<hbm>>)
      tpu.yield
    }) : () -> ()
    "tpu.region"() ({
      %run_scoped3A = tpu.sem_alloc : memref<!tpu.dma_semaphore, #tpu.memory_space<semaphore_mem>>
      %dma_start3A_177 = arith.constant 0 : i32
      %dma_start3A_178 = tpu.memref_slice %arg6[%add3A_32, %dma_start3A_177] : memref<16384x256xf32, #tpu.memory_space<hbm>> -> memref<64x256xf32, #tpu.memory_space<hbm>>
      %dma_start3A_179 = arith.constant 0 : i32
      %dma_start3A_180 = tpu.memref_slice %arg6[%add3A_32, %dma_start3A_179] : memref<16384x256xf32, #tpu.memory_space<hbm>> -> memref<64x256xf32, #tpu.memory_space<hbm>>
      tpu.enqueue_dma source(%arg10 : memref<64x256xf32, #tpu.memory_space<vmem>>) target(%dma_start3A_180 : memref<64x256xf32, #tpu.memory_space<hbm>>) target_semaphore(%run_scoped3A : memref<!tpu.dma_semaphore, #tpu.memory_space<semaphore_mem>>)
      %dma_wait3A_181 = arith.constant 0 : i32
      %dma_wait3A_182 = tpu.memref_slice %arg6[%add3A_32, %dma_wait3A_181] : memref<16384x256xf32, #tpu.memory_space<hbm>> -> memref<64x256xf32, #tpu.memory_space<hbm>>
      %dma_wait3A_183 = arith.constant 0 : i32
      %dma_wait3A_184 = tpu.memref_slice %arg6[%add3A_32, %dma_wait3A_183] : memref<16384x256xf32, #tpu.memory_space<hbm>> -> memref<64x256xf32, #tpu.memory_space<hbm>>
      tpu.wait_dma2 semaphore(%run_scoped3A : memref<!tpu.dma_semaphore, #tpu.memory_space<semaphore_mem>>) src(%arg10 : memref<64x256xf32, #tpu.memory_space<vmem>>) dst(%dma_wait3A_184 : memref<64x256xf32, #tpu.memory_space<hbm>>)
      tpu.yield
    }) : () -> ()
    %dma_start3A_33 = arith.constant 128 : i32
    %dma_start3A_34 = tpu.memref_slice %arg7[%dma_start3A_33] : memref<512xi32, #tpu.memory_space<vmem>> -> memref<64xi32, #tpu.memory_space<vmem>>
    %dma_start3A_35 = arith.constant 0 : i32
    %dma_start3A_36 = arith.constant 0 : i32
    %dma_start3A_37 = tpu.memref_slice %arg2[%dma_start3A_35, %dma_start3A_36] : memref<100000x256xf32, #tpu.memory_space<hbm>> -> memref<100000x256xf32, #tpu.memory_space<hbm>>
    tpu.enqueue_indirect_dma source(%dma_start3A_37 : memref<100000x256xf32, #tpu.memory_space<hbm>>) target(%arg8 : memref<64x256xf32, #tpu.memory_space<vmem>>) offsets(%dma_start3A_34 : memref<64xi32, #tpu.memory_space<vmem>>) semaphore(%arg12 : memref<!tpu.dma_semaphore, #tpu.memory_space<semaphore_mem>>)
    %dma_start3A_38 = arith.constant 128 : i32
    %dma_start3A_39 = tpu.memref_slice %arg7[%dma_start3A_38] : memref<512xi32, #tpu.memory_space<vmem>> -> memref<64xi32, #tpu.memory_space<vmem>>
    %dma_start3A_40 = arith.constant 0 : i32
    %dma_start3A_41 = arith.constant 0 : i32
    %dma_start3A_42 = tpu.memref_slice %arg3[%dma_start3A_40, %dma_start3A_41] : memref<100000x256xf32, #tpu.memory_space<hbm>> -> memref<100000x256xf32, #tpu.memory_space<hbm>>
    tpu.enqueue_indirect_dma source(%dma_start3A_42 : memref<100000x256xf32, #tpu.memory_space<hbm>>) target(%arg10 : memref<64x256xf32, #tpu.memory_space<vmem>>) offsets(%dma_start3A_39 : memref<64xi32, #tpu.memory_space<vmem>>) semaphore(%arg13 : memref<!tpu.dma_semaphore, #tpu.memory_space<semaphore_mem>>)
    %dma_wait3A_43 = arith.constant 64 : i32
    %dma_wait3A_44 = tpu.memref_slice %arg7[%dma_wait3A_43] : memref<512xi32, #tpu.memory_space<vmem>> -> memref<64xi32, #tpu.memory_space<vmem>>
    %dma_wait3A_45 = arith.constant 0 : i32
    %dma_wait3A_46 = arith.constant 0 : i32
    %dma_wait3A_47 = tpu.memref_slice %arg2[%dma_wait3A_45, %dma_wait3A_46] : memref<100000x256xf32, #tpu.memory_space<hbm>> -> memref<100000x256xf32, #tpu.memory_space<hbm>>
    tpu.wait_indirect_dma semaphore(%arg12 : memref<!tpu.dma_semaphore, #tpu.memory_space<semaphore_mem>>) src(%dma_wait3A_47 : memref<100000x256xf32, #tpu.memory_space<hbm>>) dst(%arg9 : memref<64x256xf32, #tpu.memory_space<vmem>>)
    %dma_wait3A_48 = arith.constant 64 : i32
    %dma_wait3A_49 = tpu.memref_slice %arg7[%dma_wait3A_48] : memref<512xi32, #tpu.memory_space<vmem>> -> memref<64xi32, #tpu.memory_space<vmem>>
    %dma_wait3A_50 = arith.constant 0 : i32
    %dma_wait3A_51 = arith.constant 0 : i32
    %dma_wait3A_52 = tpu.memref_slice %arg3[%dma_wait3A_50, %dma_wait3A_51] : memref<100000x256xf32, #tpu.memory_space<hbm>> -> memref<100000x256xf32, #tpu.memory_space<hbm>>
    tpu.wait_indirect_dma semaphore(%arg13 : memref<!tpu.dma_semaphore, #tpu.memory_space<semaphore_mem>>) src(%dma_wait3A_52 : memref<100000x256xf32, #tpu.memory_space<hbm>>) dst(%arg11 : memref<64x256xf32, #tpu.memory_space<vmem>>)
    %add3A_53 = arith.constant 64 : i32
    %add3A_54 = arith.addi %mul3A_2, %add3A_53 : i32
    "tpu.region"() ({
      %run_scoped3A = tpu.sem_alloc : memref<!tpu.dma_semaphore, #tpu.memory_space<semaphore_mem>>
      %dma_start3A_177 = arith.constant 0 : i32
      %dma_start3A_178 = tpu.memref_slice %arg5[%add3A_54, %dma_start3A_177] : memref<16384x256xf32, #tpu.memory_space<hbm>> -> memref<64x256xf32, #tpu.memory_space<hbm>>
      %dma_start3A_179 = arith.constant 0 : i32
      %dma_start3A_180 = tpu.memref_slice %arg5[%add3A_54, %dma_start3A_179] : memref<16384x256xf32, #tpu.memory_space<hbm>> -> memref<64x256xf32, #tpu.memory_space<hbm>>
      tpu.enqueue_dma source(%arg9 : memref<64x256xf32, #tpu.memory_space<vmem>>) target(%dma_start3A_180 : memref<64x256xf32, #tpu.memory_space<hbm>>) target_semaphore(%run_scoped3A : memref<!tpu.dma_semaphore, #tpu.memory_space<semaphore_mem>>)
      %dma_wait3A_181 = arith.constant 0 : i32
      %dma_wait3A_182 = tpu.memref_slice %arg5[%add3A_54, %dma_wait3A_181] : memref<16384x256xf32, #tpu.memory_space<hbm>> -> memref<64x256xf32, #tpu.memory_space<hbm>>
      %dma_wait3A_183 = arith.constant 0 : i32
      %dma_wait3A_184 = tpu.memref_slice %arg5[%add3A_54, %dma_wait3A_183] : memref<16384x256xf32, #tpu.memory_space<hbm>> -> memref<64x256xf32, #tpu.memory_space<hbm>>
      tpu.wait_dma2 semaphore(%run_scoped3A : memref<!tpu.dma_semaphore, #tpu.memory_space<semaphore_mem>>) src(%arg9 : memref<64x256xf32, #tpu.memory_space<vmem>>) dst(%dma_wait3A_184 : memref<64x256xf32, #tpu.memory_space<hbm>>)
      tpu.yield
    }) : () -> ()
    "tpu.region"() ({
      %run_scoped3A = tpu.sem_alloc : memref<!tpu.dma_semaphore, #tpu.memory_space<semaphore_mem>>
      %dma_start3A_177 = arith.constant 0 : i32
      %dma_start3A_178 = tpu.memref_slice %arg6[%add3A_54, %dma_start3A_177] : memref<16384x256xf32, #tpu.memory_space<hbm>> -> memref<64x256xf32, #tpu.memory_space<hbm>>
      %dma_start3A_179 = arith.constant 0 : i32
      %dma_start3A_180 = tpu.memref_slice %arg6[%add3A_54, %dma_start3A_179] : memref<16384x256xf32, #tpu.memory_space<hbm>> -> memref<64x256xf32, #tpu.memory_space<hbm>>
      tpu.enqueue_dma source(%arg11 : memref<64x256xf32, #tpu.memory_space<vmem>>) target(%dma_start3A_180 : memref<64x256xf32, #tpu.memory_space<hbm>>) target_semaphore(%run_scoped3A : memref<!tpu.dma_semaphore, #tpu.memory_space<semaphore_mem>>)
      %dma_wait3A_181 = arith.constant 0 : i32
      %dma_wait3A_182 = tpu.memref_slice %arg6[%add3A_54, %dma_wait3A_181] : memref<16384x256xf32, #tpu.memory_space<hbm>> -> memref<64x256xf32, #tpu.memory_space<hbm>>
      %dma_wait3A_183 = arith.constant 0 : i32
      %dma_wait3A_184 = tpu.memref_slice %arg6[%add3A_54, %dma_wait3A_183] : memref<16384x256xf32, #tpu.memory_space<hbm>> -> memref<64x256xf32, #tpu.memory_space<hbm>>
      tpu.wait_dma2 semaphore(%run_scoped3A : memref<!tpu.dma_semaphore, #tpu.memory_space<semaphore_mem>>) src(%arg11 : memref<64x256xf32, #tpu.memory_space<vmem>>) dst(%dma_wait3A_184 : memref<64x256xf32, #tpu.memory_space<hbm>>)
      tpu.yield
    }) : () -> ()
    %dma_start3A_55 = arith.constant 192 : i32
    %dma_start3A_56 = tpu.memref_slice %arg7[%dma_start3A_55] : memref<512xi32, #tpu.memory_space<vmem>> -> memref<64xi32, #tpu.memory_space<vmem>>
    %dma_start3A_57 = arith.constant 0 : i32
    %dma_start3A_58 = arith.constant 0 : i32
    %dma_start3A_59 = tpu.memref_slice %arg2[%dma_start3A_57, %dma_start3A_58] : memref<100000x256xf32, #tpu.memory_space<hbm>> -> memref<100000x256xf32, #tpu.memory_space<hbm>>
    tpu.enqueue_indirect_dma source(%dma_start3A_59 : memref<100000x256xf32, #tpu.memory_space<hbm>>) target(%arg9 : memref<64x256xf32, #tpu.memory_space<vmem>>) offsets(%dma_start3A_56 : memref<64xi32, #tpu.memory_space<vmem>>) semaphore(%arg12 : memref<!tpu.dma_semaphore, #tpu.memory_space<semaphore_mem>>)
    %dma_start3A_60 = arith.constant 192 : i32
    %dma_start3A_61 = tpu.memref_slice %arg7[%dma_start3A_60] : memref<512xi32, #tpu.memory_space<vmem>> -> memref<64xi32, #tpu.memory_space<vmem>>
    %dma_start3A_62 = arith.constant 0 : i32
    %dma_start3A_63 = arith.constant 0 : i32
    %dma_start3A_64 = tpu.memref_slice %arg3[%dma_start3A_62, %dma_start3A_63] : memref<100000x256xf32, #tpu.memory_space<hbm>> -> memref<100000x256xf32, #tpu.memory_space<hbm>>
    tpu.enqueue_indirect_dma source(%dma_start3A_64 : memref<100000x256xf32, #tpu.memory_space<hbm>>) target(%arg11 : memref<64x256xf32, #tpu.memory_space<vmem>>) offsets(%dma_start3A_61 : memref<64xi32, #tpu.memory_space<vmem>>) semaphore(%arg13 : memref<!tpu.dma_semaphore, #tpu.memory_space<semaphore_mem>>)
    %dma_wait3A_65 = arith.constant 128 : i32
    %dma_wait3A_66 = tpu.memref_slice %arg7[%dma_wait3A_65] : memref<512xi32, #tpu.memory_space<vmem>> -> memref<64xi32, #tpu.memory_space<vmem>>
    %dma_wait3A_67 = arith.constant 0 : i32
    %dma_wait3A_68 = arith.constant 0 : i32
    %dma_wait3A_69 = tpu.memref_slice %arg2[%dma_wait3A_67, %dma_wait3A_68] : memref<100000x256xf32, #tpu.memory_space<hbm>> -> memref<100000x256xf32, #tpu.memory_space<hbm>>
    tpu.wait_indirect_dma semaphore(%arg12 : memref<!tpu.dma_semaphore, #tpu.memory_space<semaphore_mem>>) src(%dma_wait3A_69 : memref<100000x256xf32, #tpu.memory_space<hbm>>) dst(%arg8 : memref<64x256xf32, #tpu.memory_space<vmem>>)
    %dma_wait3A_70 = arith.constant 128 : i32
    %dma_wait3A_71 = tpu.memref_slice %arg7[%dma_wait3A_70] : memref<512xi32, #tpu.memory_space<vmem>> -> memref<64xi32, #tpu.memory_space<vmem>>
    %dma_wait3A_72 = arith.constant 0 : i32
    %dma_wait3A_73 = arith.constant 0 : i32
    %dma_wait3A_74 = tpu.memref_slice %arg3[%dma_wait3A_72, %dma_wait3A_73] : memref<100000x256xf32, #tpu.memory_space<hbm>> -> memref<100000x256xf32, #tpu.memory_space<hbm>>
    tpu.wait_indirect_dma semaphore(%arg13 : memref<!tpu.dma_semaphore, #tpu.memory_space<semaphore_mem>>) src(%dma_wait3A_74 : memref<100000x256xf32, #tpu.memory_space<hbm>>) dst(%arg10 : memref<64x256xf32, #tpu.memory_space<vmem>>)
    %add3A_75 = arith.constant 128 : i32
    %add3A_76 = arith.addi %mul3A_2, %add3A_75 : i32
    "tpu.region"() ({
      %run_scoped3A = tpu.sem_alloc : memref<!tpu.dma_semaphore, #tpu.memory_space<semaphore_mem>>
      %dma_start3A_177 = arith.constant 0 : i32
      %dma_start3A_178 = tpu.memref_slice %arg5[%add3A_76, %dma_start3A_177] : memref<16384x256xf32, #tpu.memory_space<hbm>> -> memref<64x256xf32, #tpu.memory_space<hbm>>
      %dma_start3A_179 = arith.constant 0 : i32
      %dma_start3A_180 = tpu.memref_slice %arg5[%add3A_76, %dma_start3A_179] : memref<16384x256xf32, #tpu.memory_space<hbm>> -> memref<64x256xf32, #tpu.memory_space<hbm>>
      tpu.enqueue_dma source(%arg8 : memref<64x256xf32, #tpu.memory_space<vmem>>) target(%dma_start3A_180 : memref<64x256xf32, #tpu.memory_space<hbm>>) target_semaphore(%run_scoped3A : memref<!tpu.dma_semaphore, #tpu.memory_space<semaphore_mem>>)
      %dma_wait3A_181 = arith.constant 0 : i32
      %dma_wait3A_182 = tpu.memref_slice %arg5[%add3A_76, %dma_wait3A_181] : memref<16384x256xf32, #tpu.memory_space<hbm>> -> memref<64x256xf32, #tpu.memory_space<hbm>>
      %dma_wait3A_183 = arith.constant 0 : i32
      %dma_wait3A_184 = tpu.memref_slice %arg5[%add3A_76, %dma_wait3A_183] : memref<16384x256xf32, #tpu.memory_space<hbm>> -> memref<64x256xf32, #tpu.memory_space<hbm>>
      tpu.wait_dma2 semaphore(%run_scoped3A : memref<!tpu.dma_semaphore, #tpu.memory_space<semaphore_mem>>) src(%arg8 : memref<64x256xf32, #tpu.memory_space<vmem>>) dst(%dma_wait3A_184 : memref<64x256xf32, #tpu.memory_space<hbm>>)
      tpu.yield
    }) : () -> ()
    "tpu.region"() ({
      %run_scoped3A = tpu.sem_alloc : memref<!tpu.dma_semaphore, #tpu.memory_space<semaphore_mem>>
      %dma_start3A_177 = arith.constant 0 : i32
      %dma_start3A_178 = tpu.memref_slice %arg6[%add3A_76, %dma_start3A_177] : memref<16384x256xf32, #tpu.memory_space<hbm>> -> memref<64x256xf32, #tpu.memory_space<hbm>>
      %dma_start3A_179 = arith.constant 0 : i32
      %dma_start3A_180 = tpu.memref_slice %arg6[%add3A_76, %dma_start3A_179] : memref<16384x256xf32, #tpu.memory_space<hbm>> -> memref<64x256xf32, #tpu.memory_space<hbm>>
      tpu.enqueue_dma source(%arg10 : memref<64x256xf32, #tpu.memory_space<vmem>>) target(%dma_start3A_180 : memref<64x256xf32, #tpu.memory_space<hbm>>) target_semaphore(%run_scoped3A : memref<!tpu.dma_semaphore, #tpu.memory_space<semaphore_mem>>)
      %dma_wait3A_181 = arith.constant 0 : i32
      %dma_wait3A_182 = tpu.memref_slice %arg6[%add3A_76, %dma_wait3A_181] : memref<16384x256xf32, #tpu.memory_space<hbm>> -> memref<64x256xf32, #tpu.memory_space<hbm>>
      %dma_wait3A_183 = arith.constant 0 : i32
      %dma_wait3A_184 = tpu.memref_slice %arg6[%add3A_76, %dma_wait3A_183] : memref<16384x256xf32, #tpu.memory_space<hbm>> -> memref<64x256xf32, #tpu.memory_space<hbm>>
      tpu.wait_dma2 semaphore(%run_scoped3A : memref<!tpu.dma_semaphore, #tpu.memory_space<semaphore_mem>>) src(%arg10 : memref<64x256xf32, #tpu.memory_space<vmem>>) dst(%dma_wait3A_184 : memref<64x256xf32, #tpu.memory_space<hbm>>)
      tpu.yield
    }) : () -> ()
    %dma_start3A_77 = arith.constant 256 : i32
    %dma_start3A_78 = tpu.memref_slice %arg7[%dma_start3A_77] : memref<512xi32, #tpu.memory_space<vmem>> -> memref<64xi32, #tpu.memory_space<vmem>>
    %dma_start3A_79 = arith.constant 0 : i32
    %dma_start3A_80 = arith.constant 0 : i32
    %dma_start3A_81 = tpu.memref_slice %arg2[%dma_start3A_79, %dma_start3A_80] : memref<100000x256xf32, #tpu.memory_space<hbm>> -> memref<100000x256xf32, #tpu.memory_space<hbm>>
    tpu.enqueue_indirect_dma source(%dma_start3A_81 : memref<100000x256xf32, #tpu.memory_space<hbm>>) target(%arg8 : memref<64x256xf32, #tpu.memory_space<vmem>>) offsets(%dma_start3A_78 : memref<64xi32, #tpu.memory_space<vmem>>) semaphore(%arg12 : memref<!tpu.dma_semaphore, #tpu.memory_space<semaphore_mem>>)
    %dma_start3A_82 = arith.constant 256 : i32
    %dma_start3A_83 = tpu.memref_slice %arg7[%dma_start3A_82] : memref<512xi32, #tpu.memory_space<vmem>> -> memref<64xi32, #tpu.memory_space<vmem>>
    %dma_start3A_84 = arith.constant 0 : i32
    %dma_start3A_85 = arith.constant 0 : i32
    %dma_start3A_86 = tpu.memref_slice %arg3[%dma_start3A_84, %dma_start3A_85] : memref<100000x256xf32, #tpu.memory_space<hbm>> -> memref<100000x256xf32, #tpu.memory_space<hbm>>
    tpu.enqueue_indirect_dma source(%dma_start3A_86 : memref<100000x256xf32, #tpu.memory_space<hbm>>) target(%arg10 : memref<64x256xf32, #tpu.memory_space<vmem>>) offsets(%dma_start3A_83 : memref<64xi32, #tpu.memory_space<vmem>>) semaphore(%arg13 : memref<!tpu.dma_semaphore, #tpu.memory_space<semaphore_mem>>)
    %dma_wait3A_87 = arith.constant 192 : i32
    %dma_wait3A_88 = tpu.memref_slice %arg7[%dma_wait3A_87] : memref<512xi32, #tpu.memory_space<vmem>> -> memref<64xi32, #tpu.memory_space<vmem>>
    %dma_wait3A_89 = arith.constant 0 : i32
    %dma_wait3A_90 = arith.constant 0 : i32
    %dma_wait3A_91 = tpu.memref_slice %arg2[%dma_wait3A_89, %dma_wait3A_90] : memref<100000x256xf32, #tpu.memory_space<hbm>> -> memref<100000x256xf32, #tpu.memory_space<hbm>>
    tpu.wait_indirect_dma semaphore(%arg12 : memref<!tpu.dma_semaphore, #tpu.memory_space<semaphore_mem>>) src(%dma_wait3A_91 : memref<100000x256xf32, #tpu.memory_space<hbm>>) dst(%arg9 : memref<64x256xf32, #tpu.memory_space<vmem>>)
    %dma_wait3A_92 = arith.constant 192 : i32
    %dma_wait3A_93 = tpu.memref_slice %arg7[%dma_wait3A_92] : memref<512xi32, #tpu.memory_space<vmem>> -> memref<64xi32, #tpu.memory_space<vmem>>
    %dma_wait3A_94 = arith.constant 0 : i32
    %dma_wait3A_95 = arith.constant 0 : i32
    %dma_wait3A_96 = tpu.memref_slice %arg3[%dma_wait3A_94, %dma_wait3A_95] : memref<100000x256xf32, #tpu.memory_space<hbm>> -> memref<100000x256xf32, #tpu.memory_space<hbm>>
    tpu.wait_indirect_dma semaphore(%arg13 : memref<!tpu.dma_semaphore, #tpu.memory_space<semaphore_mem>>) src(%dma_wait3A_96 : memref<100000x256xf32, #tpu.memory_space<hbm>>) dst(%arg11 : memref<64x256xf32, #tpu.memory_space<vmem>>)
    %add3A_97 = arith.constant 192 : i32
    %add3A_98 = arith.addi %mul3A_2, %add3A_97 : i32
    "tpu.region"() ({
      %run_scoped3A = tpu.sem_alloc : memref<!tpu.dma_semaphore, #tpu.memory_space<semaphore_mem>>
      %dma_start3A_177 = arith.constant 0 : i32
      %dma_start3A_178 = tpu.memref_slice %arg5[%add3A_98, %dma_start3A_177] : memref<16384x256xf32, #tpu.memory_space<hbm>> -> memref<64x256xf32, #tpu.memory_space<hbm>>
      %dma_start3A_179 = arith.constant 0 : i32
      %dma_start3A_180 = tpu.memref_slice %arg5[%add3A_98, %dma_start3A_179] : memref<16384x256xf32, #tpu.memory_space<hbm>> -> memref<64x256xf32, #tpu.memory_space<hbm>>
      tpu.enqueue_dma source(%arg9 : memref<64x256xf32, #tpu.memory_space<vmem>>) target(%dma_start3A_180 : memref<64x256xf32, #tpu.memory_space<hbm>>) target_semaphore(%run_scoped3A : memref<!tpu.dma_semaphore, #tpu.memory_space<semaphore_mem>>)
      %dma_wait3A_181 = arith.constant 0 : i32
      %dma_wait3A_182 = tpu.memref_slice %arg5[%add3A_98, %dma_wait3A_181] : memref<16384x256xf32, #tpu.memory_space<hbm>> -> memref<64x256xf32, #tpu.memory_space<hbm>>
      %dma_wait3A_183 = arith.constant 0 : i32
      %dma_wait3A_184 = tpu.memref_slice %arg5[%add3A_98, %dma_wait3A_183] : memref<16384x256xf32, #tpu.memory_space<hbm>> -> memref<64x256xf32, #tpu.memory_space<hbm>>
      tpu.wait_dma2 semaphore(%run_scoped3A : memref<!tpu.dma_semaphore, #tpu.memory_space<semaphore_mem>>) src(%arg9 : memref<64x256xf32, #tpu.memory_space<vmem>>) dst(%dma_wait3A_184 : memref<64x256xf32, #tpu.memory_space<hbm>>)
      tpu.yield
    }) : () -> ()
    "tpu.region"() ({
      %run_scoped3A = tpu.sem_alloc : memref<!tpu.dma_semaphore, #tpu.memory_space<semaphore_mem>>
      %dma_start3A_177 = arith.constant 0 : i32
      %dma_start3A_178 = tpu.memref_slice %arg6[%add3A_98, %dma_start3A_177] : memref<16384x256xf32, #tpu.memory_space<hbm>> -> memref<64x256xf32, #tpu.memory_space<hbm>>
      %dma_start3A_179 = arith.constant 0 : i32
      %dma_start3A_180 = tpu.memref_slice %arg6[%add3A_98, %dma_start3A_179] : memref<16384x256xf32, #tpu.memory_space<hbm>> -> memref<64x256xf32, #tpu.memory_space<hbm>>
      tpu.enqueue_dma source(%arg11 : memref<64x256xf32, #tpu.memory_space<vmem>>) target(%dma_start3A_180 : memref<64x256xf32, #tpu.memory_space<hbm>>) target_semaphore(%run_scoped3A : memref<!tpu.dma_semaphore, #tpu.memory_space<semaphore_mem>>)
      %dma_wait3A_181 = arith.constant 0 : i32
      %dma_wait3A_182 = tpu.memref_slice %arg6[%add3A_98, %dma_wait3A_181] : memref<16384x256xf32, #tpu.memory_space<hbm>> -> memref<64x256xf32, #tpu.memory_space<hbm>>
      %dma_wait3A_183 = arith.constant 0 : i32
      %dma_wait3A_184 = tpu.memref_slice %arg6[%add3A_98, %dma_wait3A_183] : memref<16384x256xf32, #tpu.memory_space<hbm>> -> memref<64x256xf32, #tpu.memory_space<hbm>>
      tpu.wait_dma2 semaphore(%run_scoped3A : memref<!tpu.dma_semaphore, #tpu.memory_space<semaphore_mem>>) src(%arg11 : memref<64x256xf32, #tpu.memory_space<vmem>>) dst(%dma_wait3A_184 : memref<64x256xf32, #tpu.memory_space<hbm>>)
      tpu.yield
    }) : () -> ()
    %dma_start3A_99 = arith.constant 320 : i32
    %dma_start3A_100 = tpu.memref_slice %arg7[%dma_start3A_99] : memref<512xi32, #tpu.memory_space<vmem>> -> memref<64xi32, #tpu.memory_space<vmem>>
    %dma_start3A_101 = arith.constant 0 : i32
    %dma_start3A_102 = arith.constant 0 : i32
    %dma_start3A_103 = tpu.memref_slice %arg2[%dma_start3A_101, %dma_start3A_102] : memref<100000x256xf32, #tpu.memory_space<hbm>> -> memref<100000x256xf32, #tpu.memory_space<hbm>>
    tpu.enqueue_indirect_dma source(%dma_start3A_103 : memref<100000x256xf32, #tpu.memory_space<hbm>>) target(%arg9 : memref<64x256xf32, #tpu.memory_space<vmem>>) offsets(%dma_start3A_100 : memref<64xi32, #tpu.memory_space<vmem>>) semaphore(%arg12 : memref<!tpu.dma_semaphore, #tpu.memory_space<semaphore_mem>>)
    %dma_start3A_104 = arith.constant 320 : i32
    %dma_start3A_105 = tpu.memref_slice %arg7[%dma_start3A_104] : memref<512xi32, #tpu.memory_space<vmem>> -> memref<64xi32, #tpu.memory_space<vmem>>
    %dma_start3A_106 = arith.constant 0 : i32
    %dma_start3A_107 = arith.constant 0 : i32
    %dma_start3A_108 = tpu.memref_slice %arg3[%dma_start3A_106, %dma_start3A_107] : memref<100000x256xf32, #tpu.memory_space<hbm>> -> memref<100000x256xf32, #tpu.memory_space<hbm>>
    tpu.enqueue_indirect_dma source(%dma_start3A_108 : memref<100000x256xf32, #tpu.memory_space<hbm>>) target(%arg11 : memref<64x256xf32, #tpu.memory_space<vmem>>) offsets(%dma_start3A_105 : memref<64xi32, #tpu.memory_space<vmem>>) semaphore(%arg13 : memref<!tpu.dma_semaphore, #tpu.memory_space<semaphore_mem>>)
    %dma_wait3A_109 = arith.constant 256 : i32
    %dma_wait3A_110 = tpu.memref_slice %arg7[%dma_wait3A_109] : memref<512xi32, #tpu.memory_space<vmem>> -> memref<64xi32, #tpu.memory_space<vmem>>
    %dma_wait3A_111 = arith.constant 0 : i32
    %dma_wait3A_112 = arith.constant 0 : i32
    %dma_wait3A_113 = tpu.memref_slice %arg2[%dma_wait3A_111, %dma_wait3A_112] : memref<100000x256xf32, #tpu.memory_space<hbm>> -> memref<100000x256xf32, #tpu.memory_space<hbm>>
    tpu.wait_indirect_dma semaphore(%arg12 : memref<!tpu.dma_semaphore, #tpu.memory_space<semaphore_mem>>) src(%dma_wait3A_113 : memref<100000x256xf32, #tpu.memory_space<hbm>>) dst(%arg8 : memref<64x256xf32, #tpu.memory_space<vmem>>)
    %dma_wait3A_114 = arith.constant 256 : i32
    %dma_wait3A_115 = tpu.memref_slice %arg7[%dma_wait3A_114] : memref<512xi32, #tpu.memory_space<vmem>> -> memref<64xi32, #tpu.memory_space<vmem>>
    %dma_wait3A_116 = arith.constant 0 : i32
    %dma_wait3A_117 = arith.constant 0 : i32
    %dma_wait3A_118 = tpu.memref_slice %arg3[%dma_wait3A_116, %dma_wait3A_117] : memref<100000x256xf32, #tpu.memory_space<hbm>> -> memref<100000x256xf32, #tpu.memory_space<hbm>>
    tpu.wait_indirect_dma semaphore(%arg13 : memref<!tpu.dma_semaphore, #tpu.memory_space<semaphore_mem>>) src(%dma_wait3A_118 : memref<100000x256xf32, #tpu.memory_space<hbm>>) dst(%arg10 : memref<64x256xf32, #tpu.memory_space<vmem>>)
    %add3A_119 = arith.constant 256 : i32
    %add3A_120 = arith.addi %mul3A_2, %add3A_119 : i32
    "tpu.region"() ({
      %run_scoped3A = tpu.sem_alloc : memref<!tpu.dma_semaphore, #tpu.memory_space<semaphore_mem>>
      %dma_start3A_177 = arith.constant 0 : i32
      %dma_start3A_178 = tpu.memref_slice %arg5[%add3A_120, %dma_start3A_177] : memref<16384x256xf32, #tpu.memory_space<hbm>> -> memref<64x256xf32, #tpu.memory_space<hbm>>
      %dma_start3A_179 = arith.constant 0 : i32
      %dma_start3A_180 = tpu.memref_slice %arg5[%add3A_120, %dma_start3A_179] : memref<16384x256xf32, #tpu.memory_space<hbm>> -> memref<64x256xf32, #tpu.memory_space<hbm>>
      tpu.enqueue_dma source(%arg8 : memref<64x256xf32, #tpu.memory_space<vmem>>) target(%dma_start3A_180 : memref<64x256xf32, #tpu.memory_space<hbm>>) target_semaphore(%run_scoped3A : memref<!tpu.dma_semaphore, #tpu.memory_space<semaphore_mem>>)
      %dma_wait3A_181 = arith.constant 0 : i32
      %dma_wait3A_182 = tpu.memref_slice %arg5[%add3A_120, %dma_wait3A_181] : memref<16384x256xf32, #tpu.memory_space<hbm>> -> memref<64x256xf32, #tpu.memory_space<hbm>>
      %dma_wait3A_183 = arith.constant 0 : i32
      %dma_wait3A_184 = tpu.memref_slice %arg5[%add3A_120, %dma_wait3A_183] : memref<16384x256xf32, #tpu.memory_space<hbm>> -> memref<64x256xf32, #tpu.memory_space<hbm>>
      tpu.wait_dma2 semaphore(%run_scoped3A : memref<!tpu.dma_semaphore, #tpu.memory_space<semaphore_mem>>) src(%arg8 : memref<64x256xf32, #tpu.memory_space<vmem>>) dst(%dma_wait3A_184 : memref<64x256xf32, #tpu.memory_space<hbm>>)
      tpu.yield
    }) : () -> ()
    "tpu.region"() ({
      %run_scoped3A = tpu.sem_alloc : memref<!tpu.dma_semaphore, #tpu.memory_space<semaphore_mem>>
      %dma_start3A_177 = arith.constant 0 : i32
      %dma_start3A_178 = tpu.memref_slice %arg6[%add3A_120, %dma_start3A_177] : memref<16384x256xf32, #tpu.memory_space<hbm>> -> memref<64x256xf32, #tpu.memory_space<hbm>>
      %dma_start3A_179 = arith.constant 0 : i32
      %dma_start3A_180 = tpu.memref_slice %arg6[%add3A_120, %dma_start3A_179] : memref<16384x256xf32, #tpu.memory_space<hbm>> -> memref<64x256xf32, #tpu.memory_space<hbm>>
      tpu.enqueue_dma source(%arg10 : memref<64x256xf32, #tpu.memory_space<vmem>>) target(%dma_start3A_180 : memref<64x256xf32, #tpu.memory_space<hbm>>) target_semaphore(%run_scoped3A : memref<!tpu.dma_semaphore, #tpu.memory_space<semaphore_mem>>)
      %dma_wait3A_181 = arith.constant 0 : i32
      %dma_wait3A_182 = tpu.memref_slice %arg6[%add3A_120, %dma_wait3A_181] : memref<16384x256xf32, #tpu.memory_space<hbm>> -> memref<64x256xf32, #tpu.memory_space<hbm>>
      %dma_wait3A_183 = arith.constant 0 : i32
      %dma_wait3A_184 = tpu.memref_slice %arg6[%add3A_120, %dma_wait3A_183] : memref<16384x256xf32, #tpu.memory_space<hbm>> -> memref<64x256xf32, #tpu.memory_space<hbm>>
      tpu.wait_dma2 semaphore(%run_scoped3A : memref<!tpu.dma_semaphore, #tpu.memory_space<semaphore_mem>>) src(%arg10 : memref<64x256xf32, #tpu.memory_space<vmem>>) dst(%dma_wait3A_184 : memref<64x256xf32, #tpu.memory_space<hbm>>)
      tpu.yield
    }) : () -> ()
    %dma_start3A_121 = arith.constant 384 : i32
    %dma_start3A_122 = tpu.memref_slice %arg7[%dma_start3A_121] : memref<512xi32, #tpu.memory_space<vmem>> -> memref<64xi32, #tpu.memory_space<vmem>>
    %dma_start3A_123 = arith.constant 0 : i32
    %dma_start3A_124 = arith.constant 0 : i32
    %dma_start3A_125 = tpu.memref_slice %arg2[%dma_start3A_123, %dma_start3A_124] : memref<100000x256xf32, #tpu.memory_space<hbm>> -> memref<100000x256xf32, #tpu.memory_space<hbm>>
    tpu.enqueue_indirect_dma source(%dma_start3A_125 : memref<100000x256xf32, #tpu.memory_space<hbm>>) target(%arg8 : memref<64x256xf32, #tpu.memory_space<vmem>>) offsets(%dma_start3A_122 : memref<64xi32, #tpu.memory_space<vmem>>) semaphore(%arg12 : memref<!tpu.dma_semaphore, #tpu.memory_space<semaphore_mem>>)
    %dma_start3A_126 = arith.constant 384 : i32
    %dma_start3A_127 = tpu.memref_slice %arg7[%dma_start3A_126] : memref<512xi32, #tpu.memory_space<vmem>> -> memref<64xi32, #tpu.memory_space<vmem>>
    %dma_start3A_128 = arith.constant 0 : i32
    %dma_start3A_129 = arith.constant 0 : i32
    %dma_start3A_130 = tpu.memref_slice %arg3[%dma_start3A_128, %dma_start3A_129] : memref<100000x256xf32, #tpu.memory_space<hbm>> -> memref<100000x256xf32, #tpu.memory_space<hbm>>
    tpu.enqueue_indirect_dma source(%dma_start3A_130 : memref<100000x256xf32, #tpu.memory_space<hbm>>) target(%arg10 : memref<64x256xf32, #tpu.memory_space<vmem>>) offsets(%dma_start3A_127 : memref<64xi32, #tpu.memory_space<vmem>>) semaphore(%arg13 : memref<!tpu.dma_semaphore, #tpu.memory_space<semaphore_mem>>)
    %dma_wait3A_131 = arith.constant 320 : i32
    %dma_wait3A_132 = tpu.memref_slice %arg7[%dma_wait3A_131] : memref<512xi32, #tpu.memory_space<vmem>> -> memref<64xi32, #tpu.memory_space<vmem>>
    %dma_wait3A_133 = arith.constant 0 : i32
    %dma_wait3A_134 = arith.constant 0 : i32
    %dma_wait3A_135 = tpu.memref_slice %arg2[%dma_wait3A_133, %dma_wait3A_134] : memref<100000x256xf32, #tpu.memory_space<hbm>> -> memref<100000x256xf32, #tpu.memory_space<hbm>>
    tpu.wait_indirect_dma semaphore(%arg12 : memref<!tpu.dma_semaphore, #tpu.memory_space<semaphore_mem>>) src(%dma_wait3A_135 : memref<100000x256xf32, #tpu.memory_space<hbm>>) dst(%arg9 : memref<64x256xf32, #tpu.memory_space<vmem>>)
    %dma_wait3A_136 = arith.constant 320 : i32
    %dma_wait3A_137 = tpu.memref_slice %arg7[%dma_wait3A_136] : memref<512xi32, #tpu.memory_space<vmem>> -> memref<64xi32, #tpu.memory_space<vmem>>
    %dma_wait3A_138 = arith.constant 0 : i32
    %dma_wait3A_139 = arith.constant 0 : i32
    %dma_wait3A_140 = tpu.memref_slice %arg3[%dma_wait3A_138, %dma_wait3A_139] : memref<100000x256xf32, #tpu.memory_space<hbm>> -> memref<100000x256xf32, #tpu.memory_space<hbm>>
    tpu.wait_indirect_dma semaphore(%arg13 : memref<!tpu.dma_semaphore, #tpu.memory_space<semaphore_mem>>) src(%dma_wait3A_140 : memref<100000x256xf32, #tpu.memory_space<hbm>>) dst(%arg11 : memref<64x256xf32, #tpu.memory_space<vmem>>)
    %add3A_141 = arith.constant 320 : i32
    %add3A_142 = arith.addi %mul3A_2, %add3A_141 : i32
    "tpu.region"() ({
      %run_scoped3A = tpu.sem_alloc : memref<!tpu.dma_semaphore, #tpu.memory_space<semaphore_mem>>
      %dma_start3A_177 = arith.constant 0 : i32
      %dma_start3A_178 = tpu.memref_slice %arg5[%add3A_142, %dma_start3A_177] : memref<16384x256xf32, #tpu.memory_space<hbm>> -> memref<64x256xf32, #tpu.memory_space<hbm>>
      %dma_start3A_179 = arith.constant 0 : i32
      %dma_start3A_180 = tpu.memref_slice %arg5[%add3A_142, %dma_start3A_179] : memref<16384x256xf32, #tpu.memory_space<hbm>> -> memref<64x256xf32, #tpu.memory_space<hbm>>
      tpu.enqueue_dma source(%arg9 : memref<64x256xf32, #tpu.memory_space<vmem>>) target(%dma_start3A_180 : memref<64x256xf32, #tpu.memory_space<hbm>>) target_semaphore(%run_scoped3A : memref<!tpu.dma_semaphore, #tpu.memory_space<semaphore_mem>>)
      %dma_wait3A_181 = arith.constant 0 : i32
      %dma_wait3A_182 = tpu.memref_slice %arg5[%add3A_142, %dma_wait3A_181] : memref<16384x256xf32, #tpu.memory_space<hbm>> -> memref<64x256xf32, #tpu.memory_space<hbm>>
      %dma_wait3A_183 = arith.constant 0 : i32
      %dma_wait3A_184 = tpu.memref_slice %arg5[%add3A_142, %dma_wait3A_183] : memref<16384x256xf32, #tpu.memory_space<hbm>> -> memref<64x256xf32, #tpu.memory_space<hbm>>
      tpu.wait_dma2 semaphore(%run_scoped3A : memref<!tpu.dma_semaphore, #tpu.memory_space<semaphore_mem>>) src(%arg9 : memref<64x256xf32, #tpu.memory_space<vmem>>) dst(%dma_wait3A_184 : memref<64x256xf32, #tpu.memory_space<hbm>>)
      tpu.yield
    }) : () -> ()
    "tpu.region"() ({
      %run_scoped3A = tpu.sem_alloc : memref<!tpu.dma_semaphore, #tpu.memory_space<semaphore_mem>>
      %dma_start3A_177 = arith.constant 0 : i32
      %dma_start3A_178 = tpu.memref_slice %arg6[%add3A_142, %dma_start3A_177] : memref<16384x256xf32, #tpu.memory_space<hbm>> -> memref<64x256xf32, #tpu.memory_space<hbm>>
      %dma_start3A_179 = arith.constant 0 : i32
      %dma_start3A_180 = tpu.memref_slice %arg6[%add3A_142, %dma_start3A_179] : memref<16384x256xf32, #tpu.memory_space<hbm>> -> memref<64x256xf32, #tpu.memory_space<hbm>>
      tpu.enqueue_dma source(%arg11 : memref<64x256xf32, #tpu.memory_space<vmem>>) target(%dma_start3A_180 : memref<64x256xf32, #tpu.memory_space<hbm>>) target_semaphore(%run_scoped3A : memref<!tpu.dma_semaphore, #tpu.memory_space<semaphore_mem>>)
      %dma_wait3A_181 = arith.constant 0 : i32
      %dma_wait3A_182 = tpu.memref_slice %arg6[%add3A_142, %dma_wait3A_181] : memref<16384x256xf32, #tpu.memory_space<hbm>> -> memref<64x256xf32, #tpu.memory_space<hbm>>
      %dma_wait3A_183 = arith.constant 0 : i32
      %dma_wait3A_184 = tpu.memref_slice %arg6[%add3A_142, %dma_wait3A_183] : memref<16384x256xf32, #tpu.memory_space<hbm>> -> memref<64x256xf32, #tpu.memory_space<hbm>>
      tpu.wait_dma2 semaphore(%run_scoped3A : memref<!tpu.dma_semaphore, #tpu.memory_space<semaphore_mem>>) src(%arg11 : memref<64x256xf32, #tpu.memory_space<vmem>>) dst(%dma_wait3A_184 : memref<64x256xf32, #tpu.memory_space<hbm>>)
      tpu.yield
    }) : () -> ()
    %dma_start3A_143 = arith.constant 448 : i32
    %dma_start3A_144 = tpu.memref_slice %arg7[%dma_start3A_143] : memref<512xi32, #tpu.memory_space<vmem>> -> memref<64xi32, #tpu.memory_space<vmem>>
    %dma_start3A_145 = arith.constant 0 : i32
    %dma_start3A_146 = arith.constant 0 : i32
    %dma_start3A_147 = tpu.memref_slice %arg2[%dma_start3A_145, %dma_start3A_146] : memref<100000x256xf32, #tpu.memory_space<hbm>> -> memref<100000x256xf32, #tpu.memory_space<hbm>>
    tpu.enqueue_indirect_dma source(%dma_start3A_147 : memref<100000x256xf32, #tpu.memory_space<hbm>>) target(%arg9 : memref<64x256xf32, #tpu.memory_space<vmem>>) offsets(%dma_start3A_144 : memref<64xi32, #tpu.memory_space<vmem>>) semaphore(%arg12 : memref<!tpu.dma_semaphore, #tpu.memory_space<semaphore_mem>>)
    %dma_start3A_148 = arith.constant 448 : i32
    %dma_start3A_149 = tpu.memref_slice %arg7[%dma_start3A_148] : memref<512xi32, #tpu.memory_space<vmem>> -> memref<64xi32, #tpu.memory_space<vmem>>
    %dma_start3A_150 = arith.constant 0 : i32
    %dma_start3A_151 = arith.constant 0 : i32
    %dma_start3A_152 = tpu.memref_slice %arg3[%dma_start3A_150, %dma_start3A_151] : memref<100000x256xf32, #tpu.memory_space<hbm>> -> memref<100000x256xf32, #tpu.memory_space<hbm>>
    tpu.enqueue_indirect_dma source(%dma_start3A_152 : memref<100000x256xf32, #tpu.memory_space<hbm>>) target(%arg11 : memref<64x256xf32, #tpu.memory_space<vmem>>) offsets(%dma_start3A_149 : memref<64xi32, #tpu.memory_space<vmem>>) semaphore(%arg13 : memref<!tpu.dma_semaphore, #tpu.memory_space<semaphore_mem>>)
    %dma_wait3A_153 = arith.constant 384 : i32
    %dma_wait3A_154 = tpu.memref_slice %arg7[%dma_wait3A_153] : memref<512xi32, #tpu.memory_space<vmem>> -> memref<64xi32, #tpu.memory_space<vmem>>
    %dma_wait3A_155 = arith.constant 0 : i32
    %dma_wait3A_156 = arith.constant 0 : i32
    %dma_wait3A_157 = tpu.memref_slice %arg2[%dma_wait3A_155, %dma_wait3A_156] : memref<100000x256xf32, #tpu.memory_space<hbm>> -> memref<100000x256xf32, #tpu.memory_space<hbm>>
    tpu.wait_indirect_dma semaphore(%arg12 : memref<!tpu.dma_semaphore, #tpu.memory_space<semaphore_mem>>) src(%dma_wait3A_157 : memref<100000x256xf32, #tpu.memory_space<hbm>>) dst(%arg8 : memref<64x256xf32, #tpu.memory_space<vmem>>)
    %dma_wait3A_158 = arith.constant 384 : i32
    %dma_wait3A_159 = tpu.memref_slice %arg7[%dma_wait3A_158] : memref<512xi32, #tpu.memory_space<vmem>> -> memref<64xi32, #tpu.memory_space<vmem>>
    %dma_wait3A_160 = arith.constant 0 : i32
    %dma_wait3A_161 = arith.constant 0 : i32
    %dma_wait3A_162 = tpu.memref_slice %arg3[%dma_wait3A_160, %dma_wait3A_161] : memref<100000x256xf32, #tpu.memory_space<hbm>> -> memref<100000x256xf32, #tpu.memory_space<hbm>>
    tpu.wait_indirect_dma semaphore(%arg13 : memref<!tpu.dma_semaphore, #tpu.memory_space<semaphore_mem>>) src(%dma_wait3A_162 : memref<100000x256xf32, #tpu.memory_space<hbm>>) dst(%arg10 : memref<64x256xf32, #tpu.memory_space<vmem>>)
    %add3A_163 = arith.constant 384 : i32
    %add3A_164 = arith.addi %mul3A_2, %add3A_163 : i32
    "tpu.region"() ({
      %run_scoped3A = tpu.sem_alloc : memref<!tpu.dma_semaphore, #tpu.memory_space<semaphore_mem>>
      %dma_start3A_177 = arith.constant 0 : i32
      %dma_start3A_178 = tpu.memref_slice %arg5[%add3A_164, %dma_start3A_177] : memref<16384x256xf32, #tpu.memory_space<hbm>> -> memref<64x256xf32, #tpu.memory_space<hbm>>
      %dma_start3A_179 = arith.constant 0 : i32
      %dma_start3A_180 = tpu.memref_slice %arg5[%add3A_164, %dma_start3A_179] : memref<16384x256xf32, #tpu.memory_space<hbm>> -> memref<64x256xf32, #tpu.memory_space<hbm>>
      tpu.enqueue_dma source(%arg8 : memref<64x256xf32, #tpu.memory_space<vmem>>) target(%dma_start3A_180 : memref<64x256xf32, #tpu.memory_space<hbm>>) target_semaphore(%run_scoped3A : memref<!tpu.dma_semaphore, #tpu.memory_space<semaphore_mem>>)
      %dma_wait3A_181 = arith.constant 0 : i32
      %dma_wait3A_182 = tpu.memref_slice %arg5[%add3A_164, %dma_wait3A_181] : memref<16384x256xf32, #tpu.memory_space<hbm>> -> memref<64x256xf32, #tpu.memory_space<hbm>>
      %dma_wait3A_183 = arith.constant 0 : i32
      %dma_wait3A_184 = tpu.memref_slice %arg5[%add3A_164, %dma_wait3A_183] : memref<16384x256xf32, #tpu.memory_space<hbm>> -> memref<64x256xf32, #tpu.memory_space<hbm>>
      tpu.wait_dma2 semaphore(%run_scoped3A : memref<!tpu.dma_semaphore, #tpu.memory_space<semaphore_mem>>) src(%arg8 : memref<64x256xf32, #tpu.memory_space<vmem>>) dst(%dma_wait3A_184 : memref<64x256xf32, #tpu.memory_space<hbm>>)
      tpu.yield
    }) : () -> ()
    "tpu.region"() ({
      %run_scoped3A = tpu.sem_alloc : memref<!tpu.dma_semaphore, #tpu.memory_space<semaphore_mem>>
      %dma_start3A_177 = arith.constant 0 : i32
      %dma_start3A_178 = tpu.memref_slice %arg6[%add3A_164, %dma_start3A_177] : memref<16384x256xf32, #tpu.memory_space<hbm>> -> memref<64x256xf32, #tpu.memory_space<hbm>>
      %dma_start3A_179 = arith.constant 0 : i32
      %dma_start3A_180 = tpu.memref_slice %arg6[%add3A_164, %dma_start3A_179] : memref<16384x256xf32, #tpu.memory_space<hbm>> -> memref<64x256xf32, #tpu.memory_space<hbm>>
      tpu.enqueue_dma source(%arg10 : memref<64x256xf32, #tpu.memory_space<vmem>>) target(%dma_start3A_180 : memref<64x256xf32, #tpu.memory_space<hbm>>) target_semaphore(%run_scoped3A : memref<!tpu.dma_semaphore, #tpu.memory_space<semaphore_mem>>)
      %dma_wait3A_181 = arith.constant 0 : i32
      %dma_wait3A_182 = tpu.memref_slice %arg6[%add3A_164, %dma_wait3A_181] : memref<16384x256xf32, #tpu.memory_space<hbm>> -> memref<64x256xf32, #tpu.memory_space<hbm>>
      %dma_wait3A_183 = arith.constant 0 : i32
      %dma_wait3A_184 = tpu.memref_slice %arg6[%add3A_164, %dma_wait3A_183] : memref<16384x256xf32, #tpu.memory_space<hbm>> -> memref<64x256xf32, #tpu.memory_space<hbm>>
      tpu.wait_dma2 semaphore(%run_scoped3A : memref<!tpu.dma_semaphore, #tpu.memory_space<semaphore_mem>>) src(%arg10 : memref<64x256xf32, #tpu.memory_space<vmem>>) dst(%dma_wait3A_184 : memref<64x256xf32, #tpu.memory_space<hbm>>)
      tpu.yield
    }) : () -> ()
    %dma_wait3A_165 = arith.constant 448 : i32
    %dma_wait3A_166 = tpu.memref_slice %arg7[%dma_wait3A_165] : memref<512xi32, #tpu.memory_space<vmem>> -> memref<64xi32, #tpu.memory_space<vmem>>
    %dma_wait3A_167 = arith.constant 0 : i32
    %dma_wait3A_168 = arith.constant 0 : i32
    %dma_wait3A_169 = tpu.memref_slice %arg2[%dma_wait3A_167, %dma_wait3A_168] : memref<100000x256xf32, #tpu.memory_space<hbm>> -> memref<100000x256xf32, #tpu.memory_space<hbm>>
    tpu.wait_indirect_dma semaphore(%arg12 : memref<!tpu.dma_semaphore, #tpu.memory_space<semaphore_mem>>) src(%dma_wait3A_169 : memref<100000x256xf32, #tpu.memory_space<hbm>>) dst(%arg9 : memref<64x256xf32, #tpu.memory_space<vmem>>)
    %dma_wait3A_170 = arith.constant 448 : i32
    %dma_wait3A_171 = tpu.memref_slice %arg7[%dma_wait3A_170] : memref<512xi32, #tpu.memory_space<vmem>> -> memref<64xi32, #tpu.memory_space<vmem>>
    %dma_wait3A_172 = arith.constant 0 : i32
    %dma_wait3A_173 = arith.constant 0 : i32
    %dma_wait3A_174 = tpu.memref_slice %arg3[%dma_wait3A_172, %dma_wait3A_173] : memref<100000x256xf32, #tpu.memory_space<hbm>> -> memref<100000x256xf32, #tpu.memory_space<hbm>>
    tpu.wait_indirect_dma semaphore(%arg13 : memref<!tpu.dma_semaphore, #tpu.memory_space<semaphore_mem>>) src(%dma_wait3A_174 : memref<100000x256xf32, #tpu.memory_space<hbm>>) dst(%arg11 : memref<64x256xf32, #tpu.memory_space<vmem>>)
    %add3A_175 = arith.constant 448 : i32
    %add3A_176 = arith.addi %mul3A_2, %add3A_175 : i32
    "tpu.region"() ({
      %run_scoped3A = tpu.sem_alloc : memref<!tpu.dma_semaphore, #tpu.memory_space<semaphore_mem>>
      %dma_start3A_177 = arith.constant 0 : i32
      %dma_start3A_178 = tpu.memref_slice %arg5[%add3A_176, %dma_start3A_177] : memref<16384x256xf32, #tpu.memory_space<hbm>> -> memref<64x256xf32, #tpu.memory_space<hbm>>
      %dma_start3A_179 = arith.constant 0 : i32
      %dma_start3A_180 = tpu.memref_slice %arg5[%add3A_176, %dma_start3A_179] : memref<16384x256xf32, #tpu.memory_space<hbm>> -> memref<64x256xf32, #tpu.memory_space<hbm>>
      tpu.enqueue_dma source(%arg9 : memref<64x256xf32, #tpu.memory_space<vmem>>) target(%dma_start3A_180 : memref<64x256xf32, #tpu.memory_space<hbm>>) target_semaphore(%run_scoped3A : memref<!tpu.dma_semaphore, #tpu.memory_space<semaphore_mem>>)
      %dma_wait3A_181 = arith.constant 0 : i32
      %dma_wait3A_182 = tpu.memref_slice %arg5[%add3A_176, %dma_wait3A_181] : memref<16384x256xf32, #tpu.memory_space<hbm>> -> memref<64x256xf32, #tpu.memory_space<hbm>>
      %dma_wait3A_183 = arith.constant 0 : i32
      %dma_wait3A_184 = tpu.memref_slice %arg5[%add3A_176, %dma_wait3A_183] : memref<16384x256xf32, #tpu.memory_space<hbm>> -> memref<64x256xf32, #tpu.memory_space<hbm>>
      tpu.wait_dma2 semaphore(%run_scoped3A : memref<!tpu.dma_semaphore, #tpu.memory_space<semaphore_mem>>) src(%arg9 : memref<64x256xf32, #tpu.memory_space<vmem>>) dst(%dma_wait3A_184 : memref<64x256xf32, #tpu.memory_space<hbm>>)
      tpu.yield
    }) : () -> ()
    "tpu.region"() ({
      %run_scoped3A = tpu.sem_alloc : memref<!tpu.dma_semaphore, #tpu.memory_space<semaphore_mem>>
      %dma_start3A_177 = arith.constant 0 : i32
      %dma_start3A_178 = tpu.memref_slice %arg6[%add3A_176, %dma_start3A_177] : memref<16384x256xf32, #tpu.memory_space<hbm>> -> memref<64x256xf32, #tpu.memory_space<hbm>>
      %dma_start3A_179 = arith.constant 0 : i32
      %dma_start3A_180 = tpu.memref_slice %arg6[%add3A_176, %dma_start3A_179] : memref<16384x256xf32, #tpu.memory_space<hbm>> -> memref<64x256xf32, #tpu.memory_space<hbm>>
      tpu.enqueue_dma source(%arg11 : memref<64x256xf32, #tpu.memory_space<vmem>>) target(%dma_start3A_180 : memref<64x256xf32, #tpu.memory_space<hbm>>) target_semaphore(%run_scoped3A : memref<!tpu.dma_semaphore, #tpu.memory_space<semaphore_mem>>)
      %dma_wait3A_181 = arith.constant 0 : i32
      %dma_wait3A_182 = tpu.memref_slice %arg6[%add3A_176, %dma_wait3A_181] : memref<16384x256xf32, #tpu.memory_space<hbm>> -> memref<64x256xf32, #tpu.memory_space<hbm>>
      %dma_wait3A_183 = arith.constant 0 : i32
      %dma_wait3A_184 = tpu.memref_slice %arg6[%add3A_176, %dma_wait3A_183] : memref<16384x256xf32, #tpu.memory_space<hbm>> -> memref<64x256xf32, #tpu.memory_space<hbm>>
      tpu.wait_dma2 semaphore(%run_scoped3A : memref<!tpu.dma_semaphore, #tpu.memory_space<semaphore_mem>>) src(%arg11 : memref<64x256xf32, #tpu.memory_space<vmem>>) dst(%dma_wait3A_184 : memref<64x256xf32, #tpu.memory_space<hbm>>)
      tpu.yield
    }) : () -> ()
    return
  }
}

module attributes {stable_mosaic.version = 14 : i64} {
  func.func @_score_topk_kernel(%arg0: i32, %arg1: memref<512x256xf32, #tpu.memory_space<vmem>>, %arg2: memref<2048x256xf32, #tpu.memory_space<vmem>>, %arg3: memref<512x32xi32, #tpu.memory_space<vmem>>, %arg4: memref<64x8x2048xf32, #tpu.memory_space<vmem>>, %arg5: memref<64x8x8x128xf32, #tpu.memory_space<vmem>>, %arg6: memref<64x8x8x128xi32, #tpu.memory_space<vmem>>, %arg7: memref<64x8x32xi32, #tpu.memory_space<vmem>>) attributes {dimension_semantics = [#tpu.dimension_semantics<arbitrary>], iteration_bounds = array<i64: 49>, scalar_prefetch = 0 : i64, scratch_operands = 4 : i64, tpu.core_type = #tpu.core_type<tc>, window_params = [{pipeline_mode = #tpu.pipeline_mode<synchronous>, transform_indices = @transform_0, window_bounds = array<i64: 512, 256>}, {transform_indices = @transform_1, window_bounds = array<i64: 2048, 256>}, {pipeline_mode = #tpu.pipeline_mode<synchronous>, transform_indices = @transform_2, window_bounds = array<i64: 512, 32>}]} {
    %get3A = arith.constant 0 : index
    %get3A_0 = arith.constant 0 : index
    %get3A_1 = vector.load %arg1[%get3A, %get3A_0] : memref<512x256xf32, #tpu.memory_space<vmem>>, vector<512x256xf32>
    %get3A_2 = arith.constant 0 : index
    %get3A_3 = arith.constant 0 : index
    %get3A_4 = vector.load %arg2[%get3A_2, %get3A_3] : memref<2048x256xf32, #tpu.memory_space<vmem>>, vector<2048x256xf32>
    %dot_general3A = arith.constant dense<0.000000e+00> : vector<512x2048xf32>
    %dot_general3A_5 = tpu.matmul %get3A_1, %get3A_4, %dot_general3A {dimension_numbers = #tpu.dot_dimension_numbers<[1], [1], [0], [0], [0, 0, 1, 0], [], []>, transpose_lhs_hint = false} : vector<512x256xf32>, vector<2048x256xf32>, vector<512x2048xf32> -> vector<512x2048xf32>
    %mul3A = arith.constant 2048 : i32
    %mul3A_6 = arith.muli %arg0, %mul3A : i32
    %iota3A = tpu.iota {dimensions = array<i32: 1>} : vector<512x2048xi32>
    %add3A = vector.broadcast %mul3A_6 : i32 to vector<512x2048xi32>
    %add3A_7 = arith.addi %add3A, %iota3A : vector<512x2048xi32>
    %lt3A = arith.constant 100000 : i32
    %lt3A_8 = vector.broadcast %lt3A : i32 to vector<512x2048xi32>
    %lt3A_9 = arith.cmpi slt, %add3A_7, %lt3A_8 : vector<512x2048xi32>
    %jit3A = arith.constant 0xFF800000 : f32
    %broadcast_in_dim3A = vector.broadcast %jit3A : f32 to vector<512x2048xf32>
    %select_n3A = arith.select %lt3A_9, %dot_general3A_5, %broadcast_in_dim3A : vector<512x2048xi1>, vector<512x2048xf32>
    %reshape3A = vector.shape_cast %select_n3A : vector<512x2048xf32> to vector<64x8x2048xf32>
    %swap3A = arith.constant 0 : index
    %swap3A_10 = arith.constant 0 : index
    %swap3A_11 = arith.constant 0 : index
    %swap3A_12 = vector.load %arg4[%swap3A, %swap3A_10, %swap3A_11] : memref<64x8x2048xf32, #tpu.memory_space<vmem>>, vector<64x8x2048xf32>
    tpu.vector_store %arg4[%swap3A, %swap3A_10, %swap3A_11], %reshape3A {strides = array<i32>} : memref<64x8x2048xf32, #tpu.memory_space<vmem>>, vector<64x8x2048xf32>,
    %eq3A = arith.constant 0 : i32
    %eq3A_13 = arith.cmpi eq, %arg0, %eq3A : i32
    %broadcast_in_dim3A_14 = arith.constant 0 : i32
    %broadcast_in_dim3A_15 = vector.broadcast %broadcast_in_dim3A_14 : i32 to vector<8x128xi32>
    %scan3A = arith.constant 0 : i32
    %scan3A_16 = arith.constant 16 : i32
    %scan3A_17 = arith.addi %scan3A, %scan3A_16 : i32
    %scan3A_18 = arith.constant 1 : i32
    scf.for %scan3A_23 = %scan3A to %scan3A_17 step %scan3A_18  : i32 {
      %mul3A_24 = arith.constant 4 : i32
      %mul3A_25 = arith.muli %mul3A_24, %scan3A_23 : i32
      %mul3A_26 = arith.constant 4 : i32
      %mul3A_27 = arith.muli %mul3A_26, %scan3A_23 : i32
      %add3A_28 = arith.constant 1 : i32
      %add3A_29 = arith.addi %mul3A_27, %add3A_28 : i32
      %mul3A_30 = arith.constant 4 : i32
      %mul3A_31 = arith.muli %mul3A_30, %scan3A_23 : i32
      %add3A_32 = arith.constant 2 : i32
      %add3A_33 = arith.addi %mul3A_31, %add3A_32 : i32
      %mul3A_34 = arith.constant 4 : i32
      %mul3A_35 = arith.muli %mul3A_34, %scan3A_23 : i32
      %add3A_36 = arith.constant 3 : i32
      %add3A_37 = arith.addi %mul3A_35, %add3A_36 : i32
      %get3A_38 = arith.index_cast %mul3A_25 : i32 to index
      %get3A_39 = arith.constant 0 : index
      %get3A_40 = arith.constant 0 : index
      %get3A_41 = arith.constant 0 : index
      %get3A_42 = vector.load %arg5[%get3A_38, %get3A_39, %get3A_40, %get3A_41] : memref<64x8x8x128xf32, #tpu.memory_space<vmem>>, vector<1x1x8x128xf32>
      %get3A_43 = vector.shape_cast %get3A_42 : vector<1x1x8x128xf32> to vector<8x128xf32>
      %jit3A_44 = arith.constant 0xFF800000 : f32
      %broadcast_in_dim3A_45 = vector.broadcast %jit3A_44 : f32 to vector<8x128xf32>
      %select_n3A_46 = arith.select %eq3A_13, %broadcast_in_dim3A_45, %get3A_43 : vector<8x128xf32>
      %get3A_47 = arith.index_cast %mul3A_25 : i32 to index
      %get3A_48 = arith.constant 1 : index
      %get3A_49 = arith.constant 0 : index
      %get3A_50 = arith.constant 0 : index
      %get3A_51 = vector.load %arg5[%get3A_47, %get3A_48, %get3A_49, %get3A_50] : memref<64x8x8x128xf32, #tpu.memory_space<vmem>>, vector<1x1x8x128xf32>
      %get3A_52 = vector.shape_cast %get3A_51 : vector<1x1x8x128xf32> to vector<8x128xf32>
      %jit3A_53 = arith.constant 0xFF800000 : f32
      %broadcast_in_dim3A_54 = vector.broadcast %jit3A_53 : f32 to vector<8x128xf32>
      %select_n3A_55 = arith.select %eq3A_13, %broadcast_in_dim3A_54, %get3A_52 : vector<8x128xf32>
      %get3A_56 = arith.index_cast %mul3A_25 : i32 to index
      %get3A_57 = arith.constant 2 : index
      %get3A_58 = arith.constant 0 : index
      %get3A_59 = arith.constant 0 : index
      %get3A_60 = vector.load %arg5[%get3A_56, %get3A_57, %get3A_58, %get3A_59] : memref<64x8x8x128xf32, #tpu.memory_space<vmem>>, vector<1x1x8x128xf32>
      %get3A_61 = vector.shape_cast %get3A_60 : vector<1x1x8x128xf32> to vector<8x128xf32>
      %jit3A_62 = arith.constant 0xFF800000 : f32
      %broadcast_in_dim3A_63 = vector.broadcast %jit3A_62 : f32 to vector<8x128xf32>
      %select_n3A_64 = arith.select %eq3A_13, %broadcast_in_dim3A_63, %get3A_61 : vector<8x128xf32>
      %get3A_65 = arith.index_cast %mul3A_25 : i32 to index
      %get3A_66 = arith.constant 3 : index
      %get3A_67 = arith.constant 0 : index
      %get3A_68 = arith.constant 0 : index
      %get3A_69 = vector.load %arg5[%get3A_65, %get3A_66, %get3A_67, %get3A_68] : memref<64x8x8x128xf32, #tpu.memory_space<vmem>>, vector<1x1x8x128xf32>
      %get3A_70 = vector.shape_cast %get3A_69 : vector<1x1x8x128xf32> to vector<8x128xf32>
      %jit3A_71 = arith.constant 0xFF800000 : f32
      %broadcast_in_dim3A_72 = vector.broadcast %jit3A_71 : f32 to vector<8x128xf32>
      %select_n3A_73 = arith.select %eq3A_13, %broadcast_in_dim3A_72, %get3A_70 : vector<8x128xf32>
      %get3A_74 = arith.index_cast %mul3A_25 : i32 to index
      %get3A_75 = arith.constant 4 : index
      %get3A_76 = arith.constant 0 : index
      %get3A_77 = arith.constant 0 : index
      %get3A_78 = vector.load %arg5[%get3A_74, %get3A_75, %get3A_76, %get3A_77] : memref<64x8x8x128xf32, #tpu.memory_space<vmem>>, vector<1x1x8x128xf32>
      %get3A_79 = vector.shape_cast %get3A_78 : vector<1x1x8x128xf32> to vector<8x128xf32>
      %jit3A_80 = arith.constant 0xFF800000 : f32
      %broadcast_in_dim3A_81 = vector.broadcast %jit3A_80 : f32 to vector<8x128xf32>
      %select_n3A_82 = arith.select %eq3A_13, %broadcast_in_dim3A_81, %get3A_79 : vector<8x128xf32>
      %get3A_83 = arith.index_cast %mul3A_25 : i32 to index
      %get3A_84 = arith.constant 5 : index
      %get3A_85 = arith.constant 0 : index
      %get3A_86 = arith.constant 0 : index
      %get3A_87 = vector.load %arg5[%get3A_83, %get3A_84, %get3A_85, %get3A_86] : memref<64x8x8x128xf32, #tpu.memory_space<vmem>>, vector<1x1x8x128xf32>
      %get3A_88 = vector.shape_cast %get3A_87 : vector<1x1x8x128xf32> to vector<8x128xf32>
      %jit3A_89 = arith.constant 0xFF800000 : f32
      %broadcast_in_dim3A_90 = vector.broadcast %jit3A_89 : f32 to vector<8x128xf32>
      %select_n3A_91 = arith.select %eq3A_13, %broadcast_in_dim3A_90, %get3A_88 : vector<8x128xf32>
      %get3A_92 = arith.index_cast %mul3A_25 : i32 to index
      %get3A_93 = arith.constant 6 : index
      %get3A_94 = arith.constant 0 : index
      %get3A_95 = arith.constant 0 : index
      %get3A_96 = vector.load %arg5[%get3A_92, %get3A_93, %get3A_94, %get3A_95] : memref<64x8x8x128xf32, #tpu.memory_space<vmem>>, vector<1x1x8x128xf32>
      %get3A_97 = vector.shape_cast %get3A_96 : vector<1x1x8x128xf32> to vector<8x128xf32>
      %jit3A_98 = arith.constant 0xFF800000 : f32
      %broadcast_in_dim3A_99 = vector.broadcast %jit3A_98 : f32 to vector<8x128xf32>
      %select_n3A_100 = arith.select %eq3A_13, %broadcast_in_dim3A_99, %get3A_97 : vector<8x128xf32>
      %get3A_101 = arith.index_cast %mul3A_25 : i32 to index
      %get3A_102 = arith.constant 7 : index
      %get3A_103 = arith.constant 0 : index
      %get3A_104 = arith.constant 0 : index
      %get3A_105 = vector.load %arg5[%get3A_101, %get3A_102, %get3A_103, %get3A_104] : memref<64x8x8x128xf32, #tpu.memory_space<vmem>>, vector<1x1x8x128xf32>
      %get3A_106 = vector.shape_cast %get3A_105 : vector<1x1x8x128xf32> to vector<8x128xf32>
      %jit3A_107 = arith.constant 0xFF800000 : f32
      %broadcast_in_dim3A_108 = vector.broadcast %jit3A_107 : f32 to vector<8x128xf32>
      %select_n3A_109 = arith.select %eq3A_13, %broadcast_in_dim3A_108, %get3A_106 : vector<8x128xf32>
      %get3A_110 = arith.index_cast %mul3A_25 : i32 to index
      %get3A_111 = arith.constant 0 : index
      %get3A_112 = arith.constant 0 : index
      %get3A_113 = arith.constant 0 : index
      %get3A_114 = vector.load %arg6[%get3A_110, %get3A_111, %get3A_112, %get3A_113] : memref<64x8x8x128xi32, #tpu.memory_space<vmem>>, vector<1x1x8x128xi32>
      %get3A_115 = vector.shape_cast %get3A_114 : vector<1x1x8x128xi32> to vector<8x128xi32>
      %jit3A_116 = arith.constant 0 : i32
      %broadcast_in_dim3A_117 = vector.broadcast %jit3A_116 : i32 to vector<8x128xi32>
      %select_n3A_118 = arith.select %eq3A_13, %broadcast_in_dim3A_117, %get3A_115 : vector<8x128xi32>
      %get3A_119 = arith.index_cast %mul3A_25 : i32 to index
      %get3A_120 = arith.constant 1 : index
      %get3A_121 = arith.constant 0 : index
      %get3A_122 = arith.constant 0 : index
      %get3A_123 = vector.load %arg6[%get3A_119, %get3A_120, %get3A_121, %get3A_122] : memref<64x8x8x128xi32, #tpu.memory_space<vmem>>, vector<1x1x8x128xi32>
      %get3A_124 = vector.shape_cast %get3A_123 : vector<1x1x8x128xi32> to vector<8x128xi32>
      %jit3A_125 = arith.constant 0 : i32
      %broadcast_in_dim3A_126 = vector.broadcast %jit3A_125 : i32 to vector<8x128xi32>
      %select_n3A_127 = arith.select %eq3A_13, %broadcast_in_dim3A_126, %get3A_124 : vector<8x128xi32>
      %get3A_128 = arith.index_cast %mul3A_25 : i32 to index
      %get3A_129 = arith.constant 2 : index
      %get3A_130 = arith.constant 0 : index
      %get3A_131 = arith.constant 0 : index
      %get3A_132 = vector.load %arg6[%get3A_128, %get3A_129, %get3A_130, %get3A_131] : memref<64x8x8x128xi32, #tpu.memory_space<vmem>>, vector<1x1x8x128xi32>
      %get3A_133 = vector.shape_cast %get3A_132 : vector<1x1x8x128xi32> to vector<8x128xi32>
      %jit3A_134 = arith.constant 0 : i32
      %broadcast_in_dim3A_135 = vector.broadcast %jit3A_134 : i32 to vector<8x128xi32>
      %select_n3A_136 = arith.select %eq3A_13, %broadcast_in_dim3A_135, %get3A_133 : vector<8x128xi32>
      %get3A_137 = arith.index_cast %mul3A_25 : i32 to index
      %get3A_138 = arith.constant 3 : index
      %get3A_139 = arith.constant 0 : index
      %get3A_140 = arith.constant 0 : index
      %get3A_141 = vector.load %arg6[%get3A_137, %get3A_138, %get3A_139, %get3A_140] : memref<64x8x8x128xi32, #tpu.memory_space<vmem>>, vector<1x1x8x128xi32>
      %get3A_142 = vector.shape_cast %get3A_141 : vector<1x1x8x128xi32> to vector<8x128xi32>
      %jit3A_143 = arith.constant 0 : i32
      %broadcast_in_dim3A_144 = vector.broadcast %jit3A_143 : i32 to vector<8x128xi32>
      %select_n3A_145 = arith.select %eq3A_13, %broadcast_in_dim3A_144, %get3A_142 : vector<8x128xi32>
      %get3A_146 = arith.index_cast %mul3A_25 : i32 to index
      %get3A_147 = arith.constant 4 : index
      %get3A_148 = arith.constant 0 : index
      %get3A_149 = arith.constant 0 : index
      %get3A_150 = vector.load %arg6[%get3A_146, %get3A_147, %get3A_148, %get3A_149] : memref<64x8x8x128xi32, #tpu.memory_space<vmem>>, vector<1x1x8x128xi32>
      %get3A_151 = vector.shape_cast %get3A_150 : vector<1x1x8x128xi32> to vector<8x128xi32>
      %jit3A_152 = arith.constant 0 : i32
      %broadcast_in_dim3A_153 = vector.broadcast %jit3A_152 : i32 to vector<8x128xi32>
      %select_n3A_154 = arith.select %eq3A_13, %broadcast_in_dim3A_153, %get3A_151 : vector<8x128xi32>
      %get3A_155 = arith.index_cast %mul3A_25 : i32 to index
      %get3A_156 = arith.constant 5 : index
      %get3A_157 = arith.constant 0 : index
      %get3A_158 = arith.constant 0 : index
      %get3A_159 = vector.load %arg6[%get3A_155, %get3A_156, %get3A_157, %get3A_158] : memref<64x8x8x128xi32, #tpu.memory_space<vmem>>, vector<1x1x8x128xi32>
      %get3A_160 = vector.shape_cast %get3A_159 : vector<1x1x8x128xi32> to vector<8x128xi32>
      %jit3A_161 = arith.constant 0 : i32
      %broadcast_in_dim3A_162 = vector.broadcast %jit3A_161 : i32 to vector<8x128xi32>
      %select_n3A_163 = arith.select %eq3A_13, %broadcast_in_dim3A_162, %get3A_160 : vector<8x128xi32>
      %get3A_164 = arith.index_cast %mul3A_25 : i32 to index
      %get3A_165 = arith.constant 6 : index
      %get3A_166 = arith.constant 0 : index
      %get3A_167 = arith.constant 0 : index
      %get3A_168 = vector.load %arg6[%get3A_164, %get3A_165, %get3A_166, %get3A_167] : memref<64x8x8x128xi32, #tpu.memory_space<vmem>>, vector<1x1x8x128xi32>
      %get3A_169 = vector.shape_cast %get3A_168 : vector<1x1x8x128xi32> to vector<8x128xi32>
      %jit3A_170 = arith.constant 0 : i32
      %broadcast_in_dim3A_171 = vector.broadcast %jit3A_170 : i32 to vector<8x128xi32>
      %select_n3A_172 = arith.select %eq3A_13, %broadcast_in_dim3A_171, %get3A_169 : vector<8x128xi32>
      %get3A_173 = arith.index_cast %mul3A_25 : i32 to index
      %get3A_174 = arith.constant 7 : index
      %get3A_175 = arith.constant 0 : index
      %get3A_176 = arith.constant 0 : index
      %get3A_177 = vector.load %arg6[%get3A_173, %get3A_174, %get3A_175, %get3A_176] : memref<64x8x8x128xi32, #tpu.memory_space<vmem>>, vector<1x1x8x128xi32>
      %get3A_178 = vector.shape_cast %get3A_177 : vector<1x1x8x128xi32> to vector<8x128xi32>
      %jit3A_179 = arith.constant 0 : i32
      %broadcast_in_dim3A_180 = vector.broadcast %jit3A_179 : i32 to vector<8x128xi32>
      %select_n3A_181 = arith.select %eq3A_13, %broadcast_in_dim3A_180, %get3A_178 : vector<8x128xi32>
      %get3A_182 = arith.index_cast %mul3A_25 : i32 to index
      %get3A_183 = arith.constant 0 : index
      %get3A_184 = arith.constant 0 : index
      %get3A_185 = vector.load %arg4[%get3A_182, %get3A_183, %get3A_184] : memref<64x8x2048xf32, #tpu.memory_space<vmem>>, vector<1x8x128xf32>
      %get3A_186 = vector.shape_cast %get3A_185 : vector<1x8x128xf32> to vector<8x128xf32>
      %mul3A_187 = arith.constant 16 : i32
      %mul3A_188 = arith.muli %arg0, %mul3A_187 : i32
      %add3A_189 = arith.constant 0 : i32
      %add3A_190 = arith.addi %mul3A_188, %add3A_189 : i32
      %add3A_191 = vector.broadcast %add3A_190 : i32 to vector<8x128xi32>
      %add3A_192 = arith.addi %broadcast_in_dim3A_15, %add3A_191 : vector<8x128xi32>
      %ge3A = arith.cmpf oge, %select_n3A_46, %get3A_186 : vector<8x128xf32>
      %max3A = arith.maximumf %select_n3A_46, %get3A_186 : vector<8x128xf32>
      %select_n3A_193 = arith.select %ge3A, %select_n3A_118, %add3A_192 : vector<8x128xi1>, vector<8x128xi32>
      %ge3A_194 = arith.cmpf oge, %select_n3A_55, %get3A_186 : vector<8x128xf32>
      %min3A = arith.minimumf %select_n3A_46, %get3A_186 : vector<8x128xf32>
      %max3A_195 = arith.maximumf %min3A, %select_n3A_55 : vector<8x128xf32>
      %select_n3A_196 = arith.select %ge3A, %add3A_192, %select_n3A_118 : vector<8x128xi1>, vector<8x128xi32>
      %select_n3A_197 = arith.select %ge3A_194, %select_n3A_127, %select_n3A_196 : vector<8x128xi1>, vector<8x128xi32>
      %ge3A_198 = arith.cmpf oge, %select_n3A_64, %get3A_186 : vector<8x128xf32>
      %min3A_199 = arith.minimumf %select_n3A_55, %get3A_186 : vector<8x128xf32>
      %max3A_200 = arith.maximumf %min3A_199, %select_n3A_64 : vector<8x128xf32>
      %select_n3A_201 = arith.select %ge3A_194, %add3A_192, %select_n3A_127 : vector<8x128xi1>, vector<8x128xi32>
      %select_n3A_202 = arith.select %ge3A_198, %select_n3A_136, %select_n3A_201 : vector<8x128xi1>, vector<8x128xi32>
      %ge3A_203 = arith.cmpf oge, %select_n3A_73, %get3A_186 : vector<8x128xf32>
      %min3A_204 = arith.minimumf %select_n3A_64, %get3A_186 : vector<8x128xf32>
      %max3A_205 = arith.maximumf %min3A_204, %select_n3A_73 : vector<8x128xf32>
      %select_n3A_206 = arith.select %ge3A_198, %add3A_192, %select_n3A_136 : vector<8x128xi1>, vector<8x128xi32>
      %select_n3A_207 = arith.select %ge3A_203, %select_n3A_145, %select_n3A_206 : vector<8x128xi1>, vector<8x128xi32>
      %ge3A_208 = arith.cmpf oge, %select_n3A_82, %get3A_186 : vector<8x128xf32>
      %min3A_209 = arith.minimumf %select_n3A_73, %get3A_186 : vector<8x128xf32>
      %max3A_210 = arith.maximumf %min3A_209, %select_n3A_82 : vector<8x128xf32>
      %select_n3A_211 = arith.select %ge3A_203, %add3A_192, %select_n3A_145 : vector<8x128xi1>, vector<8x128xi32>
      %select_n3A_212 = arith.select %ge3A_208, %select_n3A_154, %select_n3A_211 : vector<8x128xi1>, vector<8x128xi32>
      %ge3A_213 = arith.cmpf oge, %select_n3A_91, %get3A_186 : vector<8x128xf32>
      %min3A_214 = arith.minimumf %select_n3A_82, %get3A_186 : vector<8x128xf32>
      %max3A_215 = arith.maximumf %min3A_214, %select_n3A_91 : vector<8x128xf32>
      %select_n3A_216 = arith.select %ge3A_208, %add3A_192, %select_n3A_154 : vector<8x128xi1>, vector<8x128xi32>
      %select_n3A_217 = arith.select %ge3A_213, %select_n3A_163, %select_n3A_216 : vector<8x128xi1>, vector<8x128xi32>
      %ge3A_218 = arith.cmpf oge, %select_n3A_100, %get3A_186 : vector<8x128xf32>
      %min3A_219 = arith.minimumf %select_n3A_91, %get3A_186 : vector<8x128xf32>
      %max3A_220 = arith.maximumf %min3A_219, %select_n3A_100 : vector<8x128xf32>
      %select_n3A_221 = arith.select %ge3A_213, %add3A_192, %select_n3A_163 : vector<8x128xi1>, vector<8x128xi32>
      %select_n3A_222 = arith.select %ge3A_218, %select_n3A_172, %select_n3A_221 : vector<8x128xi1>, vector<8x128xi32>
      %ge3A_223 = arith.cmpf oge, %select_n3A_109, %get3A_186 : vector<8x128xf32>
      %min3A_224 = arith.minimumf %select_n3A_100, %get3A_186 : vector<8x128xf32>
      %max3A_225 = arith.maximumf %min3A_224, %select_n3A_109 : vector<8x128xf32>
      %select_n3A_226 = arith.select %ge3A_218, %add3A_192, %select_n3A_172 : vector<8x128xi1>, vector<8x128xi32>
      %select_n3A_227 = arith.select %ge3A_223, %select_n3A_181, %select_n3A_226 : vector<8x128xi1>, vector<8x128xi32>
      %get3A_228 = arith.index_cast %mul3A_25 : i32 to index
      %get3A_229 = arith.constant 0 : index
      %get3A_230 = arith.constant 128 : index
      %get3A_231 = vector.load %arg4[%get3A_228, %get3A_229, %get3A_230] : memref<64x8x2048xf32, #tpu.memory_space<vmem>>, vector<1x8x128xf32>
      %get3A_232 = vector.shape_cast %get3A_231 : vector<1x8x128xf32> to vector<8x128xf32>
      %mul3A_233 = arith.constant 16 : i32
      %mul3A_234 = arith.muli %arg0, %mul3A_233 : i32
      %add3A_235 = arith.constant 1 : i32
      %add3A_236 = arith.addi %mul3A_234, %add3A_235 : i32
      %add3A_237 = vector.broadcast %add3A_236 : i32 to vector<8x128xi32>
      %add3A_238 = arith.addi %broadcast_in_dim3A_15, %add3A_237 : vector<8x128xi32>
      %ge3A_239 = arith.cmpf oge, %max3A, %get3A_232 : vector<8x128xf32>
      %max3A_240 = arith.maximumf %max3A, %get3A_232 : vector<8x128xf32>
      %select_n3A_241 = arith.select %ge3A_239, %select_n3A_193, %add3A_238 : vector<8x128xi1>, vector<8x128xi32>
      %ge3A_242 = arith.cmpf oge, %max3A_195, %get3A_232 : vector<8x128xf32>
      %min3A_243 = arith.minimumf %max3A, %get3A_232 : vector<8x128xf32>
      %max3A_244 = arith.maximumf %min3A_243, %max3A_195 : vector<8x128xf32>
      %select_n3A_245 = arith.select %ge3A_239, %add3A_238, %select_n3A_193 : vector<8x128xi1>, vector<8x128xi32>
      %select_n3A_246 = arith.select %ge3A_242, %select_n3A_197, %select_n3A_245 : vector<8x128xi1>, vector<8x128xi32>
      %ge3A_247 = arith.cmpf oge, %max3A_200, %get3A_232 : vector<8x128xf32>
      %min3A_248 = arith.minimumf %max3A_195, %get3A_232 : vector<8x128xf32>
      %max3A_249 = arith.maximumf %min3A_248, %max3A_200 : vector<8x128xf32>
      %select_n3A_250 = arith.select %ge3A_242, %add3A_238, %select_n3A_197 : vector<8x128xi1>, vector<8x128xi32>
      %select_n3A_251 = arith.select %ge3A_247, %select_n3A_202, %select_n3A_250 : vector<8x128xi1>, vector<8x128xi32>
      %ge3A_252 = arith.cmpf oge, %max3A_205, %get3A_232 : vector<8x128xf32>
      %min3A_253 = arith.minimumf %max3A_200, %get3A_232 : vector<8x128xf32>
      %max3A_254 = arith.maximumf %min3A_253, %max3A_205 : vector<8x128xf32>
      %select_n3A_255 = arith.select %ge3A_247, %add3A_238, %select_n3A_202 : vector<8x128xi1>, vector<8x128xi32>
      %select_n3A_256 = arith.select %ge3A_252, %select_n3A_207, %select_n3A_255 : vector<8x128xi1>, vector<8x128xi32>
      %ge3A_257 = arith.cmpf oge, %max3A_210, %get3A_232 : vector<8x128xf32>
      %min3A_258 = arith.minimumf %max3A_205, %get3A_232 : vector<8x128xf32>
      %max3A_259 = arith.maximumf %min3A_258, %max3A_210 : vector<8x128xf32>
      %select_n3A_260 = arith.select %ge3A_252, %add3A_238, %select_n3A_207 : vector<8x128xi1>, vector<8x128xi32>
      %select_n3A_261 = arith.select %ge3A_257, %select_n3A_212, %select_n3A_260 : vector<8x128xi1>, vector<8x128xi32>
      %ge3A_262 = arith.cmpf oge, %max3A_215, %get3A_232 : vector<8x128xf32>
      %min3A_263 = arith.minimumf %max3A_210, %get3A_232 : vector<8x128xf32>
      %max3A_264 = arith.maximumf %min3A_263, %max3A_215 : vector<8x128xf32>
      %select_n3A_265 = arith.select %ge3A_257, %add3A_238, %select_n3A_212 : vector<8x128xi1>, vector<8x128xi32>
      %select_n3A_266 = arith.select %ge3A_262, %select_n3A_217, %select_n3A_265 : vector<8x128xi1>, vector<8x128xi32>
      %ge3A_267 = arith.cmpf oge, %max3A_220, %get3A_232 : vector<8x128xf32>
      %min3A_268 = arith.minimumf %max3A_215, %get3A_232 : vector<8x128xf32>
      %max3A_269 = arith.maximumf %min3A_268, %max3A_220 : vector<8x128xf32>
      %select_n3A_270 = arith.select %ge3A_262, %add3A_238, %select_n3A_217 : vector<8x128xi1>, vector<8x128xi32>
      %select_n3A_271 = arith.select %ge3A_267, %select_n3A_222, %select_n3A_270 : vector<8x128xi1>, vector<8x128xi32>
      %ge3A_272 = arith.cmpf oge, %max3A_225, %get3A_232 : vector<8x128xf32>
      %min3A_273 = arith.minimumf %max3A_220, %get3A_232 : vector<8x128xf32>
      %max3A_274 = arith.maximumf %min3A_273, %max3A_225 : vector<8x128xf32>
      %select_n3A_275 = arith.select %ge3A_267, %add3A_238, %select_n3A_222 : vector<8x128xi1>, vector<8x128xi32>
      %select_n3A_276 = arith.select %ge3A_272, %select_n3A_227, %select_n3A_275 : vector<8x128xi1>, vector<8x128xi32>
      %get3A_277 = arith.index_cast %mul3A_25 : i32 to index
      %get3A_278 = arith.constant 0 : index
      %get3A_279 = arith.constant 256 : index
      %get3A_280 = vector.load %arg4[%get3A_277, %get3A_278, %get3A_279] : memref<64x8x2048xf32, #tpu.memory_space<vmem>>, vector<1x8x128xf32>
      %get3A_281 = vector.shape_cast %get3A_280 : vector<1x8x128xf32> to vector<8x128xf32>
      %mul3A_282 = arith.constant 16 : i32
      %mul3A_283 = arith.muli %arg0, %mul3A_282 : i32
      %add3A_284 = arith.constant 2 : i32
      %add3A_285 = arith.addi %mul3A_283, %add3A_284 : i32
      %add3A_286 = vector.broadcast %add3A_285 : i32 to vector<8x128xi32>
      %add3A_287 = arith.addi %broadcast_in_dim3A_15, %add3A_286 : vector<8x128xi32>
      %ge3A_288 = arith.cmpf oge, %max3A_240, %get3A_281 : vector<8x128xf32>
      %max3A_289 = arith.maximumf %max3A_240, %get3A_281 : vector<8x128xf32>
      %select_n3A_290 = arith.select %ge3A_288, %select_n3A_241, %add3A_287 : vector<8x128xi1>, vector<8x128xi32>
      %ge3A_291 = arith.cmpf oge, %max3A_244, %get3A_281 : vector<8x128xf32>
      %min3A_292 = arith.minimumf %max3A_240, %get3A_281 : vector<8x128xf32>
      %max3A_293 = arith.maximumf %min3A_292, %max3A_244 : vector<8x128xf32>
      %select_n3A_294 = arith.select %ge3A_288, %add3A_287, %select_n3A_241 : vector<8x128xi1>, vector<8x128xi32>
      %select_n3A_295 = arith.select %ge3A_291, %select_n3A_246, %select_n3A_294 : vector<8x128xi1>, vector<8x128xi32>
      %ge3A_296 = arith.cmpf oge, %max3A_249, %get3A_281 : vector<8x128xf32>
      %min3A_297 = arith.minimumf %max3A_244, %get3A_281 : vector<8x128xf32>
      %max3A_298 = arith.maximumf %min3A_297, %max3A_249 : vector<8x128xf32>
      %select_n3A_299 = arith.select %ge3A_291, %add3A_287, %select_n3A_246 : vector<8x128xi1>, vector<8x128xi32>
      %select_n3A_300 = arith.select %ge3A_296, %select_n3A_251, %select_n3A_299 : vector<8x128xi1>, vector<8x128xi32>
      %ge3A_301 = arith.cmpf oge, %max3A_254, %get3A_281 : vector<8x128xf32>
      %min3A_302 = arith.minimumf %max3A_249, %get3A_281 : vector<8x128xf32>
      %max3A_303 = arith.maximumf %min3A_302, %max3A_254 : vector<8x128xf32>
      %select_n3A_304 = arith.select %ge3A_296, %add3A_287, %select_n3A_251 : vector<8x128xi1>, vector<8x128xi32>
      %select_n3A_305 = arith.select %ge3A_301, %select_n3A_256, %select_n3A_304 : vector<8x128xi1>, vector<8x128xi32>
      %ge3A_306 = arith.cmpf oge, %max3A_259, %get3A_281 : vector<8x128xf32>
      %min3A_307 = arith.minimumf %max3A_254, %get3A_281 : vector<8x128xf32>
      %max3A_308 = arith.maximumf %min3A_307, %max3A_259 : vector<8x128xf32>
      %select_n3A_309 = arith.select %ge3A_301, %add3A_287, %select_n3A_256 : vector<8x128xi1>, vector<8x128xi32>
      %select_n3A_310 = arith.select %ge3A_306, %select_n3A_261, %select_n3A_309 : vector<8x128xi1>, vector<8x128xi32>
      %ge3A_311 = arith.cmpf oge, %max3A_264, %get3A_281 : vector<8x128xf32>
      %min3A_312 = arith.minimumf %max3A_259, %get3A_281 : vector<8x128xf32>
      %max3A_313 = arith.maximumf %min3A_312, %max3A_264 : vector<8x128xf32>
      %select_n3A_314 = arith.select %ge3A_306, %add3A_287, %select_n3A_261 : vector<8x128xi1>, vector<8x128xi32>
      %select_n3A_315 = arith.select %ge3A_311, %select_n3A_266, %select_n3A_314 : vector<8x128xi1>, vector<8x128xi32>
      %ge3A_316 = arith.cmpf oge, %max3A_269, %get3A_281 : vector<8x128xf32>
      %min3A_317 = arith.minimumf %max3A_264, %get3A_281 : vector<8x128xf32>
      %max3A_318 = arith.maximumf %min3A_317, %max3A_269 : vector<8x128xf32>
      %select_n3A_319 = arith.select %ge3A_311, %add3A_287, %select_n3A_266 : vector<8x128xi1>, vector<8x128xi32>
      %select_n3A_320 = arith.select %ge3A_316, %select_n3A_271, %select_n3A_319 : vector<8x128xi1>, vector<8x128xi32>
      %ge3A_321 = arith.cmpf oge, %max3A_274, %get3A_281 : vector<8x128xf32>
      %min3A_322 = arith.minimumf %max3A_269, %get3A_281 : vector<8x128xf32>
      %max3A_323 = arith.maximumf %min3A_322, %max3A_274 : vector<8x128xf32>
      %select_n3A_324 = arith.select %ge3A_316, %add3A_287, %select_n3A_271 : vector<8x128xi1>, vector<8x128xi32>
      %select_n3A_325 = arith.select %ge3A_321, %select_n3A_276, %select_n3A_324 : vector<8x128xi1>, vector<8x128xi32>
      %get3A_326 = arith.index_cast %mul3A_25 : i32 to index
      %get3A_327 = arith.constant 0 : index
      %get3A_328 = arith.constant 384 : index
      %get3A_329 = vector.load %arg4[%get3A_326, %get3A_327, %get3A_328] : memref<64x8x2048xf32, #tpu.memory_space<vmem>>, vector<1x8x128xf32>
      %get3A_330 = vector.shape_cast %get3A_329 : vector<1x8x128xf32> to vector<8x128xf32>
      %mul3A_331 = arith.constant 16 : i32
      %mul3A_332 = arith.muli %arg0, %mul3A_331 : i32
      %add3A_333 = arith.constant 3 : i32
      %add3A_334 = arith.addi %mul3A_332, %add3A_333 : i32
      %add3A_335 = vector.broadcast %add3A_334 : i32 to vector<8x128xi32>
      %add3A_336 = arith.addi %broadcast_in_dim3A_15, %add3A_335 : vector<8x128xi32>
      %ge3A_337 = arith.cmpf oge, %max3A_289, %get3A_330 : vector<8x128xf32>
      %max3A_338 = arith.maximumf %max3A_289, %get3A_330 : vector<8x128xf32>
      %select_n3A_339 = arith.select %ge3A_337, %select_n3A_290, %add3A_336 : vector<8x128xi1>, vector<8x128xi32>
      %ge3A_340 = arith.cmpf oge, %max3A_293, %get3A_330 : vector<8x128xf32>
      %min3A_341 = arith.minimumf %max3A_289, %get3A_330 : vector<8x128xf32>
      %max3A_342 = arith.maximumf %min3A_341, %max3A_293 : vector<8x128xf32>
      %select_n3A_343 = arith.select %ge3A_337, %add3A_336, %select_n3A_290 : vector<8x128xi1>, vector<8x128xi32>
      %select_n3A_344 = arith.select %ge3A_340, %select_n3A_295, %select_n3A_343 : vector<8x128xi1>, vector<8x128xi32>
      %ge3A_345 = arith.cmpf oge, %max3A_298, %get3A_330 : vector<8x128xf32>
      %min3A_346 = arith.minimumf %max3A_293, %get3A_330 : vector<8x128xf32>
      %max3A_347 = arith.maximumf %min3A_346, %max3A_298 : vector<8x128xf32>
      %select_n3A_348 = arith.select %ge3A_340, %add3A_336, %select_n3A_295 : vector<8x128xi1>, vector<8x128xi32>
      %select_n3A_349 = arith.select %ge3A_345, %select_n3A_300, %select_n3A_348 : vector<8x128xi1>, vector<8x128xi32>
      %ge3A_350 = arith.cmpf oge, %max3A_303, %get3A_330 : vector<8x128xf32>
      %min3A_351 = arith.minimumf %max3A_298, %get3A_330 : vector<8x128xf32>
      %max3A_352 = arith.maximumf %min3A_351, %max3A_303 : vector<8x128xf32>
      %select_n3A_353 = arith.select %ge3A_345, %add3A_336, %select_n3A_300 : vector<8x128xi1>, vector<8x128xi32>
      %select_n3A_354 = arith.select %ge3A_350, %select_n3A_305, %select_n3A_353 : vector<8x128xi1>, vector<8x128xi32>
      %ge3A_355 = arith.cmpf oge, %max3A_308, %get3A_330 : vector<8x128xf32>
      %min3A_356 = arith.minimumf %max3A_303, %get3A_330 : vector<8x128xf32>
      %max3A_357 = arith.maximumf %min3A_356, %max3A_308 : vector<8x128xf32>
      %select_n3A_358 = arith.select %ge3A_350, %add3A_336, %select_n3A_305 : vector<8x128xi1>, vector<8x128xi32>
      %select_n3A_359 = arith.select %ge3A_355, %select_n3A_310, %select_n3A_358 : vector<8x128xi1>, vector<8x128xi32>
      %ge3A_360 = arith.cmpf oge, %max3A_313, %get3A_330 : vector<8x128xf32>
      %min3A_361 = arith.minimumf %max3A_308, %get3A_330 : vector<8x128xf32>
      %max3A_362 = arith.maximumf %min3A_361, %max3A_313 : vector<8x128xf32>
      %select_n3A_363 = arith.select %ge3A_355, %add3A_336, %select_n3A_310 : vector<8x128xi1>, vector<8x128xi32>
      %select_n3A_364 = arith.select %ge3A_360, %select_n3A_315, %select_n3A_363 : vector<8x128xi1>, vector<8x128xi32>
      %ge3A_365 = arith.cmpf oge, %max3A_318, %get3A_330 : vector<8x128xf32>
      %min3A_366 = arith.minimumf %max3A_313, %get3A_330 : vector<8x128xf32>
      %max3A_367 = arith.maximumf %min3A_366, %max3A_318 : vector<8x128xf32>
      %select_n3A_368 = arith.select %ge3A_360, %add3A_336, %select_n3A_315 : vector<8x128xi1>, vector<8x128xi32>
      %select_n3A_369 = arith.select %ge3A_365, %select_n3A_320, %select_n3A_368 : vector<8x128xi1>, vector<8x128xi32>
      %ge3A_370 = arith.cmpf oge, %max3A_323, %get3A_330 : vector<8x128xf32>
      %min3A_371 = arith.minimumf %max3A_318, %get3A_330 : vector<8x128xf32>
      %max3A_372 = arith.maximumf %min3A_371, %max3A_323 : vector<8x128xf32>
      %select_n3A_373 = arith.select %ge3A_365, %add3A_336, %select_n3A_320 : vector<8x128xi1>, vector<8x128xi32>
      %select_n3A_374 = arith.select %ge3A_370, %select_n3A_325, %select_n3A_373 : vector<8x128xi1>, vector<8x128xi32>
      %get3A_375 = arith.index_cast %mul3A_25 : i32 to index
      %get3A_376 = arith.constant 0 : index
      %get3A_377 = arith.constant 512 : index
      %get3A_378 = vector.load %arg4[%get3A_375, %get3A_376, %get3A_377] : memref<64x8x2048xf32, #tpu.memory_space<vmem>>, vector<1x8x128xf32>
      %get3A_379 = vector.shape_cast %get3A_378 : vector<1x8x128xf32> to vector<8x128xf32>
      %mul3A_380 = arith.constant 16 : i32
      %mul3A_381 = arith.muli %arg0, %mul3A_380 : i32
      %add3A_382 = arith.constant 4 : i32
      %add3A_383 = arith.addi %mul3A_381, %add3A_382 : i32
      %add3A_384 = vector.broadcast %add3A_383 : i32 to vector<8x128xi32>
      %add3A_385 = arith.addi %broadcast_in_dim3A_15, %add3A_384 : vector<8x128xi32>
      %ge3A_386 = arith.cmpf oge, %max3A_338, %get3A_379 : vector<8x128xf32>
      %max3A_387 = arith.maximumf %max3A_338, %get3A_379 : vector<8x128xf32>
      %select_n3A_388 = arith.select %ge3A_386, %select_n3A_339, %add3A_385 : vector<8x128xi1>, vector<8x128xi32>
      %ge3A_389 = arith.cmpf oge, %max3A_342, %get3A_379 : vector<8x128xf32>
      %min3A_390 = arith.minimumf %max3A_338, %get3A_379 : vector<8x128xf32>
      %max3A_391 = arith.maximumf %min3A_390, %max3A_342 : vector<8x128xf32>
      %select_n3A_392 = arith.select %ge3A_386, %add3A_385, %select_n3A_339 : vector<8x128xi1>, vector<8x128xi32>
      %select_n3A_393 = arith.select %ge3A_389, %select_n3A_344, %select_n3A_392 : vector<8x128xi1>, vector<8x128xi32>
      %ge3A_394 = arith.cmpf oge, %max3A_347, %get3A_379 : vector<8x128xf32>
      %min3A_395 = arith.minimumf %max3A_342, %get3A_379 : vector<8x128xf32>
      %max3A_396 = arith.maximumf %min3A_395, %max3A_347 : vector<8x128xf32>
      %select_n3A_397 = arith.select %ge3A_389, %add3A_385, %select_n3A_344 : vector<8x128xi1>, vector<8x128xi32>
      %select_n3A_398 = arith.select %ge3A_394, %select_n3A_349, %select_n3A_397 : vector<8x128xi1>, vector<8x128xi32>
      %ge3A_399 = arith.cmpf oge, %max3A_352, %get3A_379 : vector<8x128xf32>
      %min3A_400 = arith.minimumf %max3A_347, %get3A_379 : vector<8x128xf32>
      %max3A_401 = arith.maximumf %min3A_400, %max3A_352 : vector<8x128xf32>
      %select_n3A_402 = arith.select %ge3A_394, %add3A_385, %select_n3A_349 : vector<8x128xi1>, vector<8x128xi32>
      %select_n3A_403 = arith.select %ge3A_399, %select_n3A_354, %select_n3A_402 : vector<8x128xi1>, vector<8x128xi32>
      %ge3A_404 = arith.cmpf oge, %max3A_357, %get3A_379 : vector<8x128xf32>
      %min3A_405 = arith.minimumf %max3A_352, %get3A_379 : vector<8x128xf32>
      %max3A_406 = arith.maximumf %min3A_405, %max3A_357 : vector<8x128xf32>
      %select_n3A_407 = arith.select %ge3A_399, %add3A_385, %select_n3A_354 : vector<8x128xi1>, vector<8x128xi32>
      %select_n3A_408 = arith.select %ge3A_404, %select_n3A_359, %select_n3A_407 : vector<8x128xi1>, vector<8x128xi32>
      %ge3A_409 = arith.cmpf oge, %max3A_362, %get3A_379 : vector<8x128xf32>
      %min3A_410 = arith.minimumf %max3A_357, %get3A_379 : vector<8x128xf32>
      %max3A_411 = arith.maximumf %min3A_410, %max3A_362 : vector<8x128xf32>
      %select_n3A_412 = arith.select %ge3A_404, %add3A_385, %select_n3A_359 : vector<8x128xi1>, vector<8x128xi32>
      %select_n3A_413 = arith.select %ge3A_409, %select_n3A_364, %select_n3A_412 : vector<8x128xi1>, vector<8x128xi32>
      %ge3A_414 = arith.cmpf oge, %max3A_367, %get3A_379 : vector<8x128xf32>
      %min3A_415 = arith.minimumf %max3A_362, %get3A_379 : vector<8x128xf32>
      %max3A_416 = arith.maximumf %min3A_415, %max3A_367 : vector<8x128xf32>
      %select_n3A_417 = arith.select %ge3A_409, %add3A_385, %select_n3A_364 : vector<8x128xi1>, vector<8x128xi32>
      %select_n3A_418 = arith.select %ge3A_414, %select_n3A_369, %select_n3A_417 : vector<8x128xi1>, vector<8x128xi32>
      %ge3A_419 = arith.cmpf oge, %max3A_372, %get3A_379 : vector<8x128xf32>
      %min3A_420 = arith.minimumf %max3A_367, %get3A_379 : vector<8x128xf32>
      %max3A_421 = arith.maximumf %min3A_420, %max3A_372 : vector<8x128xf32>
      %select_n3A_422 = arith.select %ge3A_414, %add3A_385, %select_n3A_369 : vector<8x128xi1>, vector<8x128xi32>
      %select_n3A_423 = arith.select %ge3A_419, %select_n3A_374, %select_n3A_422 : vector<8x128xi1>, vector<8x128xi32>
      %get3A_424 = arith.index_cast %mul3A_25 : i32 to index
      %get3A_425 = arith.constant 0 : index
      %get3A_426 = arith.constant 640 : index
      %get3A_427 = vector.load %arg4[%get3A_424, %get3A_425, %get3A_426] : memref<64x8x2048xf32, #tpu.memory_space<vmem>>, vector<1x8x128xf32>
      %get3A_428 = vector.shape_cast %get3A_427 : vector<1x8x128xf32> to vector<8x128xf32>
      %mul3A_429 = arith.constant 16 : i32
      %mul3A_430 = arith.muli %arg0, %mul3A_429 : i32
      %add3A_431 = arith.constant 5 : i32
      %add3A_432 = arith.addi %mul3A_430, %add3A_431 : i32
      %add3A_433 = vector.broadcast %add3A_432 : i32 to vector<8x128xi32>
      %add3A_434 = arith.addi %broadcast_in_dim3A_15, %add3A_433 : vector<8x128xi32>
      %ge3A_435 = arith.cmpf oge, %max3A_387, %get3A_428 : vector<8x128xf32>
      %max3A_436 = arith.maximumf %max3A_387, %get3A_428 : vector<8x128xf32>
      %select_n3A_437 = arith.select %ge3A_435, %select_n3A_388, %add3A_434 : vector<8x128xi1>, vector<8x128xi32>
      %ge3A_438 = arith.cmpf oge, %max3A_391, %get3A_428 : vector<8x128xf32>
      %min3A_439 = arith.minimumf %max3A_387, %get3A_428 : vector<8x128xf32>
      %max3A_440 = arith.maximumf %min3A_439, %max3A_391 : vector<8x128xf32>
      %select_n3A_441 = arith.select %ge3A_435, %add3A_434, %select_n3A_388 : vector<8x128xi1>, vector<8x128xi32>
      %select_n3A_442 = arith.select %ge3A_438, %select_n3A_393, %select_n3A_441 : vector<8x128xi1>, vector<8x128xi32>
      %ge3A_443 = arith.cmpf oge, %max3A_396, %get3A_428 : vector<8x128xf32>
      %min3A_444 = arith.minimumf %max3A_391, %get3A_428 : vector<8x128xf32>
      %max3A_445 = arith.maximumf %min3A_444, %max3A_396 : vector<8x128xf32>
      %select_n3A_446 = arith.select %ge3A_438, %add3A_434, %select_n3A_393 : vector<8x128xi1>, vector<8x128xi32>
      %select_n3A_447 = arith.select %ge3A_443, %select_n3A_398, %select_n3A_446 : vector<8x128xi1>, vector<8x128xi32>
      %ge3A_448 = arith.cmpf oge, %max3A_401, %get3A_428 : vector<8x128xf32>
      %min3A_449 = arith.minimumf %max3A_396, %get3A_428 : vector<8x128xf32>
      %max3A_450 = arith.maximumf %min3A_449, %max3A_401 : vector<8x128xf32>
      %select_n3A_451 = arith.select %ge3A_443, %add3A_434, %select_n3A_398 : vector<8x128xi1>, vector<8x128xi32>
      %select_n3A_452 = arith.select %ge3A_448, %select_n3A_403, %select_n3A_451 : vector<8x128xi1>, vector<8x128xi32>
      %ge3A_453 = arith.cmpf oge, %max3A_406, %get3A_428 : vector<8x128xf32>
      %min3A_454 = arith.minimumf %max3A_401, %get3A_428 : vector<8x128xf32>
      %max3A_455 = arith.maximumf %min3A_454, %max3A_406 : vector<8x128xf32>
      %select_n3A_456 = arith.select %ge3A_448, %add3A_434, %select_n3A_403 : vector<8x128xi1>, vector<8x128xi32>
      %select_n3A_457 = arith.select %ge3A_453, %select_n3A_408, %select_n3A_456 : vector<8x128xi1>, vector<8x128xi32>
      %ge3A_458 = arith.cmpf oge, %max3A_411, %get3A_428 : vector<8x128xf32>
      %min3A_459 = arith.minimumf %max3A_406, %get3A_428 : vector<8x128xf32>
      %max3A_460 = arith.maximumf %min3A_459, %max3A_411 : vector<8x128xf32>
      %select_n3A_461 = arith.select %ge3A_453, %add3A_434, %select_n3A_408 : vector<8x128xi1>, vector<8x128xi32>
      %select_n3A_462 = arith.select %ge3A_458, %select_n3A_413, %select_n3A_461 : vector<8x128xi1>, vector<8x128xi32>
      %ge3A_463 = arith.cmpf oge, %max3A_416, %get3A_428 : vector<8x128xf32>
      %min3A_464 = arith.minimumf %max3A_411, %get3A_428 : vector<8x128xf32>
      %max3A_465 = arith.maximumf %min3A_464, %max3A_416 : vector<8x128xf32>
      %select_n3A_466 = arith.select %ge3A_458, %add3A_434, %select_n3A_413 : vector<8x128xi1>, vector<8x128xi32>
      %select_n3A_467 = arith.select %ge3A_463, %select_n3A_418, %select_n3A_466 : vector<8x128xi1>, vector<8x128xi32>
      %ge3A_468 = arith.cmpf oge, %max3A_421, %get3A_428 : vector<8x128xf32>
      %min3A_469 = arith.minimumf %max3A_416, %get3A_428 : vector<8x128xf32>
      %max3A_470 = arith.maximumf %min3A_469, %max3A_421 : vector<8x128xf32>
      %select_n3A_471 = arith.select %ge3A_463, %add3A_434, %select_n3A_418 : vector<8x128xi1>, vector<8x128xi32>
      %select_n3A_472 = arith.select %ge3A_468, %select_n3A_423, %select_n3A_471 : vector<8x128xi1>, vector<8x128xi32>
      %get3A_473 = arith.index_cast %mul3A_25 : i32 to index
      %get3A_474 = arith.constant 0 : index
      %get3A_475 = arith.constant 768 : index
      %get3A_476 = vector.load %arg4[%get3A_473, %get3A_474, %get3A_475] : memref<64x8x2048xf32, #tpu.memory_space<vmem>>, vector<1x8x128xf32>
      %get3A_477 = vector.shape_cast %get3A_476 : vector<1x8x128xf32> to vector<8x128xf32>
      %mul3A_478 = arith.constant 16 : i32
      %mul3A_479 = arith.muli %arg0, %mul3A_478 : i32
      %add3A_480 = arith.constant 6 : i32
      %add3A_481 = arith.addi %mul3A_479, %add3A_480 : i32
      %add3A_482 = vector.broadcast %add3A_481 : i32 to vector<8x128xi32>
      %add3A_483 = arith.addi %broadcast_in_dim3A_15, %add3A_482 : vector<8x128xi32>
      %ge3A_484 = arith.cmpf oge, %max3A_436, %get3A_477 : vector<8x128xf32>
      %max3A_485 = arith.maximumf %max3A_436, %get3A_477 : vector<8x128xf32>
      %select_n3A_486 = arith.select %ge3A_484, %select_n3A_437, %add3A_483 : vector<8x128xi1>, vector<8x128xi32>
      %ge3A_487 = arith.cmpf oge, %max3A_440, %get3A_477 : vector<8x128xf32>
      %min3A_488 = arith.minimumf %max3A_436, %get3A_477 : vector<8x128xf32>
      %max3A_489 = arith.maximumf %min3A_488, %max3A_440 : vector<8x128xf32>
      %select_n3A_490 = arith.select %ge3A_484, %add3A_483, %select_n3A_437 : vector<8x128xi1>, vector<8x128xi32>
      %select_n3A_491 = arith.select %ge3A_487, %select_n3A_442, %select_n3A_490 : vector<8x128xi1>, vector<8x128xi32>
      %ge3A_492 = arith.cmpf oge, %max3A_445, %get3A_477 : vector<8x128xf32>
      %min3A_493 = arith.minimumf %max3A_440, %get3A_477 : vector<8x128xf32>
      %max3A_494 = arith.maximumf %min3A_493, %max3A_445 : vector<8x128xf32>
      %select_n3A_495 = arith.select %ge3A_487, %add3A_483, %select_n3A_442 : vector<8x128xi1>, vector<8x128xi32>
      %select_n3A_496 = arith.select %ge3A_492, %select_n3A_447, %select_n3A_495 : vector<8x128xi1>, vector<8x128xi32>
      %ge3A_497 = arith.cmpf oge, %max3A_450, %get3A_477 : vector<8x128xf32>
      %min3A_498 = arith.minimumf %max3A_445, %get3A_477 : vector<8x128xf32>
      %max3A_499 = arith.maximumf %min3A_498, %max3A_450 : vector<8x128xf32>
      %select_n3A_500 = arith.select %ge3A_492, %add3A_483, %select_n3A_447 : vector<8x128xi1>, vector<8x128xi32>
      %select_n3A_501 = arith.select %ge3A_497, %select_n3A_452, %select_n3A_500 : vector<8x128xi1>, vector<8x128xi32>
      %ge3A_502 = arith.cmpf oge, %max3A_455, %get3A_477 : vector<8x128xf32>
      %min3A_503 = arith.minimumf %max3A_450, %get3A_477 : vector<8x128xf32>
      %max3A_504 = arith.maximumf %min3A_503, %max3A_455 : vector<8x128xf32>
      %select_n3A_505 = arith.select %ge3A_497, %add3A_483, %select_n3A_452 : vector<8x128xi1>, vector<8x128xi32>
      %select_n3A_506 = arith.select %ge3A_502, %select_n3A_457, %select_n3A_505 : vector<8x128xi1>, vector<8x128xi32>
      %ge3A_507 = arith.cmpf oge, %max3A_460, %get3A_477 : vector<8x128xf32>
      %min3A_508 = arith.minimumf %max3A_455, %get3A_477 : vector<8x128xf32>
      %max3A_509 = arith.maximumf %min3A_508, %max3A_460 : vector<8x128xf32>
      %select_n3A_510 = arith.select %ge3A_502, %add3A_483, %select_n3A_457 : vector<8x128xi1>, vector<8x128xi32>
      %select_n3A_511 = arith.select %ge3A_507, %select_n3A_462, %select_n3A_510 : vector<8x128xi1>, vector<8x128xi32>
      %ge3A_512 = arith.cmpf oge, %max3A_465, %get3A_477 : vector<8x128xf32>
      %min3A_513 = arith.minimumf %max3A_460, %get3A_477 : vector<8x128xf32>
      %max3A_514 = arith.maximumf %min3A_513, %max3A_465 : vector<8x128xf32>
      %select_n3A_515 = arith.select %ge3A_507, %add3A_483, %select_n3A_462 : vector<8x128xi1>, vector<8x128xi32>
      %select_n3A_516 = arith.select %ge3A_512, %select_n3A_467, %select_n3A_515 : vector<8x128xi1>, vector<8x128xi32>
      %ge3A_517 = arith.cmpf oge, %max3A_470, %get3A_477 : vector<8x128xf32>
      %min3A_518 = arith.minimumf %max3A_465, %get3A_477 : vector<8x128xf32>
      %max3A_519 = arith.maximumf %min3A_518, %max3A_470 : vector<8x128xf32>
      %select_n3A_520 = arith.select %ge3A_512, %add3A_483, %select_n3A_467 : vector<8x128xi1>, vector<8x128xi32>
      %select_n3A_521 = arith.select %ge3A_517, %select_n3A_472, %select_n3A_520 : vector<8x128xi1>, vector<8x128xi32>
      %get3A_522 = arith.index_cast %mul3A_25 : i32 to index
      %get3A_523 = arith.constant 0 : index
      %get3A_524 = arith.constant 896 : index
      %get3A_525 = vector.load %arg4[%get3A_522, %get3A_523, %get3A_524] : memref<64x8x2048xf32, #tpu.memory_space<vmem>>, vector<1x8x128xf32>
      %get3A_526 = vector.shape_cast %get3A_525 : vector<1x8x128xf32> to vector<8x128xf32>
      %mul3A_527 = arith.constant 16 : i32
      %mul3A_528 = arith.muli %arg0, %mul3A_527 : i32
      %add3A_529 = arith.constant 7 : i32
      %add3A_530 = arith.addi %mul3A_528, %add3A_529 : i32
      %add3A_531 = vector.broadcast %add3A_530 : i32 to vector<8x128xi32>
      %add3A_532 = arith.addi %broadcast_in_dim3A_15, %add3A_531 : vector<8x128xi32>
      %ge3A_533 = arith.cmpf oge, %max3A_485, %get3A_526 : vector<8x128xf32>
      %max3A_534 = arith.maximumf %max3A_485, %get3A_526 : vector<8x128xf32>
      %select_n3A_535 = arith.select %ge3A_533, %select_n3A_486, %add3A_532 : vector<8x128xi1>, vector<8x128xi32>
      %ge3A_536 = arith.cmpf oge, %max3A_489, %get3A_526 : vector<8x128xf32>
      %min3A_537 = arith.minimumf %max3A_485, %get3A_526 : vector<8x128xf32>
      %max3A_538 = arith.maximumf %min3A_537, %max3A_489 : vector<8x128xf32>
      %select_n3A_539 = arith.select %ge3A_533, %add3A_532, %select_n3A_486 : vector<8x128xi1>, vector<8x128xi32>
      %select_n3A_540 = arith.select %ge3A_536, %select_n3A_491, %select_n3A_539 : vector<8x128xi1>, vector<8x128xi32>
      %ge3A_541 = arith.cmpf oge, %max3A_494, %get3A_526 : vector<8x128xf32>
      %min3A_542 = arith.minimumf %max3A_489, %get3A_526 : vector<8x128xf32>
      %max3A_543 = arith.maximumf %min3A_542, %max3A_494 : vector<8x128xf32>
      %select_n3A_544 = arith.select %ge3A_536, %add3A_532, %select_n3A_491 : vector<8x128xi1>, vector<8x128xi32>
      %select_n3A_545 = arith.select %ge3A_541, %select_n3A_496, %select_n3A_544 : vector<8x128xi1>, vector<8x128xi32>
      %ge3A_546 = arith.cmpf oge, %max3A_499, %get3A_526 : vector<8x128xf32>
      %min3A_547 = arith.minimumf %max3A_494, %get3A_526 : vector<8x128xf32>
      %max3A_548 = arith.maximumf %min3A_547, %max3A_499 : vector<8x128xf32>
      %select_n3A_549 = arith.select %ge3A_541, %add3A_532, %select_n3A_496 : vector<8x128xi1>, vector<8x128xi32>
      %select_n3A_550 = arith.select %ge3A_546, %select_n3A_501, %select_n3A_549 : vector<8x128xi1>, vector<8x128xi32>
      %ge3A_551 = arith.cmpf oge, %max3A_504, %get3A_526 : vector<8x128xf32>
      %min3A_552 = arith.minimumf %max3A_499, %get3A_526 : vector<8x128xf32>
      %max3A_553 = arith.maximumf %min3A_552, %max3A_504 : vector<8x128xf32>
      %select_n3A_554 = arith.select %ge3A_546, %add3A_532, %select_n3A_501 : vector<8x128xi1>, vector<8x128xi32>
      %select_n3A_555 = arith.select %ge3A_551, %select_n3A_506, %select_n3A_554 : vector<8x128xi1>, vector<8x128xi32>
      %ge3A_556 = arith.cmpf oge, %max3A_509, %get3A_526 : vector<8x128xf32>
      %min3A_557 = arith.minimumf %max3A_504, %get3A_526 : vector<8x128xf32>
      %max3A_558 = arith.maximumf %min3A_557, %max3A_509 : vector<8x128xf32>
      %select_n3A_559 = arith.select %ge3A_551, %add3A_532, %select_n3A_506 : vector<8x128xi1>, vector<8x128xi32>
      %select_n3A_560 = arith.select %ge3A_556, %select_n3A_511, %select_n3A_559 : vector<8x128xi1>, vector<8x128xi32>
      %ge3A_561 = arith.cmpf oge, %max3A_514, %get3A_526 : vector<8x128xf32>
      %min3A_562 = arith.minimumf %max3A_509, %get3A_526 : vector<8x128xf32>
      %max3A_563 = arith.maximumf %min3A_562, %max3A_514 : vector<8x128xf32>
      %select_n3A_564 = arith.select %ge3A_556, %add3A_532, %select_n3A_511 : vector<8x128xi1>, vector<8x128xi32>
      %select_n3A_565 = arith.select %ge3A_561, %select_n3A_516, %select_n3A_564 : vector<8x128xi1>, vector<8x128xi32>
      %ge3A_566 = arith.cmpf oge, %max3A_519, %get3A_526 : vector<8x128xf32>
      %min3A_567 = arith.minimumf %max3A_514, %get3A_526 : vector<8x128xf32>
      %max3A_568 = arith.maximumf %min3A_567, %max3A_519 : vector<8x128xf32>
      %select_n3A_569 = arith.select %ge3A_561, %add3A_532, %select_n3A_516 : vector<8x128xi1>, vector<8x128xi32>
      %select_n3A_570 = arith.select %ge3A_566, %select_n3A_521, %select_n3A_569 : vector<8x128xi1>, vector<8x128xi32>
      %get3A_571 = arith.index_cast %mul3A_25 : i32 to index
      %get3A_572 = arith.constant 0 : index
      %get3A_573 = arith.constant 1024 : index
      %get3A_574 = vector.load %arg4[%get3A_571, %get3A_572, %get3A_573] : memref<64x8x2048xf32, #tpu.memory_space<vmem>>, vector<1x8x128xf32>
      %get3A_575 = vector.shape_cast %get3A_574 : vector<1x8x128xf32> to vector<8x128xf32>
      %mul3A_576 = arith.constant 16 : i32
      %mul3A_577 = arith.muli %arg0, %mul3A_576 : i32
      %add3A_578 = arith.constant 8 : i32
      %add3A_579 = arith.addi %mul3A_577, %add3A_578 : i32
      %add3A_580 = vector.broadcast %add3A_579 : i32 to vector<8x128xi32>
      %add3A_581 = arith.addi %broadcast_in_dim3A_15, %add3A_580 : vector<8x128xi32>
      %ge3A_582 = arith.cmpf oge, %max3A_534, %get3A_575 : vector<8x128xf32>
      %max3A_583 = arith.maximumf %max3A_534, %get3A_575 : vector<8x128xf32>
      %select_n3A_584 = arith.select %ge3A_582, %select_n3A_535, %add3A_581 : vector<8x128xi1>, vector<8x128xi32>
      %ge3A_585 = arith.cmpf oge, %max3A_538, %get3A_575 : vector<8x128xf32>
      %min3A_586 = arith.minimumf %max3A_534, %get3A_575 : vector<8x128xf32>
      %max3A_587 = arith.maximumf %min3A_586, %max3A_538 : vector<8x128xf32>
      %select_n3A_588 = arith.select %ge3A_582, %add3A_581, %select_n3A_535 : vector<8x128xi1>, vector<8x128xi32>
      %select_n3A_589 = arith.select %ge3A_585, %select_n3A_540, %select_n3A_588 : vector<8x128xi1>, vector<8x128xi32>
      %ge3A_590 = arith.cmpf oge, %max3A_543, %get3A_575 : vector<8x128xf32>
      %min3A_591 = arith.minimumf %max3A_538, %get3A_575 : vector<8x128xf32>
      %max3A_592 = arith.maximumf %min3A_591, %max3A_543 : vector<8x128xf32>
      %select_n3A_593 = arith.select %ge3A_585, %add3A_581, %select_n3A_540 : vector<8x128xi1>, vector<8x128xi32>
      %select_n3A_594 = arith.select %ge3A_590, %select_n3A_545, %select_n3A_593 : vector<8x128xi1>, vector<8x128xi32>
      %ge3A_595 = arith.cmpf oge, %max3A_548, %get3A_575 : vector<8x128xf32>
      %min3A_596 = arith.minimumf %max3A_543, %get3A_575 : vector<8x128xf32>
      %max3A_597 = arith.maximumf %min3A_596, %max3A_548 : vector<8x128xf32>
      %select_n3A_598 = arith.select %ge3A_590, %add3A_581, %select_n3A_545 : vector<8x128xi1>, vector<8x128xi32>
      %select_n3A_599 = arith.select %ge3A_595, %select_n3A_550, %select_n3A_598 : vector<8x128xi1>, vector<8x128xi32>
      %ge3A_600 = arith.cmpf oge, %max3A_553, %get3A_575 : vector<8x128xf32>
      %min3A_601 = arith.minimumf %max3A_548, %get3A_575 : vector<8x128xf32>
      %max3A_602 = arith.maximumf %min3A_601, %max3A_553 : vector<8x128xf32>
      %select_n3A_603 = arith.select %ge3A_595, %add3A_581, %select_n3A_550 : vector<8x128xi1>, vector<8x128xi32>
      %select_n3A_604 = arith.select %ge3A_600, %select_n3A_555, %select_n3A_603 : vector<8x128xi1>, vector<8x128xi32>
      %ge3A_605 = arith.cmpf oge, %max3A_558, %get3A_575 : vector<8x128xf32>
      %min3A_606 = arith.minimumf %max3A_553, %get3A_575 : vector<8x128xf32>
      %max3A_607 = arith.maximumf %min3A_606, %max3A_558 : vector<8x128xf32>
      %select_n3A_608 = arith.select %ge3A_600, %add3A_581, %select_n3A_555 : vector<8x128xi1>, vector<8x128xi32>
      %select_n3A_609 = arith.select %ge3A_605, %select_n3A_560, %select_n3A_608 : vector<8x128xi1>, vector<8x128xi32>
      %ge3A_610 = arith.cmpf oge, %max3A_563, %get3A_575 : vector<8x128xf32>
      %min3A_611 = arith.minimumf %max3A_558, %get3A_575 : vector<8x128xf32>
      %max3A_612 = arith.maximumf %min3A_611, %max3A_563 : vector<8x128xf32>
      %select_n3A_613 = arith.select %ge3A_605, %add3A_581, %select_n3A_560 : vector<8x128xi1>, vector<8x128xi32>
      %select_n3A_614 = arith.select %ge3A_610, %select_n3A_565, %select_n3A_613 : vector<8x128xi1>, vector<8x128xi32>
      %ge3A_615 = arith.cmpf oge, %max3A_568, %get3A_575 : vector<8x128xf32>
      %min3A_616 = arith.minimumf %max3A_563, %get3A_575 : vector<8x128xf32>
      %max3A_617 = arith.maximumf %min3A_616, %max3A_568 : vector<8x128xf32>
      %select_n3A_618 = arith.select %ge3A_610, %add3A_581, %select_n3A_565 : vector<8x128xi1>, vector<8x128xi32>
      %select_n3A_619 = arith.select %ge3A_615, %select_n3A_570, %select_n3A_618 : vector<8x128xi1>, vector<8x128xi32>
      %get3A_620 = arith.index_cast %mul3A_25 : i32 to index
      %get3A_621 = arith.constant 0 : index
      %get3A_622 = arith.constant 1152 : index
      %get3A_623 = vector.load %arg4[%get3A_620, %get3A_621, %get3A_622] : memref<64x8x2048xf32, #tpu.memory_space<vmem>>, vector<1x8x128xf32>
      %get3A_624 = vector.shape_cast %get3A_623 : vector<1x8x128xf32> to vector<8x128xf32>
      %mul3A_625 = arith.constant 16 : i32
      %mul3A_626 = arith.muli %arg0, %mul3A_625 : i32
      %add3A_627 = arith.constant 9 : i32
      %add3A_628 = arith.addi %mul3A_626, %add3A_627 : i32
      %add3A_629 = vector.broadcast %add3A_628 : i32 to vector<8x128xi32>
      %add3A_630 = arith.addi %broadcast_in_dim3A_15, %add3A_629 : vector<8x128xi32>
      %ge3A_631 = arith.cmpf oge, %max3A_583, %get3A_624 : vector<8x128xf32>
      %max3A_632 = arith.maximumf %max3A_583, %get3A_624 : vector<8x128xf32>
      %select_n3A_633 = arith.select %ge3A_631, %select_n3A_584, %add3A_630 : vector<8x128xi1>, vector<8x128xi32>
      %ge3A_634 = arith.cmpf oge, %max3A_587, %get3A_624 : vector<8x128xf32>
      %min3A_635 = arith.minimumf %max3A_583, %get3A_624 : vector<8x128xf32>
      %max3A_636 = arith.maximumf %min3A_635, %max3A_587 : vector<8x128xf32>
      %select_n3A_637 = arith.select %ge3A_631, %add3A_630, %select_n3A_584 : vector<8x128xi1>, vector<8x128xi32>
      %select_n3A_638 = arith.select %ge3A_634, %select_n3A_589, %select_n3A_637 : vector<8x128xi1>, vector<8x128xi32>
      %ge3A_639 = arith.cmpf oge, %max3A_592, %get3A_624 : vector<8x128xf32>
      %min3A_640 = arith.minimumf %max3A_587, %get3A_624 : vector<8x128xf32>
      %max3A_641 = arith.maximumf %min3A_640, %max3A_592 : vector<8x128xf32>
      %select_n3A_642 = arith.select %ge3A_634, %add3A_630, %select_n3A_589 : vector<8x128xi1>, vector<8x128xi32>
      %select_n3A_643 = arith.select %ge3A_639, %select_n3A_594, %select_n3A_642 : vector<8x128xi1>, vector<8x128xi32>
      %ge3A_644 = arith.cmpf oge, %max3A_597, %get3A_624 : vector<8x128xf32>
      %min3A_645 = arith.minimumf %max3A_592, %get3A_624 : vector<8x128xf32>
      %max3A_646 = arith.maximumf %min3A_645, %max3A_597 : vector<8x128xf32>
      %select_n3A_647 = arith.select %ge3A_639, %add3A_630, %select_n3A_594 : vector<8x128xi1>, vector<8x128xi32>
      %select_n3A_648 = arith.select %ge3A_644, %select_n3A_599, %select_n3A_647 : vector<8x128xi1>, vector<8x128xi32>
      %ge3A_649 = arith.cmpf oge, %max3A_602, %get3A_624 : vector<8x128xf32>
      %min3A_650 = arith.minimumf %max3A_597, %get3A_624 : vector<8x128xf32>
      %max3A_651 = arith.maximumf %min3A_650, %max3A_602 : vector<8x128xf32>
      %select_n3A_652 = arith.select %ge3A_644, %add3A_630, %select_n3A_599 : vector<8x128xi1>, vector<8x128xi32>
      %select_n3A_653 = arith.select %ge3A_649, %select_n3A_604, %select_n3A_652 : vector<8x128xi1>, vector<8x128xi32>
      %ge3A_654 = arith.cmpf oge, %max3A_607, %get3A_624 : vector<8x128xf32>
      %min3A_655 = arith.minimumf %max3A_602, %get3A_624 : vector<8x128xf32>
      %max3A_656 = arith.maximumf %min3A_655, %max3A_607 : vector<8x128xf32>
      %select_n3A_657 = arith.select %ge3A_649, %add3A_630, %select_n3A_604 : vector<8x128xi1>, vector<8x128xi32>
      %select_n3A_658 = arith.select %ge3A_654, %select_n3A_609, %select_n3A_657 : vector<8x128xi1>, vector<8x128xi32>
      %ge3A_659 = arith.cmpf oge, %max3A_612, %get3A_624 : vector<8x128xf32>
      %min3A_660 = arith.minimumf %max3A_607, %get3A_624 : vector<8x128xf32>
      %max3A_661 = arith.maximumf %min3A_660, %max3A_612 : vector<8x128xf32>
      %select_n3A_662 = arith.select %ge3A_654, %add3A_630, %select_n3A_609 : vector<8x128xi1>, vector<8x128xi32>
      %select_n3A_663 = arith.select %ge3A_659, %select_n3A_614, %select_n3A_662 : vector<8x128xi1>, vector<8x128xi32>
      %ge3A_664 = arith.cmpf oge, %max3A_617, %get3A_624 : vector<8x128xf32>
      %min3A_665 = arith.minimumf %max3A_612, %get3A_624 : vector<8x128xf32>
      %max3A_666 = arith.maximumf %min3A_665, %max3A_617 : vector<8x128xf32>
      %select_n3A_667 = arith.select %ge3A_659, %add3A_630, %select_n3A_614 : vector<8x128xi1>, vector<8x128xi32>
      %select_n3A_668 = arith.select %ge3A_664, %select_n3A_619, %select_n3A_667 : vector<8x128xi1>, vector<8x128xi32>
      %get3A_669 = arith.index_cast %mul3A_25 : i32 to index
      %get3A_670 = arith.constant 0 : index
      %get3A_671 = arith.constant 1280 : index
      %get3A_672 = vector.load %arg4[%get3A_669, %get3A_670, %get3A_671] : memref<64x8x2048xf32, #tpu.memory_space<vmem>>, vector<1x8x128xf32>
      %get3A_673 = vector.shape_cast %get3A_672 : vector<1x8x128xf32> to vector<8x128xf32>
      %mul3A_674 = arith.constant 16 : i32
      %mul3A_675 = arith.muli %arg0, %mul3A_674 : i32
      %add3A_676 = arith.constant 10 : i32
      %add3A_677 = arith.addi %mul3A_675, %add3A_676 : i32
      %add3A_678 = vector.broadcast %add3A_677 : i32 to vector<8x128xi32>
      %add3A_679 = arith.addi %broadcast_in_dim3A_15, %add3A_678 : vector<8x128xi32>
      %ge3A_680 = arith.cmpf oge, %max3A_632, %get3A_673 : vector<8x128xf32>
      %max3A_681 = arith.maximumf %max3A_632, %get3A_673 : vector<8x128xf32>
      %select_n3A_682 = arith.select %ge3A_680, %select_n3A_633, %add3A_679 : vector<8x128xi1>, vector<8x128xi32>
      %ge3A_683 = arith.cmpf oge, %max3A_636, %get3A_673 : vector<8x128xf32>
      %min3A_684 = arith.minimumf %max3A_632, %get3A_673 : vector<8x128xf32>
      %max3A_685 = arith.maximumf %min3A_684, %max3A_636 : vector<8x128xf32>
      %select_n3A_686 = arith.select %ge3A_680, %add3A_679, %select_n3A_633 : vector<8x128xi1>, vector<8x128xi32>
      %select_n3A_687 = arith.select %ge3A_683, %select_n3A_638, %select_n3A_686 : vector<8x128xi1>, vector<8x128xi32>
      %ge3A_688 = arith.cmpf oge, %max3A_641, %get3A_673 : vector<8x128xf32>
      %min3A_689 = arith.minimumf %max3A_636, %get3A_673 : vector<8x128xf32>
      %max3A_690 = arith.maximumf %min3A_689, %max3A_641 : vector<8x128xf32>
      %select_n3A_691 = arith.select %ge3A_683, %add3A_679, %select_n3A_638 : vector<8x128xi1>, vector<8x128xi32>
      %select_n3A_692 = arith.select %ge3A_688, %select_n3A_643, %select_n3A_691 : vector<8x128xi1>, vector<8x128xi32>
      %ge3A_693 = arith.cmpf oge, %max3A_646, %get3A_673 : vector<8x128xf32>
      %min3A_694 = arith.minimumf %max3A_641, %get3A_673 : vector<8x128xf32>
      %max3A_695 = arith.maximumf %min3A_694, %max3A_646 : vector<8x128xf32>
      %select_n3A_696 = arith.select %ge3A_688, %add3A_679, %select_n3A_643 : vector<8x128xi1>, vector<8x128xi32>
      %select_n3A_697 = arith.select %ge3A_693, %select_n3A_648, %select_n3A_696 : vector<8x128xi1>, vector<8x128xi32>
      %ge3A_698 = arith.cmpf oge, %max3A_651, %get3A_673 : vector<8x128xf32>
      %min3A_699 = arith.minimumf %max3A_646, %get3A_673 : vector<8x128xf32>
      %max3A_700 = arith.maximumf %min3A_699, %max3A_651 : vector<8x128xf32>
      %select_n3A_701 = arith.select %ge3A_693, %add3A_679, %select_n3A_648 : vector<8x128xi1>, vector<8x128xi32>
      %select_n3A_702 = arith.select %ge3A_698, %select_n3A_653, %select_n3A_701 : vector<8x128xi1>, vector<8x128xi32>
      %ge3A_703 = arith.cmpf oge, %max3A_656, %get3A_673 : vector<8x128xf32>
      %min3A_704 = arith.minimumf %max3A_651, %get3A_673 : vector<8x128xf32>
      %max3A_705 = arith.maximumf %min3A_704, %max3A_656 : vector<8x128xf32>
      %select_n3A_706 = arith.select %ge3A_698, %add3A_679, %select_n3A_653 : vector<8x128xi1>, vector<8x128xi32>
      %select_n3A_707 = arith.select %ge3A_703, %select_n3A_658, %select_n3A_706 : vector<8x128xi1>, vector<8x128xi32>
      %ge3A_708 = arith.cmpf oge, %max3A_661, %get3A_673 : vector<8x128xf32>
      %min3A_709 = arith.minimumf %max3A_656, %get3A_673 : vector<8x128xf32>
      %max3A_710 = arith.maximumf %min3A_709, %max3A_661 : vector<8x128xf32>
      %select_n3A_711 = arith.select %ge3A_703, %add3A_679, %select_n3A_658 : vector<8x128xi1>, vector<8x128xi32>
      %select_n3A_712 = arith.select %ge3A_708, %select_n3A_663, %select_n3A_711 : vector<8x128xi1>, vector<8x128xi32>
      %ge3A_713 = arith.cmpf oge, %max3A_666, %get3A_673 : vector<8x128xf32>
      %min3A_714 = arith.minimumf %max3A_661, %get3A_673 : vector<8x128xf32>
      %max3A_715 = arith.maximumf %min3A_714, %max3A_666 : vector<8x128xf32>
      %select_n3A_716 = arith.select %ge3A_708, %add3A_679, %select_n3A_663 : vector<8x128xi1>, vector<8x128xi32>
      %select_n3A_717 = arith.select %ge3A_713, %select_n3A_668, %select_n3A_716 : vector<8x128xi1>, vector<8x128xi32>
      %get3A_718 = arith.index_cast %mul3A_25 : i32 to index
      %get3A_719 = arith.constant 0 : index
      %get3A_720 = arith.constant 1408 : index
      %get3A_721 = vector.load %arg4[%get3A_718, %get3A_719, %get3A_720] : memref<64x8x2048xf32, #tpu.memory_space<vmem>>, vector<1x8x128xf32>
      %get3A_722 = vector.shape_cast %get3A_721 : vector<1x8x128xf32> to vector<8x128xf32>
      %mul3A_723 = arith.constant 16 : i32
      %mul3A_724 = arith.muli %arg0, %mul3A_723 : i32
      %add3A_725 = arith.constant 11 : i32
      %add3A_726 = arith.addi %mul3A_724, %add3A_725 : i32
      %add3A_727 = vector.broadcast %add3A_726 : i32 to vector<8x128xi32>
      %add3A_728 = arith.addi %broadcast_in_dim3A_15, %add3A_727 : vector<8x128xi32>
      %ge3A_729 = arith.cmpf oge, %max3A_681, %get3A_722 : vector<8x128xf32>
      %max3A_730 = arith.maximumf %max3A_681, %get3A_722 : vector<8x128xf32>
      %select_n3A_731 = arith.select %ge3A_729, %select_n3A_682, %add3A_728 : vector<8x128xi1>, vector<8x128xi32>
      %ge3A_732 = arith.cmpf oge, %max3A_685, %get3A_722 : vector<8x128xf32>
      %min3A_733 = arith.minimumf %max3A_681, %get3A_722 : vector<8x128xf32>
      %max3A_734 = arith.maximumf %min3A_733, %max3A_685 : vector<8x128xf32>
      %select_n3A_735 = arith.select %ge3A_729, %add3A_728, %select_n3A_682 : vector<8x128xi1>, vector<8x128xi32>
      %select_n3A_736 = arith.select %ge3A_732, %select_n3A_687, %select_n3A_735 : vector<8x128xi1>, vector<8x128xi32>
      %ge3A_737 = arith.cmpf oge, %max3A_690, %get3A_722 : vector<8x128xf32>
      %min3A_738 = arith.minimumf %max3A_685, %get3A_722 : vector<8x128xf32>
      %max3A_739 = arith.maximumf %min3A_738, %max3A_690 : vector<8x128xf32>
      %select_n3A_740 = arith.select %ge3A_732, %add3A_728, %select_n3A_687 : vector<8x128xi1>, vector<8x128xi32>
      %select_n3A_741 = arith.select %ge3A_737, %select_n3A_692, %select_n3A_740 : vector<8x128xi1>, vector<8x128xi32>
      %ge3A_742 = arith.cmpf oge, %max3A_695, %get3A_722 : vector<8x128xf32>
      %min3A_743 = arith.minimumf %max3A_690, %get3A_722 : vector<8x128xf32>
      %max3A_744 = arith.maximumf %min3A_743, %max3A_695 : vector<8x128xf32>
      %select_n3A_745 = arith.select %ge3A_737, %add3A_728, %select_n3A_692 : vector<8x128xi1>, vector<8x128xi32>
      %select_n3A_746 = arith.select %ge3A_742, %select_n3A_697, %select_n3A_745 : vector<8x128xi1>, vector<8x128xi32>
      %ge3A_747 = arith.cmpf oge, %max3A_700, %get3A_722 : vector<8x128xf32>
      %min3A_748 = arith.minimumf %max3A_695, %get3A_722 : vector<8x128xf32>
      %max3A_749 = arith.maximumf %min3A_748, %max3A_700 : vector<8x128xf32>
      %select_n3A_750 = arith.select %ge3A_742, %add3A_728, %select_n3A_697 : vector<8x128xi1>, vector<8x128xi32>
      %select_n3A_751 = arith.select %ge3A_747, %select_n3A_702, %select_n3A_750 : vector<8x128xi1>, vector<8x128xi32>
      %ge3A_752 = arith.cmpf oge, %max3A_705, %get3A_722 : vector<8x128xf32>
      %min3A_753 = arith.minimumf %max3A_700, %get3A_722 : vector<8x128xf32>
      %max3A_754 = arith.maximumf %min3A_753, %max3A_705 : vector<8x128xf32>
      %select_n3A_755 = arith.select %ge3A_747, %add3A_728, %select_n3A_702 : vector<8x128xi1>, vector<8x128xi32>
      %select_n3A_756 = arith.select %ge3A_752, %select_n3A_707, %select_n3A_755 : vector<8x128xi1>, vector<8x128xi32>
      %ge3A_757 = arith.cmpf oge, %max3A_710, %get3A_722 : vector<8x128xf32>
      %min3A_758 = arith.minimumf %max3A_705, %get3A_722 : vector<8x128xf32>
      %max3A_759 = arith.maximumf %min3A_758, %max3A_710 : vector<8x128xf32>
      %select_n3A_760 = arith.select %ge3A_752, %add3A_728, %select_n3A_707 : vector<8x128xi1>, vector<8x128xi32>
      %select_n3A_761 = arith.select %ge3A_757, %select_n3A_712, %select_n3A_760 : vector<8x128xi1>, vector<8x128xi32>
      %ge3A_762 = arith.cmpf oge, %max3A_715, %get3A_722 : vector<8x128xf32>
      %min3A_763 = arith.minimumf %max3A_710, %get3A_722 : vector<8x128xf32>
      %max3A_764 = arith.maximumf %min3A_763, %max3A_715 : vector<8x128xf32>
      %select_n3A_765 = arith.select %ge3A_757, %add3A_728, %select_n3A_712 : vector<8x128xi1>, vector<8x128xi32>
      %select_n3A_766 = arith.select %ge3A_762, %select_n3A_717, %select_n3A_765 : vector<8x128xi1>, vector<8x128xi32>
      %get3A_767 = arith.index_cast %mul3A_25 : i32 to index
      %get3A_768 = arith.constant 0 : index
      %get3A_769 = arith.constant 1536 : index
      %get3A_770 = vector.load %arg4[%get3A_767, %get3A_768, %get3A_769] : memref<64x8x2048xf32, #tpu.memory_space<vmem>>, vector<1x8x128xf32>
      %get3A_771 = vector.shape_cast %get3A_770 : vector<1x8x128xf32> to vector<8x128xf32>
      %mul3A_772 = arith.constant 16 : i32
      %mul3A_773 = arith.muli %arg0, %mul3A_772 : i32
      %add3A_774 = arith.constant 12 : i32
      %add3A_775 = arith.addi %mul3A_773, %add3A_774 : i32
      %add3A_776 = vector.broadcast %add3A_775 : i32 to vector<8x128xi32>
      %add3A_777 = arith.addi %broadcast_in_dim3A_15, %add3A_776 : vector<8x128xi32>
      %ge3A_778 = arith.cmpf oge, %max3A_730, %get3A_771 : vector<8x128xf32>
      %max3A_779 = arith.maximumf %max3A_730, %get3A_771 : vector<8x128xf32>
      %select_n3A_780 = arith.select %ge3A_778, %select_n3A_731, %add3A_777 : vector<8x128xi1>, vector<8x128xi32>
      %ge3A_781 = arith.cmpf oge, %max3A_734, %get3A_771 : vector<8x128xf32>
      %min3A_782 = arith.minimumf %max3A_730, %get3A_771 : vector<8x128xf32>
      %max3A_783 = arith.maximumf %min3A_782, %max3A_734 : vector<8x128xf32>
      %select_n3A_784 = arith.select %ge3A_778, %add3A_777, %select_n3A_731 : vector<8x128xi1>, vector<8x128xi32>
      %select_n3A_785 = arith.select %ge3A_781, %select_n3A_736, %select_n3A_784 : vector<8x128xi1>, vector<8x128xi32>
      %ge3A_786 = arith.cmpf oge, %max3A_739, %get3A_771 : vector<8x128xf32>
      %min3A_787 = arith.minimumf %max3A_734, %get3A_771 : vector<8x128xf32>
      %max3A_788 = arith.maximumf %min3A_787, %max3A_739 : vector<8x128xf32>
      %select_n3A_789 = arith.select %ge3A_781, %add3A_777, %select_n3A_736 : vector<8x128xi1>, vector<8x128xi32>
      %select_n3A_790 = arith.select %ge3A_786, %select_n3A_741, %select_n3A_789 : vector<8x128xi1>, vector<8x128xi32>
      %ge3A_791 = arith.cmpf oge, %max3A_744, %get3A_771 : vector<8x128xf32>
      %min3A_792 = arith.minimumf %max3A_739, %get3A_771 : vector<8x128xf32>
      %max3A_793 = arith.maximumf %min3A_792, %max3A_744 : vector<8x128xf32>
      %select_n3A_794 = arith.select %ge3A_786, %add3A_777, %select_n3A_741 : vector<8x128xi1>, vector<8x128xi32>
      %select_n3A_795 = arith.select %ge3A_791, %select_n3A_746, %select_n3A_794 : vector<8x128xi1>, vector<8x128xi32>
      %ge3A_796 = arith.cmpf oge, %max3A_749, %get3A_771 : vector<8x128xf32>
      %min3A_797 = arith.minimumf %max3A_744, %get3A_771 : vector<8x128xf32>
      %max3A_798 = arith.maximumf %min3A_797, %max3A_749 : vector<8x128xf32>
      %select_n3A_799 = arith.select %ge3A_791, %add3A_777, %select_n3A_746 : vector<8x128xi1>, vector<8x128xi32>
      %select_n3A_800 = arith.select %ge3A_796, %select_n3A_751, %select_n3A_799 : vector<8x128xi1>, vector<8x128xi32>
      %ge3A_801 = arith.cmpf oge, %max3A_754, %get3A_771 : vector<8x128xf32>
      %min3A_802 = arith.minimumf %max3A_749, %get3A_771 : vector<8x128xf32>
      %max3A_803 = arith.maximumf %min3A_802, %max3A_754 : vector<8x128xf32>
      %select_n3A_804 = arith.select %ge3A_796, %add3A_777, %select_n3A_751 : vector<8x128xi1>, vector<8x128xi32>
      %select_n3A_805 = arith.select %ge3A_801, %select_n3A_756, %select_n3A_804 : vector<8x128xi1>, vector<8x128xi32>
      %ge3A_806 = arith.cmpf oge, %max3A_759, %get3A_771 : vector<8x128xf32>
      %min3A_807 = arith.minimumf %max3A_754, %get3A_771 : vector<8x128xf32>
      %max3A_808 = arith.maximumf %min3A_807, %max3A_759 : vector<8x128xf32>
      %select_n3A_809 = arith.select %ge3A_801, %add3A_777, %select_n3A_756 : vector<8x128xi1>, vector<8x128xi32>
      %select_n3A_810 = arith.select %ge3A_806, %select_n3A_761, %select_n3A_809 : vector<8x128xi1>, vector<8x128xi32>
      %ge3A_811 = arith.cmpf oge, %max3A_764, %get3A_771 : vector<8x128xf32>
      %min3A_812 = arith.minimumf %max3A_759, %get3A_771 : vector<8x128xf32>
      %max3A_813 = arith.maximumf %min3A_812, %max3A_764 : vector<8x128xf32>
      %select_n3A_814 = arith.select %ge3A_806, %add3A_777, %select_n3A_761 : vector<8x128xi1>, vector<8x128xi32>
      %select_n3A_815 = arith.select %ge3A_811, %select_n3A_766, %select_n3A_814 : vector<8x128xi1>, vector<8x128xi32>
      %get3A_816 = arith.index_cast %mul3A_25 : i32 to index
      %get3A_817 = arith.constant 0 : index
      %get3A_818 = arith.constant 1664 : index
      %get3A_819 = vector.load %arg4[%get3A_816, %get3A_817, %get3A_818] : memref<64x8x2048xf32, #tpu.memory_space<vmem>>, vector<1x8x128xf32>
      %get3A_820 = vector.shape_cast %get3A_819 : vector<1x8x128xf32> to vector<8x128xf32>
      %mul3A_821 = arith.constant 16 : i32
      %mul3A_822 = arith.muli %arg0, %mul3A_821 : i32
      %add3A_823 = arith.constant 13 : i32
      %add3A_824 = arith.addi %mul3A_822, %add3A_823 : i32
      %add3A_825 = vector.broadcast %add3A_824 : i32 to vector<8x128xi32>
      %add3A_826 = arith.addi %broadcast_in_dim3A_15, %add3A_825 : vector<8x128xi32>
      %ge3A_827 = arith.cmpf oge, %max3A_779, %get3A_820 : vector<8x128xf32>
      %max3A_828 = arith.maximumf %max3A_779, %get3A_820 : vector<8x128xf32>
      %select_n3A_829 = arith.select %ge3A_827, %select_n3A_780, %add3A_826 : vector<8x128xi1>, vector<8x128xi32>
      %ge3A_830 = arith.cmpf oge, %max3A_783, %get3A_820 : vector<8x128xf32>
      %min3A_831 = arith.minimumf %max3A_779, %get3A_820 : vector<8x128xf32>
      %max3A_832 = arith.maximumf %min3A_831, %max3A_783 : vector<8x128xf32>
      %select_n3A_833 = arith.select %ge3A_827, %add3A_826, %select_n3A_780 : vector<8x128xi1>, vector<8x128xi32>
      %select_n3A_834 = arith.select %ge3A_830, %select_n3A_785, %select_n3A_833 : vector<8x128xi1>, vector<8x128xi32>
      %ge3A_835 = arith.cmpf oge, %max3A_788, %get3A_820 : vector<8x128xf32>
      %min3A_836 = arith.minimumf %max3A_783, %get3A_820 : vector<8x128xf32>
      %max3A_837 = arith.maximumf %min3A_836, %max3A_788 : vector<8x128xf32>
      %select_n3A_838 = arith.select %ge3A_830, %add3A_826, %select_n3A_785 : vector<8x128xi1>, vector<8x128xi32>
      %select_n3A_839 = arith.select %ge3A_835, %select_n3A_790, %select_n3A_838 : vector<8x128xi1>, vector<8x128xi32>
      %ge3A_840 = arith.cmpf oge, %max3A_793, %get3A_820 : vector<8x128xf32>
      %min3A_841 = arith.minimumf %max3A_788, %get3A_820 : vector<8x128xf32>
      %max3A_842 = arith.maximumf %min3A_841, %max3A_793 : vector<8x128xf32>
      %select_n3A_843 = arith.select %ge3A_835, %add3A_826, %select_n3A_790 : vector<8x128xi1>, vector<8x128xi32>
      %select_n3A_844 = arith.select %ge3A_840, %select_n3A_795, %select_n3A_843 : vector<8x128xi1>, vector<8x128xi32>
      %ge3A_845 = arith.cmpf oge, %max3A_798, %get3A_820 : vector<8x128xf32>
      %min3A_846 = arith.minimumf %max3A_793, %get3A_820 : vector<8x128xf32>
      %max3A_847 = arith.maximumf %min3A_846, %max3A_798 : vector<8x128xf32>
      %select_n3A_848 = arith.select %ge3A_840, %add3A_826, %select_n3A_795 : vector<8x128xi1>, vector<8x128xi32>
      %select_n3A_849 = arith.select %ge3A_845, %select_n3A_800, %select_n3A_848 : vector<8x128xi1>, vector<8x128xi32>
      %ge3A_850 = arith.cmpf oge, %max3A_803, %get3A_820 : vector<8x128xf32>
      %min3A_851 = arith.minimumf %max3A_798, %get3A_820 : vector<8x128xf32>
      %max3A_852 = arith.maximumf %min3A_851, %max3A_803 : vector<8x128xf32>
      %select_n3A_853 = arith.select %ge3A_845, %add3A_826, %select_n3A_800 : vector<8x128xi1>, vector<8x128xi32>
      %select_n3A_854 = arith.select %ge3A_850, %select_n3A_805, %select_n3A_853 : vector<8x128xi1>, vector<8x128xi32>
      %ge3A_855 = arith.cmpf oge, %max3A_808, %get3A_820 : vector<8x128xf32>
      %min3A_856 = arith.minimumf %max3A_803, %get3A_820 : vector<8x128xf32>
      %max3A_857 = arith.maximumf %min3A_856, %max3A_808 : vector<8x128xf32>
      %select_n3A_858 = arith.select %ge3A_850, %add3A_826, %select_n3A_805 : vector<8x128xi1>, vector<8x128xi32>
      %select_n3A_859 = arith.select %ge3A_855, %select_n3A_810, %select_n3A_858 : vector<8x128xi1>, vector<8x128xi32>
      %ge3A_860 = arith.cmpf oge, %max3A_813, %get3A_820 : vector<8x128xf32>
      %min3A_861 = arith.minimumf %max3A_808, %get3A_820 : vector<8x128xf32>
      %max3A_862 = arith.maximumf %min3A_861, %max3A_813 : vector<8x128xf32>
      %select_n3A_863 = arith.select %ge3A_855, %add3A_826, %select_n3A_810 : vector<8x128xi1>, vector<8x128xi32>
      %select_n3A_864 = arith.select %ge3A_860, %select_n3A_815, %select_n3A_863 : vector<8x128xi1>, vector<8x128xi32>
      %get3A_865 = arith.index_cast %mul3A_25 : i32 to index
      %get3A_866 = arith.constant 0 : index
      %get3A_867 = arith.constant 1792 : index
      %get3A_868 = vector.load %arg4[%get3A_865, %get3A_866, %get3A_867] : memref<64x8x2048xf32, #tpu.memory_space<vmem>>, vector<1x8x128xf32>
      %get3A_869 = vector.shape_cast %get3A_868 : vector<1x8x128xf32> to vector<8x128xf32>
      %mul3A_870 = arith.constant 16 : i32
      %mul3A_871 = arith.muli %arg0, %mul3A_870 : i32
      %add3A_872 = arith.constant 14 : i32
      %add3A_873 = arith.addi %mul3A_871, %add3A_872 : i32
      %add3A_874 = vector.broadcast %add3A_873 : i32 to vector<8x128xi32>
      %add3A_875 = arith.addi %broadcast_in_dim3A_15, %add3A_874 : vector<8x128xi32>
      %ge3A_876 = arith.cmpf oge, %max3A_828, %get3A_869 : vector<8x128xf32>
      %max3A_877 = arith.maximumf %max3A_828, %get3A_869 : vector<8x128xf32>
      %select_n3A_878 = arith.select %ge3A_876, %select_n3A_829, %add3A_875 : vector<8x128xi1>, vector<8x128xi32>
      %ge3A_879 = arith.cmpf oge, %max3A_832, %get3A_869 : vector<8x128xf32>
      %min3A_880 = arith.minimumf %max3A_828, %get3A_869 : vector<8x128xf32>
      %max3A_881 = arith.maximumf %min3A_880, %max3A_832 : vector<8x128xf32>
      %select_n3A_882 = arith.select %ge3A_876, %add3A_875, %select_n3A_829 : vector<8x128xi1>, vector<8x128xi32>
      %select_n3A_883 = arith.select %ge3A_879, %select_n3A_834, %select_n3A_882 : vector<8x128xi1>, vector<8x128xi32>
      %ge3A_884 = arith.cmpf oge, %max3A_837, %get3A_869 : vector<8x128xf32>
      %min3A_885 = arith.minimumf %max3A_832, %get3A_869 : vector<8x128xf32>
      %max3A_886 = arith.maximumf %min3A_885, %max3A_837 : vector<8x128xf32>
      %select_n3A_887 = arith.select %ge3A_879, %add3A_875, %select_n3A_834 : vector<8x128xi1>, vector<8x128xi32>
      %select_n3A_888 = arith.select %ge3A_884, %select_n3A_839, %select_n3A_887 : vector<8x128xi1>, vector<8x128xi32>
      %ge3A_889 = arith.cmpf oge, %max3A_842, %get3A_869 : vector<8x128xf32>
      %min3A_890 = arith.minimumf %max3A_837, %get3A_869 : vector<8x128xf32>
      %max3A_891 = arith.maximumf %min3A_890, %max3A_842 : vector<8x128xf32>
      %select_n3A_892 = arith.select %ge3A_884, %add3A_875, %select_n3A_839 : vector<8x128xi1>, vector<8x128xi32>
      %select_n3A_893 = arith.select %ge3A_889, %select_n3A_844, %select_n3A_892 : vector<8x128xi1>, vector<8x128xi32>
      %ge3A_894 = arith.cmpf oge, %max3A_847, %get3A_869 : vector<8x128xf32>
      %min3A_895 = arith.minimumf %max3A_842, %get3A_869 : vector<8x128xf32>
      %max3A_896 = arith.maximumf %min3A_895, %max3A_847 : vector<8x128xf32>
      %select_n3A_897 = arith.select %ge3A_889, %add3A_875, %select_n3A_844 : vector<8x128xi1>, vector<8x128xi32>
      %select_n3A_898 = arith.select %ge3A_894, %select_n3A_849, %select_n3A_897 : vector<8x128xi1>, vector<8x128xi32>
      %ge3A_899 = arith.cmpf oge, %max3A_852, %get3A_869 : vector<8x128xf32>
      %min3A_900 = arith.minimumf %max3A_847, %get3A_869 : vector<8x128xf32>
      %max3A_901 = arith.maximumf %min3A_900, %max3A_852 : vector<8x128xf32>
      %select_n3A_902 = arith.select %ge3A_894, %add3A_875, %select_n3A_849 : vector<8x128xi1>, vector<8x128xi32>
      %select_n3A_903 = arith.select %ge3A_899, %select_n3A_854, %select_n3A_902 : vector<8x128xi1>, vector<8x128xi32>
      %ge3A_904 = arith.cmpf oge, %max3A_857, %get3A_869 : vector<8x128xf32>
      %min3A_905 = arith.minimumf %max3A_852, %get3A_869 : vector<8x128xf32>
      %max3A_906 = arith.maximumf %min3A_905, %max3A_857 : vector<8x128xf32>
      %select_n3A_907 = arith.select %ge3A_899, %add3A_875, %select_n3A_854 : vector<8x128xi1>, vector<8x128xi32>
      %select_n3A_908 = arith.select %ge3A_904, %select_n3A_859, %select_n3A_907 : vector<8x128xi1>, vector<8x128xi32>
      %ge3A_909 = arith.cmpf oge, %max3A_862, %get3A_869 : vector<8x128xf32>
      %min3A_910 = arith.minimumf %max3A_857, %get3A_869 : vector<8x128xf32>
      %max3A_911 = arith.maximumf %min3A_910, %max3A_862 : vector<8x128xf32>
      %select_n3A_912 = arith.select %ge3A_904, %add3A_875, %select_n3A_859 : vector<8x128xi1>, vector<8x128xi32>
      %select_n3A_913 = arith.select %ge3A_909, %select_n3A_864, %select_n3A_912 : vector<8x128xi1>, vector<8x128xi32>
      %get3A_914 = arith.index_cast %mul3A_25 : i32 to index
      %get3A_915 = arith.constant 0 : index
      %get3A_916 = arith.constant 1920 : index
      %get3A_917 = vector.load %arg4[%get3A_914, %get3A_915, %get3A_916] : memref<64x8x2048xf32, #tpu.memory_space<vmem>>, vector<1x8x128xf32>
      %get3A_918 = vector.shape_cast %get3A_917 : vector<1x8x128xf32> to vector<8x128xf32>
      %mul3A_919 = arith.constant 16 : i32
      %mul3A_920 = arith.muli %arg0, %mul3A_919 : i32
      %add3A_921 = arith.constant 15 : i32
      %add3A_922 = arith.addi %mul3A_920, %add3A_921 : i32
      %add3A_923 = vector.broadcast %add3A_922 : i32 to vector<8x128xi32>
      %add3A_924 = arith.addi %broadcast_in_dim3A_15, %add3A_923 : vector<8x128xi32>
      %ge3A_925 = arith.cmpf oge, %max3A_877, %get3A_918 : vector<8x128xf32>
      %max3A_926 = arith.maximumf %max3A_877, %get3A_918 : vector<8x128xf32>
      %select_n3A_927 = arith.select %ge3A_925, %select_n3A_878, %add3A_924 : vector<8x128xi1>, vector<8x128xi32>
      %ge3A_928 = arith.cmpf oge, %max3A_881, %get3A_918 : vector<8x128xf32>
      %min3A_929 = arith.minimumf %max3A_877, %get3A_918 : vector<8x128xf32>
      %max3A_930 = arith.maximumf %min3A_929, %max3A_881 : vector<8x128xf32>
      %select_n3A_931 = arith.select %ge3A_925, %add3A_924, %select_n3A_878 : vector<8x128xi1>, vector<8x128xi32>
      %select_n3A_932 = arith.select %ge3A_928, %select_n3A_883, %select_n3A_931 : vector<8x128xi1>, vector<8x128xi32>
      %ge3A_933 = arith.cmpf oge, %max3A_886, %get3A_918 : vector<8x128xf32>
      %min3A_934 = arith.minimumf %max3A_881, %get3A_918 : vector<8x128xf32>
      %max3A_935 = arith.maximumf %min3A_934, %max3A_886 : vector<8x128xf32>
      %select_n3A_936 = arith.select %ge3A_928, %add3A_924, %select_n3A_883 : vector<8x128xi1>, vector<8x128xi32>
      %select_n3A_937 = arith.select %ge3A_933, %select_n3A_888, %select_n3A_936 : vector<8x128xi1>, vector<8x128xi32>
      %ge3A_938 = arith.cmpf oge, %max3A_891, %get3A_918 : vector<8x128xf32>
      %min3A_939 = arith.minimumf %max3A_886, %get3A_918 : vector<8x128xf32>
      %max3A_940 = arith.maximumf %min3A_939, %max3A_891 : vector<8x128xf32>
      %select_n3A_941 = arith.select %ge3A_933, %add3A_924, %select_n3A_888 : vector<8x128xi1>, vector<8x128xi32>
      %select_n3A_942 = arith.select %ge3A_938, %select_n3A_893, %select_n3A_941 : vector<8x128xi1>, vector<8x128xi32>
      %ge3A_943 = arith.cmpf oge, %max3A_896, %get3A_918 : vector<8x128xf32>
      %min3A_944 = arith.minimumf %max3A_891, %get3A_918 : vector<8x128xf32>
      %max3A_945 = arith.maximumf %min3A_944, %max3A_896 : vector<8x128xf32>
      %select_n3A_946 = arith.select %ge3A_938, %add3A_924, %select_n3A_893 : vector<8x128xi1>, vector<8x128xi32>
      %select_n3A_947 = arith.select %ge3A_943, %select_n3A_898, %select_n3A_946 : vector<8x128xi1>, vector<8x128xi32>
      %ge3A_948 = arith.cmpf oge, %max3A_901, %get3A_918 : vector<8x128xf32>
      %min3A_949 = arith.minimumf %max3A_896, %get3A_918 : vector<8x128xf32>
      %max3A_950 = arith.maximumf %min3A_949, %max3A_901 : vector<8x128xf32>
      %select_n3A_951 = arith.select %ge3A_943, %add3A_924, %select_n3A_898 : vector<8x128xi1>, vector<8x128xi32>
      %select_n3A_952 = arith.select %ge3A_948, %select_n3A_903, %select_n3A_951 : vector<8x128xi1>, vector<8x128xi32>
      %ge3A_953 = arith.cmpf oge, %max3A_906, %get3A_918 : vector<8x128xf32>
      %min3A_954 = arith.minimumf %max3A_901, %get3A_918 : vector<8x128xf32>
      %max3A_955 = arith.maximumf %min3A_954, %max3A_906 : vector<8x128xf32>
      %select_n3A_956 = arith.select %ge3A_948, %add3A_924, %select_n3A_903 : vector<8x128xi1>, vector<8x128xi32>
      %select_n3A_957 = arith.select %ge3A_953, %select_n3A_908, %select_n3A_956 : vector<8x128xi1>, vector<8x128xi32>
      %ge3A_958 = arith.cmpf oge, %max3A_911, %get3A_918 : vector<8x128xf32>
      %min3A_959 = arith.minimumf %max3A_906, %get3A_918 : vector<8x128xf32>
      %max3A_960 = arith.maximumf %min3A_959, %max3A_911 : vector<8x128xf32>
      %select_n3A_961 = arith.select %ge3A_953, %add3A_924, %select_n3A_908 : vector<8x128xi1>, vector<8x128xi32>
      %select_n3A_962 = arith.select %ge3A_958, %select_n3A_913, %select_n3A_961 : vector<8x128xi1>, vector<8x128xi32>
      %swap3A_963 = arith.index_cast %mul3A_25 : i32 to index
      %swap3A_964 = arith.constant 0 : index
      %swap3A_965 = arith.constant 0 : index
      %swap3A_966 = arith.constant 0 : index
      %swap3A_967 = vector.load %arg5[%swap3A_963, %swap3A_964, %swap3A_965, %swap3A_966] : memref<64x8x8x128xf32, #tpu.memory_space<vmem>>, vector<1x1x8x128xf32>
      %swap3A_968 = vector.shape_cast %swap3A_967 : vector<1x1x8x128xf32> to vector<8x128xf32>
      %swap3A_969 = vector.shape_cast %max3A_926 : vector<8x128xf32> to vector<1x1x8x128xf32>
      tpu.vector_store %arg5[%swap3A_963, %swap3A_964, %swap3A_965, %swap3A_966], %swap3A_969 {strides = array<i32>} : memref<64x8x8x128xf32, #tpu.memory_space<vmem>>, vector<1x1x8x128xf32>,
      %swap3A_970 = arith.index_cast %mul3A_25 : i32 to index
      %swap3A_971 = arith.constant 0 : index
      %swap3A_972 = arith.constant 0 : index
      %swap3A_973 = arith.constant 0 : index
      %swap3A_974 = vector.load %arg6[%swap3A_970, %swap3A_971, %swap3A_972, %swap3A_973] : memref<64x8x8x128xi32, #tpu.memory_space<vmem>>, vector<1x1x8x128xi32>
      %swap3A_975 = vector.shape_cast %swap3A_974 : vector<1x1x8x128xi32> to vector<8x128xi32>
      %swap3A_976 = vector.shape_cast %select_n3A_927 : vector<8x128xi32> to vector<1x1x8x128xi32>
      tpu.vector_store %arg6[%swap3A_970, %swap3A_971, %swap3A_972, %swap3A_973], %swap3A_976 {strides = array<i32>} : memref<64x8x8x128xi32, #tpu.memory_space<vmem>>, vector<1x1x8x128xi32>,
      %swap3A_977 = arith.index_cast %mul3A_25 : i32 to index
      %swap3A_978 = arith.constant 1 : index
      %swap3A_979 = arith.constant 0 : index
      %swap3A_980 = arith.constant 0 : index
      %swap3A_981 = vector.load %arg5[%swap3A_977, %swap3A_978, %swap3A_979, %swap3A_980] : memref<64x8x8x128xf32, #tpu.memory_space<vmem>>, vector<1x1x8x128xf32>
      %swap3A_982 = vector.shape_cast %swap3A_981 : vector<1x1x8x128xf32> to vector<8x128xf32>
      %swap3A_983 = vector.shape_cast %max3A_930 : vector<8x128xf32> to vector<1x1x8x128xf32>
      tpu.vector_store %arg5[%swap3A_977, %swap3A_978, %swap3A_979, %swap3A_980], %swap3A_983 {strides = array<i32>} : memref<64x8x8x128xf32, #tpu.memory_space<vmem>>, vector<1x1x8x128xf32>,
      %swap3A_984 = arith.index_cast %mul3A_25 : i32 to index
      %swap3A_985 = arith.constant 1 : index
      %swap3A_986 = arith.constant 0 : index
      %swap3A_987 = arith.constant 0 : index
      %swap3A_988 = vector.load %arg6[%swap3A_984, %swap3A_985, %swap3A_986, %swap3A_987] : memref<64x8x8x128xi32, #tpu.memory_space<vmem>>, vector<1x1x8x128xi32>
      %swap3A_989 = vector.shape_cast %swap3A_988 : vector<1x1x8x128xi32> to vector<8x128xi32>
      %swap3A_990 = vector.shape_cast %select_n3A_932 : vector<8x128xi32> to vector<1x1x8x128xi32>
      tpu.vector_store %arg6[%swap3A_984, %swap3A_985, %swap3A_986, %swap3A_987], %swap3A_990 {strides = array<i32>} : memref<64x8x8x128xi32, #tpu.memory_space<vmem>>, vector<1x1x8x128xi32>,
      %swap3A_991 = arith.index_cast %mul3A_25 : i32 to index
      %swap3A_992 = arith.constant 2 : index
      %swap3A_993 = arith.constant 0 : index
      %swap3A_994 = arith.constant 0 : index
      %swap3A_995 = vector.load %arg5[%swap3A_991, %swap3A_992, %swap3A_993, %swap3A_994] : memref<64x8x8x128xf32, #tpu.memory_space<vmem>>, vector<1x1x8x128xf32>
      %swap3A_996 = vector.shape_cast %swap3A_995 : vector<1x1x8x128xf32> to vector<8x128xf32>
      %swap3A_997 = vector.shape_cast %max3A_935 : vector<8x128xf32> to vector<1x1x8x128xf32>
      tpu.vector_store %arg5[%swap3A_991, %swap3A_992, %swap3A_993, %swap3A_994], %swap3A_997 {strides = array<i32>} : memref<64x8x8x128xf32, #tpu.memory_space<vmem>>, vector<1x1x8x128xf32>,
      %swap3A_998 = arith.index_cast %mul3A_25 : i32 to index
      %swap3A_999 = arith.constant 2 : index
      %swap3A_1000 = arith.constant 0 : index
      %swap3A_1001 = arith.constant 0 : index
      %swap3A_1002 = vector.load %arg6[%swap3A_998, %swap3A_999, %swap3A_1000, %swap3A_1001] : memref<64x8x8x128xi32, #tpu.memory_space<vmem>>, vector<1x1x8x128xi32>
      %swap3A_1003 = vector.shape_cast %swap3A_1002 : vector<1x1x8x128xi32> to vector<8x128xi32>
      %swap3A_1004 = vector.shape_cast %select_n3A_937 : vector<8x128xi32> to vector<1x1x8x128xi32>
      tpu.vector_store %arg6[%swap3A_998, %swap3A_999, %swap3A_1000, %swap3A_1001], %swap3A_1004 {strides = array<i32>} : memref<64x8x8x128xi32, #tpu.memory_space<vmem>>, vector<1x1x8x128xi32>,
      %swap3A_1005 = arith.index_cast %mul3A_25 : i32 to index
      %swap3A_1006 = arith.constant 3 : index
      %swap3A_1007 = arith.constant 0 : index
      %swap3A_1008 = arith.constant 0 : index
      %swap3A_1009 = vector.load %arg5[%swap3A_1005, %swap3A_1006, %swap3A_1007, %swap3A_1008] : memref<64x8x8x128xf32, #tpu.memory_space<vmem>>, vector<1x1x8x128xf32>
      %swap3A_1010 = vector.shape_cast %swap3A_1009 : vector<1x1x8x128xf32> to vector<8x128xf32>
      %swap3A_1011 = vector.shape_cast %max3A_940 : vector<8x128xf32> to vector<1x1x8x128xf32>
      tpu.vector_store %arg5[%swap3A_1005, %swap3A_1006, %swap3A_1007, %swap3A_1008], %swap3A_1011 {strides = array<i32>} : memref<64x8x8x128xf32, #tpu.memory_space<vmem>>, vector<1x1x8x128xf32>,
      %swap3A_1012 = arith.index_cast %mul3A_25 : i32 to index
      %swap3A_1013 = arith.constant 3 : index
      %swap3A_1014 = arith.constant 0 : index
      %swap3A_1015 = arith.constant 0 : index
      %swap3A_1016 = vector.load %arg6[%swap3A_1012, %swap3A_1013, %swap3A_1014, %swap3A_1015] : memref<64x8x8x128xi32, #tpu.memory_space<vmem>>, vector<1x1x8x128xi32>
      %swap3A_1017 = vector.shape_cast %swap3A_1016 : vector<1x1x8x128xi32> to vector<8x128xi32>
      %swap3A_1018 = vector.shape_cast %select_n3A_942 : vector<8x128xi32> to vector<1x1x8x128xi32>
      tpu.vector_store %arg6[%swap3A_1012, %swap3A_1013, %swap3A_1014, %swap3A_1015], %swap3A_1018 {strides = array<i32>} : memref<64x8x8x128xi32, #tpu.memory_space<vmem>>, vector<1x1x8x128xi32>,
      %swap3A_1019 = arith.index_cast %mul3A_25 : i32 to index
      %swap3A_1020 = arith.constant 4 : index
      %swap3A_1021 = arith.constant 0 : index
      %swap3A_1022 = arith.constant 0 : index
      %swap3A_1023 = vector.load %arg5[%swap3A_1019, %swap3A_1020, %swap3A_1021, %swap3A_1022] : memref<64x8x8x128xf32, #tpu.memory_space<vmem>>, vector<1x1x8x128xf32>
      %swap3A_1024 = vector.shape_cast %swap3A_1023 : vector<1x1x8x128xf32> to vector<8x128xf32>
      %swap3A_1025 = vector.shape_cast %max3A_945 : vector<8x128xf32> to vector<1x1x8x128xf32>
      tpu.vector_store %arg5[%swap3A_1019, %swap3A_1020, %swap3A_1021, %swap3A_1022], %swap3A_1025 {strides = array<i32>} : memref<64x8x8x128xf32, #tpu.memory_space<vmem>>, vector<1x1x8x128xf32>,
      %swap3A_1026 = arith.index_cast %mul3A_25 : i32 to index
      %swap3A_1027 = arith.constant 4 : index
      %swap3A_1028 = arith.constant 0 : index
      %swap3A_1029 = arith.constant 0 : index
      %swap3A_1030 = vector.load %arg6[%swap3A_1026, %swap3A_1027, %swap3A_1028, %swap3A_1029] : memref<64x8x8x128xi32, #tpu.memory_space<vmem>>, vector<1x1x8x128xi32>
      %swap3A_1031 = vector.shape_cast %swap3A_1030 : vector<1x1x8x128xi32> to vector<8x128xi32>
      %swap3A_1032 = vector.shape_cast %select_n3A_947 : vector<8x128xi32> to vector<1x1x8x128xi32>
      tpu.vector_store %arg6[%swap3A_1026, %swap3A_1027, %swap3A_1028, %swap3A_1029], %swap3A_1032 {strides = array<i32>} : memref<64x8x8x128xi32, #tpu.memory_space<vmem>>, vector<1x1x8x128xi32>,
      %swap3A_1033 = arith.index_cast %mul3A_25 : i32 to index
      %swap3A_1034 = arith.constant 5 : index
      %swap3A_1035 = arith.constant 0 : index
      %swap3A_1036 = arith.constant 0 : index
      %swap3A_1037 = vector.load %arg5[%swap3A_1033, %swap3A_1034, %swap3A_1035, %swap3A_1036] : memref<64x8x8x128xf32, #tpu.memory_space<vmem>>, vector<1x1x8x128xf32>
      %swap3A_1038 = vector.shape_cast %swap3A_1037 : vector<1x1x8x128xf32> to vector<8x128xf32>
      %swap3A_1039 = vector.shape_cast %max3A_950 : vector<8x128xf32> to vector<1x1x8x128xf32>
      tpu.vector_store %arg5[%swap3A_1033, %swap3A_1034, %swap3A_1035, %swap3A_1036], %swap3A_1039 {strides = array<i32>} : memref<64x8x8x128xf32, #tpu.memory_space<vmem>>, vector<1x1x8x128xf32>,
      %swap3A_1040 = arith.index_cast %mul3A_25 : i32 to index
      %swap3A_1041 = arith.constant 5 : index
      %swap3A_1042 = arith.constant 0 : index
      %swap3A_1043 = arith.constant 0 : index
      %swap3A_1044 = vector.load %arg6[%swap3A_1040, %swap3A_1041, %swap3A_1042, %swap3A_1043] : memref<64x8x8x128xi32, #tpu.memory_space<vmem>>, vector<1x1x8x128xi32>
      %swap3A_1045 = vector.shape_cast %swap3A_1044 : vector<1x1x8x128xi32> to vector<8x128xi32>
      %swap3A_1046 = vector.shape_cast %select_n3A_952 : vector<8x128xi32> to vector<1x1x8x128xi32>
      tpu.vector_store %arg6[%swap3A_1040, %swap3A_1041, %swap3A_1042, %swap3A_1043], %swap3A_1046 {strides = array<i32>} : memref<64x8x8x128xi32, #tpu.memory_space<vmem>>, vector<1x1x8x128xi32>,
      %swap3A_1047 = arith.index_cast %mul3A_25 : i32 to index
      %swap3A_1048 = arith.constant 6 : index
      %swap3A_1049 = arith.constant 0 : index
      %swap3A_1050 = arith.constant 0 : index
      %swap3A_1051 = vector.load %arg5[%swap3A_1047, %swap3A_1048, %swap3A_1049, %swap3A_1050] : memref<64x8x8x128xf32, #tpu.memory_space<vmem>>, vector<1x1x8x128xf32>
      %swap3A_1052 = vector.shape_cast %swap3A_1051 : vector<1x1x8x128xf32> to vector<8x128xf32>
      %swap3A_1053 = vector.shape_cast %max3A_955 : vector<8x128xf32> to vector<1x1x8x128xf32>
      tpu.vector_store %arg5[%swap3A_1047, %swap3A_1048, %swap3A_1049, %swap3A_1050], %swap3A_1053 {strides = array<i32>} : memref<64x8x8x128xf32, #tpu.memory_space<vmem>>, vector<1x1x8x128xf32>,
      %swap3A_1054 = arith.index_cast %mul3A_25 : i32 to index
      %swap3A_1055 = arith.constant 6 : index
      %swap3A_1056 = arith.constant 0 : index
      %swap3A_1057 = arith.constant 0 : index
      %swap3A_1058 = vector.load %arg6[%swap3A_1054, %swap3A_1055, %swap3A_1056, %swap3A_1057] : memref<64x8x8x128xi32, #tpu.memory_space<vmem>>, vector<1x1x8x128xi32>
      %swap3A_1059 = vector.shape_cast %swap3A_1058 : vector<1x1x8x128xi32> to vector<8x128xi32>
      %swap3A_1060 = vector.shape_cast %select_n3A_957 : vector<8x128xi32> to vector<1x1x8x128xi32>
      tpu.vector_store %arg6[%swap3A_1054, %swap3A_1055, %swap3A_1056, %swap3A_1057], %swap3A_1060 {strides = array<i32>} : memref<64x8x8x128xi32, #tpu.memory_space<vmem>>, vector<1x1x8x128xi32>,
      %swap3A_1061 = arith.index_cast %mul3A_25 : i32 to index
      %swap3A_1062 = arith.constant 7 : index
      %swap3A_1063 = arith.constant 0 : index
      %swap3A_1064 = arith.constant 0 : index
      %swap3A_1065 = vector.load %arg5[%swap3A_1061, %swap3A_1062, %swap3A_1063, %swap3A_1064] : memref<64x8x8x128xf32, #tpu.memory_space<vmem>>, vector<1x1x8x128xf32>
      %swap3A_1066 = vector.shape_cast %swap3A_1065 : vector<1x1x8x128xf32> to vector<8x128xf32>
      %swap3A_1067 = vector.shape_cast %max3A_960 : vector<8x128xf32> to vector<1x1x8x128xf32>
      tpu.vector_store %arg5[%swap3A_1061, %swap3A_1062, %swap3A_1063, %swap3A_1064], %swap3A_1067 {strides = array<i32>} : memref<64x8x8x128xf32, #tpu.memory_space<vmem>>, vector<1x1x8x128xf32>,
      %swap3A_1068 = arith.index_cast %mul3A_25 : i32 to index
      %swap3A_1069 = arith.constant 7 : index
      %swap3A_1070 = arith.constant 0 : index
      %swap3A_1071 = arith.constant 0 : index
      %swap3A_1072 = vector.load %arg6[%swap3A_1068, %swap3A_1069, %swap3A_1070, %swap3A_1071] : memref<64x8x8x128xi32, #tpu.memory_space<vmem>>, vector<1x1x8x128xi32>
      %swap3A_1073 = vector.shape_cast %swap3A_1072 : vector<1x1x8x128xi32> to vector<8x128xi32>
      %swap3A_1074 = vector.shape_cast %select_n3A_962 : vector<8x128xi32> to vector<1x1x8x128xi32>
      tpu.vector_store %arg6[%swap3A_1068, %swap3A_1069, %swap3A_1070, %swap3A_1071], %swap3A_1074 {strides = array<i32>} : memref<64x8x8x128xi32, #tpu.memory_space<vmem>>, vector<1x1x8x128xi32>,
      %get3A_1075 = arith.index_cast %add3A_29 : i32 to index
      %get3A_1076 = arith.constant 0 : index
      %get3A_1077 = arith.constant 0 : index
      %get3A_1078 = arith.constant 0 : index
      %get3A_1079 = vector.load %arg5[%get3A_1075, %get3A_1076, %get3A_1077, %get3A_1078] : memref<64x8x8x128xf32, #tpu.memory_space<vmem>>, vector<1x1x8x128xf32>
      %get3A_1080 = vector.shape_cast %get3A_1079 : vector<1x1x8x128xf32> to vector<8x128xf32>
      %jit3A_1081 = arith.constant 0xFF800000 : f32
      %broadcast_in_dim3A_1082 = vector.broadcast %jit3A_1081 : f32 to vector<8x128xf32>
      %select_n3A_1083 = arith.select %eq3A_13, %broadcast_in_dim3A_1082, %get3A_1080 : vector<8x128xf32>
      %get3A_1084 = arith.index_cast %add3A_29 : i32 to index
      %get3A_1085 = arith.constant 1 : index
      %get3A_1086 = arith.constant 0 : index
      %get3A_1087 = arith.constant 0 : index
      %get3A_1088 = vector.load %arg5[%get3A_1084, %get3A_1085, %get3A_1086, %get3A_1087] : memref<64x8x8x128xf32, #tpu.memory_space<vmem>>, vector<1x1x8x128xf32>
      %get3A_1089 = vector.shape_cast %get3A_1088 : vector<1x1x8x128xf32> to vector<8x128xf32>
      %jit3A_1090 = arith.constant 0xFF800000 : f32
      %broadcast_in_dim3A_1091 = vector.broadcast %jit3A_1090 : f32 to vector<8x128xf32>
      %select_n3A_1092 = arith.select %eq3A_13, %broadcast_in_dim3A_1091, %get3A_1089 : vector<8x128xf32>
      %get3A_1093 = arith.index_cast %add3A_29 : i32 to index
      %get3A_1094 = arith.constant 2 : index
      %get3A_1095 = arith.constant 0 : index
      %get3A_1096 = arith.constant 0 : index
      %get3A_1097 = vector.load %arg5[%get3A_1093, %get3A_1094, %get3A_1095, %get3A_1096] : memref<64x8x8x128xf32, #tpu.memory_space<vmem>>, vector<1x1x8x128xf32>
      %get3A_1098 = vector.shape_cast %get3A_1097 : vector<1x1x8x128xf32> to vector<8x128xf32>
      %jit3A_1099 = arith.constant 0xFF800000 : f32
      %broadcast_in_dim3A_1100 = vector.broadcast %jit3A_1099 : f32 to vector<8x128xf32>
      %select_n3A_1101 = arith.select %eq3A_13, %broadcast_in_dim3A_1100, %get3A_1098 : vector<8x128xf32>
      %get3A_1102 = arith.index_cast %add3A_29 : i32 to index
      %get3A_1103 = arith.constant 3 : index
      %get3A_1104 = arith.constant 0 : index
      %get3A_1105 = arith.constant 0 : index
      %get3A_1106 = vector.load %arg5[%get3A_1102, %get3A_1103, %get3A_1104, %get3A_1105] : memref<64x8x8x128xf32, #tpu.memory_space<vmem>>, vector<1x1x8x128xf32>
      %get3A_1107 = vector.shape_cast %get3A_1106 : vector<1x1x8x128xf32> to vector<8x128xf32>
      %jit3A_1108 = arith.constant 0xFF800000 : f32
      %broadcast_in_dim3A_1109 = vector.broadcast %jit3A_1108 : f32 to vector<8x128xf32>
      %select_n3A_1110 = arith.select %eq3A_13, %broadcast_in_dim3A_1109, %get3A_1107 : vector<8x128xf32>
      %get3A_1111 = arith.index_cast %add3A_29 : i32 to index
      %get3A_1112 = arith.constant 4 : index
      %get3A_1113 = arith.constant 0 : index
      %get3A_1114 = arith.constant 0 : index
      %get3A_1115 = vector.load %arg5[%get3A_1111, %get3A_1112, %get3A_1113, %get3A_1114] : memref<64x8x8x128xf32, #tpu.memory_space<vmem>>, vector<1x1x8x128xf32>
      %get3A_1116 = vector.shape_cast %get3A_1115 : vector<1x1x8x128xf32> to vector<8x128xf32>
      %jit3A_1117 = arith.constant 0xFF800000 : f32
      %broadcast_in_dim3A_1118 = vector.broadcast %jit3A_1117 : f32 to vector<8x128xf32>
      %select_n3A_1119 = arith.select %eq3A_13, %broadcast_in_dim3A_1118, %get3A_1116 : vector<8x128xf32>
      %get3A_1120 = arith.index_cast %add3A_29 : i32 to index
      %get3A_1121 = arith.constant 5 : index
      %get3A_1122 = arith.constant 0 : index
      %get3A_1123 = arith.constant 0 : index
      %get3A_1124 = vector.load %arg5[%get3A_1120, %get3A_1121, %get3A_1122, %get3A_1123] : memref<64x8x8x128xf32, #tpu.memory_space<vmem>>, vector<1x1x8x128xf32>
      %get3A_1125 = vector.shape_cast %get3A_1124 : vector<1x1x8x128xf32> to vector<8x128xf32>
      %jit3A_1126 = arith.constant 0xFF800000 : f32
      %broadcast_in_dim3A_1127 = vector.broadcast %jit3A_1126 : f32 to vector<8x128xf32>
      %select_n3A_1128 = arith.select %eq3A_13, %broadcast_in_dim3A_1127, %get3A_1125 : vector<8x128xf32>
      %get3A_1129 = arith.index_cast %add3A_29 : i32 to index
      %get3A_1130 = arith.constant 6 : index
      %get3A_1131 = arith.constant 0 : index
      %get3A_1132 = arith.constant 0 : index
      %get3A_1133 = vector.load %arg5[%get3A_1129, %get3A_1130, %get3A_1131, %get3A_1132] : memref<64x8x8x128xf32, #tpu.memory_space<vmem>>, vector<1x1x8x128xf32>
      %get3A_1134 = vector.shape_cast %get3A_1133 : vector<1x1x8x128xf32> to vector<8x128xf32>
      %jit3A_1135 = arith.constant 0xFF800000 : f32
      %broadcast_in_dim3A_1136 = vector.broadcast %jit3A_1135 : f32 to vector<8x128xf32>
      %select_n3A_1137 = arith.select %eq3A_13, %broadcast_in_dim3A_1136, %get3A_1134 : vector<8x128xf32>
      %get3A_1138 = arith.index_cast %add3A_29 : i32 to index
      %get3A_1139 = arith.constant 7 : index
      %get3A_1140 = arith.constant 0 : index
      %get3A_1141 = arith.constant 0 : index
      %get3A_1142 = vector.load %arg5[%get3A_1138, %get3A_1139, %get3A_1140, %get3A_1141] : memref<64x8x8x128xf32, #tpu.memory_space<vmem>>, vector<1x1x8x128xf32>
      %get3A_1143 = vector.shape_cast %get3A_1142 : vector<1x1x8x128xf32> to vector<8x128xf32>
      %jit3A_1144 = arith.constant 0xFF800000 : f32
      %broadcast_in_dim3A_1145 = vector.broadcast %jit3A_1144 : f32 to vector<8x128xf32>
      %select_n3A_1146 = arith.select %eq3A_13, %broadcast_in_dim3A_1145, %get3A_1143 : vector<8x128xf32>
      %get3A_1147 = arith.index_cast %add3A_29 : i32 to index
      %get3A_1148 = arith.constant 0 : index
      %get3A_1149 = arith.constant 0 : index
      %get3A_1150 = arith.constant 0 : index
      %get3A_1151 = vector.load %arg6[%get3A_1147, %get3A_1148, %get3A_1149, %get3A_1150] : memref<64x8x8x128xi32, #tpu.memory_space<vmem>>, vector<1x1x8x128xi32>
      %get3A_1152 = vector.shape_cast %get3A_1151 : vector<1x1x8x128xi32> to vector<8x128xi32>
      %jit3A_1153 = arith.constant 0 : i32
      %broadcast_in_dim3A_1154 = vector.broadcast %jit3A_1153 : i32 to vector<8x128xi32>
      %select_n3A_1155 = arith.select %eq3A_13, %broadcast_in_dim3A_1154, %get3A_1152 : vector<8x128xi32>
      %get3A_1156 = arith.index_cast %add3A_29 : i32 to index
      %get3A_1157 = arith.constant 1 : index
      %get3A_1158 = arith.constant 0 : index
      %get3A_1159 = arith.constant 0 : index
      %get3A_1160 = vector.load %arg6[%get3A_1156, %get3A_1157, %get3A_1158, %get3A_1159] : memref<64x8x8x128xi32, #tpu.memory_space<vmem>>, vector<1x1x8x128xi32>
      %get3A_1161 = vector.shape_cast %get3A_1160 : vector<1x1x8x128xi32> to vector<8x128xi32>
      %jit3A_1162 = arith.constant 0 : i32
      %broadcast_in_dim3A_1163 = vector.broadcast %jit3A_1162 : i32 to vector<8x128xi32>
      %select_n3A_1164 = arith.select %eq3A_13, %broadcast_in_dim3A_1163, %get3A_1161 : vector<8x128xi32>
      %get3A_1165 = arith.index_cast %add3A_29 : i32 to index
      %get3A_1166 = arith.constant 2 : index
      %get3A_1167 = arith.constant 0 : index
      %get3A_1168 = arith.constant 0 : index
      %get3A_1169 = vector.load %arg6[%get3A_1165, %get3A_1166, %get3A_1167, %get3A_1168] : memref<64x8x8x128xi32, #tpu.memory_space<vmem>>, vector<1x1x8x128xi32>
      %get3A_1170 = vector.shape_cast %get3A_1169 : vector<1x1x8x128xi32> to vector<8x128xi32>
      %jit3A_1171 = arith.constant 0 : i32
      %broadcast_in_dim3A_1172 = vector.broadcast %jit3A_1171 : i32 to vector<8x128xi32>
      %select_n3A_1173 = arith.select %eq3A_13, %broadcast_in_dim3A_1172, %get3A_1170 : vector<8x128xi32>
      %get3A_1174 = arith.index_cast %add3A_29 : i32 to index
      %get3A_1175 = arith.constant 3 : index
      %get3A_1176 = arith.constant 0 : index
      %get3A_1177 = arith.constant 0 : index
      %get3A_1178 = vector.load %arg6[%get3A_1174, %get3A_1175, %get3A_1176, %get3A_1177] : memref<64x8x8x128xi32, #tpu.memory_space<vmem>>, vector<1x1x8x128xi32>
      %get3A_1179 = vector.shape_cast %get3A_1178 : vector<1x1x8x128xi32> to vector<8x128xi32>
      %jit3A_1180 = arith.constant 0 : i32
      %broadcast_in_dim3A_1181 = vector.broadcast %jit3A_1180 : i32 to vector<8x128xi32>
      %select_n3A_1182 = arith.select %eq3A_13, %broadcast_in_dim3A_1181, %get3A_1179 : vector<8x128xi32>
      %get3A_1183 = arith.index_cast %add3A_29 : i32 to index
      %get3A_1184 = arith.constant 4 : index
      %get3A_1185 = arith.constant 0 : index
      %get3A_1186 = arith.constant 0 : index
      %get3A_1187 = vector.load %arg6[%get3A_1183, %get3A_1184, %get3A_1185, %get3A_1186] : memref<64x8x8x128xi32, #tpu.memory_space<vmem>>, vector<1x1x8x128xi32>
      %get3A_1188 = vector.shape_cast %get3A_1187 : vector<1x1x8x128xi32> to vector<8x128xi32>
      %jit3A_1189 = arith.constant 0 : i32
      %broadcast_in_dim3A_1190 = vector.broadcast %jit3A_1189 : i32 to vector<8x128xi32>
      %select_n3A_1191 = arith.select %eq3A_13, %broadcast_in_dim3A_1190, %get3A_1188 : vector<8x128xi32>
      %get3A_1192 = arith.index_cast %add3A_29 : i32 to index
      %get3A_1193 = arith.constant 5 : index
      %get3A_1194 = arith.constant 0 : index
      %get3A_1195 = arith.constant 0 : index
      %get3A_1196 = vector.load %arg6[%get3A_1192, %get3A_1193, %get3A_1194, %get3A_1195] : memref<64x8x8x128xi32, #tpu.memory_space<vmem>>, vector<1x1x8x128xi32>
      %get3A_1197 = vector.shape_cast %get3A_1196 : vector<1x1x8x128xi32> to vector<8x128xi32>
      %jit3A_1198 = arith.constant 0 : i32
      %broadcast_in_dim3A_1199 = vector.broadcast %jit3A_1198 : i32 to vector<8x128xi32>
      %select_n3A_1200 = arith.select %eq3A_13, %broadcast_in_dim3A_1199, %get3A_1197 : vector<8x128xi32>
      %get3A_1201 = arith.index_cast %add3A_29 : i32 to index
      %get3A_1202 = arith.constant 6 : index
      %get3A_1203 = arith.constant 0 : index
      %get3A_1204 = arith.constant 0 : index
      %get3A_1205 = vector.load %arg6[%get3A_1201, %get3A_1202, %get3A_1203, %get3A_1204] : memref<64x8x8x128xi32, #tpu.memory_space<vmem>>, vector<1x1x8x128xi32>
      %get3A_1206 = vector.shape_cast %get3A_1205 : vector<1x1x8x128xi32> to vector<8x128xi32>
      %jit3A_1207 = arith.constant 0 : i32
      %broadcast_in_dim3A_1208 = vector.broadcast %jit3A_1207 : i32 to vector<8x128xi32>
      %select_n3A_1209 = arith.select %eq3A_13, %broadcast_in_dim3A_1208, %get3A_1206 : vector<8x128xi32>
      %get3A_1210 = arith.index_cast %add3A_29 : i32 to index
      %get3A_1211 = arith.constant 7 : index
      %get3A_1212 = arith.constant 0 : index
      %get3A_1213 = arith.constant 0 : index
      %get3A_1214 = vector.load %arg6[%get3A_1210, %get3A_1211, %get3A_1212, %get3A_1213] : memref<64x8x8x128xi32, #tpu.memory_space<vmem>>, vector<1x1x8x128xi32>
      %get3A_1215 = vector.shape_cast %get3A_1214 : vector<1x1x8x128xi32> to vector<8x128xi32>
      %jit3A_1216 = arith.constant 0 : i32
      %broadcast_in_dim3A_1217 = vector.broadcast %jit3A_1216 : i32 to vector<8x128xi32>
      %select_n3A_1218 = arith.select %eq3A_13, %broadcast_in_dim3A_1217, %get3A_1215 : vector<8x128xi32>
      %get3A_1219 = arith.index_cast %add3A_29 : i32 to index
      %get3A_1220 = arith.constant 0 : index
      %get3A_1221 = arith.constant 0 : index
      %get3A_1222 = vector.load %arg4[%get3A_1219, %get3A_1220, %get3A_1221] : memref<64x8x2048xf32, #tpu.memory_space<vmem>>, vector<1x8x128xf32>
      %get3A_1223 = vector.shape_cast %get3A_1222 : vector<1x8x128xf32> to vector<8x128xf32>
      %mul3A_1224 = arith.constant 16 : i32
      %mul3A_1225 = arith.muli %arg0, %mul3A_1224 : i32
      %add3A_1226 = arith.constant 0 : i32
      %add3A_1227 = arith.addi %mul3A_1225, %add3A_1226 : i32
      %add3A_1228 = vector.broadcast %add3A_1227 : i32 to vector<8x128xi32>
      %add3A_1229 = arith.addi %broadcast_in_dim3A_15, %add3A_1228 : vector<8x128xi32>
      %ge3A_1230 = arith.cmpf oge, %select_n3A_1083, %get3A_1223 : vector<8x128xf32>
      %max3A_1231 = arith.maximumf %select_n3A_1083, %get3A_1223 : vector<8x128xf32>
      %select_n3A_1232 = arith.select %ge3A_1230, %select_n3A_1155, %add3A_1229 : vector<8x128xi1>, vector<8x128xi32>
      %ge3A_1233 = arith.cmpf oge, %select_n3A_1092, %get3A_1223 : vector<8x128xf32>
      %min3A_1234 = arith.minimumf %select_n3A_1083, %get3A_1223 : vector<8x128xf32>
      %max3A_1235 = arith.maximumf %min3A_1234, %select_n3A_1092 : vector<8x128xf32>
      %select_n3A_1236 = arith.select %ge3A_1230, %add3A_1229, %select_n3A_1155 : vector<8x128xi1>, vector<8x128xi32>
      %select_n3A_1237 = arith.select %ge3A_1233, %select_n3A_1164, %select_n3A_1236 : vector<8x128xi1>, vector<8x128xi32>
      %ge3A_1238 = arith.cmpf oge, %select_n3A_1101, %get3A_1223 : vector<8x128xf32>
      %min3A_1239 = arith.minimumf %select_n3A_1092, %get3A_1223 : vector<8x128xf32>
      %max3A_1240 = arith.maximumf %min3A_1239, %select_n3A_1101 : vector<8x128xf32>
      %select_n3A_1241 = arith.select %ge3A_1233, %add3A_1229, %select_n3A_1164 : vector<8x128xi1>, vector<8x128xi32>
      %select_n3A_1242 = arith.select %ge3A_1238, %select_n3A_1173, %select_n3A_1241 : vector<8x128xi1>, vector<8x128xi32>
      %ge3A_1243 = arith.cmpf oge, %select_n3A_1110, %get3A_1223 : vector<8x128xf32>
      %min3A_1244 = arith.minimumf %select_n3A_1101, %get3A_1223 : vector<8x128xf32>
      %max3A_1245 = arith.maximumf %min3A_1244, %select_n3A_1110 : vector<8x128xf32>
      %select_n3A_1246 = arith.select %ge3A_1238, %add3A_1229, %select_n3A_1173 : vector<8x128xi1>, vector<8x128xi32>
      %select_n3A_1247 = arith.select %ge3A_1243, %select_n3A_1182, %select_n3A_1246 : vector<8x128xi1>, vector<8x128xi32>
      %ge3A_1248 = arith.cmpf oge, %select_n3A_1119, %get3A_1223 : vector<8x128xf32>
      %min3A_1249 = arith.minimumf %select_n3A_1110, %get3A_1223 : vector<8x128xf32>
      %max3A_1250 = arith.maximumf %min3A_1249, %select_n3A_1119 : vector<8x128xf32>
      %select_n3A_1251 = arith.select %ge3A_1243, %add3A_1229, %select_n3A_1182 : vector<8x128xi1>, vector<8x128xi32>
      %select_n3A_1252 = arith.select %ge3A_1248, %select_n3A_1191, %select_n3A_1251 : vector<8x128xi1>, vector<8x128xi32>
      %ge3A_1253 = arith.cmpf oge, %select_n3A_1128, %get3A_1223 : vector<8x128xf32>
      %min3A_1254 = arith.minimumf %select_n3A_1119, %get3A_1223 : vector<8x128xf32>
      %max3A_1255 = arith.maximumf %min3A_1254, %select_n3A_1128 : vector<8x128xf32>
      %select_n3A_1256 = arith.select %ge3A_1248, %add3A_1229, %select_n3A_1191 : vector<8x128xi1>, vector<8x128xi32>
      %select_n3A_1257 = arith.select %ge3A_1253, %select_n3A_1200, %select_n3A_1256 : vector<8x128xi1>, vector<8x128xi32>
      %ge3A_1258 = arith.cmpf oge, %select_n3A_1137, %get3A_1223 : vector<8x128xf32>
      %min3A_1259 = arith.minimumf %select_n3A_1128, %get3A_1223 : vector<8x128xf32>
      %max3A_1260 = arith.maximumf %min3A_1259, %select_n3A_1137 : vector<8x128xf32>
      %select_n3A_1261 = arith.select %ge3A_1253, %add3A_1229, %select_n3A_1200 : vector<8x128xi1>, vector<8x128xi32>
      %select_n3A_1262 = arith.select %ge3A_1258, %select_n3A_1209, %select_n3A_1261 : vector<8x128xi1>, vector<8x128xi32>
      %ge3A_1263 = arith.cmpf oge, %select_n3A_1146, %get3A_1223 : vector<8x128xf32>
      %min3A_1264 = arith.minimumf %select_n3A_1137, %get3A_1223 : vector<8x128xf32>
      %max3A_1265 = arith.maximumf %min3A_1264, %select_n3A_1146 : vector<8x128xf32>
      %select_n3A_1266 = arith.select %ge3A_1258, %add3A_1229, %select_n3A_1209 : vector<8x128xi1>, vector<8x128xi32>
      %select_n3A_1267 = arith.select %ge3A_1263, %select_n3A_1218, %select_n3A_1266 : vector<8x128xi1>, vector<8x128xi32>
      %get3A_1268 = arith.index_cast %add3A_29 : i32 to index
      %get3A_1269 = arith.constant 0 : index
      %get3A_1270 = arith.constant 128 : index
      %get3A_1271 = vector.load %arg4[%get3A_1268, %get3A_1269, %get3A_1270] : memref<64x8x2048xf32, #tpu.memory_space<vmem>>, vector<1x8x128xf32>
      %get3A_1272 = vector.shape_cast %get3A_1271 : vector<1x8x128xf32> to vector<8x128xf32>
      %mul3A_1273 = arith.constant 16 : i32
      %mul3A_1274 = arith.muli %arg0, %mul3A_1273 : i32
      %add3A_1275 = arith.constant 1 : i32
      %add3A_1276 = arith.addi %mul3A_1274, %add3A_1275 : i32
      %add3A_1277 = vector.broadcast %add3A_1276 : i32 to vector<8x128xi32>
      %add3A_1278 = arith.addi %broadcast_in_dim3A_15, %add3A_1277 : vector<8x128xi32>
      %ge3A_1279 = arith.cmpf oge, %max3A_1231, %get3A_1272 : vector<8x128xf32>
      %max3A_1280 = arith.maximumf %max3A_1231, %get3A_1272 : vector<8x128xf32>
      %select_n3A_1281 = arith.select %ge3A_1279, %select_n3A_1232, %add3A_1278 : vector<8x128xi1>, vector<8x128xi32>
      %ge3A_1282 = arith.cmpf oge, %max3A_1235, %get3A_1272 : vector<8x128xf32>
      %min3A_1283 = arith.minimumf %max3A_1231, %get3A_1272 : vector<8x128xf32>
      %max3A_1284 = arith.maximumf %min3A_1283, %max3A_1235 : vector<8x128xf32>
      %select_n3A_1285 = arith.select %ge3A_1279, %add3A_1278, %select_n3A_1232 : vector<8x128xi1>, vector<8x128xi32>
      %select_n3A_1286 = arith.select %ge3A_1282, %select_n3A_1237, %select_n3A_1285 : vector<8x128xi1>, vector<8x128xi32>
      %ge3A_1287 = arith.cmpf oge, %max3A_1240, %get3A_1272 : vector<8x128xf32>
      %min3A_1288 = arith.minimumf %max3A_1235, %get3A_1272 : vector<8x128xf32>
      %max3A_1289 = arith.maximumf %min3A_1288, %max3A_1240 : vector<8x128xf32>
      %select_n3A_1290 = arith.select %ge3A_1282, %add3A_1278, %select_n3A_1237 : vector<8x128xi1>, vector<8x128xi32>
      %select_n3A_1291 = arith.select %ge3A_1287, %select_n3A_1242, %select_n3A_1290 : vector<8x128xi1>, vector<8x128xi32>
      %ge3A_1292 = arith.cmpf oge, %max3A_1245, %get3A_1272 : vector<8x128xf32>
      %min3A_1293 = arith.minimumf %max3A_1240, %get3A_1272 : vector<8x128xf32>
      %max3A_1294 = arith.maximumf %min3A_1293, %max3A_1245 : vector<8x128xf32>
      %select_n3A_1295 = arith.select %ge3A_1287, %add3A_1278, %select_n3A_1242 : vector<8x128xi1>, vector<8x128xi32>
      %select_n3A_1296 = arith.select %ge3A_1292, %select_n3A_1247, %select_n3A_1295 : vector<8x128xi1>, vector<8x128xi32>
      %ge3A_1297 = arith.cmpf oge, %max3A_1250, %get3A_1272 : vector<8x128xf32>
      %min3A_1298 = arith.minimumf %max3A_1245, %get3A_1272 : vector<8x128xf32>
      %max3A_1299 = arith.maximumf %min3A_1298, %max3A_1250 : vector<8x128xf32>
      %select_n3A_1300 = arith.select %ge3A_1292, %add3A_1278, %select_n3A_1247 : vector<8x128xi1>, vector<8x128xi32>
      %select_n3A_1301 = arith.select %ge3A_1297, %select_n3A_1252, %select_n3A_1300 : vector<8x128xi1>, vector<8x128xi32>
      %ge3A_1302 = arith.cmpf oge, %max3A_1255, %get3A_1272 : vector<8x128xf32>
      %min3A_1303 = arith.minimumf %max3A_1250, %get3A_1272 : vector<8x128xf32>
      %max3A_1304 = arith.maximumf %min3A_1303, %max3A_1255 : vector<8x128xf32>
      %select_n3A_1305 = arith.select %ge3A_1297, %add3A_1278, %select_n3A_1252 : vector<8x128xi1>, vector<8x128xi32>
      %select_n3A_1306 = arith.select %ge3A_1302, %select_n3A_1257, %select_n3A_1305 : vector<8x128xi1>, vector<8x128xi32>
      %ge3A_1307 = arith.cmpf oge, %max3A_1260, %get3A_1272 : vector<8x128xf32>
      %min3A_1308 = arith.minimumf %max3A_1255, %get3A_1272 : vector<8x128xf32>
      %max3A_1309 = arith.maximumf %min3A_1308, %max3A_1260 : vector<8x128xf32>
      %select_n3A_1310 = arith.select %ge3A_1302, %add3A_1278, %select_n3A_1257 : vector<8x128xi1>, vector<8x128xi32>
      %select_n3A_1311 = arith.select %ge3A_1307, %select_n3A_1262, %select_n3A_1310 : vector<8x128xi1>, vector<8x128xi32>
      %ge3A_1312 = arith.cmpf oge, %max3A_1265, %get3A_1272 : vector<8x128xf32>
      %min3A_1313 = arith.minimumf %max3A_1260, %get3A_1272 : vector<8x128xf32>
      %max3A_1314 = arith.maximumf %min3A_1313, %max3A_1265 : vector<8x128xf32>
      %select_n3A_1315 = arith.select %ge3A_1307, %add3A_1278, %select_n3A_1262 : vector<8x128xi1>, vector<8x128xi32>
      %select_n3A_1316 = arith.select %ge3A_1312, %select_n3A_1267, %select_n3A_1315 : vector<8x128xi1>, vector<8x128xi32>
      %get3A_1317 = arith.index_cast %add3A_29 : i32 to index
      %get3A_1318 = arith.constant 0 : index
      %get3A_1319 = arith.constant 256 : index
      %get3A_1320 = vector.load %arg4[%get3A_1317, %get3A_1318, %get3A_1319] : memref<64x8x2048xf32, #tpu.memory_space<vmem>>, vector<1x8x128xf32>
      %get3A_1321 = vector.shape_cast %get3A_1320 : vector<1x8x128xf32> to vector<8x128xf32>
      %mul3A_1322 = arith.constant 16 : i32
      %mul3A_1323 = arith.muli %arg0, %mul3A_1322 : i32
      %add3A_1324 = arith.constant 2 : i32
      %add3A_1325 = arith.addi %mul3A_1323, %add3A_1324 : i32
      %add3A_1326 = vector.broadcast %add3A_1325 : i32 to vector<8x128xi32>
      %add3A_1327 = arith.addi %broadcast_in_dim3A_15, %add3A_1326 : vector<8x128xi32>
      %ge3A_1328 = arith.cmpf oge, %max3A_1280, %get3A_1321 : vector<8x128xf32>
      %max3A_1329 = arith.maximumf %max3A_1280, %get3A_1321 : vector<8x128xf32>
      %select_n3A_1330 = arith.select %ge3A_1328, %select_n3A_1281, %add3A_1327 : vector<8x128xi1>, vector<8x128xi32>
      %ge3A_1331 = arith.cmpf oge, %max3A_1284, %get3A_1321 : vector<8x128xf32>
      %min3A_1332 = arith.minimumf %max3A_1280, %get3A_1321 : vector<8x128xf32>
      %max3A_1333 = arith.maximumf %min3A_1332, %max3A_1284 : vector<8x128xf32>
      %select_n3A_1334 = arith.select %ge3A_1328, %add3A_1327, %select_n3A_1281 : vector<8x128xi1>, vector<8x128xi32>
      %select_n3A_1335 = arith.select %ge3A_1331, %select_n3A_1286, %select_n3A_1334 : vector<8x128xi1>, vector<8x128xi32>
      %ge3A_1336 = arith.cmpf oge, %max3A_1289, %get3A_1321 : vector<8x128xf32>
      %min3A_1337 = arith.minimumf %max3A_1284, %get3A_1321 : vector<8x128xf32>
      %max3A_1338 = arith.maximumf %min3A_1337, %max3A_1289 : vector<8x128xf32>
      %select_n3A_1339 = arith.select %ge3A_1331, %add3A_1327, %select_n3A_1286 : vector<8x128xi1>, vector<8x128xi32>
      %select_n3A_1340 = arith.select %ge3A_1336, %select_n3A_1291, %select_n3A_1339 : vector<8x128xi1>, vector<8x128xi32>
      %ge3A_1341 = arith.cmpf oge, %max3A_1294, %get3A_1321 : vector<8x128xf32>
      %min3A_1342 = arith.minimumf %max3A_1289, %get3A_1321 : vector<8x128xf32>
      %max3A_1343 = arith.maximumf %min3A_1342, %max3A_1294 : vector<8x128xf32>
      %select_n3A_1344 = arith.select %ge3A_1336, %add3A_1327, %select_n3A_1291 : vector<8x128xi1>, vector<8x128xi32>
      %select_n3A_1345 = arith.select %ge3A_1341, %select_n3A_1296, %select_n3A_1344 : vector<8x128xi1>, vector<8x128xi32>
      %ge3A_1346 = arith.cmpf oge, %max3A_1299, %get3A_1321 : vector<8x128xf32>
      %min3A_1347 = arith.minimumf %max3A_1294, %get3A_1321 : vector<8x128xf32>
      %max3A_1348 = arith.maximumf %min3A_1347, %max3A_1299 : vector<8x128xf32>
      %select_n3A_1349 = arith.select %ge3A_1341, %add3A_1327, %select_n3A_1296 : vector<8x128xi1>, vector<8x128xi32>
      %select_n3A_1350 = arith.select %ge3A_1346, %select_n3A_1301, %select_n3A_1349 : vector<8x128xi1>, vector<8x128xi32>
      %ge3A_1351 = arith.cmpf oge, %max3A_1304, %get3A_1321 : vector<8x128xf32>
      %min3A_1352 = arith.minimumf %max3A_1299, %get3A_1321 : vector<8x128xf32>
      %max3A_1353 = arith.maximumf %min3A_1352, %max3A_1304 : vector<8x128xf32>
      %select_n3A_1354 = arith.select %ge3A_1346, %add3A_1327, %select_n3A_1301 : vector<8x128xi1>, vector<8x128xi32>
      %select_n3A_1355 = arith.select %ge3A_1351, %select_n3A_1306, %select_n3A_1354 : vector<8x128xi1>, vector<8x128xi32>
      %ge3A_1356 = arith.cmpf oge, %max3A_1309, %get3A_1321 : vector<8x128xf32>
      %min3A_1357 = arith.minimumf %max3A_1304, %get3A_1321 : vector<8x128xf32>
      %max3A_1358 = arith.maximumf %min3A_1357, %max3A_1309 : vector<8x128xf32>
      %select_n3A_1359 = arith.select %ge3A_1351, %add3A_1327, %select_n3A_1306 : vector<8x128xi1>, vector<8x128xi32>
      %select_n3A_1360 = arith.select %ge3A_1356, %select_n3A_1311, %select_n3A_1359 : vector<8x128xi1>, vector<8x128xi32>
      %ge3A_1361 = arith.cmpf oge, %max3A_1314, %get3A_1321 : vector<8x128xf32>
      %min3A_1362 = arith.minimumf %max3A_1309, %get3A_1321 : vector<8x128xf32>
      %max3A_1363 = arith.maximumf %min3A_1362, %max3A_1314 : vector<8x128xf32>
      %select_n3A_1364 = arith.select %ge3A_1356, %add3A_1327, %select_n3A_1311 : vector<8x128xi1>, vector<8x128xi32>
      %select_n3A_1365 = arith.select %ge3A_1361, %select_n3A_1316, %select_n3A_1364 : vector<8x128xi1>, vector<8x128xi32>
      %get3A_1366 = arith.index_cast %add3A_29 : i32 to index
      %get3A_1367 = arith.constant 0 : index
      %get3A_1368 = arith.constant 384 : index
      %get3A_1369 = vector.load %arg4[%get3A_1366, %get3A_1367, %get3A_1368] : memref<64x8x2048xf32, #tpu.memory_space<vmem>>, vector<1x8x128xf32>
      %get3A_1370 = vector.shape_cast %get3A_1369 : vector<1x8x128xf32> to vector<8x128xf32>
      %mul3A_1371 = arith.constant 16 : i32
      %mul3A_1372 = arith.muli %arg0, %mul3A_1371 : i32
      %add3A_1373 = arith.constant 3 : i32
      %add3A_1374 = arith.addi %mul3A_1372, %add3A_1373 : i32
      %add3A_1375 = vector.broadcast %add3A_1374 : i32 to vector<8x128xi32>
      %add3A_1376 = arith.addi %broadcast_in_dim3A_15, %add3A_1375 : vector<8x128xi32>
      %ge3A_1377 = arith.cmpf oge, %max3A_1329, %get3A_1370 : vector<8x128xf32>
      %max3A_1378 = arith.maximumf %max3A_1329, %get3A_1370 : vector<8x128xf32>
      %select_n3A_1379 = arith.select %ge3A_1377, %select_n3A_1330, %add3A_1376 : vector<8x128xi1>, vector<8x128xi32>
      %ge3A_1380 = arith.cmpf oge, %max3A_1333, %get3A_1370 : vector<8x128xf32>
      %min3A_1381 = arith.minimumf %max3A_1329, %get3A_1370 : vector<8x128xf32>
      %max3A_1382 = arith.maximumf %min3A_1381, %max3A_1333 : vector<8x128xf32>
      %select_n3A_1383 = arith.select %ge3A_1377, %add3A_1376, %select_n3A_1330 : vector<8x128xi1>, vector<8x128xi32>
      %select_n3A_1384 = arith.select %ge3A_1380, %select_n3A_1335, %select_n3A_1383 : vector<8x128xi1>, vector<8x128xi32>
      %ge3A_1385 = arith.cmpf oge, %max3A_1338, %get3A_1370 : vector<8x128xf32>
      %min3A_1386 = arith.minimumf %max3A_1333, %get3A_1370 : vector<8x128xf32>
      %max3A_1387 = arith.maximumf %min3A_1386, %max3A_1338 : vector<8x128xf32>
      %select_n3A_1388 = arith.select %ge3A_1380, %add3A_1376, %select_n3A_1335 : vector<8x128xi1>, vector<8x128xi32>
      %select_n3A_1389 = arith.select %ge3A_1385, %select_n3A_1340, %select_n3A_1388 : vector<8x128xi1>, vector<8x128xi32>
      %ge3A_1390 = arith.cmpf oge, %max3A_1343, %get3A_1370 : vector<8x128xf32>
      %min3A_1391 = arith.minimumf %max3A_1338, %get3A_1370 : vector<8x128xf32>
      %max3A_1392 = arith.maximumf %min3A_1391, %max3A_1343 : vector<8x128xf32>
      %select_n3A_1393 = arith.select %ge3A_1385, %add3A_1376, %select_n3A_1340 : vector<8x128xi1>, vector<8x128xi32>
      %select_n3A_1394 = arith.select %ge3A_1390, %select_n3A_1345, %select_n3A_1393 : vector<8x128xi1>, vector<8x128xi32>
      %ge3A_1395 = arith.cmpf oge, %max3A_1348, %get3A_1370 : vector<8x128xf32>
      %min3A_1396 = arith.minimumf %max3A_1343, %get3A_1370 : vector<8x128xf32>
      %max3A_1397 = arith.maximumf %min3A_1396, %max3A_1348 : vector<8x128xf32>
      %select_n3A_1398 = arith.select %ge3A_1390, %add3A_1376, %select_n3A_1345 : vector<8x128xi1>, vector<8x128xi32>
      %select_n3A_1399 = arith.select %ge3A_1395, %select_n3A_1350, %select_n3A_1398 : vector<8x128xi1>, vector<8x128xi32>
      %ge3A_1400 = arith.cmpf oge, %max3A_1353, %get3A_1370 : vector<8x128xf32>
      %min3A_1401 = arith.minimumf %max3A_1348, %get3A_1370 : vector<8x128xf32>
      %max3A_1402 = arith.maximumf %min3A_1401, %max3A_1353 : vector<8x128xf32>
      %select_n3A_1403 = arith.select %ge3A_1395, %add3A_1376, %select_n3A_1350 : vector<8x128xi1>, vector<8x128xi32>
      %select_n3A_1404 = arith.select %ge3A_1400, %select_n3A_1355, %select_n3A_1403 : vector<8x128xi1>, vector<8x128xi32>
      %ge3A_1405 = arith.cmpf oge, %max3A_1358, %get3A_1370 : vector<8x128xf32>
      %min3A_1406 = arith.minimumf %max3A_1353, %get3A_1370 : vector<8x128xf32>
      %max3A_1407 = arith.maximumf %min3A_1406, %max3A_1358 : vector<8x128xf32>
      %select_n3A_1408 = arith.select %ge3A_1400, %add3A_1376, %select_n3A_1355 : vector<8x128xi1>, vector<8x128xi32>
      %select_n3A_1409 = arith.select %ge3A_1405, %select_n3A_1360, %select_n3A_1408 : vector<8x128xi1>, vector<8x128xi32>
      %ge3A_1410 = arith.cmpf oge, %max3A_1363, %get3A_1370 : vector<8x128xf32>
      %min3A_1411 = arith.minimumf %max3A_1358, %get3A_1370 : vector<8x128xf32>
      %max3A_1412 = arith.maximumf %min3A_1411, %max3A_1363 : vector<8x128xf32>
      %select_n3A_1413 = arith.select %ge3A_1405, %add3A_1376, %select_n3A_1360 : vector<8x128xi1>, vector<8x128xi32>
      %select_n3A_1414 = arith.select %ge3A_1410, %select_n3A_1365, %select_n3A_1413 : vector<8x128xi1>, vector<8x128xi32>
      %get3A_1415 = arith.index_cast %add3A_29 : i32 to index
      %get3A_1416 = arith.constant 0 : index
      %get3A_1417 = arith.constant 512 : index
      %get3A_1418 = vector.load %arg4[%get3A_1415, %get3A_1416, %get3A_1417] : memref<64x8x2048xf32, #tpu.memory_space<vmem>>, vector<1x8x128xf32>
      %get3A_1419 = vector.shape_cast %get3A_1418 : vector<1x8x128xf32> to vector<8x128xf32>
      %mul3A_1420 = arith.constant 16 : i32
      %mul3A_1421 = arith.muli %arg0, %mul3A_1420 : i32
      %add3A_1422 = arith.constant 4 : i32
      %add3A_1423 = arith.addi %mul3A_1421, %add3A_1422 : i32
      %add3A_1424 = vector.broadcast %add3A_1423 : i32 to vector<8x128xi32>
      %add3A_1425 = arith.addi %broadcast_in_dim3A_15, %add3A_1424 : vector<8x128xi32>
      %ge3A_1426 = arith.cmpf oge, %max3A_1378, %get3A_1419 : vector<8x128xf32>
      %max3A_1427 = arith.maximumf %max3A_1378, %get3A_1419 : vector<8x128xf32>
      %select_n3A_1428 = arith.select %ge3A_1426, %select_n3A_1379, %add3A_1425 : vector<8x128xi1>, vector<8x128xi32>
      %ge3A_1429 = arith.cmpf oge, %max3A_1382, %get3A_1419 : vector<8x128xf32>
      %min3A_1430 = arith.minimumf %max3A_1378, %get3A_1419 : vector<8x128xf32>
      %max3A_1431 = arith.maximumf %min3A_1430, %max3A_1382 : vector<8x128xf32>
      %select_n3A_1432 = arith.select %ge3A_1426, %add3A_1425, %select_n3A_1379 : vector<8x128xi1>, vector<8x128xi32>
      %select_n3A_1433 = arith.select %ge3A_1429, %select_n3A_1384, %select_n3A_1432 : vector<8x128xi1>, vector<8x128xi32>
      %ge3A_1434 = arith.cmpf oge, %max3A_1387, %get3A_1419 : vector<8x128xf32>
      %min3A_1435 = arith.minimumf %max3A_1382, %get3A_1419 : vector<8x128xf32>
      %max3A_1436 = arith.maximumf %min3A_1435, %max3A_1387 : vector<8x128xf32>
      %select_n3A_1437 = arith.select %ge3A_1429, %add3A_1425, %select_n3A_1384 : vector<8x128xi1>, vector<8x128xi32>
      %select_n3A_1438 = arith.select %ge3A_1434, %select_n3A_1389, %select_n3A_1437 : vector<8x128xi1>, vector<8x128xi32>
      %ge3A_1439 = arith.cmpf oge, %max3A_1392, %get3A_1419 : vector<8x128xf32>
      %min3A_1440 = arith.minimumf %max3A_1387, %get3A_1419 : vector<8x128xf32>
      %max3A_1441 = arith.maximumf %min3A_1440, %max3A_1392 : vector<8x128xf32>
      %select_n3A_1442 = arith.select %ge3A_1434, %add3A_1425, %select_n3A_1389 : vector<8x128xi1>, vector<8x128xi32>
      %select_n3A_1443 = arith.select %ge3A_1439, %select_n3A_1394, %select_n3A_1442 : vector<8x128xi1>, vector<8x128xi32>
      %ge3A_1444 = arith.cmpf oge, %max3A_1397, %get3A_1419 : vector<8x128xf32>
      %min3A_1445 = arith.minimumf %max3A_1392, %get3A_1419 : vector<8x128xf32>
      %max3A_1446 = arith.maximumf %min3A_1445, %max3A_1397 : vector<8x128xf32>
      %select_n3A_1447 = arith.select %ge3A_1439, %add3A_1425, %select_n3A_1394 : vector<8x128xi1>, vector<8x128xi32>
      %select_n3A_1448 = arith.select %ge3A_1444, %select_n3A_1399, %select_n3A_1447 : vector<8x128xi1>, vector<8x128xi32>
      %ge3A_1449 = arith.cmpf oge, %max3A_1402, %get3A_1419 : vector<8x128xf32>
      %min3A_1450 = arith.minimumf %max3A_1397, %get3A_1419 : vector<8x128xf32>
      %max3A_1451 = arith.maximumf %min3A_1450, %max3A_1402 : vector<8x128xf32>
      %select_n3A_1452 = arith.select %ge3A_1444, %add3A_1425, %select_n3A_1399 : vector<8x128xi1>, vector<8x128xi32>
      %select_n3A_1453 = arith.select %ge3A_1449, %select_n3A_1404, %select_n3A_1452 : vector<8x128xi1>, vector<8x128xi32>
      %ge3A_1454 = arith.cmpf oge, %max3A_1407, %get3A_1419 : vector<8x128xf32>
      %min3A_1455 = arith.minimumf %max3A_1402, %get3A_1419 : vector<8x128xf32>
      %max3A_1456 = arith.maximumf %min3A_1455, %max3A_1407 : vector<8x128xf32>
      %select_n3A_1457 = arith.select %ge3A_1449, %add3A_1425, %select_n3A_1404 : vector<8x128xi1>, vector<8x128xi32>
      %select_n3A_1458 = arith.select %ge3A_1454, %select_n3A_1409, %select_n3A_1457 : vector<8x128xi1>, vector<8x128xi32>
      %ge3A_1459 = arith.cmpf oge, %max3A_1412, %get3A_1419 : vector<8x128xf32>
      %min3A_1460 = arith.minimumf %max3A_1407, %get3A_1419 : vector<8x128xf32>
      %max3A_1461 = arith.maximumf %min3A_1460, %max3A_1412 : vector<8x128xf32>
      %select_n3A_1462 = arith.select %ge3A_1454, %add3A_1425, %select_n3A_1409 : vector<8x128xi1>, vector<8x128xi32>
      %select_n3A_1463 = arith.select %ge3A_1459, %select_n3A_1414, %select_n3A_1462 : vector<8x128xi1>, vector<8x128xi32>
      %get3A_1464 = arith.index_cast %add3A_29 : i32 to index
      %get3A_1465 = arith.constant 0 : index
      %get3A_1466 = arith.constant 640 : index
      %get3A_1467 = vector.load %arg4[%get3A_1464, %get3A_1465, %get3A_1466] : memref<64x8x2048xf32, #tpu.memory_space<vmem>>, vector<1x8x128xf32>
      %get3A_1468 = vector.shape_cast %get3A_1467 : vector<1x8x128xf32> to vector<8x128xf32>
      %mul3A_1469 = arith.constant 16 : i32
      %mul3A_1470 = arith.muli %arg0, %mul3A_1469 : i32
      %add3A_1471 = arith.constant 5 : i32
      %add3A_1472 = arith.addi %mul3A_1470, %add3A_1471 : i32
      %add3A_1473 = vector.broadcast %add3A_1472 : i32 to vector<8x128xi32>
      %add3A_1474 = arith.addi %broadcast_in_dim3A_15, %add3A_1473 : vector<8x128xi32>
      %ge3A_1475 = arith.cmpf oge, %max3A_1427, %get3A_1468 : vector<8x128xf32>
      %max3A_1476 = arith.maximumf %max3A_1427, %get3A_1468 : vector<8x128xf32>
      %select_n3A_1477 = arith.select %ge3A_1475, %select_n3A_1428, %add3A_1474 : vector<8x128xi1>, vector<8x128xi32>
      %ge3A_1478 = arith.cmpf oge, %max3A_1431, %get3A_1468 : vector<8x128xf32>
      %min3A_1479 = arith.minimumf %max3A_1427, %get3A_1468 : vector<8x128xf32>
      %max3A_1480 = arith.maximumf %min3A_1479, %max3A_1431 : vector<8x128xf32>
      %select_n3A_1481 = arith.select %ge3A_1475, %add3A_1474, %select_n3A_1428 : vector<8x128xi1>, vector<8x128xi32>
      %select_n3A_1482 = arith.select %ge3A_1478, %select_n3A_1433, %select_n3A_1481 : vector<8x128xi1>, vector<8x128xi32>
      %ge3A_1483 = arith.cmpf oge, %max3A_1436, %get3A_1468 : vector<8x128xf32>
      %min3A_1484 = arith.minimumf %max3A_1431, %get3A_1468 : vector<8x128xf32>
      %max3A_1485 = arith.maximumf %min3A_1484, %max3A_1436 : vector<8x128xf32>
      %select_n3A_1486 = arith.select %ge3A_1478, %add3A_1474, %select_n3A_1433 : vector<8x128xi1>, vector<8x128xi32>
      %select_n3A_1487 = arith.select %ge3A_1483, %select_n3A_1438, %select_n3A_1486 : vector<8x128xi1>, vector<8x128xi32>
      %ge3A_1488 = arith.cmpf oge, %max3A_1441, %get3A_1468 : vector<8x128xf32>
      %min3A_1489 = arith.minimumf %max3A_1436, %get3A_1468 : vector<8x128xf32>
      %max3A_1490 = arith.maximumf %min3A_1489, %max3A_1441 : vector<8x128xf32>
      %select_n3A_1491 = arith.select %ge3A_1483, %add3A_1474, %select_n3A_1438 : vector<8x128xi1>, vector<8x128xi32>
      %select_n3A_1492 = arith.select %ge3A_1488, %select_n3A_1443, %select_n3A_1491 : vector<8x128xi1>, vector<8x128xi32>
      %ge3A_1493 = arith.cmpf oge, %max3A_1446, %get3A_1468 : vector<8x128xf32>
      %min3A_1494 = arith.minimumf %max3A_1441, %get3A_1468 : vector<8x128xf32>
      %max3A_1495 = arith.maximumf %min3A_1494, %max3A_1446 : vector<8x128xf32>
      %select_n3A_1496 = arith.select %ge3A_1488, %add3A_1474, %select_n3A_1443 : vector<8x128xi1>, vector<8x128xi32>
      %select_n3A_1497 = arith.select %ge3A_1493, %select_n3A_1448, %select_n3A_1496 : vector<8x128xi1>, vector<8x128xi32>
      %ge3A_1498 = arith.cmpf oge, %max3A_1451, %get3A_1468 : vector<8x128xf32>
      %min3A_1499 = arith.minimumf %max3A_1446, %get3A_1468 : vector<8x128xf32>
      %max3A_1500 = arith.maximumf %min3A_1499, %max3A_1451 : vector<8x128xf32>
      %select_n3A_1501 = arith.select %ge3A_1493, %add3A_1474, %select_n3A_1448 : vector<8x128xi1>, vector<8x128xi32>
      %select_n3A_1502 = arith.select %ge3A_1498, %select_n3A_1453, %select_n3A_1501 : vector<8x128xi1>, vector<8x128xi32>
      %ge3A_1503 = arith.cmpf oge, %max3A_1456, %get3A_1468 : vector<8x128xf32>
      %min3A_1504 = arith.minimumf %max3A_1451, %get3A_1468 : vector<8x128xf32>
      %max3A_1505 = arith.maximumf %min3A_1504, %max3A_1456 : vector<8x128xf32>
      %select_n3A_1506 = arith.select %ge3A_1498, %add3A_1474, %select_n3A_1453 : vector<8x128xi1>, vector<8x128xi32>
      %select_n3A_1507 = arith.select %ge3A_1503, %select_n3A_1458, %select_n3A_1506 : vector<8x128xi1>, vector<8x128xi32>
      %ge3A_1508 = arith.cmpf oge, %max3A_1461, %get3A_1468 : vector<8x128xf32>
      %min3A_1509 = arith.minimumf %max3A_1456, %get3A_1468 : vector<8x128xf32>
      %max3A_1510 = arith.maximumf %min3A_1509, %max3A_1461 : vector<8x128xf32>
      %select_n3A_1511 = arith.select %ge3A_1503, %add3A_1474, %select_n3A_1458 : vector<8x128xi1>, vector<8x128xi32>
      %select_n3A_1512 = arith.select %ge3A_1508, %select_n3A_1463, %select_n3A_1511 : vector<8x128xi1>, vector<8x128xi32>
      %get3A_1513 = arith.index_cast %add3A_29 : i32 to index
      %get3A_1514 = arith.constant 0 : index
      %get3A_1515 = arith.constant 768 : index
      %get3A_1516 = vector.load %arg4[%get3A_1513, %get3A_1514, %get3A_1515] : memref<64x8x2048xf32, #tpu.memory_space<vmem>>, vector<1x8x128xf32>
      %get3A_1517 = vector.shape_cast %get3A_1516 : vector<1x8x128xf32> to vector<8x128xf32>
      %mul3A_1518 = arith.constant 16 : i32
      %mul3A_1519 = arith.muli %arg0, %mul3A_1518 : i32
      %add3A_1520 = arith.constant 6 : i32
      %add3A_1521 = arith.addi %mul3A_1519, %add3A_1520 : i32
      %add3A_1522 = vector.broadcast %add3A_1521 : i32 to vector<8x128xi32>
      %add3A_1523 = arith.addi %broadcast_in_dim3A_15, %add3A_1522 : vector<8x128xi32>
      %ge3A_1524 = arith.cmpf oge, %max3A_1476, %get3A_1517 : vector<8x128xf32>
      %max3A_1525 = arith.maximumf %max3A_1476, %get3A_1517 : vector<8x128xf32>
      %select_n3A_1526 = arith.select %ge3A_1524, %select_n3A_1477, %add3A_1523 : vector<8x128xi1>, vector<8x128xi32>
      %ge3A_1527 = arith.cmpf oge, %max3A_1480, %get3A_1517 : vector<8x128xf32>
      %min3A_1528 = arith.minimumf %max3A_1476, %get3A_1517 : vector<8x128xf32>
      %max3A_1529 = arith.maximumf %min3A_1528, %max3A_1480 : vector<8x128xf32>
      %select_n3A_1530 = arith.select %ge3A_1524, %add3A_1523, %select_n3A_1477 : vector<8x128xi1>, vector<8x128xi32>
      %select_n3A_1531 = arith.select %ge3A_1527, %select_n3A_1482, %select_n3A_1530 : vector<8x128xi1>, vector<8x128xi32>
      %ge3A_1532 = arith.cmpf oge, %max3A_1485, %get3A_1517 : vector<8x128xf32>
      %min3A_1533 = arith.minimumf %max3A_1480, %get3A_1517 : vector<8x128xf32>
      %max3A_1534 = arith.maximumf %min3A_1533, %max3A_1485 : vector<8x128xf32>
      %select_n3A_1535 = arith.select %ge3A_1527, %add3A_1523, %select_n3A_1482 : vector<8x128xi1>, vector<8x128xi32>
      %select_n3A_1536 = arith.select %ge3A_1532, %select_n3A_1487, %select_n3A_1535 : vector<8x128xi1>, vector<8x128xi32>
      %ge3A_1537 = arith.cmpf oge, %max3A_1490, %get3A_1517 : vector<8x128xf32>
      %min3A_1538 = arith.minimumf %max3A_1485, %get3A_1517 : vector<8x128xf32>
      %max3A_1539 = arith.maximumf %min3A_1538, %max3A_1490 : vector<8x128xf32>
      %select_n3A_1540 = arith.select %ge3A_1532, %add3A_1523, %select_n3A_1487 : vector<8x128xi1>, vector<8x128xi32>
      %select_n3A_1541 = arith.select %ge3A_1537, %select_n3A_1492, %select_n3A_1540 : vector<8x128xi1>, vector<8x128xi32>
      %ge3A_1542 = arith.cmpf oge, %max3A_1495, %get3A_1517 : vector<8x128xf32>
      %min3A_1543 = arith.minimumf %max3A_1490, %get3A_1517 : vector<8x128xf32>
      %max3A_1544 = arith.maximumf %min3A_1543, %max3A_1495 : vector<8x128xf32>
      %select_n3A_1545 = arith.select %ge3A_1537, %add3A_1523, %select_n3A_1492 : vector<8x128xi1>, vector<8x128xi32>
      %select_n3A_1546 = arith.select %ge3A_1542, %select_n3A_1497, %select_n3A_1545 : vector<8x128xi1>, vector<8x128xi32>
      %ge3A_1547 = arith.cmpf oge, %max3A_1500, %get3A_1517 : vector<8x128xf32>
      %min3A_1548 = arith.minimumf %max3A_1495, %get3A_1517 : vector<8x128xf32>
      %max3A_1549 = arith.maximumf %min3A_1548, %max3A_1500 : vector<8x128xf32>
      %select_n3A_1550 = arith.select %ge3A_1542, %add3A_1523, %select_n3A_1497 : vector<8x128xi1>, vector<8x128xi32>
      %select_n3A_1551 = arith.select %ge3A_1547, %select_n3A_1502, %select_n3A_1550 : vector<8x128xi1>, vector<8x128xi32>
      %ge3A_1552 = arith.cmpf oge, %max3A_1505, %get3A_1517 : vector<8x128xf32>
      %min3A_1553 = arith.minimumf %max3A_1500, %get3A_1517 : vector<8x128xf32>
      %max3A_1554 = arith.maximumf %min3A_1553, %max3A_1505 : vector<8x128xf32>
      %select_n3A_1555 = arith.select %ge3A_1547, %add3A_1523, %select_n3A_1502 : vector<8x128xi1>, vector<8x128xi32>
      %select_n3A_1556 = arith.select %ge3A_1552, %select_n3A_1507, %select_n3A_1555 : vector<8x128xi1>, vector<8x128xi32>
      %ge3A_1557 = arith.cmpf oge, %max3A_1510, %get3A_1517 : vector<8x128xf32>
      %min3A_1558 = arith.minimumf %max3A_1505, %get3A_1517 : vector<8x128xf32>
      %max3A_1559 = arith.maximumf %min3A_1558, %max3A_1510 : vector<8x128xf32>
      %select_n3A_1560 = arith.select %ge3A_1552, %add3A_1523, %select_n3A_1507 : vector<8x128xi1>, vector<8x128xi32>
      %select_n3A_1561 = arith.select %ge3A_1557, %select_n3A_1512, %select_n3A_1560 : vector<8x128xi1>, vector<8x128xi32>
      %get3A_1562 = arith.index_cast %add3A_29 : i32 to index
      %get3A_1563 = arith.constant 0 : index
      %get3A_1564 = arith.constant 896 : index
      %get3A_1565 = vector.load %arg4[%get3A_1562, %get3A_1563, %get3A_1564] : memref<64x8x2048xf32, #tpu.memory_space<vmem>>, vector<1x8x128xf32>
      %get3A_1566 = vector.shape_cast %get3A_1565 : vector<1x8x128xf32> to vector<8x128xf32>
      %mul3A_1567 = arith.constant 16 : i32
      %mul3A_1568 = arith.muli %arg0, %mul3A_1567 : i32
      %add3A_1569 = arith.constant 7 : i32
      %add3A_1570 = arith.addi %mul3A_1568, %add3A_1569 : i32
      %add3A_1571 = vector.broadcast %add3A_1570 : i32 to vector<8x128xi32>
      %add3A_1572 = arith.addi %broadcast_in_dim3A_15, %add3A_1571 : vector<8x128xi32>
      %ge3A_1573 = arith.cmpf oge, %max3A_1525, %get3A_1566 : vector<8x128xf32>
      %max3A_1574 = arith.maximumf %max3A_1525, %get3A_1566 : vector<8x128xf32>
      %select_n3A_1575 = arith.select %ge3A_1573, %select_n3A_1526, %add3A_1572 : vector<8x128xi1>, vector<8x128xi32>
      %ge3A_1576 = arith.cmpf oge, %max3A_1529, %get3A_1566 : vector<8x128xf32>
      %min3A_1577 = arith.minimumf %max3A_1525, %get3A_1566 : vector<8x128xf32>
      %max3A_1578 = arith.maximumf %min3A_1577, %max3A_1529 : vector<8x128xf32>
      %select_n3A_1579 = arith.select %ge3A_1573, %add3A_1572, %select_n3A_1526 : vector<8x128xi1>, vector<8x128xi32>
      %select_n3A_1580 = arith.select %ge3A_1576, %select_n3A_1531, %select_n3A_1579 : vector<8x128xi1>, vector<8x128xi32>
      %ge3A_1581 = arith.cmpf oge, %max3A_1534, %get3A_1566 : vector<8x128xf32>
      %min3A_1582 = arith.minimumf %max3A_1529, %get3A_1566 : vector<8x128xf32>
      %max3A_1583 = arith.maximumf %min3A_1582, %max3A_1534 : vector<8x128xf32>
      %select_n3A_1584 = arith.select %ge3A_1576, %add3A_1572, %select_n3A_1531 : vector<8x128xi1>, vector<8x128xi32>
      %select_n3A_1585 = arith.select %ge3A_1581, %select_n3A_1536, %select_n3A_1584 : vector<8x128xi1>, vector<8x128xi32>
      %ge3A_1586 = arith.cmpf oge, %max3A_1539, %get3A_1566 : vector<8x128xf32>
      %min3A_1587 = arith.minimumf %max3A_1534, %get3A_1566 : vector<8x128xf32>
      %max3A_1588 = arith.maximumf %min3A_1587, %max3A_1539 : vector<8x128xf32>
      %select_n3A_1589 = arith.select %ge3A_1581, %add3A_1572, %select_n3A_1536 : vector<8x128xi1>, vector<8x128xi32>
      %select_n3A_1590 = arith.select %ge3A_1586, %select_n3A_1541, %select_n3A_1589 : vector<8x128xi1>, vector<8x128xi32>
      %ge3A_1591 = arith.cmpf oge, %max3A_1544, %get3A_1566 : vector<8x128xf32>
      %min3A_1592 = arith.minimumf %max3A_1539, %get3A_1566 : vector<8x128xf32>
      %max3A_1593 = arith.maximumf %min3A_1592, %max3A_1544 : vector<8x128xf32>
      %select_n3A_1594 = arith.select %ge3A_1586, %add3A_1572, %select_n3A_1541 : vector<8x128xi1>, vector<8x128xi32>
      %select_n3A_1595 = arith.select %ge3A_1591, %select_n3A_1546, %select_n3A_1594 : vector<8x128xi1>, vector<8x128xi32>
      %ge3A_1596 = arith.cmpf oge, %max3A_1549, %get3A_1566 : vector<8x128xf32>
      %min3A_1597 = arith.minimumf %max3A_1544, %get3A_1566 : vector<8x128xf32>
      %max3A_1598 = arith.maximumf %min3A_1597, %max3A_1549 : vector<8x128xf32>
      %select_n3A_1599 = arith.select %ge3A_1591, %add3A_1572, %select_n3A_1546 : vector<8x128xi1>, vector<8x128xi32>
      %select_n3A_1600 = arith.select %ge3A_1596, %select_n3A_1551, %select_n3A_1599 : vector<8x128xi1>, vector<8x128xi32>
      %ge3A_1601 = arith.cmpf oge, %max3A_1554, %get3A_1566 : vector<8x128xf32>
      %min3A_1602 = arith.minimumf %max3A_1549, %get3A_1566 : vector<8x128xf32>
      %max3A_1603 = arith.maximumf %min3A_1602, %max3A_1554 : vector<8x128xf32>
      %select_n3A_1604 = arith.select %ge3A_1596, %add3A_1572, %select_n3A_1551 : vector<8x128xi1>, vector<8x128xi32>
      %select_n3A_1605 = arith.select %ge3A_1601, %select_n3A_1556, %select_n3A_1604 : vector<8x128xi1>, vector<8x128xi32>
      %ge3A_1606 = arith.cmpf oge, %max3A_1559, %get3A_1566 : vector<8x128xf32>
      %min3A_1607 = arith.minimumf %max3A_1554, %get3A_1566 : vector<8x128xf32>
      %max3A_1608 = arith.maximumf %min3A_1607, %max3A_1559 : vector<8x128xf32>
      %select_n3A_1609 = arith.select %ge3A_1601, %add3A_1572, %select_n3A_1556 : vector<8x128xi1>, vector<8x128xi32>
      %select_n3A_1610 = arith.select %ge3A_1606, %select_n3A_1561, %select_n3A_1609 : vector<8x128xi1>, vector<8x128xi32>
      %get3A_1611 = arith.index_cast %add3A_29 : i32 to index
      %get3A_1612 = arith.constant 0 : index
      %get3A_1613 = arith.constant 1024 : index
      %get3A_1614 = vector.load %arg4[%get3A_1611, %get3A_1612, %get3A_1613] : memref<64x8x2048xf32, #tpu.memory_space<vmem>>, vector<1x8x128xf32>
      %get3A_1615 = vector.shape_cast %get3A_1614 : vector<1x8x128xf32> to vector<8x128xf32>
      %mul3A_1616 = arith.constant 16 : i32
      %mul3A_1617 = arith.muli %arg0, %mul3A_1616 : i32
      %add3A_1618 = arith.constant 8 : i32
      %add3A_1619 = arith.addi %mul3A_1617, %add3A_1618 : i32
      %add3A_1620 = vector.broadcast %add3A_1619 : i32 to vector<8x128xi32>
      %add3A_1621 = arith.addi %broadcast_in_dim3A_15, %add3A_1620 : vector<8x128xi32>
      %ge3A_1622 = arith.cmpf oge, %max3A_1574, %get3A_1615 : vector<8x128xf32>
      %max3A_1623 = arith.maximumf %max3A_1574, %get3A_1615 : vector<8x128xf32>
      %select_n3A_1624 = arith.select %ge3A_1622, %select_n3A_1575, %add3A_1621 : vector<8x128xi1>, vector<8x128xi32>
      %ge3A_1625 = arith.cmpf oge, %max3A_1578, %get3A_1615 : vector<8x128xf32>
      %min3A_1626 = arith.minimumf %max3A_1574, %get3A_1615 : vector<8x128xf32>
      %max3A_1627 = arith.maximumf %min3A_1626, %max3A_1578 : vector<8x128xf32>
      %select_n3A_1628 = arith.select %ge3A_1622, %add3A_1621, %select_n3A_1575 : vector<8x128xi1>, vector<8x128xi32>
      %select_n3A_1629 = arith.select %ge3A_1625, %select_n3A_1580, %select_n3A_1628 : vector<8x128xi1>, vector<8x128xi32>
      %ge3A_1630 = arith.cmpf oge, %max3A_1583, %get3A_1615 : vector<8x128xf32>
      %min3A_1631 = arith.minimumf %max3A_1578, %get3A_1615 : vector<8x128xf32>
      %max3A_1632 = arith.maximumf %min3A_1631, %max3A_1583 : vector<8x128xf32>
      %select_n3A_1633 = arith.select %ge3A_1625, %add3A_1621, %select_n3A_1580 : vector<8x128xi1>, vector<8x128xi32>
      %select_n3A_1634 = arith.select %ge3A_1630, %select_n3A_1585, %select_n3A_1633 : vector<8x128xi1>, vector<8x128xi32>
      %ge3A_1635 = arith.cmpf oge, %max3A_1588, %get3A_1615 : vector<8x128xf32>
      %min3A_1636 = arith.minimumf %max3A_1583, %get3A_1615 : vector<8x128xf32>
      %max3A_1637 = arith.maximumf %min3A_1636, %max3A_1588 : vector<8x128xf32>
      %select_n3A_1638 = arith.select %ge3A_1630, %add3A_1621, %select_n3A_1585 : vector<8x128xi1>, vector<8x128xi32>
      %select_n3A_1639 = arith.select %ge3A_1635, %select_n3A_1590, %select_n3A_1638 : vector<8x128xi1>, vector<8x128xi32>
      %ge3A_1640 = arith.cmpf oge, %max3A_1593, %get3A_1615 : vector<8x128xf32>
      %min3A_1641 = arith.minimumf %max3A_1588, %get3A_1615 : vector<8x128xf32>
      %max3A_1642 = arith.maximumf %min3A_1641, %max3A_1593 : vector<8x128xf32>
      %select_n3A_1643 = arith.select %ge3A_1635, %add3A_1621, %select_n3A_1590 : vector<8x128xi1>, vector<8x128xi32>
      %select_n3A_1644 = arith.select %ge3A_1640, %select_n3A_1595, %select_n3A_1643 : vector<8x128xi1>, vector<8x128xi32>
      %ge3A_1645 = arith.cmpf oge, %max3A_1598, %get3A_1615 : vector<8x128xf32>
      %min3A_1646 = arith.minimumf %max3A_1593, %get3A_1615 : vector<8x128xf32>
      %max3A_1647 = arith.maximumf %min3A_1646, %max3A_1598 : vector<8x128xf32>
      %select_n3A_1648 = arith.select %ge3A_1640, %add3A_1621, %select_n3A_1595 : vector<8x128xi1>, vector<8x128xi32>
      %select_n3A_1649 = arith.select %ge3A_1645, %select_n3A_1600, %select_n3A_1648 : vector<8x128xi1>, vector<8x128xi32>
      %ge3A_1650 = arith.cmpf oge, %max3A_1603, %get3A_1615 : vector<8x128xf32>
      %min3A_1651 = arith.minimumf %max3A_1598, %get3A_1615 : vector<8x128xf32>
      %max3A_1652 = arith.maximumf %min3A_1651, %max3A_1603 : vector<8x128xf32>
      %select_n3A_1653 = arith.select %ge3A_1645, %add3A_1621, %select_n3A_1600 : vector<8x128xi1>, vector<8x128xi32>
      %select_n3A_1654 = arith.select %ge3A_1650, %select_n3A_1605, %select_n3A_1653 : vector<8x128xi1>, vector<8x128xi32>
      %ge3A_1655 = arith.cmpf oge, %max3A_1608, %get3A_1615 : vector<8x128xf32>
      %min3A_1656 = arith.minimumf %max3A_1603, %get3A_1615 : vector<8x128xf32>
      %max3A_1657 = arith.maximumf %min3A_1656, %max3A_1608 : vector<8x128xf32>
      %select_n3A_1658 = arith.select %ge3A_1650, %add3A_1621, %select_n3A_1605 : vector<8x128xi1>, vector<8x128xi32>
      %select_n3A_1659 = arith.select %ge3A_1655, %select_n3A_1610, %select_n3A_1658 : vector<8x128xi1>, vector<8x128xi32>
      %get3A_1660 = arith.index_cast %add3A_29 : i32 to index
      %get3A_1661 = arith.constant 0 : index
      %get3A_1662 = arith.constant 1152 : index
      %get3A_1663 = vector.load %arg4[%get3A_1660, %get3A_1661, %get3A_1662] : memref<64x8x2048xf32, #tpu.memory_space<vmem>>, vector<1x8x128xf32>
      %get3A_1664 = vector.shape_cast %get3A_1663 : vector<1x8x128xf32> to vector<8x128xf32>
      %mul3A_1665 = arith.constant 16 : i32
      %mul3A_1666 = arith.muli %arg0, %mul3A_1665 : i32
      %add3A_1667 = arith.constant 9 : i32
      %add3A_1668 = arith.addi %mul3A_1666, %add3A_1667 : i32
      %add3A_1669 = vector.broadcast %add3A_1668 : i32 to vector<8x128xi32>
      %add3A_1670 = arith.addi %broadcast_in_dim3A_15, %add3A_1669 : vector<8x128xi32>
      %ge3A_1671 = arith.cmpf oge, %max3A_1623, %get3A_1664 : vector<8x128xf32>
      %max3A_1672 = arith.maximumf %max3A_1623, %get3A_1664 : vector<8x128xf32>
      %select_n3A_1673 = arith.select %ge3A_1671, %select_n3A_1624, %add3A_1670 : vector<8x128xi1>, vector<8x128xi32>
      %ge3A_1674 = arith.cmpf oge, %max3A_1627, %get3A_1664 : vector<8x128xf32>
      %min3A_1675 = arith.minimumf %max3A_1623, %get3A_1664 : vector<8x128xf32>
      %max3A_1676 = arith.maximumf %min3A_1675, %max3A_1627 : vector<8x128xf32>
      %select_n3A_1677 = arith.select %ge3A_1671, %add3A_1670, %select_n3A_1624 : vector<8x128xi1>, vector<8x128xi32>
      %select_n3A_1678 = arith.select %ge3A_1674, %select_n3A_1629, %select_n3A_1677 : vector<8x128xi1>, vector<8x128xi32>
      %ge3A_1679 = arith.cmpf oge, %max3A_1632, %get3A_1664 : vector<8x128xf32>
      %min3A_1680 = arith.minimumf %max3A_1627, %get3A_1664 : vector<8x128xf32>
      %max3A_1681 = arith.maximumf %min3A_1680, %max3A_1632 : vector<8x128xf32>
      %select_n3A_1682 = arith.select %ge3A_1674, %add3A_1670, %select_n3A_1629 : vector<8x128xi1>, vector<8x128xi32>
      %select_n3A_1683 = arith.select %ge3A_1679, %select_n3A_1634, %select_n3A_1682 : vector<8x128xi1>, vector<8x128xi32>
      %ge3A_1684 = arith.cmpf oge, %max3A_1637, %get3A_1664 : vector<8x128xf32>
      %min3A_1685 = arith.minimumf %max3A_1632, %get3A_1664 : vector<8x128xf32>
      %max3A_1686 = arith.maximumf %min3A_1685, %max3A_1637 : vector<8x128xf32>
      %select_n3A_1687 = arith.select %ge3A_1679, %add3A_1670, %select_n3A_1634 : vector<8x128xi1>, vector<8x128xi32>
      %select_n3A_1688 = arith.select %ge3A_1684, %select_n3A_1639, %select_n3A_1687 : vector<8x128xi1>, vector<8x128xi32>
      %ge3A_1689 = arith.cmpf oge, %max3A_1642, %get3A_1664 : vector<8x128xf32>
      %min3A_1690 = arith.minimumf %max3A_1637, %get3A_1664 : vector<8x128xf32>
      %max3A_1691 = arith.maximumf %min3A_1690, %max3A_1642 : vector<8x128xf32>
      %select_n3A_1692 = arith.select %ge3A_1684, %add3A_1670, %select_n3A_1639 : vector<8x128xi1>, vector<8x128xi32>
      %select_n3A_1693 = arith.select %ge3A_1689, %select_n3A_1644, %select_n3A_1692 : vector<8x128xi1>, vector<8x128xi32>
      %ge3A_1694 = arith.cmpf oge, %max3A_1647, %get3A_1664 : vector<8x128xf32>
      %min3A_1695 = arith.minimumf %max3A_1642, %get3A_1664 : vector<8x128xf32>
      %max3A_1696 = arith.maximumf %min3A_1695, %max3A_1647 : vector<8x128xf32>
      %select_n3A_1697 = arith.select %ge3A_1689, %add3A_1670, %select_n3A_1644 : vector<8x128xi1>, vector<8x128xi32>
      %select_n3A_1698 = arith.select %ge3A_1694, %select_n3A_1649, %select_n3A_1697 : vector<8x128xi1>, vector<8x128xi32>
      %ge3A_1699 = arith.cmpf oge, %max3A_1652, %get3A_1664 : vector<8x128xf32>
      %min3A_1700 = arith.minimumf %max3A_1647, %get3A_1664 : vector<8x128xf32>
      %max3A_1701 = arith.maximumf %min3A_1700, %max3A_1652 : vector<8x128xf32>
      %select_n3A_1702 = arith.select %ge3A_1694, %add3A_1670, %select_n3A_1649 : vector<8x128xi1>, vector<8x128xi32>
      %select_n3A_1703 = arith.select %ge3A_1699, %select_n3A_1654, %select_n3A_1702 : vector<8x128xi1>, vector<8x128xi32>
      %ge3A_1704 = arith.cmpf oge, %max3A_1657, %get3A_1664 : vector<8x128xf32>
      %min3A_1705 = arith.minimumf %max3A_1652, %get3A_1664 : vector<8x128xf32>
      %max3A_1706 = arith.maximumf %min3A_1705, %max3A_1657 : vector<8x128xf32>
      %select_n3A_1707 = arith.select %ge3A_1699, %add3A_1670, %select_n3A_1654 : vector<8x128xi1>, vector<8x128xi32>
      %select_n3A_1708 = arith.select %ge3A_1704, %select_n3A_1659, %select_n3A_1707 : vector<8x128xi1>, vector<8x128xi32>
      %get3A_1709 = arith.index_cast %add3A_29 : i32 to index
      %get3A_1710 = arith.constant 0 : index
      %get3A_1711 = arith.constant 1280 : index
      %get3A_1712 = vector.load %arg4[%get3A_1709, %get3A_1710, %get3A_1711] : memref<64x8x2048xf32, #tpu.memory_space<vmem>>, vector<1x8x128xf32>
      %get3A_1713 = vector.shape_cast %get3A_1712 : vector<1x8x128xf32> to vector<8x128xf32>
      %mul3A_1714 = arith.constant 16 : i32
      %mul3A_1715 = arith.muli %arg0, %mul3A_1714 : i32
      %add3A_1716 = arith.constant 10 : i32
      %add3A_1717 = arith.addi %mul3A_1715, %add3A_1716 : i32
      %add3A_1718 = vector.broadcast %add3A_1717 : i32 to vector<8x128xi32>
      %add3A_1719 = arith.addi %broadcast_in_dim3A_15, %add3A_1718 : vector<8x128xi32>
      %ge3A_1720 = arith.cmpf oge, %max3A_1672, %get3A_1713 : vector<8x128xf32>
      %max3A_1721 = arith.maximumf %max3A_1672, %get3A_1713 : vector<8x128xf32>
      %select_n3A_1722 = arith.select %ge3A_1720, %select_n3A_1673, %add3A_1719 : vector<8x128xi1>, vector<8x128xi32>
      %ge3A_1723 = arith.cmpf oge, %max3A_1676, %get3A_1713 : vector<8x128xf32>
      %min3A_1724 = arith.minimumf %max3A_1672, %get3A_1713 : vector<8x128xf32>
      %max3A_1725 = arith.maximumf %min3A_1724, %max3A_1676 : vector<8x128xf32>
      %select_n3A_1726 = arith.select %ge3A_1720, %add3A_1719, %select_n3A_1673 : vector<8x128xi1>, vector<8x128xi32>
      %select_n3A_1727 = arith.select %ge3A_1723, %select_n3A_1678, %select_n3A_1726 : vector<8x128xi1>, vector<8x128xi32>
      %ge3A_1728 = arith.cmpf oge, %max3A_1681, %get3A_1713 : vector<8x128xf32>
      %min3A_1729 = arith.minimumf %max3A_1676, %get3A_1713 : vector<8x128xf32>
      %max3A_1730 = arith.maximumf %min3A_1729, %max3A_1681 : vector<8x128xf32>
      %select_n3A_1731 = arith.select %ge3A_1723, %add3A_1719, %select_n3A_1678 : vector<8x128xi1>, vector<8x128xi32>
      %select_n3A_1732 = arith.select %ge3A_1728, %select_n3A_1683, %select_n3A_1731 : vector<8x128xi1>, vector<8x128xi32>
      %ge3A_1733 = arith.cmpf oge, %max3A_1686, %get3A_1713 : vector<8x128xf32>
      %min3A_1734 = arith.minimumf %max3A_1681, %get3A_1713 : vector<8x128xf32>
      %max3A_1735 = arith.maximumf %min3A_1734, %max3A_1686 : vector<8x128xf32>
      %select_n3A_1736 = arith.select %ge3A_1728, %add3A_1719, %select_n3A_1683 : vector<8x128xi1>, vector<8x128xi32>
      %select_n3A_1737 = arith.select %ge3A_1733, %select_n3A_1688, %select_n3A_1736 : vector<8x128xi1>, vector<8x128xi32>
      %ge3A_1738 = arith.cmpf oge, %max3A_1691, %get3A_1713 : vector<8x128xf32>
      %min3A_1739 = arith.minimumf %max3A_1686, %get3A_1713 : vector<8x128xf32>
      %max3A_1740 = arith.maximumf %min3A_1739, %max3A_1691 : vector<8x128xf32>
      %select_n3A_1741 = arith.select %ge3A_1733, %add3A_1719, %select_n3A_1688 : vector<8x128xi1>, vector<8x128xi32>
      %select_n3A_1742 = arith.select %ge3A_1738, %select_n3A_1693, %select_n3A_1741 : vector<8x128xi1>, vector<8x128xi32>
      %ge3A_1743 = arith.cmpf oge, %max3A_1696, %get3A_1713 : vector<8x128xf32>
      %min3A_1744 = arith.minimumf %max3A_1691, %get3A_1713 : vector<8x128xf32>
      %max3A_1745 = arith.maximumf %min3A_1744, %max3A_1696 : vector<8x128xf32>
      %select_n3A_1746 = arith.select %ge3A_1738, %add3A_1719, %select_n3A_1693 : vector<8x128xi1>, vector<8x128xi32>
      %select_n3A_1747 = arith.select %ge3A_1743, %select_n3A_1698, %select_n3A_1746 : vector<8x128xi1>, vector<8x128xi32>
      %ge3A_1748 = arith.cmpf oge, %max3A_1701, %get3A_1713 : vector<8x128xf32>
      %min3A_1749 = arith.minimumf %max3A_1696, %get3A_1713 : vector<8x128xf32>
      %max3A_1750 = arith.maximumf %min3A_1749, %max3A_1701 : vector<8x128xf32>
      %select_n3A_1751 = arith.select %ge3A_1743, %add3A_1719, %select_n3A_1698 : vector<8x128xi1>, vector<8x128xi32>
      %select_n3A_1752 = arith.select %ge3A_1748, %select_n3A_1703, %select_n3A_1751 : vector<8x128xi1>, vector<8x128xi32>
      %ge3A_1753 = arith.cmpf oge, %max3A_1706, %get3A_1713 : vector<8x128xf32>
      %min3A_1754 = arith.minimumf %max3A_1701, %get3A_1713 : vector<8x128xf32>
      %max3A_1755 = arith.maximumf %min3A_1754, %max3A_1706 : vector<8x128xf32>
      %select_n3A_1756 = arith.select %ge3A_1748, %add3A_1719, %select_n3A_1703 : vector<8x128xi1>, vector<8x128xi32>
      %select_n3A_1757 = arith.select %ge3A_1753, %select_n3A_1708, %select_n3A_1756 : vector<8x128xi1>, vector<8x128xi32>
      %get3A_1758 = arith.index_cast %add3A_29 : i32 to index
      %get3A_1759 = arith.constant 0 : index
      %get3A_1760 = arith.constant 1408 : index
      %get3A_1761 = vector.load %arg4[%get3A_1758, %get3A_1759, %get3A_1760] : memref<64x8x2048xf32, #tpu.memory_space<vmem>>, vector<1x8x128xf32>
      %get3A_1762 = vector.shape_cast %get3A_1761 : vector<1x8x128xf32> to vector<8x128xf32>
      %mul3A_1763 = arith.constant 16 : i32
      %mul3A_1764 = arith.muli %arg0, %mul3A_1763 : i32
      %add3A_1765 = arith.constant 11 : i32
      %add3A_1766 = arith.addi %mul3A_1764, %add3A_1765 : i32
      %add3A_1767 = vector.broadcast %add3A_1766 : i32 to vector<8x128xi32>
      %add3A_1768 = arith.addi %broadcast_in_dim3A_15, %add3A_1767 : vector<8x128xi32>
      %ge3A_1769 = arith.cmpf oge, %max3A_1721, %get3A_1762 : vector<8x128xf32>
      %max3A_1770 = arith.maximumf %max3A_1721, %get3A_1762 : vector<8x128xf32>
      %select_n3A_1771 = arith.select %ge3A_1769, %select_n3A_1722, %add3A_1768 : vector<8x128xi1>, vector<8x128xi32>
      %ge3A_1772 = arith.cmpf oge, %max3A_1725, %get3A_1762 : vector<8x128xf32>
      %min3A_1773 = arith.minimumf %max3A_1721, %get3A_1762 : vector<8x128xf32>
      %max3A_1774 = arith.maximumf %min3A_1773, %max3A_1725 : vector<8x128xf32>
      %select_n3A_1775 = arith.select %ge3A_1769, %add3A_1768, %select_n3A_1722 : vector<8x128xi1>, vector<8x128xi32>
      %select_n3A_1776 = arith.select %ge3A_1772, %select_n3A_1727, %select_n3A_1775 : vector<8x128xi1>, vector<8x128xi32>
      %ge3A_1777 = arith.cmpf oge, %max3A_1730, %get3A_1762 : vector<8x128xf32>
      %min3A_1778 = arith.minimumf %max3A_1725, %get3A_1762 : vector<8x128xf32>
      %max3A_1779 = arith.maximumf %min3A_1778, %max3A_1730 : vector<8x128xf32>
      %select_n3A_1780 = arith.select %ge3A_1772, %add3A_1768, %select_n3A_1727 : vector<8x128xi1>, vector<8x128xi32>
      %select_n3A_1781 = arith.select %ge3A_1777, %select_n3A_1732, %select_n3A_1780 : vector<8x128xi1>, vector<8x128xi32>
      %ge3A_1782 = arith.cmpf oge, %max3A_1735, %get3A_1762 : vector<8x128xf32>
      %min3A_1783 = arith.minimumf %max3A_1730, %get3A_1762 : vector<8x128xf32>
      %max3A_1784 = arith.maximumf %min3A_1783, %max3A_1735 : vector<8x128xf32>
      %select_n3A_1785 = arith.select %ge3A_1777, %add3A_1768, %select_n3A_1732 : vector<8x128xi1>, vector<8x128xi32>
      %select_n3A_1786 = arith.select %ge3A_1782, %select_n3A_1737, %select_n3A_1785 : vector<8x128xi1>, vector<8x128xi32>
      %ge3A_1787 = arith.cmpf oge, %max3A_1740, %get3A_1762 : vector<8x128xf32>
      %min3A_1788 = arith.minimumf %max3A_1735, %get3A_1762 : vector<8x128xf32>
      %max3A_1789 = arith.maximumf %min3A_1788, %max3A_1740 : vector<8x128xf32>
      %select_n3A_1790 = arith.select %ge3A_1782, %add3A_1768, %select_n3A_1737 : vector<8x128xi1>, vector<8x128xi32>
      %select_n3A_1791 = arith.select %ge3A_1787, %select_n3A_1742, %select_n3A_1790 : vector<8x128xi1>, vector<8x128xi32>
      %ge3A_1792 = arith.cmpf oge, %max3A_1745, %get3A_1762 : vector<8x128xf32>
      %min3A_1793 = arith.minimumf %max3A_1740, %get3A_1762 : vector<8x128xf32>
      %max3A_1794 = arith.maximumf %min3A_1793, %max3A_1745 : vector<8x128xf32>
      %select_n3A_1795 = arith.select %ge3A_1787, %add3A_1768, %select_n3A_1742 : vector<8x128xi1>, vector<8x128xi32>
      %select_n3A_1796 = arith.select %ge3A_1792, %select_n3A_1747, %select_n3A_1795 : vector<8x128xi1>, vector<8x128xi32>
      %ge3A_1797 = arith.cmpf oge, %max3A_1750, %get3A_1762 : vector<8x128xf32>
      %min3A_1798 = arith.minimumf %max3A_1745, %get3A_1762 : vector<8x128xf32>
      %max3A_1799 = arith.maximumf %min3A_1798, %max3A_1750 : vector<8x128xf32>
      %select_n3A_1800 = arith.select %ge3A_1792, %add3A_1768, %select_n3A_1747 : vector<8x128xi1>, vector<8x128xi32>
      %select_n3A_1801 = arith.select %ge3A_1797, %select_n3A_1752, %select_n3A_1800 : vector<8x128xi1>, vector<8x128xi32>
      %ge3A_1802 = arith.cmpf oge, %max3A_1755, %get3A_1762 : vector<8x128xf32>
      %min3A_1803 = arith.minimumf %max3A_1750, %get3A_1762 : vector<8x128xf32>
      %max3A_1804 = arith.maximumf %min3A_1803, %max3A_1755 : vector<8x128xf32>
      %select_n3A_1805 = arith.select %ge3A_1797, %add3A_1768, %select_n3A_1752 : vector<8x128xi1>, vector<8x128xi32>
      %select_n3A_1806 = arith.select %ge3A_1802, %select_n3A_1757, %select_n3A_1805 : vector<8x128xi1>, vector<8x128xi32>
      %get3A_1807 = arith.index_cast %add3A_29 : i32 to index
      %get3A_1808 = arith.constant 0 : index
      %get3A_1809 = arith.constant 1536 : index
      %get3A_1810 = vector.load %arg4[%get3A_1807, %get3A_1808, %get3A_1809] : memref<64x8x2048xf32, #tpu.memory_space<vmem>>, vector<1x8x128xf32>
      %get3A_1811 = vector.shape_cast %get3A_1810 : vector<1x8x128xf32> to vector<8x128xf32>
      %mul3A_1812 = arith.constant 16 : i32
      %mul3A_1813 = arith.muli %arg0, %mul3A_1812 : i32
      %add3A_1814 = arith.constant 12 : i32
      %add3A_1815 = arith.addi %mul3A_1813, %add3A_1814 : i32
      %add3A_1816 = vector.broadcast %add3A_1815 : i32 to vector<8x128xi32>
      %add3A_1817 = arith.addi %broadcast_in_dim3A_15, %add3A_1816 : vector<8x128xi32>
      %ge3A_1818 = arith.cmpf oge, %max3A_1770, %get3A_1811 : vector<8x128xf32>
      %max3A_1819 = arith.maximumf %max3A_1770, %get3A_1811 : vector<8x128xf32>
      %select_n3A_1820 = arith.select %ge3A_1818, %select_n3A_1771, %add3A_1817 : vector<8x128xi1>, vector<8x128xi32>
      %ge3A_1821 = arith.cmpf oge, %max3A_1774, %get3A_1811 : vector<8x128xf32>
      %min3A_1822 = arith.minimumf %max3A_1770, %get3A_1811 : vector<8x128xf32>
      %max3A_1823 = arith.maximumf %min3A_1822, %max3A_1774 : vector<8x128xf32>
      %select_n3A_1824 = arith.select %ge3A_1818, %add3A_1817, %select_n3A_1771 : vector<8x128xi1>, vector<8x128xi32>
      %select_n3A_1825 = arith.select %ge3A_1821, %select_n3A_1776, %select_n3A_1824 : vector<8x128xi1>, vector<8x128xi32>
      %ge3A_1826 = arith.cmpf oge, %max3A_1779, %get3A_1811 : vector<8x128xf32>
      %min3A_1827 = arith.minimumf %max3A_1774, %get3A_1811 : vector<8x128xf32>
      %max3A_1828 = arith.maximumf %min3A_1827, %max3A_1779 : vector<8x128xf32>
      %select_n3A_1829 = arith.select %ge3A_1821, %add3A_1817, %select_n3A_1776 : vector<8x128xi1>, vector<8x128xi32>
      %select_n3A_1830 = arith.select %ge3A_1826, %select_n3A_1781, %select_n3A_1829 : vector<8x128xi1>, vector<8x128xi32>
      %ge3A_1831 = arith.cmpf oge, %max3A_1784, %get3A_1811 : vector<8x128xf32>
      %min3A_1832 = arith.minimumf %max3A_1779, %get3A_1811 : vector<8x128xf32>
      %max3A_1833 = arith.maximumf %min3A_1832, %max3A_1784 : vector<8x128xf32>
      %select_n3A_1834 = arith.select %ge3A_1826, %add3A_1817, %select_n3A_1781 : vector<8x128xi1>, vector<8x128xi32>
      %select_n3A_1835 = arith.select %ge3A_1831, %select_n3A_1786, %select_n3A_1834 : vector<8x128xi1>, vector<8x128xi32>
      %ge3A_1836 = arith.cmpf oge, %max3A_1789, %get3A_1811 : vector<8x128xf32>
      %min3A_1837 = arith.minimumf %max3A_1784, %get3A_1811 : vector<8x128xf32>
      %max3A_1838 = arith.maximumf %min3A_1837, %max3A_1789 : vector<8x128xf32>
      %select_n3A_1839 = arith.select %ge3A_1831, %add3A_1817, %select_n3A_1786 : vector<8x128xi1>, vector<8x128xi32>
      %select_n3A_1840 = arith.select %ge3A_1836, %select_n3A_1791, %select_n3A_1839 : vector<8x128xi1>, vector<8x128xi32>
      %ge3A_1841 = arith.cmpf oge, %max3A_1794, %get3A_1811 : vector<8x128xf32>
      %min3A_1842 = arith.minimumf %max3A_1789, %get3A_1811 : vector<8x128xf32>
      %max3A_1843 = arith.maximumf %min3A_1842, %max3A_1794 : vector<8x128xf32>
      %select_n3A_1844 = arith.select %ge3A_1836, %add3A_1817, %select_n3A_1791 : vector<8x128xi1>, vector<8x128xi32>
      %select_n3A_1845 = arith.select %ge3A_1841, %select_n3A_1796, %select_n3A_1844 : vector<8x128xi1>, vector<8x128xi32>
      %ge3A_1846 = arith.cmpf oge, %max3A_1799, %get3A_1811 : vector<8x128xf32>
      %min3A_1847 = arith.minimumf %max3A_1794, %get3A_1811 : vector<8x128xf32>
      %max3A_1848 = arith.maximumf %min3A_1847, %max3A_1799 : vector<8x128xf32>
      %select_n3A_1849 = arith.select %ge3A_1841, %add3A_1817, %select_n3A_1796 : vector<8x128xi1>, vector<8x128xi32>
      %select_n3A_1850 = arith.select %ge3A_1846, %select_n3A_1801, %select_n3A_1849 : vector<8x128xi1>, vector<8x128xi32>
      %ge3A_1851 = arith.cmpf oge, %max3A_1804, %get3A_1811 : vector<8x128xf32>
      %min3A_1852 = arith.minimumf %max3A_1799, %get3A_1811 : vector<8x128xf32>
      %max3A_1853 = arith.maximumf %min3A_1852, %max3A_1804 : vector<8x128xf32>
      %select_n3A_1854 = arith.select %ge3A_1846, %add3A_1817, %select_n3A_1801 : vector<8x128xi1>, vector<8x128xi32>
      %select_n3A_1855 = arith.select %ge3A_1851, %select_n3A_1806, %select_n3A_1854 : vector<8x128xi1>, vector<8x128xi32>
      %get3A_1856 = arith.index_cast %add3A_29 : i32 to index
      %get3A_1857 = arith.constant 0 : index
      %get3A_1858 = arith.constant 1664 : index
      %get3A_1859 = vector.load %arg4[%get3A_1856, %get3A_1857, %get3A_1858] : memref<64x8x2048xf32, #tpu.memory_space<vmem>>, vector<1x8x128xf32>
      %get3A_1860 = vector.shape_cast %get3A_1859 : vector<1x8x128xf32> to vector<8x128xf32>
      %mul3A_1861 = arith.constant 16 : i32
      %mul3A_1862 = arith.muli %arg0, %mul3A_1861 : i32
      %add3A_1863 = arith.constant 13 : i32
      %add3A_1864 = arith.addi %mul3A_1862, %add3A_1863 : i32
      %add3A_1865 = vector.broadcast %add3A_1864 : i32 to vector<8x128xi32>
      %add3A_1866 = arith.addi %broadcast_in_dim3A_15, %add3A_1865 : vector<8x128xi32>
      %ge3A_1867 = arith.cmpf oge, %max3A_1819, %get3A_1860 : vector<8x128xf32>
      %max3A_1868 = arith.maximumf %max3A_1819, %get3A_1860 : vector<8x128xf32>
      %select_n3A_1869 = arith.select %ge3A_1867, %select_n3A_1820, %add3A_1866 : vector<8x128xi1>, vector<8x128xi32>
      %ge3A_1870 = arith.cmpf oge, %max3A_1823, %get3A_1860 : vector<8x128xf32>
      %min3A_1871 = arith.minimumf %max3A_1819, %get3A_1860 : vector<8x128xf32>
      %max3A_1872 = arith.maximumf %min3A_1871, %max3A_1823 : vector<8x128xf32>
      %select_n3A_1873 = arith.select %ge3A_1867, %add3A_1866, %select_n3A_1820 : vector<8x128xi1>, vector<8x128xi32>
      %select_n3A_1874 = arith.select %ge3A_1870, %select_n3A_1825, %select_n3A_1873 : vector<8x128xi1>, vector<8x128xi32>
      %ge3A_1875 = arith.cmpf oge, %max3A_1828, %get3A_1860 : vector<8x128xf32>
      %min3A_1876 = arith.minimumf %max3A_1823, %get3A_1860 : vector<8x128xf32>
      %max3A_1877 = arith.maximumf %min3A_1876, %max3A_1828 : vector<8x128xf32>
      %select_n3A_1878 = arith.select %ge3A_1870, %add3A_1866, %select_n3A_1825 : vector<8x128xi1>, vector<8x128xi32>
      %select_n3A_1879 = arith.select %ge3A_1875, %select_n3A_1830, %select_n3A_1878 : vector<8x128xi1>, vector<8x128xi32>
      %ge3A_1880 = arith.cmpf oge, %max3A_1833, %get3A_1860 : vector<8x128xf32>
      %min3A_1881 = arith.minimumf %max3A_1828, %get3A_1860 : vector<8x128xf32>
      %max3A_1882 = arith.maximumf %min3A_1881, %max3A_1833 : vector<8x128xf32>
      %select_n3A_1883 = arith.select %ge3A_1875, %add3A_1866, %select_n3A_1830 : vector<8x128xi1>, vector<8x128xi32>
      %select_n3A_1884 = arith.select %ge3A_1880, %select_n3A_1835, %select_n3A_1883 : vector<8x128xi1>, vector<8x128xi32>
      %ge3A_1885 = arith.cmpf oge, %max3A_1838, %get3A_1860 : vector<8x128xf32>
      %min3A_1886 = arith.minimumf %max3A_1833, %get3A_1860 : vector<8x128xf32>
      %max3A_1887 = arith.maximumf %min3A_1886, %max3A_1838 : vector<8x128xf32>
      %select_n3A_1888 = arith.select %ge3A_1880, %add3A_1866, %select_n3A_1835 : vector<8x128xi1>, vector<8x128xi32>
      %select_n3A_1889 = arith.select %ge3A_1885, %select_n3A_1840, %select_n3A_1888 : vector<8x128xi1>, vector<8x128xi32>
      %ge3A_1890 = arith.cmpf oge, %max3A_1843, %get3A_1860 : vector<8x128xf32>
      %min3A_1891 = arith.minimumf %max3A_1838, %get3A_1860 : vector<8x128xf32>
      %max3A_1892 = arith.maximumf %min3A_1891, %max3A_1843 : vector<8x128xf32>
      %select_n3A_1893 = arith.select %ge3A_1885, %add3A_1866, %select_n3A_1840 : vector<8x128xi1>, vector<8x128xi32>
      %select_n3A_1894 = arith.select %ge3A_1890, %select_n3A_1845, %select_n3A_1893 : vector<8x128xi1>, vector<8x128xi32>
      %ge3A_1895 = arith.cmpf oge, %max3A_1848, %get3A_1860 : vector<8x128xf32>
      %min3A_1896 = arith.minimumf %max3A_1843, %get3A_1860 : vector<8x128xf32>
      %max3A_1897 = arith.maximumf %min3A_1896, %max3A_1848 : vector<8x128xf32>
      %select_n3A_1898 = arith.select %ge3A_1890, %add3A_1866, %select_n3A_1845 : vector<8x128xi1>, vector<8x128xi32>
      %select_n3A_1899 = arith.select %ge3A_1895, %select_n3A_1850, %select_n3A_1898 : vector<8x128xi1>, vector<8x128xi32>
      %ge3A_1900 = arith.cmpf oge, %max3A_1853, %get3A_1860 : vector<8x128xf32>
      %min3A_1901 = arith.minimumf %max3A_1848, %get3A_1860 : vector<8x128xf32>
      %max3A_1902 = arith.maximumf %min3A_1901, %max3A_1853 : vector<8x128xf32>
      %select_n3A_1903 = arith.select %ge3A_1895, %add3A_1866, %select_n3A_1850 : vector<8x128xi1>, vector<8x128xi32>
      %select_n3A_1904 = arith.select %ge3A_1900, %select_n3A_1855, %select_n3A_1903 : vector<8x128xi1>, vector<8x128xi32>
      %get3A_1905 = arith.index_cast %add3A_29 : i32 to index
      %get3A_1906 = arith.constant 0 : index
      %get3A_1907 = arith.constant 1792 : index
      %get3A_1908 = vector.load %arg4[%get3A_1905, %get3A_1906, %get3A_1907] : memref<64x8x2048xf32, #tpu.memory_space<vmem>>, vector<1x8x128xf32>
      %get3A_1909 = vector.shape_cast %get3A_1908 : vector<1x8x128xf32> to vector<8x128xf32>
      %mul3A_1910 = arith.constant 16 : i32
      %mul3A_1911 = arith.muli %arg0, %mul3A_1910 : i32
      %add3A_1912 = arith.constant 14 : i32
      %add3A_1913 = arith.addi %mul3A_1911, %add3A_1912 : i32
      %add3A_1914 = vector.broadcast %add3A_1913 : i32 to vector<8x128xi32>
      %add3A_1915 = arith.addi %broadcast_in_dim3A_15, %add3A_1914 : vector<8x128xi32>
      %ge3A_1916 = arith.cmpf oge, %max3A_1868, %get3A_1909 : vector<8x128xf32>
      %max3A_1917 = arith.maximumf %max3A_1868, %get3A_1909 : vector<8x128xf32>
      %select_n3A_1918 = arith.select %ge3A_1916, %select_n3A_1869, %add3A_1915 : vector<8x128xi1>, vector<8x128xi32>
      %ge3A_1919 = arith.cmpf oge, %max3A_1872, %get3A_1909 : vector<8x128xf32>
      %min3A_1920 = arith.minimumf %max3A_1868, %get3A_1909 : vector<8x128xf32>
      %max3A_1921 = arith.maximumf %min3A_1920, %max3A_1872 : vector<8x128xf32>
      %select_n3A_1922 = arith.select %ge3A_1916, %add3A_1915, %select_n3A_1869 : vector<8x128xi1>, vector<8x128xi32>
      %select_n3A_1923 = arith.select %ge3A_1919, %select_n3A_1874, %select_n3A_1922 : vector<8x128xi1>, vector<8x128xi32>
      %ge3A_1924 = arith.cmpf oge, %max3A_1877, %get3A_1909 : vector<8x128xf32>
      %min3A_1925 = arith.minimumf %max3A_1872, %get3A_1909 : vector<8x128xf32>
      %max3A_1926 = arith.maximumf %min3A_1925, %max3A_1877 : vector<8x128xf32>
      %select_n3A_1927 = arith.select %ge3A_1919, %add3A_1915, %select_n3A_1874 : vector<8x128xi1>, vector<8x128xi32>
      %select_n3A_1928 = arith.select %ge3A_1924, %select_n3A_1879, %select_n3A_1927 : vector<8x128xi1>, vector<8x128xi32>
      %ge3A_1929 = arith.cmpf oge, %max3A_1882, %get3A_1909 : vector<8x128xf32>
      %min3A_1930 = arith.minimumf %max3A_1877, %get3A_1909 : vector<8x128xf32>
      %max3A_1931 = arith.maximumf %min3A_1930, %max3A_1882 : vector<8x128xf32>
      %select_n3A_1932 = arith.select %ge3A_1924, %add3A_1915, %select_n3A_1879 : vector<8x128xi1>, vector<8x128xi32>
      %select_n3A_1933 = arith.select %ge3A_1929, %select_n3A_1884, %select_n3A_1932 : vector<8x128xi1>, vector<8x128xi32>
      %ge3A_1934 = arith.cmpf oge, %max3A_1887, %get3A_1909 : vector<8x128xf32>
      %min3A_1935 = arith.minimumf %max3A_1882, %get3A_1909 : vector<8x128xf32>
      %max3A_1936 = arith.maximumf %min3A_1935, %max3A_1887 : vector<8x128xf32>
      %select_n3A_1937 = arith.select %ge3A_1929, %add3A_1915, %select_n3A_1884 : vector<8x128xi1>, vector<8x128xi32>
      %select_n3A_1938 = arith.select %ge3A_1934, %select_n3A_1889, %select_n3A_1937 : vector<8x128xi1>, vector<8x128xi32>
      %ge3A_1939 = arith.cmpf oge, %max3A_1892, %get3A_1909 : vector<8x128xf32>
      %min3A_1940 = arith.minimumf %max3A_1887, %get3A_1909 : vector<8x128xf32>
      %max3A_1941 = arith.maximumf %min3A_1940, %max3A_1892 : vector<8x128xf32>
      %select_n3A_1942 = arith.select %ge3A_1934, %add3A_1915, %select_n3A_1889 : vector<8x128xi1>, vector<8x128xi32>
      %select_n3A_1943 = arith.select %ge3A_1939, %select_n3A_1894, %select_n3A_1942 : vector<8x128xi1>, vector<8x128xi32>
      %ge3A_1944 = arith.cmpf oge, %max3A_1897, %get3A_1909 : vector<8x128xf32>
      %min3A_1945 = arith.minimumf %max3A_1892, %get3A_1909 : vector<8x128xf32>
      %max3A_1946 = arith.maximumf %min3A_1945, %max3A_1897 : vector<8x128xf32>
      %select_n3A_1947 = arith.select %ge3A_1939, %add3A_1915, %select_n3A_1894 : vector<8x128xi1>, vector<8x128xi32>
      %select_n3A_1948 = arith.select %ge3A_1944, %select_n3A_1899, %select_n3A_1947 : vector<8x128xi1>, vector<8x128xi32>
      %ge3A_1949 = arith.cmpf oge, %max3A_1902, %get3A_1909 : vector<8x128xf32>
      %min3A_1950 = arith.minimumf %max3A_1897, %get3A_1909 : vector<8x128xf32>
      %max3A_1951 = arith.maximumf %min3A_1950, %max3A_1902 : vector<8x128xf32>
      %select_n3A_1952 = arith.select %ge3A_1944, %add3A_1915, %select_n3A_1899 : vector<8x128xi1>, vector<8x128xi32>
      %select_n3A_1953 = arith.select %ge3A_1949, %select_n3A_1904, %select_n3A_1952 : vector<8x128xi1>, vector<8x128xi32>
      %get3A_1954 = arith.index_cast %add3A_29 : i32 to index
      %get3A_1955 = arith.constant 0 : index
      %get3A_1956 = arith.constant 1920 : index
      %get3A_1957 = vector.load %arg4[%get3A_1954, %get3A_1955, %get3A_1956] : memref<64x8x2048xf32, #tpu.memory_space<vmem>>, vector<1x8x128xf32>
      %get3A_1958 = vector.shape_cast %get3A_1957 : vector<1x8x128xf32> to vector<8x128xf32>
      %mul3A_1959 = arith.constant 16 : i32
      %mul3A_1960 = arith.muli %arg0, %mul3A_1959 : i32
      %add3A_1961 = arith.constant 15 : i32
      %add3A_1962 = arith.addi %mul3A_1960, %add3A_1961 : i32
      %add3A_1963 = vector.broadcast %add3A_1962 : i32 to vector<8x128xi32>
      %add3A_1964 = arith.addi %broadcast_in_dim3A_15, %add3A_1963 : vector<8x128xi32>
      %ge3A_1965 = arith.cmpf oge, %max3A_1917, %get3A_1958 : vector<8x128xf32>
      %max3A_1966 = arith.maximumf %max3A_1917, %get3A_1958 : vector<8x128xf32>
      %select_n3A_1967 = arith.select %ge3A_1965, %select_n3A_1918, %add3A_1964 : vector<8x128xi1>, vector<8x128xi32>
      %ge3A_1968 = arith.cmpf oge, %max3A_1921, %get3A_1958 : vector<8x128xf32>
      %min3A_1969 = arith.minimumf %max3A_1917, %get3A_1958 : vector<8x128xf32>
      %max3A_1970 = arith.maximumf %min3A_1969, %max3A_1921 : vector<8x128xf32>
      %select_n3A_1971 = arith.select %ge3A_1965, %add3A_1964, %select_n3A_1918 : vector<8x128xi1>, vector<8x128xi32>
      %select_n3A_1972 = arith.select %ge3A_1968, %select_n3A_1923, %select_n3A_1971 : vector<8x128xi1>, vector<8x128xi32>
      %ge3A_1973 = arith.cmpf oge, %max3A_1926, %get3A_1958 : vector<8x128xf32>
      %min3A_1974 = arith.minimumf %max3A_1921, %get3A_1958 : vector<8x128xf32>
      %max3A_1975 = arith.maximumf %min3A_1974, %max3A_1926 : vector<8x128xf32>
      %select_n3A_1976 = arith.select %ge3A_1968, %add3A_1964, %select_n3A_1923 : vector<8x128xi1>, vector<8x128xi32>
      %select_n3A_1977 = arith.select %ge3A_1973, %select_n3A_1928, %select_n3A_1976 : vector<8x128xi1>, vector<8x128xi32>
      %ge3A_1978 = arith.cmpf oge, %max3A_1931, %get3A_1958 : vector<8x128xf32>
      %min3A_1979 = arith.minimumf %max3A_1926, %get3A_1958 : vector<8x128xf32>
      %max3A_1980 = arith.maximumf %min3A_1979, %max3A_1931 : vector<8x128xf32>
      %select_n3A_1981 = arith.select %ge3A_1973, %add3A_1964, %select_n3A_1928 : vector<8x128xi1>, vector<8x128xi32>
      %select_n3A_1982 = arith.select %ge3A_1978, %select_n3A_1933, %select_n3A_1981 : vector<8x128xi1>, vector<8x128xi32>
      %ge3A_1983 = arith.cmpf oge, %max3A_1936, %get3A_1958 : vector<8x128xf32>
      %min3A_1984 = arith.minimumf %max3A_1931, %get3A_1958 : vector<8x128xf32>
      %max3A_1985 = arith.maximumf %min3A_1984, %max3A_1936 : vector<8x128xf32>
      %select_n3A_1986 = arith.select %ge3A_1978, %add3A_1964, %select_n3A_1933 : vector<8x128xi1>, vector<8x128xi32>
      %select_n3A_1987 = arith.select %ge3A_1983, %select_n3A_1938, %select_n3A_1986 : vector<8x128xi1>, vector<8x128xi32>
      %ge3A_1988 = arith.cmpf oge, %max3A_1941, %get3A_1958 : vector<8x128xf32>
      %min3A_1989 = arith.minimumf %max3A_1936, %get3A_1958 : vector<8x128xf32>
      %max3A_1990 = arith.maximumf %min3A_1989, %max3A_1941 : vector<8x128xf32>
      %select_n3A_1991 = arith.select %ge3A_1983, %add3A_1964, %select_n3A_1938 : vector<8x128xi1>, vector<8x128xi32>
      %select_n3A_1992 = arith.select %ge3A_1988, %select_n3A_1943, %select_n3A_1991 : vector<8x128xi1>, vector<8x128xi32>
      %ge3A_1993 = arith.cmpf oge, %max3A_1946, %get3A_1958 : vector<8x128xf32>
      %min3A_1994 = arith.minimumf %max3A_1941, %get3A_1958 : vector<8x128xf32>
      %max3A_1995 = arith.maximumf %min3A_1994, %max3A_1946 : vector<8x128xf32>
      %select_n3A_1996 = arith.select %ge3A_1988, %add3A_1964, %select_n3A_1943 : vector<8x128xi1>, vector<8x128xi32>
      %select_n3A_1997 = arith.select %ge3A_1993, %select_n3A_1948, %select_n3A_1996 : vector<8x128xi1>, vector<8x128xi32>
      %ge3A_1998 = arith.cmpf oge, %max3A_1951, %get3A_1958 : vector<8x128xf32>
      %min3A_1999 = arith.minimumf %max3A_1946, %get3A_1958 : vector<8x128xf32>
      %max3A_2000 = arith.maximumf %min3A_1999, %max3A_1951 : vector<8x128xf32>
      %select_n3A_2001 = arith.select %ge3A_1993, %add3A_1964, %select_n3A_1948 : vector<8x128xi1>, vector<8x128xi32>
      %select_n3A_2002 = arith.select %ge3A_1998, %select_n3A_1953, %select_n3A_2001 : vector<8x128xi1>, vector<8x128xi32>
      %swap3A_2003 = arith.index_cast %add3A_29 : i32 to index
      %swap3A_2004 = arith.constant 0 : index
      %swap3A_2005 = arith.constant 0 : index
      %swap3A_2006 = arith.constant 0 : index
      %swap3A_2007 = vector.load %arg5[%swap3A_2003, %swap3A_2004, %swap3A_2005, %swap3A_2006] : memref<64x8x8x128xf32, #tpu.memory_space<vmem>>, vector<1x1x8x128xf32>
      %swap3A_2008 = vector.shape_cast %swap3A_2007 : vector<1x1x8x128xf32> to vector<8x128xf32>
      %swap3A_2009 = vector.shape_cast %max3A_1966 : vector<8x128xf32> to vector<1x1x8x128xf32>
      tpu.vector_store %arg5[%swap3A_2003, %swap3A_2004, %swap3A_2005, %swap3A_2006], %swap3A_2009 {strides = array<i32>} : memref<64x8x8x128xf32, #tpu.memory_space<vmem>>, vector<1x1x8x128xf32>,
      %swap3A_2010 = arith.index_cast %add3A_29 : i32 to index
      %swap3A_2011 = arith.constant 0 : index
      %swap3A_2012 = arith.constant 0 : index
      %swap3A_2013 = arith.constant 0 : index
      %swap3A_2014 = vector.load %arg6[%swap3A_2010, %swap3A_2011, %swap3A_2012, %swap3A_2013] : memref<64x8x8x128xi32, #tpu.memory_space<vmem>>, vector<1x1x8x128xi32>
      %swap3A_2015 = vector.shape_cast %swap3A_2014 : vector<1x1x8x128xi32> to vector<8x128xi32>
      %swap3A_2016 = vector.shape_cast %select_n3A_1967 : vector<8x128xi32> to vector<1x1x8x128xi32>
      tpu.vector_store %arg6[%swap3A_2010, %swap3A_2011, %swap3A_2012, %swap3A_2013], %swap3A_2016 {strides = array<i32>} : memref<64x8x8x128xi32, #tpu.memory_space<vmem>>, vector<1x1x8x128xi32>,
      %swap3A_2017 = arith.index_cast %add3A_29 : i32 to index
      %swap3A_2018 = arith.constant 1 : index
      %swap3A_2019 = arith.constant 0 : index
      %swap3A_2020 = arith.constant 0 : index
      %swap3A_2021 = vector.load %arg5[%swap3A_2017, %swap3A_2018, %swap3A_2019, %swap3A_2020] : memref<64x8x8x128xf32, #tpu.memory_space<vmem>>, vector<1x1x8x128xf32>
      %swap3A_2022 = vector.shape_cast %swap3A_2021 : vector<1x1x8x128xf32> to vector<8x128xf32>
      %swap3A_2023 = vector.shape_cast %max3A_1970 : vector<8x128xf32> to vector<1x1x8x128xf32>
      tpu.vector_store %arg5[%swap3A_2017, %swap3A_2018, %swap3A_2019, %swap3A_2020], %swap3A_2023 {strides = array<i32>} : memref<64x8x8x128xf32, #tpu.memory_space<vmem>>, vector<1x1x8x128xf32>,
      %swap3A_2024 = arith.index_cast %add3A_29 : i32 to index
      %swap3A_2025 = arith.constant 1 : index
      %swap3A_2026 = arith.constant 0 : index
      %swap3A_2027 = arith.constant 0 : index
      %swap3A_2028 = vector.load %arg6[%swap3A_2024, %swap3A_2025, %swap3A_2026, %swap3A_2027] : memref<64x8x8x128xi32, #tpu.memory_space<vmem>>, vector<1x1x8x128xi32>
      %swap3A_2029 = vector.shape_cast %swap3A_2028 : vector<1x1x8x128xi32> to vector<8x128xi32>
      %swap3A_2030 = vector.shape_cast %select_n3A_1972 : vector<8x128xi32> to vector<1x1x8x128xi32>
      tpu.vector_store %arg6[%swap3A_2024, %swap3A_2025, %swap3A_2026, %swap3A_2027], %swap3A_2030 {strides = array<i32>} : memref<64x8x8x128xi32, #tpu.memory_space<vmem>>, vector<1x1x8x128xi32>,
      %swap3A_2031 = arith.index_cast %add3A_29 : i32 to index
      %swap3A_2032 = arith.constant 2 : index
      %swap3A_2033 = arith.constant 0 : index
      %swap3A_2034 = arith.constant 0 : index
      %swap3A_2035 = vector.load %arg5[%swap3A_2031, %swap3A_2032, %swap3A_2033, %swap3A_2034] : memref<64x8x8x128xf32, #tpu.memory_space<vmem>>, vector<1x1x8x128xf32>
      %swap3A_2036 = vector.shape_cast %swap3A_2035 : vector<1x1x8x128xf32> to vector<8x128xf32>
      %swap3A_2037 = vector.shape_cast %max3A_1975 : vector<8x128xf32> to vector<1x1x8x128xf32>
      tpu.vector_store %arg5[%swap3A_2031, %swap3A_2032, %swap3A_2033, %swap3A_2034], %swap3A_2037 {strides = array<i32>} : memref<64x8x8x128xf32, #tpu.memory_space<vmem>>, vector<1x1x8x128xf32>,
      %swap3A_2038 = arith.index_cast %add3A_29 : i32 to index
      %swap3A_2039 = arith.constant 2 : index
      %swap3A_2040 = arith.constant 0 : index
      %swap3A_2041 = arith.constant 0 : index
      %swap3A_2042 = vector.load %arg6[%swap3A_2038, %swap3A_2039, %swap3A_2040, %swap3A_2041] : memref<64x8x8x128xi32, #tpu.memory_space<vmem>>, vector<1x1x8x128xi32>
      %swap3A_2043 = vector.shape_cast %swap3A_2042 : vector<1x1x8x128xi32> to vector<8x128xi32>
      %swap3A_2044 = vector.shape_cast %select_n3A_1977 : vector<8x128xi32> to vector<1x1x8x128xi32>
      tpu.vector_store %arg6[%swap3A_2038, %swap3A_2039, %swap3A_2040, %swap3A_2041], %swap3A_2044 {strides = array<i32>} : memref<64x8x8x128xi32, #tpu.memory_space<vmem>>, vector<1x1x8x128xi32>,
      %swap3A_2045 = arith.index_cast %add3A_29 : i32 to index
      %swap3A_2046 = arith.constant 3 : index
      %swap3A_2047 = arith.constant 0 : index
      %swap3A_2048 = arith.constant 0 : index
      %swap3A_2049 = vector.load %arg5[%swap3A_2045, %swap3A_2046, %swap3A_2047, %swap3A_2048] : memref<64x8x8x128xf32, #tpu.memory_space<vmem>>, vector<1x1x8x128xf32>
      %swap3A_2050 = vector.shape_cast %swap3A_2049 : vector<1x1x8x128xf32> to vector<8x128xf32>
      %swap3A_2051 = vector.shape_cast %max3A_1980 : vector<8x128xf32> to vector<1x1x8x128xf32>
      tpu.vector_store %arg5[%swap3A_2045, %swap3A_2046, %swap3A_2047, %swap3A_2048], %swap3A_2051 {strides = array<i32>} : memref<64x8x8x128xf32, #tpu.memory_space<vmem>>, vector<1x1x8x128xf32>,
      %swap3A_2052 = arith.index_cast %add3A_29 : i32 to index
      %swap3A_2053 = arith.constant 3 : index
      %swap3A_2054 = arith.constant 0 : index
      %swap3A_2055 = arith.constant 0 : index
      %swap3A_2056 = vector.load %arg6[%swap3A_2052, %swap3A_2053, %swap3A_2054, %swap3A_2055] : memref<64x8x8x128xi32, #tpu.memory_space<vmem>>, vector<1x1x8x128xi32>
      %swap3A_2057 = vector.shape_cast %swap3A_2056 : vector<1x1x8x128xi32> to vector<8x128xi32>
      %swap3A_2058 = vector.shape_cast %select_n3A_1982 : vector<8x128xi32> to vector<1x1x8x128xi32>
      tpu.vector_store %arg6[%swap3A_2052, %swap3A_2053, %swap3A_2054, %swap3A_2055], %swap3A_2058 {strides = array<i32>} : memref<64x8x8x128xi32, #tpu.memory_space<vmem>>, vector<1x1x8x128xi32>,
      %swap3A_2059 = arith.index_cast %add3A_29 : i32 to index
      %swap3A_2060 = arith.constant 4 : index
      %swap3A_2061 = arith.constant 0 : index
      %swap3A_2062 = arith.constant 0 : index
      %swap3A_2063 = vector.load %arg5[%swap3A_2059, %swap3A_2060, %swap3A_2061, %swap3A_2062] : memref<64x8x8x128xf32, #tpu.memory_space<vmem>>, vector<1x1x8x128xf32>
      %swap3A_2064 = vector.shape_cast %swap3A_2063 : vector<1x1x8x128xf32> to vector<8x128xf32>
      %swap3A_2065 = vector.shape_cast %max3A_1985 : vector<8x128xf32> to vector<1x1x8x128xf32>
      tpu.vector_store %arg5[%swap3A_2059, %swap3A_2060, %swap3A_2061, %swap3A_2062], %swap3A_2065 {strides = array<i32>} : memref<64x8x8x128xf32, #tpu.memory_space<vmem>>, vector<1x1x8x128xf32>,
      %swap3A_2066 = arith.index_cast %add3A_29 : i32 to index
      %swap3A_2067 = arith.constant 4 : index
      %swap3A_2068 = arith.constant 0 : index
      %swap3A_2069 = arith.constant 0 : index
      %swap3A_2070 = vector.load %arg6[%swap3A_2066, %swap3A_2067, %swap3A_2068, %swap3A_2069] : memref<64x8x8x128xi32, #tpu.memory_space<vmem>>, vector<1x1x8x128xi32>
      %swap3A_2071 = vector.shape_cast %swap3A_2070 : vector<1x1x8x128xi32> to vector<8x128xi32>
      %swap3A_2072 = vector.shape_cast %select_n3A_1987 : vector<8x128xi32> to vector<1x1x8x128xi32>
      tpu.vector_store %arg6[%swap3A_2066, %swap3A_2067, %swap3A_2068, %swap3A_2069], %swap3A_2072 {strides = array<i32>} : memref<64x8x8x128xi32, #tpu.memory_space<vmem>>, vector<1x1x8x128xi32>,
      %swap3A_2073 = arith.index_cast %add3A_29 : i32 to index
      %swap3A_2074 = arith.constant 5 : index
      %swap3A_2075 = arith.constant 0 : index
      %swap3A_2076 = arith.constant 0 : index
      %swap3A_2077 = vector.load %arg5[%swap3A_2073, %swap3A_2074, %swap3A_2075, %swap3A_2076] : memref<64x8x8x128xf32, #tpu.memory_space<vmem>>, vector<1x1x8x128xf32>
      %swap3A_2078 = vector.shape_cast %swap3A_2077 : vector<1x1x8x128xf32> to vector<8x128xf32>
      %swap3A_2079 = vector.shape_cast %max3A_1990 : vector<8x128xf32> to vector<1x1x8x128xf32>
      tpu.vector_store %arg5[%swap3A_2073, %swap3A_2074, %swap3A_2075, %swap3A_2076], %swap3A_2079 {strides = array<i32>} : memref<64x8x8x128xf32, #tpu.memory_space<vmem>>, vector<1x1x8x128xf32>,
      %swap3A_2080 = arith.index_cast %add3A_29 : i32 to index
      %swap3A_2081 = arith.constant 5 : index
      %swap3A_2082 = arith.constant 0 : index
      %swap3A_2083 = arith.constant 0 : index
      %swap3A_2084 = vector.load %arg6[%swap3A_2080, %swap3A_2081, %swap3A_2082, %swap3A_2083] : memref<64x8x8x128xi32, #tpu.memory_space<vmem>>, vector<1x1x8x128xi32>
      %swap3A_2085 = vector.shape_cast %swap3A_2084 : vector<1x1x8x128xi32> to vector<8x128xi32>
      %swap3A_2086 = vector.shape_cast %select_n3A_1992 : vector<8x128xi32> to vector<1x1x8x128xi32>
      tpu.vector_store %arg6[%swap3A_2080, %swap3A_2081, %swap3A_2082, %swap3A_2083], %swap3A_2086 {strides = array<i32>} : memref<64x8x8x128xi32, #tpu.memory_space<vmem>>, vector<1x1x8x128xi32>,
      %swap3A_2087 = arith.index_cast %add3A_29 : i32 to index
      %swap3A_2088 = arith.constant 6 : index
      %swap3A_2089 = arith.constant 0 : index
      %swap3A_2090 = arith.constant 0 : index
      %swap3A_2091 = vector.load %arg5[%swap3A_2087, %swap3A_2088, %swap3A_2089, %swap3A_2090] : memref<64x8x8x128xf32, #tpu.memory_space<vmem>>, vector<1x1x8x128xf32>
      %swap3A_2092 = vector.shape_cast %swap3A_2091 : vector<1x1x8x128xf32> to vector<8x128xf32>
      %swap3A_2093 = vector.shape_cast %max3A_1995 : vector<8x128xf32> to vector<1x1x8x128xf32>
      tpu.vector_store %arg5[%swap3A_2087, %swap3A_2088, %swap3A_2089, %swap3A_2090], %swap3A_2093 {strides = array<i32>} : memref<64x8x8x128xf32, #tpu.memory_space<vmem>>, vector<1x1x8x128xf32>,
      %swap3A_2094 = arith.index_cast %add3A_29 : i32 to index
      %swap3A_2095 = arith.constant 6 : index
      %swap3A_2096 = arith.constant 0 : index
      %swap3A_2097 = arith.constant 0 : index
      %swap3A_2098 = vector.load %arg6[%swap3A_2094, %swap3A_2095, %swap3A_2096, %swap3A_2097] : memref<64x8x8x128xi32, #tpu.memory_space<vmem>>, vector<1x1x8x128xi32>
      %swap3A_2099 = vector.shape_cast %swap3A_2098 : vector<1x1x8x128xi32> to vector<8x128xi32>
      %swap3A_2100 = vector.shape_cast %select_n3A_1997 : vector<8x128xi32> to vector<1x1x8x128xi32>
      tpu.vector_store %arg6[%swap3A_2094, %swap3A_2095, %swap3A_2096, %swap3A_2097], %swap3A_2100 {strides = array<i32>} : memref<64x8x8x128xi32, #tpu.memory_space<vmem>>, vector<1x1x8x128xi32>,
      %swap3A_2101 = arith.index_cast %add3A_29 : i32 to index
      %swap3A_2102 = arith.constant 7 : index
      %swap3A_2103 = arith.constant 0 : index
      %swap3A_2104 = arith.constant 0 : index
      %swap3A_2105 = vector.load %arg5[%swap3A_2101, %swap3A_2102, %swap3A_2103, %swap3A_2104] : memref<64x8x8x128xf32, #tpu.memory_space<vmem>>, vector<1x1x8x128xf32>
      %swap3A_2106 = vector.shape_cast %swap3A_2105 : vector<1x1x8x128xf32> to vector<8x128xf32>
      %swap3A_2107 = vector.shape_cast %max3A_2000 : vector<8x128xf32> to vector<1x1x8x128xf32>
      tpu.vector_store %arg5[%swap3A_2101, %swap3A_2102, %swap3A_2103, %swap3A_2104], %swap3A_2107 {strides = array<i32>} : memref<64x8x8x128xf32, #tpu.memory_space<vmem>>, vector<1x1x8x128xf32>,
      %swap3A_2108 = arith.index_cast %add3A_29 : i32 to index
      %swap3A_2109 = arith.constant 7 : index
      %swap3A_2110 = arith.constant 0 : index
      %swap3A_2111 = arith.constant 0 : index
      %swap3A_2112 = vector.load %arg6[%swap3A_2108, %swap3A_2109, %swap3A_2110, %swap3A_2111] : memref<64x8x8x128xi32, #tpu.memory_space<vmem>>, vector<1x1x8x128xi32>
      %swap3A_2113 = vector.shape_cast %swap3A_2112 : vector<1x1x8x128xi32> to vector<8x128xi32>
      %swap3A_2114 = vector.shape_cast %select_n3A_2002 : vector<8x128xi32> to vector<1x1x8x128xi32>
      tpu.vector_store %arg6[%swap3A_2108, %swap3A_2109, %swap3A_2110, %swap3A_2111], %swap3A_2114 {strides = array<i32>} : memref<64x8x8x128xi32, #tpu.memory_space<vmem>>, vector<1x1x8x128xi32>,
      %get3A_2115 = arith.index_cast %add3A_33 : i32 to index
      %get3A_2116 = arith.constant 0 : index
      %get3A_2117 = arith.constant 0 : index
      %get3A_2118 = arith.constant 0 : index
      %get3A_2119 = vector.load %arg5[%get3A_2115, %get3A_2116, %get3A_2117, %get3A_2118] : memref<64x8x8x128xf32, #tpu.memory_space<vmem>>, vector<1x1x8x128xf32>
      %get3A_2120 = vector.shape_cast %get3A_2119 : vector<1x1x8x128xf32> to vector<8x128xf32>
      %jit3A_2121 = arith.constant 0xFF800000 : f32
      %broadcast_in_dim3A_2122 = vector.broadcast %jit3A_2121 : f32 to vector<8x128xf32>
      %select_n3A_2123 = arith.select %eq3A_13, %broadcast_in_dim3A_2122, %get3A_2120 : vector<8x128xf32>
      %get3A_2124 = arith.index_cast %add3A_33 : i32 to index
      %get3A_2125 = arith.constant 1 : index
      %get3A_2126 = arith.constant 0 : index
      %get3A_2127 = arith.constant 0 : index
      %get3A_2128 = vector.load %arg5[%get3A_2124, %get3A_2125, %get3A_2126, %get3A_2127] : memref<64x8x8x128xf32, #tpu.memory_space<vmem>>, vector<1x1x8x128xf32>
      %get3A_2129 = vector.shape_cast %get3A_2128 : vector<1x1x8x128xf32> to vector<8x128xf32>
      %jit3A_2130 = arith.constant 0xFF800000 : f32
      %broadcast_in_dim3A_2131 = vector.broadcast %jit3A_2130 : f32 to vector<8x128xf32>
      %select_n3A_2132 = arith.select %eq3A_13, %broadcast_in_dim3A_2131, %get3A_2129 : vector<8x128xf32>
      %get3A_2133 = arith.index_cast %add3A_33 : i32 to index
      %get3A_2134 = arith.constant 2 : index
      %get3A_2135 = arith.constant 0 : index
      %get3A_2136 = arith.constant 0 : index
      %get3A_2137 = vector.load %arg5[%get3A_2133, %get3A_2134, %get3A_2135, %get3A_2136] : memref<64x8x8x128xf32, #tpu.memory_space<vmem>>, vector<1x1x8x128xf32>
      %get3A_2138 = vector.shape_cast %get3A_2137 : vector<1x1x8x128xf32> to vector<8x128xf32>
      %jit3A_2139 = arith.constant 0xFF800000 : f32
      %broadcast_in_dim3A_2140 = vector.broadcast %jit3A_2139 : f32 to vector<8x128xf32>
      %select_n3A_2141 = arith.select %eq3A_13, %broadcast_in_dim3A_2140, %get3A_2138 : vector<8x128xf32>
      %get3A_2142 = arith.index_cast %add3A_33 : i32 to index
      %get3A_2143 = arith.constant 3 : index
      %get3A_2144 = arith.constant 0 : index
      %get3A_2145 = arith.constant 0 : index
      %get3A_2146 = vector.load %arg5[%get3A_2142, %get3A_2143, %get3A_2144, %get3A_2145] : memref<64x8x8x128xf32, #tpu.memory_space<vmem>>, vector<1x1x8x128xf32>
      %get3A_2147 = vector.shape_cast %get3A_2146 : vector<1x1x8x128xf32> to vector<8x128xf32>
      %jit3A_2148 = arith.constant 0xFF800000 : f32
      %broadcast_in_dim3A_2149 = vector.broadcast %jit3A_2148 : f32 to vector<8x128xf32>
      %select_n3A_2150 = arith.select %eq3A_13, %broadcast_in_dim3A_2149, %get3A_2147 : vector<8x128xf32>
      %get3A_2151 = arith.index_cast %add3A_33 : i32 to index
      %get3A_2152 = arith.constant 4 : index
      %get3A_2153 = arith.constant 0 : index
      %get3A_2154 = arith.constant 0 : index
      %get3A_2155 = vector.load %arg5[%get3A_2151, %get3A_2152, %get3A_2153, %get3A_2154] : memref<64x8x8x128xf32, #tpu.memory_space<vmem>>, vector<1x1x8x128xf32>
      %get3A_2156 = vector.shape_cast %get3A_2155 : vector<1x1x8x128xf32> to vector<8x128xf32>
      %jit3A_2157 = arith.constant 0xFF800000 : f32
      %broadcast_in_dim3A_2158 = vector.broadcast %jit3A_2157 : f32 to vector<8x128xf32>
      %select_n3A_2159 = arith.select %eq3A_13, %broadcast_in_dim3A_2158, %get3A_2156 : vector<8x128xf32>
      %get3A_2160 = arith.index_cast %add3A_33 : i32 to index
      %get3A_2161 = arith.constant 5 : index
      %get3A_2162 = arith.constant 0 : index
      %get3A_2163 = arith.constant 0 : index
      %get3A_2164 = vector.load %arg5[%get3A_2160, %get3A_2161, %get3A_2162, %get3A_2163] : memref<64x8x8x128xf32, #tpu.memory_space<vmem>>, vector<1x1x8x128xf32>
      %get3A_2165 = vector.shape_cast %get3A_2164 : vector<1x1x8x128xf32> to vector<8x128xf32>
      %jit3A_2166 = arith.constant 0xFF800000 : f32
      %broadcast_in_dim3A_2167 = vector.broadcast %jit3A_2166 : f32 to vector<8x128xf32>
      %select_n3A_2168 = arith.select %eq3A_13, %broadcast_in_dim3A_2167, %get3A_2165 : vector<8x128xf32>
      %get3A_2169 = arith.index_cast %add3A_33 : i32 to index
      %get3A_2170 = arith.constant 6 : index
      %get3A_2171 = arith.constant 0 : index
      %get3A_2172 = arith.constant 0 : index
      %get3A_2173 = vector.load %arg5[%get3A_2169, %get3A_2170, %get3A_2171, %get3A_2172] : memref<64x8x8x128xf32, #tpu.memory_space<vmem>>, vector<1x1x8x128xf32>
      %get3A_2174 = vector.shape_cast %get3A_2173 : vector<1x1x8x128xf32> to vector<8x128xf32>
      %jit3A_2175 = arith.constant 0xFF800000 : f32
      %broadcast_in_dim3A_2176 = vector.broadcast %jit3A_2175 : f32 to vector<8x128xf32>
      %select_n3A_2177 = arith.select %eq3A_13, %broadcast_in_dim3A_2176, %get3A_2174 : vector<8x128xf32>
      %get3A_2178 = arith.index_cast %add3A_33 : i32 to index
      %get3A_2179 = arith.constant 7 : index
      %get3A_2180 = arith.constant 0 : index
      %get3A_2181 = arith.constant 0 : index
      %get3A_2182 = vector.load %arg5[%get3A_2178, %get3A_2179, %get3A_2180, %get3A_2181] : memref<64x8x8x128xf32, #tpu.memory_space<vmem>>, vector<1x1x8x128xf32>
      %get3A_2183 = vector.shape_cast %get3A_2182 : vector<1x1x8x128xf32> to vector<8x128xf32>
      %jit3A_2184 = arith.constant 0xFF800000 : f32
      %broadcast_in_dim3A_2185 = vector.broadcast %jit3A_2184 : f32 to vector<8x128xf32>
      %select_n3A_2186 = arith.select %eq3A_13, %broadcast_in_dim3A_2185, %get3A_2183 : vector<8x128xf32>
      %get3A_2187 = arith.index_cast %add3A_33 : i32 to index
      %get3A_2188 = arith.constant 0 : index
      %get3A_2189 = arith.constant 0 : index
      %get3A_2190 = arith.constant 0 : index
      %get3A_2191 = vector.load %arg6[%get3A_2187, %get3A_2188, %get3A_2189, %get3A_2190] : memref<64x8x8x128xi32, #tpu.memory_space<vmem>>, vector<1x1x8x128xi32>
      %get3A_2192 = vector.shape_cast %get3A_2191 : vector<1x1x8x128xi32> to vector<8x128xi32>
      %jit3A_2193 = arith.constant 0 : i32
      %broadcast_in_dim3A_2194 = vector.broadcast %jit3A_2193 : i32 to vector<8x128xi32>
      %select_n3A_2195 = arith.select %eq3A_13, %broadcast_in_dim3A_2194, %get3A_2192 : vector<8x128xi32>
      %get3A_2196 = arith.index_cast %add3A_33 : i32 to index
      %get3A_2197 = arith.constant 1 : index
      %get3A_2198 = arith.constant 0 : index
      %get3A_2199 = arith.constant 0 : index
      %get3A_2200 = vector.load %arg6[%get3A_2196, %get3A_2197, %get3A_2198, %get3A_2199] : memref<64x8x8x128xi32, #tpu.memory_space<vmem>>, vector<1x1x8x128xi32>
      %get3A_2201 = vector.shape_cast %get3A_2200 : vector<1x1x8x128xi32> to vector<8x128xi32>
      %jit3A_2202 = arith.constant 0 : i32
      %broadcast_in_dim3A_2203 = vector.broadcast %jit3A_2202 : i32 to vector<8x128xi32>
      %select_n3A_2204 = arith.select %eq3A_13, %broadcast_in_dim3A_2203, %get3A_2201 : vector<8x128xi32>
      %get3A_2205 = arith.index_cast %add3A_33 : i32 to index
      %get3A_2206 = arith.constant 2 : index
      %get3A_2207 = arith.constant 0 : index
      %get3A_2208 = arith.constant 0 : index
      %get3A_2209 = vector.load %arg6[%get3A_2205, %get3A_2206, %get3A_2207, %get3A_2208] : memref<64x8x8x128xi32, #tpu.memory_space<vmem>>, vector<1x1x8x128xi32>
      %get3A_2210 = vector.shape_cast %get3A_2209 : vector<1x1x8x128xi32> to vector<8x128xi32>
      %jit3A_2211 = arith.constant 0 : i32
      %broadcast_in_dim3A_2212 = vector.broadcast %jit3A_2211 : i32 to vector<8x128xi32>
      %select_n3A_2213 = arith.select %eq3A_13, %broadcast_in_dim3A_2212, %get3A_2210 : vector<8x128xi32>
      %get3A_2214 = arith.index_cast %add3A_33 : i32 to index
      %get3A_2215 = arith.constant 3 : index
      %get3A_2216 = arith.constant 0 : index
      %get3A_2217 = arith.constant 0 : index
      %get3A_2218 = vector.load %arg6[%get3A_2214, %get3A_2215, %get3A_2216, %get3A_2217] : memref<64x8x8x128xi32, #tpu.memory_space<vmem>>, vector<1x1x8x128xi32>
      %get3A_2219 = vector.shape_cast %get3A_2218 : vector<1x1x8x128xi32> to vector<8x128xi32>
      %jit3A_2220 = arith.constant 0 : i32
      %broadcast_in_dim3A_2221 = vector.broadcast %jit3A_2220 : i32 to vector<8x128xi32>
      %select_n3A_2222 = arith.select %eq3A_13, %broadcast_in_dim3A_2221, %get3A_2219 : vector<8x128xi32>
      %get3A_2223 = arith.index_cast %add3A_33 : i32 to index
      %get3A_2224 = arith.constant 4 : index
      %get3A_2225 = arith.constant 0 : index
      %get3A_2226 = arith.constant 0 : index
      %get3A_2227 = vector.load %arg6[%get3A_2223, %get3A_2224, %get3A_2225, %get3A_2226] : memref<64x8x8x128xi32, #tpu.memory_space<vmem>>, vector<1x1x8x128xi32>
      %get3A_2228 = vector.shape_cast %get3A_2227 : vector<1x1x8x128xi32> to vector<8x128xi32>
      %jit3A_2229 = arith.constant 0 : i32
      %broadcast_in_dim3A_2230 = vector.broadcast %jit3A_2229 : i32 to vector<8x128xi32>
      %select_n3A_2231 = arith.select %eq3A_13, %broadcast_in_dim3A_2230, %get3A_2228 : vector<8x128xi32>
      %get3A_2232 = arith.index_cast %add3A_33 : i32 to index
      %get3A_2233 = arith.constant 5 : index
      %get3A_2234 = arith.constant 0 : index
      %get3A_2235 = arith.constant 0 : index
      %get3A_2236 = vector.load %arg6[%get3A_2232, %get3A_2233, %get3A_2234, %get3A_2235] : memref<64x8x8x128xi32, #tpu.memory_space<vmem>>, vector<1x1x8x128xi32>
      %get3A_2237 = vector.shape_cast %get3A_2236 : vector<1x1x8x128xi32> to vector<8x128xi32>
      %jit3A_2238 = arith.constant 0 : i32
      %broadcast_in_dim3A_2239 = vector.broadcast %jit3A_2238 : i32 to vector<8x128xi32>
      %select_n3A_2240 = arith.select %eq3A_13, %broadcast_in_dim3A_2239, %get3A_2237 : vector<8x128xi32>
      %get3A_2241 = arith.index_cast %add3A_33 : i32 to index
      %get3A_2242 = arith.constant 6 : index
      %get3A_2243 = arith.constant 0 : index
      %get3A_2244 = arith.constant 0 : index
      %get3A_2245 = vector.load %arg6[%get3A_2241, %get3A_2242, %get3A_2243, %get3A_2244] : memref<64x8x8x128xi32, #tpu.memory_space<vmem>>, vector<1x1x8x128xi32>
      %get3A_2246 = vector.shape_cast %get3A_2245 : vector<1x1x8x128xi32> to vector<8x128xi32>
      %jit3A_2247 = arith.constant 0 : i32
      %broadcast_in_dim3A_2248 = vector.broadcast %jit3A_2247 : i32 to vector<8x128xi32>
      %select_n3A_2249 = arith.select %eq3A_13, %broadcast_in_dim3A_2248, %get3A_2246 : vector<8x128xi32>
      %get3A_2250 = arith.index_cast %add3A_33 : i32 to index
      %get3A_2251 = arith.constant 7 : index
      %get3A_2252 = arith.constant 0 : index
      %get3A_2253 = arith.constant 0 : index
      %get3A_2254 = vector.load %arg6[%get3A_2250, %get3A_2251, %get3A_2252, %get3A_2253] : memref<64x8x8x128xi32, #tpu.memory_space<vmem>>, vector<1x1x8x128xi32>
      %get3A_2255 = vector.shape_cast %get3A_2254 : vector<1x1x8x128xi32> to vector<8x128xi32>
      %jit3A_2256 = arith.constant 0 : i32
      %broadcast_in_dim3A_2257 = vector.broadcast %jit3A_2256 : i32 to vector<8x128xi32>
      %select_n3A_2258 = arith.select %eq3A_13, %broadcast_in_dim3A_2257, %get3A_2255 : vector<8x128xi32>
      %get3A_2259 = arith.index_cast %add3A_33 : i32 to index
      %get3A_2260 = arith.constant 0 : index
      %get3A_2261 = arith.constant 0 : index
      %get3A_2262 = vector.load %arg4[%get3A_2259, %get3A_2260, %get3A_2261] : memref<64x8x2048xf32, #tpu.memory_space<vmem>>, vector<1x8x128xf32>
      %get3A_2263 = vector.shape_cast %get3A_2262 : vector<1x8x128xf32> to vector<8x128xf32>
      %mul3A_2264 = arith.constant 16 : i32
      %mul3A_2265 = arith.muli %arg0, %mul3A_2264 : i32
      %add3A_2266 = arith.constant 0 : i32
      %add3A_2267 = arith.addi %mul3A_2265, %add3A_2266 : i32
      %add3A_2268 = vector.broadcast %add3A_2267 : i32 to vector<8x128xi32>
      %add3A_2269 = arith.addi %broadcast_in_dim3A_15, %add3A_2268 : vector<8x128xi32>
      %ge3A_2270 = arith.cmpf oge, %select_n3A_2123, %get3A_2263 : vector<8x128xf32>
      %max3A_2271 = arith.maximumf %select_n3A_2123, %get3A_2263 : vector<8x128xf32>
      %select_n3A_2272 = arith.select %ge3A_2270, %select_n3A_2195, %add3A_2269 : vector<8x128xi1>, vector<8x128xi32>
      %ge3A_2273 = arith.cmpf oge, %select_n3A_2132, %get3A_2263 : vector<8x128xf32>
      %min3A_2274 = arith.minimumf %select_n3A_2123, %get3A_2263 : vector<8x128xf32>
      %max3A_2275 = arith.maximumf %min3A_2274, %select_n3A_2132 : vector<8x128xf32>
      %select_n3A_2276 = arith.select %ge3A_2270, %add3A_2269, %select_n3A_2195 : vector<8x128xi1>, vector<8x128xi32>
      %select_n3A_2277 = arith.select %ge3A_2273, %select_n3A_2204, %select_n3A_2276 : vector<8x128xi1>, vector<8x128xi32>
      %ge3A_2278 = arith.cmpf oge, %select_n3A_2141, %get3A_2263 : vector<8x128xf32>
      %min3A_2279 = arith.minimumf %select_n3A_2132, %get3A_2263 : vector<8x128xf32>
      %max3A_2280 = arith.maximumf %min3A_2279, %select_n3A_2141 : vector<8x128xf32>
      %select_n3A_2281 = arith.select %ge3A_2273, %add3A_2269, %select_n3A_2204 : vector<8x128xi1>, vector<8x128xi32>
      %select_n3A_2282 = arith.select %ge3A_2278, %select_n3A_2213, %select_n3A_2281 : vector<8x128xi1>, vector<8x128xi32>
      %ge3A_2283 = arith.cmpf oge, %select_n3A_2150, %get3A_2263 : vector<8x128xf32>
      %min3A_2284 = arith.minimumf %select_n3A_2141, %get3A_2263 : vector<8x128xf32>
      %max3A_2285 = arith.maximumf %min3A_2284, %select_n3A_2150 : vector<8x128xf32>
      %select_n3A_2286 = arith.select %ge3A_2278, %add3A_2269, %select_n3A_2213 : vector<8x128xi1>, vector<8x128xi32>
      %select_n3A_2287 = arith.select %ge3A_2283, %select_n3A_2222, %select_n3A_2286 : vector<8x128xi1>, vector<8x128xi32>
      %ge3A_2288 = arith.cmpf oge, %select_n3A_2159, %get3A_2263 : vector<8x128xf32>
      %min3A_2289 = arith.minimumf %select_n3A_2150, %get3A_2263 : vector<8x128xf32>
      %max3A_2290 = arith.maximumf %min3A_2289, %select_n3A_2159 : vector<8x128xf32>
      %select_n3A_2291 = arith.select %ge3A_2283, %add3A_2269, %select_n3A_2222 : vector<8x128xi1>, vector<8x128xi32>
      %select_n3A_2292 = arith.select %ge3A_2288, %select_n3A_2231, %select_n3A_2291 : vector<8x128xi1>, vector<8x128xi32>
      %ge3A_2293 = arith.cmpf oge, %select_n3A_2168, %get3A_2263 : vector<8x128xf32>
      %min3A_2294 = arith.minimumf %select_n3A_2159, %get3A_2263 : vector<8x128xf32>
      %max3A_2295 = arith.maximumf %min3A_2294, %select_n3A_2168 : vector<8x128xf32>
      %select_n3A_2296 = arith.select %ge3A_2288, %add3A_2269, %select_n3A_2231 : vector<8x128xi1>, vector<8x128xi32>
      %select_n3A_2297 = arith.select %ge3A_2293, %select_n3A_2240, %select_n3A_2296 : vector<8x128xi1>, vector<8x128xi32>
      %ge3A_2298 = arith.cmpf oge, %select_n3A_2177, %get3A_2263 : vector<8x128xf32>
      %min3A_2299 = arith.minimumf %select_n3A_2168, %get3A_2263 : vector<8x128xf32>
      %max3A_2300 = arith.maximumf %min3A_2299, %select_n3A_2177 : vector<8x128xf32>
      %select_n3A_2301 = arith.select %ge3A_2293, %add3A_2269, %select_n3A_2240 : vector<8x128xi1>, vector<8x128xi32>
      %select_n3A_2302 = arith.select %ge3A_2298, %select_n3A_2249, %select_n3A_2301 : vector<8x128xi1>, vector<8x128xi32>
      %ge3A_2303 = arith.cmpf oge, %select_n3A_2186, %get3A_2263 : vector<8x128xf32>
      %min3A_2304 = arith.minimumf %select_n3A_2177, %get3A_2263 : vector<8x128xf32>
      %max3A_2305 = arith.maximumf %min3A_2304, %select_n3A_2186 : vector<8x128xf32>
      %select_n3A_2306 = arith.select %ge3A_2298, %add3A_2269, %select_n3A_2249 : vector<8x128xi1>, vector<8x128xi32>
      %select_n3A_2307 = arith.select %ge3A_2303, %select_n3A_2258, %select_n3A_2306 : vector<8x128xi1>, vector<8x128xi32>
      %get3A_2308 = arith.index_cast %add3A_33 : i32 to index
      %get3A_2309 = arith.constant 0 : index
      %get3A_2310 = arith.constant 128 : index
      %get3A_2311 = vector.load %arg4[%get3A_2308, %get3A_2309, %get3A_2310] : memref<64x8x2048xf32, #tpu.memory_space<vmem>>, vector<1x8x128xf32>
      %get3A_2312 = vector.shape_cast %get3A_2311 : vector<1x8x128xf32> to vector<8x128xf32>
      %mul3A_2313 = arith.constant 16 : i32
      %mul3A_2314 = arith.muli %arg0, %mul3A_2313 : i32
      %add3A_2315 = arith.constant 1 : i32
      %add3A_2316 = arith.addi %mul3A_2314, %add3A_2315 : i32
      %add3A_2317 = vector.broadcast %add3A_2316 : i32 to vector<8x128xi32>
      %add3A_2318 = arith.addi %broadcast_in_dim3A_15, %add3A_2317 : vector<8x128xi32>
      %ge3A_2319 = arith.cmpf oge, %max3A_2271, %get3A_2312 : vector<8x128xf32>
      %max3A_2320 = arith.maximumf %max3A_2271, %get3A_2312 : vector<8x128xf32>
      %select_n3A_2321 = arith.select %ge3A_2319, %select_n3A_2272, %add3A_2318 : vector<8x128xi1>, vector<8x128xi32>
      %ge3A_2322 = arith.cmpf oge, %max3A_2275, %get3A_2312 : vector<8x128xf32>
      %min3A_2323 = arith.minimumf %max3A_2271, %get3A_2312 : vector<8x128xf32>
      %max3A_2324 = arith.maximumf %min3A_2323, %max3A_2275 : vector<8x128xf32>
      %select_n3A_2325 = arith.select %ge3A_2319, %add3A_2318, %select_n3A_2272 : vector<8x128xi1>, vector<8x128xi32>
      %select_n3A_2326 = arith.select %ge3A_2322, %select_n3A_2277, %select_n3A_2325 : vector<8x128xi1>, vector<8x128xi32>
      %ge3A_2327 = arith.cmpf oge, %max3A_2280, %get3A_2312 : vector<8x128xf32>
      %min3A_2328 = arith.minimumf %max3A_2275, %get3A_2312 : vector<8x128xf32>
      %max3A_2329 = arith.maximumf %min3A_2328, %max3A_2280 : vector<8x128xf32>
      %select_n3A_2330 = arith.select %ge3A_2322, %add3A_2318, %select_n3A_2277 : vector<8x128xi1>, vector<8x128xi32>
      %select_n3A_2331 = arith.select %ge3A_2327, %select_n3A_2282, %select_n3A_2330 : vector<8x128xi1>, vector<8x128xi32>
      %ge3A_2332 = arith.cmpf oge, %max3A_2285, %get3A_2312 : vector<8x128xf32>
      %min3A_2333 = arith.minimumf %max3A_2280, %get3A_2312 : vector<8x128xf32>
      %max3A_2334 = arith.maximumf %min3A_2333, %max3A_2285 : vector<8x128xf32>
      %select_n3A_2335 = arith.select %ge3A_2327, %add3A_2318, %select_n3A_2282 : vector<8x128xi1>, vector<8x128xi32>
      %select_n3A_2336 = arith.select %ge3A_2332, %select_n3A_2287, %select_n3A_2335 : vector<8x128xi1>, vector<8x128xi32>
      %ge3A_2337 = arith.cmpf oge, %max3A_2290, %get3A_2312 : vector<8x128xf32>
      %min3A_2338 = arith.minimumf %max3A_2285, %get3A_2312 : vector<8x128xf32>
      %max3A_2339 = arith.maximumf %min3A_2338, %max3A_2290 : vector<8x128xf32>
      %select_n3A_2340 = arith.select %ge3A_2332, %add3A_2318, %select_n3A_2287 : vector<8x128xi1>, vector<8x128xi32>
      %select_n3A_2341 = arith.select %ge3A_2337, %select_n3A_2292, %select_n3A_2340 : vector<8x128xi1>, vector<8x128xi32>
      %ge3A_2342 = arith.cmpf oge, %max3A_2295, %get3A_2312 : vector<8x128xf32>
      %min3A_2343 = arith.minimumf %max3A_2290, %get3A_2312 : vector<8x128xf32>
      %max3A_2344 = arith.maximumf %min3A_2343, %max3A_2295 : vector<8x128xf32>
      %select_n3A_2345 = arith.select %ge3A_2337, %add3A_2318, %select_n3A_2292 : vector<8x128xi1>, vector<8x128xi32>
      %select_n3A_2346 = arith.select %ge3A_2342, %select_n3A_2297, %select_n3A_2345 : vector<8x128xi1>, vector<8x128xi32>
      %ge3A_2347 = arith.cmpf oge, %max3A_2300, %get3A_2312 : vector<8x128xf32>
      %min3A_2348 = arith.minimumf %max3A_2295, %get3A_2312 : vector<8x128xf32>
      %max3A_2349 = arith.maximumf %min3A_2348, %max3A_2300 : vector<8x128xf32>
      %select_n3A_2350 = arith.select %ge3A_2342, %add3A_2318, %select_n3A_2297 : vector<8x128xi1>, vector<8x128xi32>
      %select_n3A_2351 = arith.select %ge3A_2347, %select_n3A_2302, %select_n3A_2350 : vector<8x128xi1>, vector<8x128xi32>
      %ge3A_2352 = arith.cmpf oge, %max3A_2305, %get3A_2312 : vector<8x128xf32>
      %min3A_2353 = arith.minimumf %max3A_2300, %get3A_2312 : vector<8x128xf32>
      %max3A_2354 = arith.maximumf %min3A_2353, %max3A_2305 : vector<8x128xf32>
      %select_n3A_2355 = arith.select %ge3A_2347, %add3A_2318, %select_n3A_2302 : vector<8x128xi1>, vector<8x128xi32>
      %select_n3A_2356 = arith.select %ge3A_2352, %select_n3A_2307, %select_n3A_2355 : vector<8x128xi1>, vector<8x128xi32>
      %get3A_2357 = arith.index_cast %add3A_33 : i32 to index
      %get3A_2358 = arith.constant 0 : index
      %get3A_2359 = arith.constant 256 : index
      %get3A_2360 = vector.load %arg4[%get3A_2357, %get3A_2358, %get3A_2359] : memref<64x8x2048xf32, #tpu.memory_space<vmem>>, vector<1x8x128xf32>
      %get3A_2361 = vector.shape_cast %get3A_2360 : vector<1x8x128xf32> to vector<8x128xf32>
      %mul3A_2362 = arith.constant 16 : i32
      %mul3A_2363 = arith.muli %arg0, %mul3A_2362 : i32
      %add3A_2364 = arith.constant 2 : i32
      %add3A_2365 = arith.addi %mul3A_2363, %add3A_2364 : i32
      %add3A_2366 = vector.broadcast %add3A_2365 : i32 to vector<8x128xi32>
      %add3A_2367 = arith.addi %broadcast_in_dim3A_15, %add3A_2366 : vector<8x128xi32>
      %ge3A_2368 = arith.cmpf oge, %max3A_2320, %get3A_2361 : vector<8x128xf32>
      %max3A_2369 = arith.maximumf %max3A_2320, %get3A_2361 : vector<8x128xf32>
      %select_n3A_2370 = arith.select %ge3A_2368, %select_n3A_2321, %add3A_2367 : vector<8x128xi1>, vector<8x128xi32>
      %ge3A_2371 = arith.cmpf oge, %max3A_2324, %get3A_2361 : vector<8x128xf32>
      %min3A_2372 = arith.minimumf %max3A_2320, %get3A_2361 : vector<8x128xf32>
      %max3A_2373 = arith.maximumf %min3A_2372, %max3A_2324 : vector<8x128xf32>
      %select_n3A_2374 = arith.select %ge3A_2368, %add3A_2367, %select_n3A_2321 : vector<8x128xi1>, vector<8x128xi32>
      %select_n3A_2375 = arith.select %ge3A_2371, %select_n3A_2326, %select_n3A_2374 : vector<8x128xi1>, vector<8x128xi32>
      %ge3A_2376 = arith.cmpf oge, %max3A_2329, %get3A_2361 : vector<8x128xf32>
      %min3A_2377 = arith.minimumf %max3A_2324, %get3A_2361 : vector<8x128xf32>
      %max3A_2378 = arith.maximumf %min3A_2377, %max3A_2329 : vector<8x128xf32>
      %select_n3A_2379 = arith.select %ge3A_2371, %add3A_2367, %select_n3A_2326 : vector<8x128xi1>, vector<8x128xi32>
      %select_n3A_2380 = arith.select %ge3A_2376, %select_n3A_2331, %select_n3A_2379 : vector<8x128xi1>, vector<8x128xi32>
      %ge3A_2381 = arith.cmpf oge, %max3A_2334, %get3A_2361 : vector<8x128xf32>
      %min3A_2382 = arith.minimumf %max3A_2329, %get3A_2361 : vector<8x128xf32>
      %max3A_2383 = arith.maximumf %min3A_2382, %max3A_2334 : vector<8x128xf32>
      %select_n3A_2384 = arith.select %ge3A_2376, %add3A_2367, %select_n3A_2331 : vector<8x128xi1>, vector<8x128xi32>
      %select_n3A_2385 = arith.select %ge3A_2381, %select_n3A_2336, %select_n3A_2384 : vector<8x128xi1>, vector<8x128xi32>
      %ge3A_2386 = arith.cmpf oge, %max3A_2339, %get3A_2361 : vector<8x128xf32>
      %min3A_2387 = arith.minimumf %max3A_2334, %get3A_2361 : vector<8x128xf32>
      %max3A_2388 = arith.maximumf %min3A_2387, %max3A_2339 : vector<8x128xf32>
      %select_n3A_2389 = arith.select %ge3A_2381, %add3A_2367, %select_n3A_2336 : vector<8x128xi1>, vector<8x128xi32>
      %select_n3A_2390 = arith.select %ge3A_2386, %select_n3A_2341, %select_n3A_2389 : vector<8x128xi1>, vector<8x128xi32>
      %ge3A_2391 = arith.cmpf oge, %max3A_2344, %get3A_2361 : vector<8x128xf32>
      %min3A_2392 = arith.minimumf %max3A_2339, %get3A_2361 : vector<8x128xf32>
      %max3A_2393 = arith.maximumf %min3A_2392, %max3A_2344 : vector<8x128xf32>
      %select_n3A_2394 = arith.select %ge3A_2386, %add3A_2367, %select_n3A_2341 : vector<8x128xi1>, vector<8x128xi32>
      %select_n3A_2395 = arith.select %ge3A_2391, %select_n3A_2346, %select_n3A_2394 : vector<8x128xi1>, vector<8x128xi32>
      %ge3A_2396 = arith.cmpf oge, %max3A_2349, %get3A_2361 : vector<8x128xf32>
      %min3A_2397 = arith.minimumf %max3A_2344, %get3A_2361 : vector<8x128xf32>
      %max3A_2398 = arith.maximumf %min3A_2397, %max3A_2349 : vector<8x128xf32>
      %select_n3A_2399 = arith.select %ge3A_2391, %add3A_2367, %select_n3A_2346 : vector<8x128xi1>, vector<8x128xi32>
      %select_n3A_2400 = arith.select %ge3A_2396, %select_n3A_2351, %select_n3A_2399 : vector<8x128xi1>, vector<8x128xi32>
      %ge3A_2401 = arith.cmpf oge, %max3A_2354, %get3A_2361 : vector<8x128xf32>
      %min3A_2402 = arith.minimumf %max3A_2349, %get3A_2361 : vector<8x128xf32>
      %max3A_2403 = arith.maximumf %min3A_2402, %max3A_2354 : vector<8x128xf32>
      %select_n3A_2404 = arith.select %ge3A_2396, %add3A_2367, %select_n3A_2351 : vector<8x128xi1>, vector<8x128xi32>
      %select_n3A_2405 = arith.select %ge3A_2401, %select_n3A_2356, %select_n3A_2404 : vector<8x128xi1>, vector<8x128xi32>
      %get3A_2406 = arith.index_cast %add3A_33 : i32 to index
      %get3A_2407 = arith.constant 0 : index
      %get3A_2408 = arith.constant 384 : index
      %get3A_2409 = vector.load %arg4[%get3A_2406, %get3A_2407, %get3A_2408] : memref<64x8x2048xf32, #tpu.memory_space<vmem>>, vector<1x8x128xf32>
      %get3A_2410 = vector.shape_cast %get3A_2409 : vector<1x8x128xf32> to vector<8x128xf32>
      %mul3A_2411 = arith.constant 16 : i32
      %mul3A_2412 = arith.muli %arg0, %mul3A_2411 : i32
      %add3A_2413 = arith.constant 3 : i32
      %add3A_2414 = arith.addi %mul3A_2412, %add3A_2413 : i32
      %add3A_2415 = vector.broadcast %add3A_2414 : i32 to vector<8x128xi32>
      %add3A_2416 = arith.addi %broadcast_in_dim3A_15, %add3A_2415 : vector<8x128xi32>
      %ge3A_2417 = arith.cmpf oge, %max3A_2369, %get3A_2410 : vector<8x128xf32>
      %max3A_2418 = arith.maximumf %max3A_2369, %get3A_2410 : vector<8x128xf32>
      %select_n3A_2419 = arith.select %ge3A_2417, %select_n3A_2370, %add3A_2416 : vector<8x128xi1>, vector<8x128xi32>
      %ge3A_2420 = arith.cmpf oge, %max3A_2373, %get3A_2410 : vector<8x128xf32>
      %min3A_2421 = arith.minimumf %max3A_2369, %get3A_2410 : vector<8x128xf32>
      %max3A_2422 = arith.maximumf %min3A_2421, %max3A_2373 : vector<8x128xf32>
      %select_n3A_2423 = arith.select %ge3A_2417, %add3A_2416, %select_n3A_2370 : vector<8x128xi1>, vector<8x128xi32>
      %select_n3A_2424 = arith.select %ge3A_2420, %select_n3A_2375, %select_n3A_2423 : vector<8x128xi1>, vector<8x128xi32>
      %ge3A_2425 = arith.cmpf oge, %max3A_2378, %get3A_2410 : vector<8x128xf32>
      %min3A_2426 = arith.minimumf %max3A_2373, %get3A_2410 : vector<8x128xf32>
      %max3A_2427 = arith.maximumf %min3A_2426, %max3A_2378 : vector<8x128xf32>
      %select_n3A_2428 = arith.select %ge3A_2420, %add3A_2416, %select_n3A_2375 : vector<8x128xi1>, vector<8x128xi32>
      %select_n3A_2429 = arith.select %ge3A_2425, %select_n3A_2380, %select_n3A_2428 : vector<8x128xi1>, vector<8x128xi32>
      %ge3A_2430 = arith.cmpf oge, %max3A_2383, %get3A_2410 : vector<8x128xf32>
      %min3A_2431 = arith.minimumf %max3A_2378, %get3A_2410 : vector<8x128xf32>
      %max3A_2432 = arith.maximumf %min3A_2431, %max3A_2383 : vector<8x128xf32>
      %select_n3A_2433 = arith.select %ge3A_2425, %add3A_2416, %select_n3A_2380 : vector<8x128xi1>, vector<8x128xi32>
      %select_n3A_2434 = arith.select %ge3A_2430, %select_n3A_2385, %select_n3A_2433 : vector<8x128xi1>, vector<8x128xi32>
      %ge3A_2435 = arith.cmpf oge, %max3A_2388, %get3A_2410 : vector<8x128xf32>
      %min3A_2436 = arith.minimumf %max3A_2383, %get3A_2410 : vector<8x128xf32>
      %max3A_2437 = arith.maximumf %min3A_2436, %max3A_2388 : vector<8x128xf32>
      %select_n3A_2438 = arith.select %ge3A_2430, %add3A_2416, %select_n3A_2385 : vector<8x128xi1>, vector<8x128xi32>
      %select_n3A_2439 = arith.select %ge3A_2435, %select_n3A_2390, %select_n3A_2438 : vector<8x128xi1>, vector<8x128xi32>
      %ge3A_2440 = arith.cmpf oge, %max3A_2393, %get3A_2410 : vector<8x128xf32>
      %min3A_2441 = arith.minimumf %max3A_2388, %get3A_2410 : vector<8x128xf32>
      %max3A_2442 = arith.maximumf %min3A_2441, %max3A_2393 : vector<8x128xf32>
      %select_n3A_2443 = arith.select %ge3A_2435, %add3A_2416, %select_n3A_2390 : vector<8x128xi1>, vector<8x128xi32>
      %select_n3A_2444 = arith.select %ge3A_2440, %select_n3A_2395, %select_n3A_2443 : vector<8x128xi1>, vector<8x128xi32>
      %ge3A_2445 = arith.cmpf oge, %max3A_2398, %get3A_2410 : vector<8x128xf32>
      %min3A_2446 = arith.minimumf %max3A_2393, %get3A_2410 : vector<8x128xf32>
      %max3A_2447 = arith.maximumf %min3A_2446, %max3A_2398 : vector<8x128xf32>
      %select_n3A_2448 = arith.select %ge3A_2440, %add3A_2416, %select_n3A_2395 : vector<8x128xi1>, vector<8x128xi32>
      %select_n3A_2449 = arith.select %ge3A_2445, %select_n3A_2400, %select_n3A_2448 : vector<8x128xi1>, vector<8x128xi32>
      %ge3A_2450 = arith.cmpf oge, %max3A_2403, %get3A_2410 : vector<8x128xf32>
      %min3A_2451 = arith.minimumf %max3A_2398, %get3A_2410 : vector<8x128xf32>
      %max3A_2452 = arith.maximumf %min3A_2451, %max3A_2403 : vector<8x128xf32>
      %select_n3A_2453 = arith.select %ge3A_2445, %add3A_2416, %select_n3A_2400 : vector<8x128xi1>, vector<8x128xi32>
      %select_n3A_2454 = arith.select %ge3A_2450, %select_n3A_2405, %select_n3A_2453 : vector<8x128xi1>, vector<8x128xi32>
      %get3A_2455 = arith.index_cast %add3A_33 : i32 to index
      %get3A_2456 = arith.constant 0 : index
      %get3A_2457 = arith.constant 512 : index
      %get3A_2458 = vector.load %arg4[%get3A_2455, %get3A_2456, %get3A_2457] : memref<64x8x2048xf32, #tpu.memory_space<vmem>>, vector<1x8x128xf32>
      %get3A_2459 = vector.shape_cast %get3A_2458 : vector<1x8x128xf32> to vector<8x128xf32>
      %mul3A_2460 = arith.constant 16 : i32
      %mul3A_2461 = arith.muli %arg0, %mul3A_2460 : i32
      %add3A_2462 = arith.constant 4 : i32
      %add3A_2463 = arith.addi %mul3A_2461, %add3A_2462 : i32
      %add3A_2464 = vector.broadcast %add3A_2463 : i32 to vector<8x128xi32>
      %add3A_2465 = arith.addi %broadcast_in_dim3A_15, %add3A_2464 : vector<8x128xi32>
      %ge3A_2466 = arith.cmpf oge, %max3A_2418, %get3A_2459 : vector<8x128xf32>
      %max3A_2467 = arith.maximumf %max3A_2418, %get3A_2459 : vector<8x128xf32>
      %select_n3A_2468 = arith.select %ge3A_2466, %select_n3A_2419, %add3A_2465 : vector<8x128xi1>, vector<8x128xi32>
      %ge3A_2469 = arith.cmpf oge, %max3A_2422, %get3A_2459 : vector<8x128xf32>
      %min3A_2470 = arith.minimumf %max3A_2418, %get3A_2459 : vector<8x128xf32>
      %max3A_2471 = arith.maximumf %min3A_2470, %max3A_2422 : vector<8x128xf32>
      %select_n3A_2472 = arith.select %ge3A_2466, %add3A_2465, %select_n3A_2419 : vector<8x128xi1>, vector<8x128xi32>
      %select_n3A_2473 = arith.select %ge3A_2469, %select_n3A_2424, %select_n3A_2472 : vector<8x128xi1>, vector<8x128xi32>
      %ge3A_2474 = arith.cmpf oge, %max3A_2427, %get3A_2459 : vector<8x128xf32>
      %min3A_2475 = arith.minimumf %max3A_2422, %get3A_2459 : vector<8x128xf32>
      %max3A_2476 = arith.maximumf %min3A_2475, %max3A_2427 : vector<8x128xf32>
      %select_n3A_2477 = arith.select %ge3A_2469, %add3A_2465, %select_n3A_2424 : vector<8x128xi1>, vector<8x128xi32>
      %select_n3A_2478 = arith.select %ge3A_2474, %select_n3A_2429, %select_n3A_2477 : vector<8x128xi1>, vector<8x128xi32>
      %ge3A_2479 = arith.cmpf oge, %max3A_2432, %get3A_2459 : vector<8x128xf32>
      %min3A_2480 = arith.minimumf %max3A_2427, %get3A_2459 : vector<8x128xf32>
      %max3A_2481 = arith.maximumf %min3A_2480, %max3A_2432 : vector<8x128xf32>
      %select_n3A_2482 = arith.select %ge3A_2474, %add3A_2465, %select_n3A_2429 : vector<8x128xi1>, vector<8x128xi32>
      %select_n3A_2483 = arith.select %ge3A_2479, %select_n3A_2434, %select_n3A_2482 : vector<8x128xi1>, vector<8x128xi32>
      %ge3A_2484 = arith.cmpf oge, %max3A_2437, %get3A_2459 : vector<8x128xf32>
      %min3A_2485 = arith.minimumf %max3A_2432, %get3A_2459 : vector<8x128xf32>
      %max3A_2486 = arith.maximumf %min3A_2485, %max3A_2437 : vector<8x128xf32>
      %select_n3A_2487 = arith.select %ge3A_2479, %add3A_2465, %select_n3A_2434 : vector<8x128xi1>, vector<8x128xi32>
      %select_n3A_2488 = arith.select %ge3A_2484, %select_n3A_2439, %select_n3A_2487 : vector<8x128xi1>, vector<8x128xi32>
      %ge3A_2489 = arith.cmpf oge, %max3A_2442, %get3A_2459 : vector<8x128xf32>
      %min3A_2490 = arith.minimumf %max3A_2437, %get3A_2459 : vector<8x128xf32>
      %max3A_2491 = arith.maximumf %min3A_2490, %max3A_2442 : vector<8x128xf32>
      %select_n3A_2492 = arith.select %ge3A_2484, %add3A_2465, %select_n3A_2439 : vector<8x128xi1>, vector<8x128xi32>
      %select_n3A_2493 = arith.select %ge3A_2489, %select_n3A_2444, %select_n3A_2492 : vector<8x128xi1>, vector<8x128xi32>
      %ge3A_2494 = arith.cmpf oge, %max3A_2447, %get3A_2459 : vector<8x128xf32>
      %min3A_2495 = arith.minimumf %max3A_2442, %get3A_2459 : vector<8x128xf32>
      %max3A_2496 = arith.maximumf %min3A_2495, %max3A_2447 : vector<8x128xf32>
      %select_n3A_2497 = arith.select %ge3A_2489, %add3A_2465, %select_n3A_2444 : vector<8x128xi1>, vector<8x128xi32>
      %select_n3A_2498 = arith.select %ge3A_2494, %select_n3A_2449, %select_n3A_2497 : vector<8x128xi1>, vector<8x128xi32>
      %ge3A_2499 = arith.cmpf oge, %max3A_2452, %get3A_2459 : vector<8x128xf32>
      %min3A_2500 = arith.minimumf %max3A_2447, %get3A_2459 : vector<8x128xf32>
      %max3A_2501 = arith.maximumf %min3A_2500, %max3A_2452 : vector<8x128xf32>
      %select_n3A_2502 = arith.select %ge3A_2494, %add3A_2465, %select_n3A_2449 : vector<8x128xi1>, vector<8x128xi32>
      %select_n3A_2503 = arith.select %ge3A_2499, %select_n3A_2454, %select_n3A_2502 : vector<8x128xi1>, vector<8x128xi32>
      %get3A_2504 = arith.index_cast %add3A_33 : i32 to index
      %get3A_2505 = arith.constant 0 : index
      %get3A_2506 = arith.constant 640 : index
      %get3A_2507 = vector.load %arg4[%get3A_2504, %get3A_2505, %get3A_2506] : memref<64x8x2048xf32, #tpu.memory_space<vmem>>, vector<1x8x128xf32>
      %get3A_2508 = vector.shape_cast %get3A_2507 : vector<1x8x128xf32> to vector<8x128xf32>
      %mul3A_2509 = arith.constant 16 : i32
      %mul3A_2510 = arith.muli %arg0, %mul3A_2509 : i32
      %add3A_2511 = arith.constant 5 : i32
      %add3A_2512 = arith.addi %mul3A_2510, %add3A_2511 : i32
      %add3A_2513 = vector.broadcast %add3A_2512 : i32 to vector<8x128xi32>
      %add3A_2514 = arith.addi %broadcast_in_dim3A_15, %add3A_2513 : vector<8x128xi32>
      %ge3A_2515 = arith.cmpf oge, %max3A_2467, %get3A_2508 : vector<8x128xf32>
      %max3A_2516 = arith.maximumf %max3A_2467, %get3A_2508 : vector<8x128xf32>
      %select_n3A_2517 = arith.select %ge3A_2515, %select_n3A_2468, %add3A_2514 : vector<8x128xi1>, vector<8x128xi32>
      %ge3A_2518 = arith.cmpf oge, %max3A_2471, %get3A_2508 : vector<8x128xf32>
      %min3A_2519 = arith.minimumf %max3A_2467, %get3A_2508 : vector<8x128xf32>
      %max3A_2520 = arith.maximumf %min3A_2519, %max3A_2471 : vector<8x128xf32>
      %select_n3A_2521 = arith.select %ge3A_2515, %add3A_2514, %select_n3A_2468 : vector<8x128xi1>, vector<8x128xi32>
      %select_n3A_2522 = arith.select %ge3A_2518, %select_n3A_2473, %select_n3A_2521 : vector<8x128xi1>, vector<8x128xi32>
      %ge3A_2523 = arith.cmpf oge, %max3A_2476, %get3A_2508 : vector<8x128xf32>
      %min3A_2524 = arith.minimumf %max3A_2471, %get3A_2508 : vector<8x128xf32>
      %max3A_2525 = arith.maximumf %min3A_2524, %max3A_2476 : vector<8x128xf32>
      %select_n3A_2526 = arith.select %ge3A_2518, %add3A_2514, %select_n3A_2473 : vector<8x128xi1>, vector<8x128xi32>
      %select_n3A_2527 = arith.select %ge3A_2523, %select_n3A_2478, %select_n3A_2526 : vector<8x128xi1>, vector<8x128xi32>
      %ge3A_2528 = arith.cmpf oge, %max3A_2481, %get3A_2508 : vector<8x128xf32>
      %min3A_2529 = arith.minimumf %max3A_2476, %get3A_2508 : vector<8x128xf32>
      %max3A_2530 = arith.maximumf %min3A_2529, %max3A_2481 : vector<8x128xf32>
      %select_n3A_2531 = arith.select %ge3A_2523, %add3A_2514, %select_n3A_2478 : vector<8x128xi1>, vector<8x128xi32>
      %select_n3A_2532 = arith.select %ge3A_2528, %select_n3A_2483, %select_n3A_2531 : vector<8x128xi1>, vector<8x128xi32>
      %ge3A_2533 = arith.cmpf oge, %max3A_2486, %get3A_2508 : vector<8x128xf32>
      %min3A_2534 = arith.minimumf %max3A_2481, %get3A_2508 : vector<8x128xf32>
      %max3A_2535 = arith.maximumf %min3A_2534, %max3A_2486 : vector<8x128xf32>
      %select_n3A_2536 = arith.select %ge3A_2528, %add3A_2514, %select_n3A_2483 : vector<8x128xi1>, vector<8x128xi32>
      %select_n3A_2537 = arith.select %ge3A_2533, %select_n3A_2488, %select_n3A_2536 : vector<8x128xi1>, vector<8x128xi32>
      %ge3A_2538 = arith.cmpf oge, %max3A_2491, %get3A_2508 : vector<8x128xf32>
      %min3A_2539 = arith.minimumf %max3A_2486, %get3A_2508 : vector<8x128xf32>
      %max3A_2540 = arith.maximumf %min3A_2539, %max3A_2491 : vector<8x128xf32>
      %select_n3A_2541 = arith.select %ge3A_2533, %add3A_2514, %select_n3A_2488 : vector<8x128xi1>, vector<8x128xi32>
      %select_n3A_2542 = arith.select %ge3A_2538, %select_n3A_2493, %select_n3A_2541 : vector<8x128xi1>, vector<8x128xi32>
      %ge3A_2543 = arith.cmpf oge, %max3A_2496, %get3A_2508 : vector<8x128xf32>
      %min3A_2544 = arith.minimumf %max3A_2491, %get3A_2508 : vector<8x128xf32>
      %max3A_2545 = arith.maximumf %min3A_2544, %max3A_2496 : vector<8x128xf32>
      %select_n3A_2546 = arith.select %ge3A_2538, %add3A_2514, %select_n3A_2493 : vector<8x128xi1>, vector<8x128xi32>
      %select_n3A_2547 = arith.select %ge3A_2543, %select_n3A_2498, %select_n3A_2546 : vector<8x128xi1>, vector<8x128xi32>
      %ge3A_2548 = arith.cmpf oge, %max3A_2501, %get3A_2508 : vector<8x128xf32>
      %min3A_2549 = arith.minimumf %max3A_2496, %get3A_2508 : vector<8x128xf32>
      %max3A_2550 = arith.maximumf %min3A_2549, %max3A_2501 : vector<8x128xf32>
      %select_n3A_2551 = arith.select %ge3A_2543, %add3A_2514, %select_n3A_2498 : vector<8x128xi1>, vector<8x128xi32>
      %select_n3A_2552 = arith.select %ge3A_2548, %select_n3A_2503, %select_n3A_2551 : vector<8x128xi1>, vector<8x128xi32>
      %get3A_2553 = arith.index_cast %add3A_33 : i32 to index
      %get3A_2554 = arith.constant 0 : index
      %get3A_2555 = arith.constant 768 : index
      %get3A_2556 = vector.load %arg4[%get3A_2553, %get3A_2554, %get3A_2555] : memref<64x8x2048xf32, #tpu.memory_space<vmem>>, vector<1x8x128xf32>
      %get3A_2557 = vector.shape_cast %get3A_2556 : vector<1x8x128xf32> to vector<8x128xf32>
      %mul3A_2558 = arith.constant 16 : i32
      %mul3A_2559 = arith.muli %arg0, %mul3A_2558 : i32
      %add3A_2560 = arith.constant 6 : i32
      %add3A_2561 = arith.addi %mul3A_2559, %add3A_2560 : i32
      %add3A_2562 = vector.broadcast %add3A_2561 : i32 to vector<8x128xi32>
      %add3A_2563 = arith.addi %broadcast_in_dim3A_15, %add3A_2562 : vector<8x128xi32>
      %ge3A_2564 = arith.cmpf oge, %max3A_2516, %get3A_2557 : vector<8x128xf32>
      %max3A_2565 = arith.maximumf %max3A_2516, %get3A_2557 : vector<8x128xf32>
      %select_n3A_2566 = arith.select %ge3A_2564, %select_n3A_2517, %add3A_2563 : vector<8x128xi1>, vector<8x128xi32>
      %ge3A_2567 = arith.cmpf oge, %max3A_2520, %get3A_2557 : vector<8x128xf32>
      %min3A_2568 = arith.minimumf %max3A_2516, %get3A_2557 : vector<8x128xf32>
      %max3A_2569 = arith.maximumf %min3A_2568, %max3A_2520 : vector<8x128xf32>
      %select_n3A_2570 = arith.select %ge3A_2564, %add3A_2563, %select_n3A_2517 : vector<8x128xi1>, vector<8x128xi32>
      %select_n3A_2571 = arith.select %ge3A_2567, %select_n3A_2522, %select_n3A_2570 : vector<8x128xi1>, vector<8x128xi32>
      %ge3A_2572 = arith.cmpf oge, %max3A_2525, %get3A_2557 : vector<8x128xf32>
      %min3A_2573 = arith.minimumf %max3A_2520, %get3A_2557 : vector<8x128xf32>
      %max3A_2574 = arith.maximumf %min3A_2573, %max3A_2525 : vector<8x128xf32>
      %select_n3A_2575 = arith.select %ge3A_2567, %add3A_2563, %select_n3A_2522 : vector<8x128xi1>, vector<8x128xi32>
      %select_n3A_2576 = arith.select %ge3A_2572, %select_n3A_2527, %select_n3A_2575 : vector<8x128xi1>, vector<8x128xi32>
      %ge3A_2577 = arith.cmpf oge, %max3A_2530, %get3A_2557 : vector<8x128xf32>
      %min3A_2578 = arith.minimumf %max3A_2525, %get3A_2557 : vector<8x128xf32>
      %max3A_2579 = arith.maximumf %min3A_2578, %max3A_2530 : vector<8x128xf32>
      %select_n3A_2580 = arith.select %ge3A_2572, %add3A_2563, %select_n3A_2527 : vector<8x128xi1>, vector<8x128xi32>
      %select_n3A_2581 = arith.select %ge3A_2577, %select_n3A_2532, %select_n3A_2580 : vector<8x128xi1>, vector<8x128xi32>
      %ge3A_2582 = arith.cmpf oge, %max3A_2535, %get3A_2557 : vector<8x128xf32>
      %min3A_2583 = arith.minimumf %max3A_2530, %get3A_2557 : vector<8x128xf32>
      %max3A_2584 = arith.maximumf %min3A_2583, %max3A_2535 : vector<8x128xf32>
      %select_n3A_2585 = arith.select %ge3A_2577, %add3A_2563, %select_n3A_2532 : vector<8x128xi1>, vector<8x128xi32>
      %select_n3A_2586 = arith.select %ge3A_2582, %select_n3A_2537, %select_n3A_2585 : vector<8x128xi1>, vector<8x128xi32>
      %ge3A_2587 = arith.cmpf oge, %max3A_2540, %get3A_2557 : vector<8x128xf32>
      %min3A_2588 = arith.minimumf %max3A_2535, %get3A_2557 : vector<8x128xf32>
      %max3A_2589 = arith.maximumf %min3A_2588, %max3A_2540 : vector<8x128xf32>
      %select_n3A_2590 = arith.select %ge3A_2582, %add3A_2563, %select_n3A_2537 : vector<8x128xi1>, vector<8x128xi32>
      %select_n3A_2591 = arith.select %ge3A_2587, %select_n3A_2542, %select_n3A_2590 : vector<8x128xi1>, vector<8x128xi32>
      %ge3A_2592 = arith.cmpf oge, %max3A_2545, %get3A_2557 : vector<8x128xf32>
      %min3A_2593 = arith.minimumf %max3A_2540, %get3A_2557 : vector<8x128xf32>
      %max3A_2594 = arith.maximumf %min3A_2593, %max3A_2545 : vector<8x128xf32>
      %select_n3A_2595 = arith.select %ge3A_2587, %add3A_2563, %select_n3A_2542 : vector<8x128xi1>, vector<8x128xi32>
      %select_n3A_2596 = arith.select %ge3A_2592, %select_n3A_2547, %select_n3A_2595 : vector<8x128xi1>, vector<8x128xi32>
      %ge3A_2597 = arith.cmpf oge, %max3A_2550, %get3A_2557 : vector<8x128xf32>
      %min3A_2598 = arith.minimumf %max3A_2545, %get3A_2557 : vector<8x128xf32>
      %max3A_2599 = arith.maximumf %min3A_2598, %max3A_2550 : vector<8x128xf32>
      %select_n3A_2600 = arith.select %ge3A_2592, %add3A_2563, %select_n3A_2547 : vector<8x128xi1>, vector<8x128xi32>
      %select_n3A_2601 = arith.select %ge3A_2597, %select_n3A_2552, %select_n3A_2600 : vector<8x128xi1>, vector<8x128xi32>
      %get3A_2602 = arith.index_cast %add3A_33 : i32 to index
      %get3A_2603 = arith.constant 0 : index
      %get3A_2604 = arith.constant 896 : index
      %get3A_2605 = vector.load %arg4[%get3A_2602, %get3A_2603, %get3A_2604] : memref<64x8x2048xf32, #tpu.memory_space<vmem>>, vector<1x8x128xf32>
      %get3A_2606 = vector.shape_cast %get3A_2605 : vector<1x8x128xf32> to vector<8x128xf32>
      %mul3A_2607 = arith.constant 16 : i32
      %mul3A_2608 = arith.muli %arg0, %mul3A_2607 : i32
      %add3A_2609 = arith.constant 7 : i32
      %add3A_2610 = arith.addi %mul3A_2608, %add3A_2609 : i32
      %add3A_2611 = vector.broadcast %add3A_2610 : i32 to vector<8x128xi32>
      %add3A_2612 = arith.addi %broadcast_in_dim3A_15, %add3A_2611 : vector<8x128xi32>
      %ge3A_2613 = arith.cmpf oge, %max3A_2565, %get3A_2606 : vector<8x128xf32>
      %max3A_2614 = arith.maximumf %max3A_2565, %get3A_2606 : vector<8x128xf32>
      %select_n3A_2615 = arith.select %ge3A_2613, %select_n3A_2566, %add3A_2612 : vector<8x128xi1>, vector<8x128xi32>
      %ge3A_2616 = arith.cmpf oge, %max3A_2569, %get3A_2606 : vector<8x128xf32>
      %min3A_2617 = arith.minimumf %max3A_2565, %get3A_2606 : vector<8x128xf32>
      %max3A_2618 = arith.maximumf %min3A_2617, %max3A_2569 : vector<8x128xf32>
      %select_n3A_2619 = arith.select %ge3A_2613, %add3A_2612, %select_n3A_2566 : vector<8x128xi1>, vector<8x128xi32>
      %select_n3A_2620 = arith.select %ge3A_2616, %select_n3A_2571, %select_n3A_2619 : vector<8x128xi1>, vector<8x128xi32>
      %ge3A_2621 = arith.cmpf oge, %max3A_2574, %get3A_2606 : vector<8x128xf32>
      %min3A_2622 = arith.minimumf %max3A_2569, %get3A_2606 : vector<8x128xf32>
      %max3A_2623 = arith.maximumf %min3A_2622, %max3A_2574 : vector<8x128xf32>
      %select_n3A_2624 = arith.select %ge3A_2616, %add3A_2612, %select_n3A_2571 : vector<8x128xi1>, vector<8x128xi32>
      %select_n3A_2625 = arith.select %ge3A_2621, %select_n3A_2576, %select_n3A_2624 : vector<8x128xi1>, vector<8x128xi32>
      %ge3A_2626 = arith.cmpf oge, %max3A_2579, %get3A_2606 : vector<8x128xf32>
      %min3A_2627 = arith.minimumf %max3A_2574, %get3A_2606 : vector<8x128xf32>
      %max3A_2628 = arith.maximumf %min3A_2627, %max3A_2579 : vector<8x128xf32>
      %select_n3A_2629 = arith.select %ge3A_2621, %add3A_2612, %select_n3A_2576 : vector<8x128xi1>, vector<8x128xi32>
      %select_n3A_2630 = arith.select %ge3A_2626, %select_n3A_2581, %select_n3A_2629 : vector<8x128xi1>, vector<8x128xi32>
      %ge3A_2631 = arith.cmpf oge, %max3A_2584, %get3A_2606 : vector<8x128xf32>
      %min3A_2632 = arith.minimumf %max3A_2579, %get3A_2606 : vector<8x128xf32>
      %max3A_2633 = arith.maximumf %min3A_2632, %max3A_2584 : vector<8x128xf32>
      %select_n3A_2634 = arith.select %ge3A_2626, %add3A_2612, %select_n3A_2581 : vector<8x128xi1>, vector<8x128xi32>
      %select_n3A_2635 = arith.select %ge3A_2631, %select_n3A_2586, %select_n3A_2634 : vector<8x128xi1>, vector<8x128xi32>
      %ge3A_2636 = arith.cmpf oge, %max3A_2589, %get3A_2606 : vector<8x128xf32>
      %min3A_2637 = arith.minimumf %max3A_2584, %get3A_2606 : vector<8x128xf32>
      %max3A_2638 = arith.maximumf %min3A_2637, %max3A_2589 : vector<8x128xf32>
      %select_n3A_2639 = arith.select %ge3A_2631, %add3A_2612, %select_n3A_2586 : vector<8x128xi1>, vector<8x128xi32>
      %select_n3A_2640 = arith.select %ge3A_2636, %select_n3A_2591, %select_n3A_2639 : vector<8x128xi1>, vector<8x128xi32>
      %ge3A_2641 = arith.cmpf oge, %max3A_2594, %get3A_2606 : vector<8x128xf32>
      %min3A_2642 = arith.minimumf %max3A_2589, %get3A_2606 : vector<8x128xf32>
      %max3A_2643 = arith.maximumf %min3A_2642, %max3A_2594 : vector<8x128xf32>
      %select_n3A_2644 = arith.select %ge3A_2636, %add3A_2612, %select_n3A_2591 : vector<8x128xi1>, vector<8x128xi32>
      %select_n3A_2645 = arith.select %ge3A_2641, %select_n3A_2596, %select_n3A_2644 : vector<8x128xi1>, vector<8x128xi32>
      %ge3A_2646 = arith.cmpf oge, %max3A_2599, %get3A_2606 : vector<8x128xf32>
      %min3A_2647 = arith.minimumf %max3A_2594, %get3A_2606 : vector<8x128xf32>
      %max3A_2648 = arith.maximumf %min3A_2647, %max3A_2599 : vector<8x128xf32>
      %select_n3A_2649 = arith.select %ge3A_2641, %add3A_2612, %select_n3A_2596 : vector<8x128xi1>, vector<8x128xi32>
      %select_n3A_2650 = arith.select %ge3A_2646, %select_n3A_2601, %select_n3A_2649 : vector<8x128xi1>, vector<8x128xi32>
      %get3A_2651 = arith.index_cast %add3A_33 : i32 to index
      %get3A_2652 = arith.constant 0 : index
      %get3A_2653 = arith.constant 1024 : index
      %get3A_2654 = vector.load %arg4[%get3A_2651, %get3A_2652, %get3A_2653] : memref<64x8x2048xf32, #tpu.memory_space<vmem>>, vector<1x8x128xf32>
      %get3A_2655 = vector.shape_cast %get3A_2654 : vector<1x8x128xf32> to vector<8x128xf32>
      %mul3A_2656 = arith.constant 16 : i32
      %mul3A_2657 = arith.muli %arg0, %mul3A_2656 : i32
      %add3A_2658 = arith.constant 8 : i32
      %add3A_2659 = arith.addi %mul3A_2657, %add3A_2658 : i32
      %add3A_2660 = vector.broadcast %add3A_2659 : i32 to vector<8x128xi32>
      %add3A_2661 = arith.addi %broadcast_in_dim3A_15, %add3A_2660 : vector<8x128xi32>
      %ge3A_2662 = arith.cmpf oge, %max3A_2614, %get3A_2655 : vector<8x128xf32>
      %max3A_2663 = arith.maximumf %max3A_2614, %get3A_2655 : vector<8x128xf32>
      %select_n3A_2664 = arith.select %ge3A_2662, %select_n3A_2615, %add3A_2661 : vector<8x128xi1>, vector<8x128xi32>
      %ge3A_2665 = arith.cmpf oge, %max3A_2618, %get3A_2655 : vector<8x128xf32>
      %min3A_2666 = arith.minimumf %max3A_2614, %get3A_2655 : vector<8x128xf32>
      %max3A_2667 = arith.maximumf %min3A_2666, %max3A_2618 : vector<8x128xf32>
      %select_n3A_2668 = arith.select %ge3A_2662, %add3A_2661, %select_n3A_2615 : vector<8x128xi1>, vector<8x128xi32>
      %select_n3A_2669 = arith.select %ge3A_2665, %select_n3A_2620, %select_n3A_2668 : vector<8x128xi1>, vector<8x128xi32>
      %ge3A_2670 = arith.cmpf oge, %max3A_2623, %get3A_2655 : vector<8x128xf32>
      %min3A_2671 = arith.minimumf %max3A_2618, %get3A_2655 : vector<8x128xf32>
      %max3A_2672 = arith.maximumf %min3A_2671, %max3A_2623 : vector<8x128xf32>
      %select_n3A_2673 = arith.select %ge3A_2665, %add3A_2661, %select_n3A_2620 : vector<8x128xi1>, vector<8x128xi32>
      %select_n3A_2674 = arith.select %ge3A_2670, %select_n3A_2625, %select_n3A_2673 : vector<8x128xi1>, vector<8x128xi32>
      %ge3A_2675 = arith.cmpf oge, %max3A_2628, %get3A_2655 : vector<8x128xf32>
      %min3A_2676 = arith.minimumf %max3A_2623, %get3A_2655 : vector<8x128xf32>
      %max3A_2677 = arith.maximumf %min3A_2676, %max3A_2628 : vector<8x128xf32>
      %select_n3A_2678 = arith.select %ge3A_2670, %add3A_2661, %select_n3A_2625 : vector<8x128xi1>, vector<8x128xi32>
      %select_n3A_2679 = arith.select %ge3A_2675, %select_n3A_2630, %select_n3A_2678 : vector<8x128xi1>, vector<8x128xi32>
      %ge3A_2680 = arith.cmpf oge, %max3A_2633, %get3A_2655 : vector<8x128xf32>
      %min3A_2681 = arith.minimumf %max3A_2628, %get3A_2655 : vector<8x128xf32>
      %max3A_2682 = arith.maximumf %min3A_2681, %max3A_2633 : vector<8x128xf32>
      %select_n3A_2683 = arith.select %ge3A_2675, %add3A_2661, %select_n3A_2630 : vector<8x128xi1>, vector<8x128xi32>
      %select_n3A_2684 = arith.select %ge3A_2680, %select_n3A_2635, %select_n3A_2683 : vector<8x128xi1>, vector<8x128xi32>
      %ge3A_2685 = arith.cmpf oge, %max3A_2638, %get3A_2655 : vector<8x128xf32>
      %min3A_2686 = arith.minimumf %max3A_2633, %get3A_2655 : vector<8x128xf32>
      %max3A_2687 = arith.maximumf %min3A_2686, %max3A_2638 : vector<8x128xf32>
      %select_n3A_2688 = arith.select %ge3A_2680, %add3A_2661, %select_n3A_2635 : vector<8x128xi1>, vector<8x128xi32>
      %select_n3A_2689 = arith.select %ge3A_2685, %select_n3A_2640, %select_n3A_2688 : vector<8x128xi1>, vector<8x128xi32>
      %ge3A_2690 = arith.cmpf oge, %max3A_2643, %get3A_2655 : vector<8x128xf32>
      %min3A_2691 = arith.minimumf %max3A_2638, %get3A_2655 : vector<8x128xf32>
      %max3A_2692 = arith.maximumf %min3A_2691, %max3A_2643 : vector<8x128xf32>
      %select_n3A_2693 = arith.select %ge3A_2685, %add3A_2661, %select_n3A_2640 : vector<8x128xi1>, vector<8x128xi32>
      %select_n3A_2694 = arith.select %ge3A_2690, %select_n3A_2645, %select_n3A_2693 : vector<8x128xi1>, vector<8x128xi32>
      %ge3A_2695 = arith.cmpf oge, %max3A_2648, %get3A_2655 : vector<8x128xf32>
      %min3A_2696 = arith.minimumf %max3A_2643, %get3A_2655 : vector<8x128xf32>
      %max3A_2697 = arith.maximumf %min3A_2696, %max3A_2648 : vector<8x128xf32>
      %select_n3A_2698 = arith.select %ge3A_2690, %add3A_2661, %select_n3A_2645 : vector<8x128xi1>, vector<8x128xi32>
      %select_n3A_2699 = arith.select %ge3A_2695, %select_n3A_2650, %select_n3A_2698 : vector<8x128xi1>, vector<8x128xi32>
      %get3A_2700 = arith.index_cast %add3A_33 : i32 to index
      %get3A_2701 = arith.constant 0 : index
      %get3A_2702 = arith.constant 1152 : index
      %get3A_2703 = vector.load %arg4[%get3A_2700, %get3A_2701, %get3A_2702] : memref<64x8x2048xf32, #tpu.memory_space<vmem>>, vector<1x8x128xf32>
      %get3A_2704 = vector.shape_cast %get3A_2703 : vector<1x8x128xf32> to vector<8x128xf32>
      %mul3A_2705 = arith.constant 16 : i32
      %mul3A_2706 = arith.muli %arg0, %mul3A_2705 : i32
      %add3A_2707 = arith.constant 9 : i32
      %add3A_2708 = arith.addi %mul3A_2706, %add3A_2707 : i32
      %add3A_2709 = vector.broadcast %add3A_2708 : i32 to vector<8x128xi32>
      %add3A_2710 = arith.addi %broadcast_in_dim3A_15, %add3A_2709 : vector<8x128xi32>
      %ge3A_2711 = arith.cmpf oge, %max3A_2663, %get3A_2704 : vector<8x128xf32>
      %max3A_2712 = arith.maximumf %max3A_2663, %get3A_2704 : vector<8x128xf32>
      %select_n3A_2713 = arith.select %ge3A_2711, %select_n3A_2664, %add3A_2710 : vector<8x128xi1>, vector<8x128xi32>
      %ge3A_2714 = arith.cmpf oge, %max3A_2667, %get3A_2704 : vector<8x128xf32>
      %min3A_2715 = arith.minimumf %max3A_2663, %get3A_2704 : vector<8x128xf32>
      %max3A_2716 = arith.maximumf %min3A_2715, %max3A_2667 : vector<8x128xf32>
      %select_n3A_2717 = arith.select %ge3A_2711, %add3A_2710, %select_n3A_2664 : vector<8x128xi1>, vector<8x128xi32>
      %select_n3A_2718 = arith.select %ge3A_2714, %select_n3A_2669, %select_n3A_2717 : vector<8x128xi1>, vector<8x128xi32>
      %ge3A_2719 = arith.cmpf oge, %max3A_2672, %get3A_2704 : vector<8x128xf32>
      %min3A_2720 = arith.minimumf %max3A_2667, %get3A_2704 : vector<8x128xf32>
      %max3A_2721 = arith.maximumf %min3A_2720, %max3A_2672 : vector<8x128xf32>
      %select_n3A_2722 = arith.select %ge3A_2714, %add3A_2710, %select_n3A_2669 : vector<8x128xi1>, vector<8x128xi32>
      %select_n3A_2723 = arith.select %ge3A_2719, %select_n3A_2674, %select_n3A_2722 : vector<8x128xi1>, vector<8x128xi32>
      %ge3A_2724 = arith.cmpf oge, %max3A_2677, %get3A_2704 : vector<8x128xf32>
      %min3A_2725 = arith.minimumf %max3A_2672, %get3A_2704 : vector<8x128xf32>
      %max3A_2726 = arith.maximumf %min3A_2725, %max3A_2677 : vector<8x128xf32>
      %select_n3A_2727 = arith.select %ge3A_2719, %add3A_2710, %select_n3A_2674 : vector<8x128xi1>, vector<8x128xi32>
      %select_n3A_2728 = arith.select %ge3A_2724, %select_n3A_2679, %select_n3A_2727 : vector<8x128xi1>, vector<8x128xi32>
      %ge3A_2729 = arith.cmpf oge, %max3A_2682, %get3A_2704 : vector<8x128xf32>
      %min3A_2730 = arith.minimumf %max3A_2677, %get3A_2704 : vector<8x128xf32>
      %max3A_2731 = arith.maximumf %min3A_2730, %max3A_2682 : vector<8x128xf32>
      %select_n3A_2732 = arith.select %ge3A_2724, %add3A_2710, %select_n3A_2679 : vector<8x128xi1>, vector<8x128xi32>
      %select_n3A_2733 = arith.select %ge3A_2729, %select_n3A_2684, %select_n3A_2732 : vector<8x128xi1>, vector<8x128xi32>
      %ge3A_2734 = arith.cmpf oge, %max3A_2687, %get3A_2704 : vector<8x128xf32>
      %min3A_2735 = arith.minimumf %max3A_2682, %get3A_2704 : vector<8x128xf32>
      %max3A_2736 = arith.maximumf %min3A_2735, %max3A_2687 : vector<8x128xf32>
      %select_n3A_2737 = arith.select %ge3A_2729, %add3A_2710, %select_n3A_2684 : vector<8x128xi1>, vector<8x128xi32>
      %select_n3A_2738 = arith.select %ge3A_2734, %select_n3A_2689, %select_n3A_2737 : vector<8x128xi1>, vector<8x128xi32>
      %ge3A_2739 = arith.cmpf oge, %max3A_2692, %get3A_2704 : vector<8x128xf32>
      %min3A_2740 = arith.minimumf %max3A_2687, %get3A_2704 : vector<8x128xf32>
      %max3A_2741 = arith.maximumf %min3A_2740, %max3A_2692 : vector<8x128xf32>
      %select_n3A_2742 = arith.select %ge3A_2734, %add3A_2710, %select_n3A_2689 : vector<8x128xi1>, vector<8x128xi32>
      %select_n3A_2743 = arith.select %ge3A_2739, %select_n3A_2694, %select_n3A_2742 : vector<8x128xi1>, vector<8x128xi32>
      %ge3A_2744 = arith.cmpf oge, %max3A_2697, %get3A_2704 : vector<8x128xf32>
      %min3A_2745 = arith.minimumf %max3A_2692, %get3A_2704 : vector<8x128xf32>
      %max3A_2746 = arith.maximumf %min3A_2745, %max3A_2697 : vector<8x128xf32>
      %select_n3A_2747 = arith.select %ge3A_2739, %add3A_2710, %select_n3A_2694 : vector<8x128xi1>, vector<8x128xi32>
      %select_n3A_2748 = arith.select %ge3A_2744, %select_n3A_2699, %select_n3A_2747 : vector<8x128xi1>, vector<8x128xi32>
      %get3A_2749 = arith.index_cast %add3A_33 : i32 to index
      %get3A_2750 = arith.constant 0 : index
      %get3A_2751 = arith.constant 1280 : index
      %get3A_2752 = vector.load %arg4[%get3A_2749, %get3A_2750, %get3A_2751] : memref<64x8x2048xf32, #tpu.memory_space<vmem>>, vector<1x8x128xf32>
      %get3A_2753 = vector.shape_cast %get3A_2752 : vector<1x8x128xf32> to vector<8x128xf32>
      %mul3A_2754 = arith.constant 16 : i32
      %mul3A_2755 = arith.muli %arg0, %mul3A_2754 : i32
      %add3A_2756 = arith.constant 10 : i32
      %add3A_2757 = arith.addi %mul3A_2755, %add3A_2756 : i32
      %add3A_2758 = vector.broadcast %add3A_2757 : i32 to vector<8x128xi32>
      %add3A_2759 = arith.addi %broadcast_in_dim3A_15, %add3A_2758 : vector<8x128xi32>
      %ge3A_2760 = arith.cmpf oge, %max3A_2712, %get3A_2753 : vector<8x128xf32>
      %max3A_2761 = arith.maximumf %max3A_2712, %get3A_2753 : vector<8x128xf32>
      %select_n3A_2762 = arith.select %ge3A_2760, %select_n3A_2713, %add3A_2759 : vector<8x128xi1>, vector<8x128xi32>
      %ge3A_2763 = arith.cmpf oge, %max3A_2716, %get3A_2753 : vector<8x128xf32>
      %min3A_2764 = arith.minimumf %max3A_2712, %get3A_2753 : vector<8x128xf32>
      %max3A_2765 = arith.maximumf %min3A_2764, %max3A_2716 : vector<8x128xf32>
      %select_n3A_2766 = arith.select %ge3A_2760, %add3A_2759, %select_n3A_2713 : vector<8x128xi1>, vector<8x128xi32>
      %select_n3A_2767 = arith.select %ge3A_2763, %select_n3A_2718, %select_n3A_2766 : vector<8x128xi1>, vector<8x128xi32>
      %ge3A_2768 = arith.cmpf oge, %max3A_2721, %get3A_2753 : vector<8x128xf32>
      %min3A_2769 = arith.minimumf %max3A_2716, %get3A_2753 : vector<8x128xf32>
      %max3A_2770 = arith.maximumf %min3A_2769, %max3A_2721 : vector<8x128xf32>
      %select_n3A_2771 = arith.select %ge3A_2763, %add3A_2759, %select_n3A_2718 : vector<8x128xi1>, vector<8x128xi32>
      %select_n3A_2772 = arith.select %ge3A_2768, %select_n3A_2723, %select_n3A_2771 : vector<8x128xi1>, vector<8x128xi32>
      %ge3A_2773 = arith.cmpf oge, %max3A_2726, %get3A_2753 : vector<8x128xf32>
      %min3A_2774 = arith.minimumf %max3A_2721, %get3A_2753 : vector<8x128xf32>
      %max3A_2775 = arith.maximumf %min3A_2774, %max3A_2726 : vector<8x128xf32>
      %select_n3A_2776 = arith.select %ge3A_2768, %add3A_2759, %select_n3A_2723 : vector<8x128xi1>, vector<8x128xi32>
      %select_n3A_2777 = arith.select %ge3A_2773, %select_n3A_2728, %select_n3A_2776 : vector<8x128xi1>, vector<8x128xi32>
      %ge3A_2778 = arith.cmpf oge, %max3A_2731, %get3A_2753 : vector<8x128xf32>
      %min3A_2779 = arith.minimumf %max3A_2726, %get3A_2753 : vector<8x128xf32>
      %max3A_2780 = arith.maximumf %min3A_2779, %max3A_2731 : vector<8x128xf32>
      %select_n3A_2781 = arith.select %ge3A_2773, %add3A_2759, %select_n3A_2728 : vector<8x128xi1>, vector<8x128xi32>
      %select_n3A_2782 = arith.select %ge3A_2778, %select_n3A_2733, %select_n3A_2781 : vector<8x128xi1>, vector<8x128xi32>
      %ge3A_2783 = arith.cmpf oge, %max3A_2736, %get3A_2753 : vector<8x128xf32>
      %min3A_2784 = arith.minimumf %max3A_2731, %get3A_2753 : vector<8x128xf32>
      %max3A_2785 = arith.maximumf %min3A_2784, %max3A_2736 : vector<8x128xf32>
      %select_n3A_2786 = arith.select %ge3A_2778, %add3A_2759, %select_n3A_2733 : vector<8x128xi1>, vector<8x128xi32>
      %select_n3A_2787 = arith.select %ge3A_2783, %select_n3A_2738, %select_n3A_2786 : vector<8x128xi1>, vector<8x128xi32>
      %ge3A_2788 = arith.cmpf oge, %max3A_2741, %get3A_2753 : vector<8x128xf32>
      %min3A_2789 = arith.minimumf %max3A_2736, %get3A_2753 : vector<8x128xf32>
      %max3A_2790 = arith.maximumf %min3A_2789, %max3A_2741 : vector<8x128xf32>
      %select_n3A_2791 = arith.select %ge3A_2783, %add3A_2759, %select_n3A_2738 : vector<8x128xi1>, vector<8x128xi32>
      %select_n3A_2792 = arith.select %ge3A_2788, %select_n3A_2743, %select_n3A_2791 : vector<8x128xi1>, vector<8x128xi32>
      %ge3A_2793 = arith.cmpf oge, %max3A_2746, %get3A_2753 : vector<8x128xf32>
      %min3A_2794 = arith.minimumf %max3A_2741, %get3A_2753 : vector<8x128xf32>
      %max3A_2795 = arith.maximumf %min3A_2794, %max3A_2746 : vector<8x128xf32>
      %select_n3A_2796 = arith.select %ge3A_2788, %add3A_2759, %select_n3A_2743 : vector<8x128xi1>, vector<8x128xi32>
      %select_n3A_2797 = arith.select %ge3A_2793, %select_n3A_2748, %select_n3A_2796 : vector<8x128xi1>, vector<8x128xi32>
      %get3A_2798 = arith.index_cast %add3A_33 : i32 to index
      %get3A_2799 = arith.constant 0 : index
      %get3A_2800 = arith.constant 1408 : index
      %get3A_2801 = vector.load %arg4[%get3A_2798, %get3A_2799, %get3A_2800] : memref<64x8x2048xf32, #tpu.memory_space<vmem>>, vector<1x8x128xf32>
      %get3A_2802 = vector.shape_cast %get3A_2801 : vector<1x8x128xf32> to vector<8x128xf32>
      %mul3A_2803 = arith.constant 16 : i32
      %mul3A_2804 = arith.muli %arg0, %mul3A_2803 : i32
      %add3A_2805 = arith.constant 11 : i32
      %add3A_2806 = arith.addi %mul3A_2804, %add3A_2805 : i32
      %add3A_2807 = vector.broadcast %add3A_2806 : i32 to vector<8x128xi32>
      %add3A_2808 = arith.addi %broadcast_in_dim3A_15, %add3A_2807 : vector<8x128xi32>
      %ge3A_2809 = arith.cmpf oge, %max3A_2761, %get3A_2802 : vector<8x128xf32>
      %max3A_2810 = arith.maximumf %max3A_2761, %get3A_2802 : vector<8x128xf32>
      %select_n3A_2811 = arith.select %ge3A_2809, %select_n3A_2762, %add3A_2808 : vector<8x128xi1>, vector<8x128xi32>
      %ge3A_2812 = arith.cmpf oge, %max3A_2765, %get3A_2802 : vector<8x128xf32>
      %min3A_2813 = arith.minimumf %max3A_2761, %get3A_2802 : vector<8x128xf32>
      %max3A_2814 = arith.maximumf %min3A_2813, %max3A_2765 : vector<8x128xf32>
      %select_n3A_2815 = arith.select %ge3A_2809, %add3A_2808, %select_n3A_2762 : vector<8x128xi1>, vector<8x128xi32>
      %select_n3A_2816 = arith.select %ge3A_2812, %select_n3A_2767, %select_n3A_2815 : vector<8x128xi1>, vector<8x128xi32>
      %ge3A_2817 = arith.cmpf oge, %max3A_2770, %get3A_2802 : vector<8x128xf32>
      %min3A_2818 = arith.minimumf %max3A_2765, %get3A_2802 : vector<8x128xf32>
      %max3A_2819 = arith.maximumf %min3A_2818, %max3A_2770 : vector<8x128xf32>
      %select_n3A_2820 = arith.select %ge3A_2812, %add3A_2808, %select_n3A_2767 : vector<8x128xi1>, vector<8x128xi32>
      %select_n3A_2821 = arith.select %ge3A_2817, %select_n3A_2772, %select_n3A_2820 : vector<8x128xi1>, vector<8x128xi32>
      %ge3A_2822 = arith.cmpf oge, %max3A_2775, %get3A_2802 : vector<8x128xf32>
      %min3A_2823 = arith.minimumf %max3A_2770, %get3A_2802 : vector<8x128xf32>
      %max3A_2824 = arith.maximumf %min3A_2823, %max3A_2775 : vector<8x128xf32>
      %select_n3A_2825 = arith.select %ge3A_2817, %add3A_2808, %select_n3A_2772 : vector<8x128xi1>, vector<8x128xi32>
      %select_n3A_2826 = arith.select %ge3A_2822, %select_n3A_2777, %select_n3A_2825 : vector<8x128xi1>, vector<8x128xi32>
      %ge3A_2827 = arith.cmpf oge, %max3A_2780, %get3A_2802 : vector<8x128xf32>
      %min3A_2828 = arith.minimumf %max3A_2775, %get3A_2802 : vector<8x128xf32>
      %max3A_2829 = arith.maximumf %min3A_2828, %max3A_2780 : vector<8x128xf32>
      %select_n3A_2830 = arith.select %ge3A_2822, %add3A_2808, %select_n3A_2777 : vector<8x128xi1>, vector<8x128xi32>
      %select_n3A_2831 = arith.select %ge3A_2827, %select_n3A_2782, %select_n3A_2830 : vector<8x128xi1>, vector<8x128xi32>
      %ge3A_2832 = arith.cmpf oge, %max3A_2785, %get3A_2802 : vector<8x128xf32>
      %min3A_2833 = arith.minimumf %max3A_2780, %get3A_2802 : vector<8x128xf32>
      %max3A_2834 = arith.maximumf %min3A_2833, %max3A_2785 : vector<8x128xf32>
      %select_n3A_2835 = arith.select %ge3A_2827, %add3A_2808, %select_n3A_2782 : vector<8x128xi1>, vector<8x128xi32>
      %select_n3A_2836 = arith.select %ge3A_2832, %select_n3A_2787, %select_n3A_2835 : vector<8x128xi1>, vector<8x128xi32>
      %ge3A_2837 = arith.cmpf oge, %max3A_2790, %get3A_2802 : vector<8x128xf32>
      %min3A_2838 = arith.minimumf %max3A_2785, %get3A_2802 : vector<8x128xf32>
      %max3A_2839 = arith.maximumf %min3A_2838, %max3A_2790 : vector<8x128xf32>
      %select_n3A_2840 = arith.select %ge3A_2832, %add3A_2808, %select_n3A_2787 : vector<8x128xi1>, vector<8x128xi32>
      %select_n3A_2841 = arith.select %ge3A_2837, %select_n3A_2792, %select_n3A_2840 : vector<8x128xi1>, vector<8x128xi32>
      %ge3A_2842 = arith.cmpf oge, %max3A_2795, %get3A_2802 : vector<8x128xf32>
      %min3A_2843 = arith.minimumf %max3A_2790, %get3A_2802 : vector<8x128xf32>
      %max3A_2844 = arith.maximumf %min3A_2843, %max3A_2795 : vector<8x128xf32>
      %select_n3A_2845 = arith.select %ge3A_2837, %add3A_2808, %select_n3A_2792 : vector<8x128xi1>, vector<8x128xi32>
      %select_n3A_2846 = arith.select %ge3A_2842, %select_n3A_2797, %select_n3A_2845 : vector<8x128xi1>, vector<8x128xi32>
      %get3A_2847 = arith.index_cast %add3A_33 : i32 to index
      %get3A_2848 = arith.constant 0 : index
      %get3A_2849 = arith.constant 1536 : index
      %get3A_2850 = vector.load %arg4[%get3A_2847, %get3A_2848, %get3A_2849] : memref<64x8x2048xf32, #tpu.memory_space<vmem>>, vector<1x8x128xf32>
      %get3A_2851 = vector.shape_cast %get3A_2850 : vector<1x8x128xf32> to vector<8x128xf32>
      %mul3A_2852 = arith.constant 16 : i32
      %mul3A_2853 = arith.muli %arg0, %mul3A_2852 : i32
      %add3A_2854 = arith.constant 12 : i32
      %add3A_2855 = arith.addi %mul3A_2853, %add3A_2854 : i32
      %add3A_2856 = vector.broadcast %add3A_2855 : i32 to vector<8x128xi32>
      %add3A_2857 = arith.addi %broadcast_in_dim3A_15, %add3A_2856 : vector<8x128xi32>
      %ge3A_2858 = arith.cmpf oge, %max3A_2810, %get3A_2851 : vector<8x128xf32>
      %max3A_2859 = arith.maximumf %max3A_2810, %get3A_2851 : vector<8x128xf32>
      %select_n3A_2860 = arith.select %ge3A_2858, %select_n3A_2811, %add3A_2857 : vector<8x128xi1>, vector<8x128xi32>
      %ge3A_2861 = arith.cmpf oge, %max3A_2814, %get3A_2851 : vector<8x128xf32>
      %min3A_2862 = arith.minimumf %max3A_2810, %get3A_2851 : vector<8x128xf32>
      %max3A_2863 = arith.maximumf %min3A_2862, %max3A_2814 : vector<8x128xf32>
      %select_n3A_2864 = arith.select %ge3A_2858, %add3A_2857, %select_n3A_2811 : vector<8x128xi1>, vector<8x128xi32>
      %select_n3A_2865 = arith.select %ge3A_2861, %select_n3A_2816, %select_n3A_2864 : vector<8x128xi1>, vector<8x128xi32>
      %ge3A_2866 = arith.cmpf oge, %max3A_2819, %get3A_2851 : vector<8x128xf32>
      %min3A_2867 = arith.minimumf %max3A_2814, %get3A_2851 : vector<8x128xf32>
      %max3A_2868 = arith.maximumf %min3A_2867, %max3A_2819 : vector<8x128xf32>
      %select_n3A_2869 = arith.select %ge3A_2861, %add3A_2857, %select_n3A_2816 : vector<8x128xi1>, vector<8x128xi32>
      %select_n3A_2870 = arith.select %ge3A_2866, %select_n3A_2821, %select_n3A_2869 : vector<8x128xi1>, vector<8x128xi32>
      %ge3A_2871 = arith.cmpf oge, %max3A_2824, %get3A_2851 : vector<8x128xf32>
      %min3A_2872 = arith.minimumf %max3A_2819, %get3A_2851 : vector<8x128xf32>
      %max3A_2873 = arith.maximumf %min3A_2872, %max3A_2824 : vector<8x128xf32>
      %select_n3A_2874 = arith.select %ge3A_2866, %add3A_2857, %select_n3A_2821 : vector<8x128xi1>, vector<8x128xi32>
      %select_n3A_2875 = arith.select %ge3A_2871, %select_n3A_2826, %select_n3A_2874 : vector<8x128xi1>, vector<8x128xi32>
      %ge3A_2876 = arith.cmpf oge, %max3A_2829, %get3A_2851 : vector<8x128xf32>
      %min3A_2877 = arith.minimumf %max3A_2824, %get3A_2851 : vector<8x128xf32>
      %max3A_2878 = arith.maximumf %min3A_2877, %max3A_2829 : vector<8x128xf32>
      %select_n3A_2879 = arith.select %ge3A_2871, %add3A_2857, %select_n3A_2826 : vector<8x128xi1>, vector<8x128xi32>
      %select_n3A_2880 = arith.select %ge3A_2876, %select_n3A_2831, %select_n3A_2879 : vector<8x128xi1>, vector<8x128xi32>
      %ge3A_2881 = arith.cmpf oge, %max3A_2834, %get3A_2851 : vector<8x128xf32>
      %min3A_2882 = arith.minimumf %max3A_2829, %get3A_2851 : vector<8x128xf32>
      %max3A_2883 = arith.maximumf %min3A_2882, %max3A_2834 : vector<8x128xf32>
      %select_n3A_2884 = arith.select %ge3A_2876, %add3A_2857, %select_n3A_2831 : vector<8x128xi1>, vector<8x128xi32>
      %select_n3A_2885 = arith.select %ge3A_2881, %select_n3A_2836, %select_n3A_2884 : vector<8x128xi1>, vector<8x128xi32>
      %ge3A_2886 = arith.cmpf oge, %max3A_2839, %get3A_2851 : vector<8x128xf32>
      %min3A_2887 = arith.minimumf %max3A_2834, %get3A_2851 : vector<8x128xf32>
      %max3A_2888 = arith.maximumf %min3A_2887, %max3A_2839 : vector<8x128xf32>
      %select_n3A_2889 = arith.select %ge3A_2881, %add3A_2857, %select_n3A_2836 : vector<8x128xi1>, vector<8x128xi32>
      %select_n3A_2890 = arith.select %ge3A_2886, %select_n3A_2841, %select_n3A_2889 : vector<8x128xi1>, vector<8x128xi32>
      %ge3A_2891 = arith.cmpf oge, %max3A_2844, %get3A_2851 : vector<8x128xf32>
      %min3A_2892 = arith.minimumf %max3A_2839, %get3A_2851 : vector<8x128xf32>
      %max3A_2893 = arith.maximumf %min3A_2892, %max3A_2844 : vector<8x128xf32>
      %select_n3A_2894 = arith.select %ge3A_2886, %add3A_2857, %select_n3A_2841 : vector<8x128xi1>, vector<8x128xi32>
      %select_n3A_2895 = arith.select %ge3A_2891, %select_n3A_2846, %select_n3A_2894 : vector<8x128xi1>, vector<8x128xi32>
      %get3A_2896 = arith.index_cast %add3A_33 : i32 to index
      %get3A_2897 = arith.constant 0 : index
      %get3A_2898 = arith.constant 1664 : index
      %get3A_2899 = vector.load %arg4[%get3A_2896, %get3A_2897, %get3A_2898] : memref<64x8x2048xf32, #tpu.memory_space<vmem>>, vector<1x8x128xf32>
      %get3A_2900 = vector.shape_cast %get3A_2899 : vector<1x8x128xf32> to vector<8x128xf32>
      %mul3A_2901 = arith.constant 16 : i32
      %mul3A_2902 = arith.muli %arg0, %mul3A_2901 : i32
      %add3A_2903 = arith.constant 13 : i32
      %add3A_2904 = arith.addi %mul3A_2902, %add3A_2903 : i32
      %add3A_2905 = vector.broadcast %add3A_2904 : i32 to vector<8x128xi32>
      %add3A_2906 = arith.addi %broadcast_in_dim3A_15, %add3A_2905 : vector<8x128xi32>
      %ge3A_2907 = arith.cmpf oge, %max3A_2859, %get3A_2900 : vector<8x128xf32>
      %max3A_2908 = arith.maximumf %max3A_2859, %get3A_2900 : vector<8x128xf32>
      %select_n3A_2909 = arith.select %ge3A_2907, %select_n3A_2860, %add3A_2906 : vector<8x128xi1>, vector<8x128xi32>
      %ge3A_2910 = arith.cmpf oge, %max3A_2863, %get3A_2900 : vector<8x128xf32>
      %min3A_2911 = arith.minimumf %max3A_2859, %get3A_2900 : vector<8x128xf32>
      %max3A_2912 = arith.maximumf %min3A_2911, %max3A_2863 : vector<8x128xf32>
      %select_n3A_2913 = arith.select %ge3A_2907, %add3A_2906, %select_n3A_2860 : vector<8x128xi1>, vector<8x128xi32>
      %select_n3A_2914 = arith.select %ge3A_2910, %select_n3A_2865, %select_n3A_2913 : vector<8x128xi1>, vector<8x128xi32>
      %ge3A_2915 = arith.cmpf oge, %max3A_2868, %get3A_2900 : vector<8x128xf32>
      %min3A_2916 = arith.minimumf %max3A_2863, %get3A_2900 : vector<8x128xf32>
      %max3A_2917 = arith.maximumf %min3A_2916, %max3A_2868 : vector<8x128xf32>
      %select_n3A_2918 = arith.select %ge3A_2910, %add3A_2906, %select_n3A_2865 : vector<8x128xi1>, vector<8x128xi32>
      %select_n3A_2919 = arith.select %ge3A_2915, %select_n3A_2870, %select_n3A_2918 : vector<8x128xi1>, vector<8x128xi32>
      %ge3A_2920 = arith.cmpf oge, %max3A_2873, %get3A_2900 : vector<8x128xf32>
      %min3A_2921 = arith.minimumf %max3A_2868, %get3A_2900 : vector<8x128xf32>
      %max3A_2922 = arith.maximumf %min3A_2921, %max3A_2873 : vector<8x128xf32>
      %select_n3A_2923 = arith.select %ge3A_2915, %add3A_2906, %select_n3A_2870 : vector<8x128xi1>, vector<8x128xi32>
      %select_n3A_2924 = arith.select %ge3A_2920, %select_n3A_2875, %select_n3A_2923 : vector<8x128xi1>, vector<8x128xi32>
      %ge3A_2925 = arith.cmpf oge, %max3A_2878, %get3A_2900 : vector<8x128xf32>
      %min3A_2926 = arith.minimumf %max3A_2873, %get3A_2900 : vector<8x128xf32>
      %max3A_2927 = arith.maximumf %min3A_2926, %max3A_2878 : vector<8x128xf32>
      %select_n3A_2928 = arith.select %ge3A_2920, %add3A_2906, %select_n3A_2875 : vector<8x128xi1>, vector<8x128xi32>
      %select_n3A_2929 = arith.select %ge3A_2925, %select_n3A_2880, %select_n3A_2928 : vector<8x128xi1>, vector<8x128xi32>
      %ge3A_2930 = arith.cmpf oge, %max3A_2883, %get3A_2900 : vector<8x128xf32>
      %min3A_2931 = arith.minimumf %max3A_2878, %get3A_2900 : vector<8x128xf32>
      %max3A_2932 = arith.maximumf %min3A_2931, %max3A_2883 : vector<8x128xf32>
      %select_n3A_2933 = arith.select %ge3A_2925, %add3A_2906, %select_n3A_2880 : vector<8x128xi1>, vector<8x128xi32>
      %select_n3A_2934 = arith.select %ge3A_2930, %select_n3A_2885, %select_n3A_2933 : vector<8x128xi1>, vector<8x128xi32>
      %ge3A_2935 = arith.cmpf oge, %max3A_2888, %get3A_2900 : vector<8x128xf32>
      %min3A_2936 = arith.minimumf %max3A_2883, %get3A_2900 : vector<8x128xf32>
      %max3A_2937 = arith.maximumf %min3A_2936, %max3A_2888 : vector<8x128xf32>
      %select_n3A_2938 = arith.select %ge3A_2930, %add3A_2906, %select_n3A_2885 : vector<8x128xi1>, vector<8x128xi32>
      %select_n3A_2939 = arith.select %ge3A_2935, %select_n3A_2890, %select_n3A_2938 : vector<8x128xi1>, vector<8x128xi32>
      %ge3A_2940 = arith.cmpf oge, %max3A_2893, %get3A_2900 : vector<8x128xf32>
      %min3A_2941 = arith.minimumf %max3A_2888, %get3A_2900 : vector<8x128xf32>
      %max3A_2942 = arith.maximumf %min3A_2941, %max3A_2893 : vector<8x128xf32>
      %select_n3A_2943 = arith.select %ge3A_2935, %add3A_2906, %select_n3A_2890 : vector<8x128xi1>, vector<8x128xi32>
      %select_n3A_2944 = arith.select %ge3A_2940, %select_n3A_2895, %select_n3A_2943 : vector<8x128xi1>, vector<8x128xi32>
      %get3A_2945 = arith.index_cast %add3A_33 : i32 to index
      %get3A_2946 = arith.constant 0 : index
      %get3A_2947 = arith.constant 1792 : index
      %get3A_2948 = vector.load %arg4[%get3A_2945, %get3A_2946, %get3A_2947] : memref<64x8x2048xf32, #tpu.memory_space<vmem>>, vector<1x8x128xf32>
      %get3A_2949 = vector.shape_cast %get3A_2948 : vector<1x8x128xf32> to vector<8x128xf32>
      %mul3A_2950 = arith.constant 16 : i32
      %mul3A_2951 = arith.muli %arg0, %mul3A_2950 : i32
      %add3A_2952 = arith.constant 14 : i32
      %add3A_2953 = arith.addi %mul3A_2951, %add3A_2952 : i32
      %add3A_2954 = vector.broadcast %add3A_2953 : i32 to vector<8x128xi32>
      %add3A_2955 = arith.addi %broadcast_in_dim3A_15, %add3A_2954 : vector<8x128xi32>
      %ge3A_2956 = arith.cmpf oge, %max3A_2908, %get3A_2949 : vector<8x128xf32>
      %max3A_2957 = arith.maximumf %max3A_2908, %get3A_2949 : vector<8x128xf32>
      %select_n3A_2958 = arith.select %ge3A_2956, %select_n3A_2909, %add3A_2955 : vector<8x128xi1>, vector<8x128xi32>
      %ge3A_2959 = arith.cmpf oge, %max3A_2912, %get3A_2949 : vector<8x128xf32>
      %min3A_2960 = arith.minimumf %max3A_2908, %get3A_2949 : vector<8x128xf32>
      %max3A_2961 = arith.maximumf %min3A_2960, %max3A_2912 : vector<8x128xf32>
      %select_n3A_2962 = arith.select %ge3A_2956, %add3A_2955, %select_n3A_2909 : vector<8x128xi1>, vector<8x128xi32>
      %select_n3A_2963 = arith.select %ge3A_2959, %select_n3A_2914, %select_n3A_2962 : vector<8x128xi1>, vector<8x128xi32>
      %ge3A_2964 = arith.cmpf oge, %max3A_2917, %get3A_2949 : vector<8x128xf32>
      %min3A_2965 = arith.minimumf %max3A_2912, %get3A_2949 : vector<8x128xf32>
      %max3A_2966 = arith.maximumf %min3A_2965, %max3A_2917 : vector<8x128xf32>
      %select_n3A_2967 = arith.select %ge3A_2959, %add3A_2955, %select_n3A_2914 : vector<8x128xi1>, vector<8x128xi32>
      %select_n3A_2968 = arith.select %ge3A_2964, %select_n3A_2919, %select_n3A_2967 : vector<8x128xi1>, vector<8x128xi32>
      %ge3A_2969 = arith.cmpf oge, %max3A_2922, %get3A_2949 : vector<8x128xf32>
      %min3A_2970 = arith.minimumf %max3A_2917, %get3A_2949 : vector<8x128xf32>
      %max3A_2971 = arith.maximumf %min3A_2970, %max3A_2922 : vector<8x128xf32>
      %select_n3A_2972 = arith.select %ge3A_2964, %add3A_2955, %select_n3A_2919 : vector<8x128xi1>, vector<8x128xi32>
      %select_n3A_2973 = arith.select %ge3A_2969, %select_n3A_2924, %select_n3A_2972 : vector<8x128xi1>, vector<8x128xi32>
      %ge3A_2974 = arith.cmpf oge, %max3A_2927, %get3A_2949 : vector<8x128xf32>
      %min3A_2975 = arith.minimumf %max3A_2922, %get3A_2949 : vector<8x128xf32>
      %max3A_2976 = arith.maximumf %min3A_2975, %max3A_2927 : vector<8x128xf32>
      %select_n3A_2977 = arith.select %ge3A_2969, %add3A_2955, %select_n3A_2924 : vector<8x128xi1>, vector<8x128xi32>
      %select_n3A_2978 = arith.select %ge3A_2974, %select_n3A_2929, %select_n3A_2977 : vector<8x128xi1>, vector<8x128xi32>
      %ge3A_2979 = arith.cmpf oge, %max3A_2932, %get3A_2949 : vector<8x128xf32>
      %min3A_2980 = arith.minimumf %max3A_2927, %get3A_2949 : vector<8x128xf32>
      %max3A_2981 = arith.maximumf %min3A_2980, %max3A_2932 : vector<8x128xf32>
      %select_n3A_2982 = arith.select %ge3A_2974, %add3A_2955, %select_n3A_2929 : vector<8x128xi1>, vector<8x128xi32>
      %select_n3A_2983 = arith.select %ge3A_2979, %select_n3A_2934, %select_n3A_2982 : vector<8x128xi1>, vector<8x128xi32>
      %ge3A_2984 = arith.cmpf oge, %max3A_2937, %get3A_2949 : vector<8x128xf32>
      %min3A_2985 = arith.minimumf %max3A_2932, %get3A_2949 : vector<8x128xf32>
      %max3A_2986 = arith.maximumf %min3A_2985, %max3A_2937 : vector<8x128xf32>
      %select_n3A_2987 = arith.select %ge3A_2979, %add3A_2955, %select_n3A_2934 : vector<8x128xi1>, vector<8x128xi32>
      %select_n3A_2988 = arith.select %ge3A_2984, %select_n3A_2939, %select_n3A_2987 : vector<8x128xi1>, vector<8x128xi32>
      %ge3A_2989 = arith.cmpf oge, %max3A_2942, %get3A_2949 : vector<8x128xf32>
      %min3A_2990 = arith.minimumf %max3A_2937, %get3A_2949 : vector<8x128xf32>
      %max3A_2991 = arith.maximumf %min3A_2990, %max3A_2942 : vector<8x128xf32>
      %select_n3A_2992 = arith.select %ge3A_2984, %add3A_2955, %select_n3A_2939 : vector<8x128xi1>, vector<8x128xi32>
      %select_n3A_2993 = arith.select %ge3A_2989, %select_n3A_2944, %select_n3A_2992 : vector<8x128xi1>, vector<8x128xi32>
      %get3A_2994 = arith.index_cast %add3A_33 : i32 to index
      %get3A_2995 = arith.constant 0 : index
      %get3A_2996 = arith.constant 1920 : index
      %get3A_2997 = vector.load %arg4[%get3A_2994, %get3A_2995, %get3A_2996] : memref<64x8x2048xf32, #tpu.memory_space<vmem>>, vector<1x8x128xf32>
      %get3A_2998 = vector.shape_cast %get3A_2997 : vector<1x8x128xf32> to vector<8x128xf32>
      %mul3A_2999 = arith.constant 16 : i32
      %mul3A_3000 = arith.muli %arg0, %mul3A_2999 : i32
      %add3A_3001 = arith.constant 15 : i32
      %add3A_3002 = arith.addi %mul3A_3000, %add3A_3001 : i32
      %add3A_3003 = vector.broadcast %add3A_3002 : i32 to vector<8x128xi32>
      %add3A_3004 = arith.addi %broadcast_in_dim3A_15, %add3A_3003 : vector<8x128xi32>
      %ge3A_3005 = arith.cmpf oge, %max3A_2957, %get3A_2998 : vector<8x128xf32>
      %max3A_3006 = arith.maximumf %max3A_2957, %get3A_2998 : vector<8x128xf32>
      %select_n3A_3007 = arith.select %ge3A_3005, %select_n3A_2958, %add3A_3004 : vector<8x128xi1>, vector<8x128xi32>
      %ge3A_3008 = arith.cmpf oge, %max3A_2961, %get3A_2998 : vector<8x128xf32>
      %min3A_3009 = arith.minimumf %max3A_2957, %get3A_2998 : vector<8x128xf32>
      %max3A_3010 = arith.maximumf %min3A_3009, %max3A_2961 : vector<8x128xf32>
      %select_n3A_3011 = arith.select %ge3A_3005, %add3A_3004, %select_n3A_2958 : vector<8x128xi1>, vector<8x128xi32>
      %select_n3A_3012 = arith.select %ge3A_3008, %select_n3A_2963, %select_n3A_3011 : vector<8x128xi1>, vector<8x128xi32>
      %ge3A_3013 = arith.cmpf oge, %max3A_2966, %get3A_2998 : vector<8x128xf32>
      %min3A_3014 = arith.minimumf %max3A_2961, %get3A_2998 : vector<8x128xf32>
      %max3A_3015 = arith.maximumf %min3A_3014, %max3A_2966 : vector<8x128xf32>
      %select_n3A_3016 = arith.select %ge3A_3008, %add3A_3004, %select_n3A_2963 : vector<8x128xi1>, vector<8x128xi32>
      %select_n3A_3017 = arith.select %ge3A_3013, %select_n3A_2968, %select_n3A_3016 : vector<8x128xi1>, vector<8x128xi32>
      %ge3A_3018 = arith.cmpf oge, %max3A_2971, %get3A_2998 : vector<8x128xf32>
      %min3A_3019 = arith.minimumf %max3A_2966, %get3A_2998 : vector<8x128xf32>
      %max3A_3020 = arith.maximumf %min3A_3019, %max3A_2971 : vector<8x128xf32>
      %select_n3A_3021 = arith.select %ge3A_3013, %add3A_3004, %select_n3A_2968 : vector<8x128xi1>, vector<8x128xi32>
      %select_n3A_3022 = arith.select %ge3A_3018, %select_n3A_2973, %select_n3A_3021 : vector<8x128xi1>, vector<8x128xi32>
      %ge3A_3023 = arith.cmpf oge, %max3A_2976, %get3A_2998 : vector<8x128xf32>
      %min3A_3024 = arith.minimumf %max3A_2971, %get3A_2998 : vector<8x128xf32>
      %max3A_3025 = arith.maximumf %min3A_3024, %max3A_2976 : vector<8x128xf32>
      %select_n3A_3026 = arith.select %ge3A_3018, %add3A_3004, %select_n3A_2973 : vector<8x128xi1>, vector<8x128xi32>
      %select_n3A_3027 = arith.select %ge3A_3023, %select_n3A_2978, %select_n3A_3026 : vector<8x128xi1>, vector<8x128xi32>
      %ge3A_3028 = arith.cmpf oge, %max3A_2981, %get3A_2998 : vector<8x128xf32>
      %min3A_3029 = arith.minimumf %max3A_2976, %get3A_2998 : vector<8x128xf32>
      %max3A_3030 = arith.maximumf %min3A_3029, %max3A_2981 : vector<8x128xf32>
      %select_n3A_3031 = arith.select %ge3A_3023, %add3A_3004, %select_n3A_2978 : vector<8x128xi1>, vector<8x128xi32>
      %select_n3A_3032 = arith.select %ge3A_3028, %select_n3A_2983, %select_n3A_3031 : vector<8x128xi1>, vector<8x128xi32>
      %ge3A_3033 = arith.cmpf oge, %max3A_2986, %get3A_2998 : vector<8x128xf32>
      %min3A_3034 = arith.minimumf %max3A_2981, %get3A_2998 : vector<8x128xf32>
      %max3A_3035 = arith.maximumf %min3A_3034, %max3A_2986 : vector<8x128xf32>
      %select_n3A_3036 = arith.select %ge3A_3028, %add3A_3004, %select_n3A_2983 : vector<8x128xi1>, vector<8x128xi32>
      %select_n3A_3037 = arith.select %ge3A_3033, %select_n3A_2988, %select_n3A_3036 : vector<8x128xi1>, vector<8x128xi32>
      %ge3A_3038 = arith.cmpf oge, %max3A_2991, %get3A_2998 : vector<8x128xf32>
      %min3A_3039 = arith.minimumf %max3A_2986, %get3A_2998 : vector<8x128xf32>
      %max3A_3040 = arith.maximumf %min3A_3039, %max3A_2991 : vector<8x128xf32>
      %select_n3A_3041 = arith.select %ge3A_3033, %add3A_3004, %select_n3A_2988 : vector<8x128xi1>, vector<8x128xi32>
      %select_n3A_3042 = arith.select %ge3A_3038, %select_n3A_2993, %select_n3A_3041 : vector<8x128xi1>, vector<8x128xi32>
      %swap3A_3043 = arith.index_cast %add3A_33 : i32 to index
      %swap3A_3044 = arith.constant 0 : index
      %swap3A_3045 = arith.constant 0 : index
      %swap3A_3046 = arith.constant 0 : index
      %swap3A_3047 = vector.load %arg5[%swap3A_3043, %swap3A_3044, %swap3A_3045, %swap3A_3046] : memref<64x8x8x128xf32, #tpu.memory_space<vmem>>, vector<1x1x8x128xf32>
      %swap3A_3048 = vector.shape_cast %swap3A_3047 : vector<1x1x8x128xf32> to vector<8x128xf32>
      %swap3A_3049 = vector.shape_cast %max3A_3006 : vector<8x128xf32> to vector<1x1x8x128xf32>
      tpu.vector_store %arg5[%swap3A_3043, %swap3A_3044, %swap3A_3045, %swap3A_3046], %swap3A_3049 {strides = array<i32>} : memref<64x8x8x128xf32, #tpu.memory_space<vmem>>, vector<1x1x8x128xf32>,
      %swap3A_3050 = arith.index_cast %add3A_33 : i32 to index
      %swap3A_3051 = arith.constant 0 : index
      %swap3A_3052 = arith.constant 0 : index
      %swap3A_3053 = arith.constant 0 : index
      %swap3A_3054 = vector.load %arg6[%swap3A_3050, %swap3A_3051, %swap3A_3052, %swap3A_3053] : memref<64x8x8x128xi32, #tpu.memory_space<vmem>>, vector<1x1x8x128xi32>
      %swap3A_3055 = vector.shape_cast %swap3A_3054 : vector<1x1x8x128xi32> to vector<8x128xi32>
      %swap3A_3056 = vector.shape_cast %select_n3A_3007 : vector<8x128xi32> to vector<1x1x8x128xi32>
      tpu.vector_store %arg6[%swap3A_3050, %swap3A_3051, %swap3A_3052, %swap3A_3053], %swap3A_3056 {strides = array<i32>} : memref<64x8x8x128xi32, #tpu.memory_space<vmem>>, vector<1x1x8x128xi32>,
      %swap3A_3057 = arith.index_cast %add3A_33 : i32 to index
      %swap3A_3058 = arith.constant 1 : index
      %swap3A_3059 = arith.constant 0 : index
      %swap3A_3060 = arith.constant 0 : index
      %swap3A_3061 = vector.load %arg5[%swap3A_3057, %swap3A_3058, %swap3A_3059, %swap3A_3060] : memref<64x8x8x128xf32, #tpu.memory_space<vmem>>, vector<1x1x8x128xf32>
      %swap3A_3062 = vector.shape_cast %swap3A_3061 : vector<1x1x8x128xf32> to vector<8x128xf32>
      %swap3A_3063 = vector.shape_cast %max3A_3010 : vector<8x128xf32> to vector<1x1x8x128xf32>
      tpu.vector_store %arg5[%swap3A_3057, %swap3A_3058, %swap3A_3059, %swap3A_3060], %swap3A_3063 {strides = array<i32>} : memref<64x8x8x128xf32, #tpu.memory_space<vmem>>, vector<1x1x8x128xf32>,
      %swap3A_3064 = arith.index_cast %add3A_33 : i32 to index
      %swap3A_3065 = arith.constant 1 : index
      %swap3A_3066 = arith.constant 0 : index
      %swap3A_3067 = arith.constant 0 : index
      %swap3A_3068 = vector.load %arg6[%swap3A_3064, %swap3A_3065, %swap3A_3066, %swap3A_3067] : memref<64x8x8x128xi32, #tpu.memory_space<vmem>>, vector<1x1x8x128xi32>
      %swap3A_3069 = vector.shape_cast %swap3A_3068 : vector<1x1x8x128xi32> to vector<8x128xi32>
      %swap3A_3070 = vector.shape_cast %select_n3A_3012 : vector<8x128xi32> to vector<1x1x8x128xi32>
      tpu.vector_store %arg6[%swap3A_3064, %swap3A_3065, %swap3A_3066, %swap3A_3067], %swap3A_3070 {strides = array<i32>} : memref<64x8x8x128xi32, #tpu.memory_space<vmem>>, vector<1x1x8x128xi32>,
      %swap3A_3071 = arith.index_cast %add3A_33 : i32 to index
      %swap3A_3072 = arith.constant 2 : index
      %swap3A_3073 = arith.constant 0 : index
      %swap3A_3074 = arith.constant 0 : index
      %swap3A_3075 = vector.load %arg5[%swap3A_3071, %swap3A_3072, %swap3A_3073, %swap3A_3074] : memref<64x8x8x128xf32, #tpu.memory_space<vmem>>, vector<1x1x8x128xf32>
      %swap3A_3076 = vector.shape_cast %swap3A_3075 : vector<1x1x8x128xf32> to vector<8x128xf32>
      %swap3A_3077 = vector.shape_cast %max3A_3015 : vector<8x128xf32> to vector<1x1x8x128xf32>
      tpu.vector_store %arg5[%swap3A_3071, %swap3A_3072, %swap3A_3073, %swap3A_3074], %swap3A_3077 {strides = array<i32>} : memref<64x8x8x128xf32, #tpu.memory_space<vmem>>, vector<1x1x8x128xf32>,
      %swap3A_3078 = arith.index_cast %add3A_33 : i32 to index
      %swap3A_3079 = arith.constant 2 : index
      %swap3A_3080 = arith.constant 0 : index
      %swap3A_3081 = arith.constant 0 : index
      %swap3A_3082 = vector.load %arg6[%swap3A_3078, %swap3A_3079, %swap3A_3080, %swap3A_3081] : memref<64x8x8x128xi32, #tpu.memory_space<vmem>>, vector<1x1x8x128xi32>
      %swap3A_3083 = vector.shape_cast %swap3A_3082 : vector<1x1x8x128xi32> to vector<8x128xi32>
      %swap3A_3084 = vector.shape_cast %select_n3A_3017 : vector<8x128xi32> to vector<1x1x8x128xi32>
      tpu.vector_store %arg6[%swap3A_3078, %swap3A_3079, %swap3A_3080, %swap3A_3081], %swap3A_3084 {strides = array<i32>} : memref<64x8x8x128xi32, #tpu.memory_space<vmem>>, vector<1x1x8x128xi32>,
      %swap3A_3085 = arith.index_cast %add3A_33 : i32 to index
      %swap3A_3086 = arith.constant 3 : index
      %swap3A_3087 = arith.constant 0 : index
      %swap3A_3088 = arith.constant 0 : index
      %swap3A_3089 = vector.load %arg5[%swap3A_3085, %swap3A_3086, %swap3A_3087, %swap3A_3088] : memref<64x8x8x128xf32, #tpu.memory_space<vmem>>, vector<1x1x8x128xf32>
      %swap3A_3090 = vector.shape_cast %swap3A_3089 : vector<1x1x8x128xf32> to vector<8x128xf32>
      %swap3A_3091 = vector.shape_cast %max3A_3020 : vector<8x128xf32> to vector<1x1x8x128xf32>
      tpu.vector_store %arg5[%swap3A_3085, %swap3A_3086, %swap3A_3087, %swap3A_3088], %swap3A_3091 {strides = array<i32>} : memref<64x8x8x128xf32, #tpu.memory_space<vmem>>, vector<1x1x8x128xf32>,
      %swap3A_3092 = arith.index_cast %add3A_33 : i32 to index
      %swap3A_3093 = arith.constant 3 : index
      %swap3A_3094 = arith.constant 0 : index
      %swap3A_3095 = arith.constant 0 : index
      %swap3A_3096 = vector.load %arg6[%swap3A_3092, %swap3A_3093, %swap3A_3094, %swap3A_3095] : memref<64x8x8x128xi32, #tpu.memory_space<vmem>>, vector<1x1x8x128xi32>
      %swap3A_3097 = vector.shape_cast %swap3A_3096 : vector<1x1x8x128xi32> to vector<8x128xi32>
      %swap3A_3098 = vector.shape_cast %select_n3A_3022 : vector<8x128xi32> to vector<1x1x8x128xi32>
      tpu.vector_store %arg6[%swap3A_3092, %swap3A_3093, %swap3A_3094, %swap3A_3095], %swap3A_3098 {strides = array<i32>} : memref<64x8x8x128xi32, #tpu.memory_space<vmem>>, vector<1x1x8x128xi32>,
      %swap3A_3099 = arith.index_cast %add3A_33 : i32 to index
      %swap3A_3100 = arith.constant 4 : index
      %swap3A_3101 = arith.constant 0 : index
      %swap3A_3102 = arith.constant 0 : index
      %swap3A_3103 = vector.load %arg5[%swap3A_3099, %swap3A_3100, %swap3A_3101, %swap3A_3102] : memref<64x8x8x128xf32, #tpu.memory_space<vmem>>, vector<1x1x8x128xf32>
      %swap3A_3104 = vector.shape_cast %swap3A_3103 : vector<1x1x8x128xf32> to vector<8x128xf32>
      %swap3A_3105 = vector.shape_cast %max3A_3025 : vector<8x128xf32> to vector<1x1x8x128xf32>
      tpu.vector_store %arg5[%swap3A_3099, %swap3A_3100, %swap3A_3101, %swap3A_3102], %swap3A_3105 {strides = array<i32>} : memref<64x8x8x128xf32, #tpu.memory_space<vmem>>, vector<1x1x8x128xf32>,
      %swap3A_3106 = arith.index_cast %add3A_33 : i32 to index
      %swap3A_3107 = arith.constant 4 : index
      %swap3A_3108 = arith.constant 0 : index
      %swap3A_3109 = arith.constant 0 : index
      %swap3A_3110 = vector.load %arg6[%swap3A_3106, %swap3A_3107, %swap3A_3108, %swap3A_3109] : memref<64x8x8x128xi32, #tpu.memory_space<vmem>>, vector<1x1x8x128xi32>
      %swap3A_3111 = vector.shape_cast %swap3A_3110 : vector<1x1x8x128xi32> to vector<8x128xi32>
      %swap3A_3112 = vector.shape_cast %select_n3A_3027 : vector<8x128xi32> to vector<1x1x8x128xi32>
      tpu.vector_store %arg6[%swap3A_3106, %swap3A_3107, %swap3A_3108, %swap3A_3109], %swap3A_3112 {strides = array<i32>} : memref<64x8x8x128xi32, #tpu.memory_space<vmem>>, vector<1x1x8x128xi32>,
      %swap3A_3113 = arith.index_cast %add3A_33 : i32 to index
      %swap3A_3114 = arith.constant 5 : index
      %swap3A_3115 = arith.constant 0 : index
      %swap3A_3116 = arith.constant 0 : index
      %swap3A_3117 = vector.load %arg5[%swap3A_3113, %swap3A_3114, %swap3A_3115, %swap3A_3116] : memref<64x8x8x128xf32, #tpu.memory_space<vmem>>, vector<1x1x8x128xf32>
      %swap3A_3118 = vector.shape_cast %swap3A_3117 : vector<1x1x8x128xf32> to vector<8x128xf32>
      %swap3A_3119 = vector.shape_cast %max3A_3030 : vector<8x128xf32> to vector<1x1x8x128xf32>
      tpu.vector_store %arg5[%swap3A_3113, %swap3A_3114, %swap3A_3115, %swap3A_3116], %swap3A_3119 {strides = array<i32>} : memref<64x8x8x128xf32, #tpu.memory_space<vmem>>, vector<1x1x8x128xf32>,
      %swap3A_3120 = arith.index_cast %add3A_33 : i32 to index
      %swap3A_3121 = arith.constant 5 : index
      %swap3A_3122 = arith.constant 0 : index
      %swap3A_3123 = arith.constant 0 : index
      %swap3A_3124 = vector.load %arg6[%swap3A_3120, %swap3A_3121, %swap3A_3122, %swap3A_3123] : memref<64x8x8x128xi32, #tpu.memory_space<vmem>>, vector<1x1x8x128xi32>
      %swap3A_3125 = vector.shape_cast %swap3A_3124 : vector<1x1x8x128xi32> to vector<8x128xi32>
      %swap3A_3126 = vector.shape_cast %select_n3A_3032 : vector<8x128xi32> to vector<1x1x8x128xi32>
      tpu.vector_store %arg6[%swap3A_3120, %swap3A_3121, %swap3A_3122, %swap3A_3123], %swap3A_3126 {strides = array<i32>} : memref<64x8x8x128xi32, #tpu.memory_space<vmem>>, vector<1x1x8x128xi32>,
      %swap3A_3127 = arith.index_cast %add3A_33 : i32 to index
      %swap3A_3128 = arith.constant 6 : index
      %swap3A_3129 = arith.constant 0 : index
      %swap3A_3130 = arith.constant 0 : index
      %swap3A_3131 = vector.load %arg5[%swap3A_3127, %swap3A_3128, %swap3A_3129, %swap3A_3130] : memref<64x8x8x128xf32, #tpu.memory_space<vmem>>, vector<1x1x8x128xf32>
      %swap3A_3132 = vector.shape_cast %swap3A_3131 : vector<1x1x8x128xf32> to vector<8x128xf32>
      %swap3A_3133 = vector.shape_cast %max3A_3035 : vector<8x128xf32> to vector<1x1x8x128xf32>
      tpu.vector_store %arg5[%swap3A_3127, %swap3A_3128, %swap3A_3129, %swap3A_3130], %swap3A_3133 {strides = array<i32>} : memref<64x8x8x128xf32, #tpu.memory_space<vmem>>, vector<1x1x8x128xf32>,
      %swap3A_3134 = arith.index_cast %add3A_33 : i32 to index
      %swap3A_3135 = arith.constant 6 : index
      %swap3A_3136 = arith.constant 0 : index
      %swap3A_3137 = arith.constant 0 : index
      %swap3A_3138 = vector.load %arg6[%swap3A_3134, %swap3A_3135, %swap3A_3136, %swap3A_3137] : memref<64x8x8x128xi32, #tpu.memory_space<vmem>>, vector<1x1x8x128xi32>
      %swap3A_3139 = vector.shape_cast %swap3A_3138 : vector<1x1x8x128xi32> to vector<8x128xi32>
      %swap3A_3140 = vector.shape_cast %select_n3A_3037 : vector<8x128xi32> to vector<1x1x8x128xi32>
      tpu.vector_store %arg6[%swap3A_3134, %swap3A_3135, %swap3A_3136, %swap3A_3137], %swap3A_3140 {strides = array<i32>} : memref<64x8x8x128xi32, #tpu.memory_space<vmem>>, vector<1x1x8x128xi32>,
      %swap3A_3141 = arith.index_cast %add3A_33 : i32 to index
      %swap3A_3142 = arith.constant 7 : index
      %swap3A_3143 = arith.constant 0 : index
      %swap3A_3144 = arith.constant 0 : index
      %swap3A_3145 = vector.load %arg5[%swap3A_3141, %swap3A_3142, %swap3A_3143, %swap3A_3144] : memref<64x8x8x128xf32, #tpu.memory_space<vmem>>, vector<1x1x8x128xf32>
      %swap3A_3146 = vector.shape_cast %swap3A_3145 : vector<1x1x8x128xf32> to vector<8x128xf32>
      %swap3A_3147 = vector.shape_cast %max3A_3040 : vector<8x128xf32> to vector<1x1x8x128xf32>
      tpu.vector_store %arg5[%swap3A_3141, %swap3A_3142, %swap3A_3143, %swap3A_3144], %swap3A_3147 {strides = array<i32>} : memref<64x8x8x128xf32, #tpu.memory_space<vmem>>, vector<1x1x8x128xf32>,
      %swap3A_3148 = arith.index_cast %add3A_33 : i32 to index
      %swap3A_3149 = arith.constant 7 : index
      %swap3A_3150 = arith.constant 0 : index
      %swap3A_3151 = arith.constant 0 : index
      %swap3A_3152 = vector.load %arg6[%swap3A_3148, %swap3A_3149, %swap3A_3150, %swap3A_3151] : memref<64x8x8x128xi32, #tpu.memory_space<vmem>>, vector<1x1x8x128xi32>
      %swap3A_3153 = vector.shape_cast %swap3A_3152 : vector<1x1x8x128xi32> to vector<8x128xi32>
      %swap3A_3154 = vector.shape_cast %select_n3A_3042 : vector<8x128xi32> to vector<1x1x8x128xi32>
      tpu.vector_store %arg6[%swap3A_3148, %swap3A_3149, %swap3A_3150, %swap3A_3151], %swap3A_3154 {strides = array<i32>} : memref<64x8x8x128xi32, #tpu.memory_space<vmem>>, vector<1x1x8x128xi32>,
      %get3A_3155 = arith.index_cast %add3A_37 : i32 to index
      %get3A_3156 = arith.constant 0 : index
      %get3A_3157 = arith.constant 0 : index
      %get3A_3158 = arith.constant 0 : index
      %get3A_3159 = vector.load %arg5[%get3A_3155, %get3A_3156, %get3A_3157, %get3A_3158] : memref<64x8x8x128xf32, #tpu.memory_space<vmem>>, vector<1x1x8x128xf32>
      %get3A_3160 = vector.shape_cast %get3A_3159 : vector<1x1x8x128xf32> to vector<8x128xf32>
      %jit3A_3161 = arith.constant 0xFF800000 : f32
      %broadcast_in_dim3A_3162 = vector.broadcast %jit3A_3161 : f32 to vector<8x128xf32>
      %select_n3A_3163 = arith.select %eq3A_13, %broadcast_in_dim3A_3162, %get3A_3160 : vector<8x128xf32>
      %get3A_3164 = arith.index_cast %add3A_37 : i32 to index
      %get3A_3165 = arith.constant 1 : index
      %get3A_3166 = arith.constant 0 : index
      %get3A_3167 = arith.constant 0 : index
      %get3A_3168 = vector.load %arg5[%get3A_3164, %get3A_3165, %get3A_3166, %get3A_3167] : memref<64x8x8x128xf32, #tpu.memory_space<vmem>>, vector<1x1x8x128xf32>
      %get3A_3169 = vector.shape_cast %get3A_3168 : vector<1x1x8x128xf32> to vector<8x128xf32>
      %jit3A_3170 = arith.constant 0xFF800000 : f32
      %broadcast_in_dim3A_3171 = vector.broadcast %jit3A_3170 : f32 to vector<8x128xf32>
      %select_n3A_3172 = arith.select %eq3A_13, %broadcast_in_dim3A_3171, %get3A_3169 : vector<8x128xf32>
      %get3A_3173 = arith.index_cast %add3A_37 : i32 to index
      %get3A_3174 = arith.constant 2 : index
      %get3A_3175 = arith.constant 0 : index
      %get3A_3176 = arith.constant 0 : index
      %get3A_3177 = vector.load %arg5[%get3A_3173, %get3A_3174, %get3A_3175, %get3A_3176] : memref<64x8x8x128xf32, #tpu.memory_space<vmem>>, vector<1x1x8x128xf32>
      %get3A_3178 = vector.shape_cast %get3A_3177 : vector<1x1x8x128xf32> to vector<8x128xf32>
      %jit3A_3179 = arith.constant 0xFF800000 : f32
      %broadcast_in_dim3A_3180 = vector.broadcast %jit3A_3179 : f32 to vector<8x128xf32>
      %select_n3A_3181 = arith.select %eq3A_13, %broadcast_in_dim3A_3180, %get3A_3178 : vector<8x128xf32>
      %get3A_3182 = arith.index_cast %add3A_37 : i32 to index
      %get3A_3183 = arith.constant 3 : index
      %get3A_3184 = arith.constant 0 : index
      %get3A_3185 = arith.constant 0 : index
      %get3A_3186 = vector.load %arg5[%get3A_3182, %get3A_3183, %get3A_3184, %get3A_3185] : memref<64x8x8x128xf32, #tpu.memory_space<vmem>>, vector<1x1x8x128xf32>
      %get3A_3187 = vector.shape_cast %get3A_3186 : vector<1x1x8x128xf32> to vector<8x128xf32>
      %jit3A_3188 = arith.constant 0xFF800000 : f32
      %broadcast_in_dim3A_3189 = vector.broadcast %jit3A_3188 : f32 to vector<8x128xf32>
      %select_n3A_3190 = arith.select %eq3A_13, %broadcast_in_dim3A_3189, %get3A_3187 : vector<8x128xf32>
      %get3A_3191 = arith.index_cast %add3A_37 : i32 to index
      %get3A_3192 = arith.constant 4 : index
      %get3A_3193 = arith.constant 0 : index
      %get3A_3194 = arith.constant 0 : index
      %get3A_3195 = vector.load %arg5[%get3A_3191, %get3A_3192, %get3A_3193, %get3A_3194] : memref<64x8x8x128xf32, #tpu.memory_space<vmem>>, vector<1x1x8x128xf32>
      %get3A_3196 = vector.shape_cast %get3A_3195 : vector<1x1x8x128xf32> to vector<8x128xf32>
      %jit3A_3197 = arith.constant 0xFF800000 : f32
      %broadcast_in_dim3A_3198 = vector.broadcast %jit3A_3197 : f32 to vector<8x128xf32>
      %select_n3A_3199 = arith.select %eq3A_13, %broadcast_in_dim3A_3198, %get3A_3196 : vector<8x128xf32>
      %get3A_3200 = arith.index_cast %add3A_37 : i32 to index
      %get3A_3201 = arith.constant 5 : index
      %get3A_3202 = arith.constant 0 : index
      %get3A_3203 = arith.constant 0 : index
      %get3A_3204 = vector.load %arg5[%get3A_3200, %get3A_3201, %get3A_3202, %get3A_3203] : memref<64x8x8x128xf32, #tpu.memory_space<vmem>>, vector<1x1x8x128xf32>
      %get3A_3205 = vector.shape_cast %get3A_3204 : vector<1x1x8x128xf32> to vector<8x128xf32>
      %jit3A_3206 = arith.constant 0xFF800000 : f32
      %broadcast_in_dim3A_3207 = vector.broadcast %jit3A_3206 : f32 to vector<8x128xf32>
      %select_n3A_3208 = arith.select %eq3A_13, %broadcast_in_dim3A_3207, %get3A_3205 : vector<8x128xf32>
      %get3A_3209 = arith.index_cast %add3A_37 : i32 to index
      %get3A_3210 = arith.constant 6 : index
      %get3A_3211 = arith.constant 0 : index
      %get3A_3212 = arith.constant 0 : index
      %get3A_3213 = vector.load %arg5[%get3A_3209, %get3A_3210, %get3A_3211, %get3A_3212] : memref<64x8x8x128xf32, #tpu.memory_space<vmem>>, vector<1x1x8x128xf32>
      %get3A_3214 = vector.shape_cast %get3A_3213 : vector<1x1x8x128xf32> to vector<8x128xf32>
      %jit3A_3215 = arith.constant 0xFF800000 : f32
      %broadcast_in_dim3A_3216 = vector.broadcast %jit3A_3215 : f32 to vector<8x128xf32>
      %select_n3A_3217 = arith.select %eq3A_13, %broadcast_in_dim3A_3216, %get3A_3214 : vector<8x128xf32>
      %get3A_3218 = arith.index_cast %add3A_37 : i32 to index
      %get3A_3219 = arith.constant 7 : index
      %get3A_3220 = arith.constant 0 : index
      %get3A_3221 = arith.constant 0 : index
      %get3A_3222 = vector.load %arg5[%get3A_3218, %get3A_3219, %get3A_3220, %get3A_3221] : memref<64x8x8x128xf32, #tpu.memory_space<vmem>>, vector<1x1x8x128xf32>
      %get3A_3223 = vector.shape_cast %get3A_3222 : vector<1x1x8x128xf32> to vector<8x128xf32>
      %jit3A_3224 = arith.constant 0xFF800000 : f32
      %broadcast_in_dim3A_3225 = vector.broadcast %jit3A_3224 : f32 to vector<8x128xf32>
      %select_n3A_3226 = arith.select %eq3A_13, %broadcast_in_dim3A_3225, %get3A_3223 : vector<8x128xf32>
      %get3A_3227 = arith.index_cast %add3A_37 : i32 to index
      %get3A_3228 = arith.constant 0 : index
      %get3A_3229 = arith.constant 0 : index
      %get3A_3230 = arith.constant 0 : index
      %get3A_3231 = vector.load %arg6[%get3A_3227, %get3A_3228, %get3A_3229, %get3A_3230] : memref<64x8x8x128xi32, #tpu.memory_space<vmem>>, vector<1x1x8x128xi32>
      %get3A_3232 = vector.shape_cast %get3A_3231 : vector<1x1x8x128xi32> to vector<8x128xi32>
      %jit3A_3233 = arith.constant 0 : i32
      %broadcast_in_dim3A_3234 = vector.broadcast %jit3A_3233 : i32 to vector<8x128xi32>
      %select_n3A_3235 = arith.select %eq3A_13, %broadcast_in_dim3A_3234, %get3A_3232 : vector<8x128xi32>
      %get3A_3236 = arith.index_cast %add3A_37 : i32 to index
      %get3A_3237 = arith.constant 1 : index
      %get3A_3238 = arith.constant 0 : index
      %get3A_3239 = arith.constant 0 : index
      %get3A_3240 = vector.load %arg6[%get3A_3236, %get3A_3237, %get3A_3238, %get3A_3239] : memref<64x8x8x128xi32, #tpu.memory_space<vmem>>, vector<1x1x8x128xi32>
      %get3A_3241 = vector.shape_cast %get3A_3240 : vector<1x1x8x128xi32> to vector<8x128xi32>
      %jit3A_3242 = arith.constant 0 : i32
      %broadcast_in_dim3A_3243 = vector.broadcast %jit3A_3242 : i32 to vector<8x128xi32>
      %select_n3A_3244 = arith.select %eq3A_13, %broadcast_in_dim3A_3243, %get3A_3241 : vector<8x128xi32>
      %get3A_3245 = arith.index_cast %add3A_37 : i32 to index
      %get3A_3246 = arith.constant 2 : index
      %get3A_3247 = arith.constant 0 : index
      %get3A_3248 = arith.constant 0 : index
      %get3A_3249 = vector.load %arg6[%get3A_3245, %get3A_3246, %get3A_3247, %get3A_3248] : memref<64x8x8x128xi32, #tpu.memory_space<vmem>>, vector<1x1x8x128xi32>
      %get3A_3250 = vector.shape_cast %get3A_3249 : vector<1x1x8x128xi32> to vector<8x128xi32>
      %jit3A_3251 = arith.constant 0 : i32
      %broadcast_in_dim3A_3252 = vector.broadcast %jit3A_3251 : i32 to vector<8x128xi32>
      %select_n3A_3253 = arith.select %eq3A_13, %broadcast_in_dim3A_3252, %get3A_3250 : vector<8x128xi32>
      %get3A_3254 = arith.index_cast %add3A_37 : i32 to index
      %get3A_3255 = arith.constant 3 : index
      %get3A_3256 = arith.constant 0 : index
      %get3A_3257 = arith.constant 0 : index
      %get3A_3258 = vector.load %arg6[%get3A_3254, %get3A_3255, %get3A_3256, %get3A_3257] : memref<64x8x8x128xi32, #tpu.memory_space<vmem>>, vector<1x1x8x128xi32>
      %get3A_3259 = vector.shape_cast %get3A_3258 : vector<1x1x8x128xi32> to vector<8x128xi32>
      %jit3A_3260 = arith.constant 0 : i32
      %broadcast_in_dim3A_3261 = vector.broadcast %jit3A_3260 : i32 to vector<8x128xi32>
      %select_n3A_3262 = arith.select %eq3A_13, %broadcast_in_dim3A_3261, %get3A_3259 : vector<8x128xi32>
      %get3A_3263 = arith.index_cast %add3A_37 : i32 to index
      %get3A_3264 = arith.constant 4 : index
      %get3A_3265 = arith.constant 0 : index
      %get3A_3266 = arith.constant 0 : index
      %get3A_3267 = vector.load %arg6[%get3A_3263, %get3A_3264, %get3A_3265, %get3A_3266] : memref<64x8x8x128xi32, #tpu.memory_space<vmem>>, vector<1x1x8x128xi32>
      %get3A_3268 = vector.shape_cast %get3A_3267 : vector<1x1x8x128xi32> to vector<8x128xi32>
      %jit3A_3269 = arith.constant 0 : i32
      %broadcast_in_dim3A_3270 = vector.broadcast %jit3A_3269 : i32 to vector<8x128xi32>
      %select_n3A_3271 = arith.select %eq3A_13, %broadcast_in_dim3A_3270, %get3A_3268 : vector<8x128xi32>
      %get3A_3272 = arith.index_cast %add3A_37 : i32 to index
      %get3A_3273 = arith.constant 5 : index
      %get3A_3274 = arith.constant 0 : index
      %get3A_3275 = arith.constant 0 : index
      %get3A_3276 = vector.load %arg6[%get3A_3272, %get3A_3273, %get3A_3274, %get3A_3275] : memref<64x8x8x128xi32, #tpu.memory_space<vmem>>, vector<1x1x8x128xi32>
      %get3A_3277 = vector.shape_cast %get3A_3276 : vector<1x1x8x128xi32> to vector<8x128xi32>
      %jit3A_3278 = arith.constant 0 : i32
      %broadcast_in_dim3A_3279 = vector.broadcast %jit3A_3278 : i32 to vector<8x128xi32>
      %select_n3A_3280 = arith.select %eq3A_13, %broadcast_in_dim3A_3279, %get3A_3277 : vector<8x128xi32>
      %get3A_3281 = arith.index_cast %add3A_37 : i32 to index
      %get3A_3282 = arith.constant 6 : index
      %get3A_3283 = arith.constant 0 : index
      %get3A_3284 = arith.constant 0 : index
      %get3A_3285 = vector.load %arg6[%get3A_3281, %get3A_3282, %get3A_3283, %get3A_3284] : memref<64x8x8x128xi32, #tpu.memory_space<vmem>>, vector<1x1x8x128xi32>
      %get3A_3286 = vector.shape_cast %get3A_3285 : vector<1x1x8x128xi32> to vector<8x128xi32>
      %jit3A_3287 = arith.constant 0 : i32
      %broadcast_in_dim3A_3288 = vector.broadcast %jit3A_3287 : i32 to vector<8x128xi32>
      %select_n3A_3289 = arith.select %eq3A_13, %broadcast_in_dim3A_3288, %get3A_3286 : vector<8x128xi32>
      %get3A_3290 = arith.index_cast %add3A_37 : i32 to index
      %get3A_3291 = arith.constant 7 : index
      %get3A_3292 = arith.constant 0 : index
      %get3A_3293 = arith.constant 0 : index
      %get3A_3294 = vector.load %arg6[%get3A_3290, %get3A_3291, %get3A_3292, %get3A_3293] : memref<64x8x8x128xi32, #tpu.memory_space<vmem>>, vector<1x1x8x128xi32>
      %get3A_3295 = vector.shape_cast %get3A_3294 : vector<1x1x8x128xi32> to vector<8x128xi32>
      %jit3A_3296 = arith.constant 0 : i32
      %broadcast_in_dim3A_3297 = vector.broadcast %jit3A_3296 : i32 to vector<8x128xi32>
      %select_n3A_3298 = arith.select %eq3A_13, %broadcast_in_dim3A_3297, %get3A_3295 : vector<8x128xi32>
      %get3A_3299 = arith.index_cast %add3A_37 : i32 to index
      %get3A_3300 = arith.constant 0 : index
      %get3A_3301 = arith.constant 0 : index
      %get3A_3302 = vector.load %arg4[%get3A_3299, %get3A_3300, %get3A_3301] : memref<64x8x2048xf32, #tpu.memory_space<vmem>>, vector<1x8x128xf32>
      %get3A_3303 = vector.shape_cast %get3A_3302 : vector<1x8x128xf32> to vector<8x128xf32>
      %mul3A_3304 = arith.constant 16 : i32
      %mul3A_3305 = arith.muli %arg0, %mul3A_3304 : i32
      %add3A_3306 = arith.constant 0 : i32
      %add3A_3307 = arith.addi %mul3A_3305, %add3A_3306 : i32
      %add3A_3308 = vector.broadcast %add3A_3307 : i32 to vector<8x128xi32>
      %add3A_3309 = arith.addi %broadcast_in_dim3A_15, %add3A_3308 : vector<8x128xi32>
      %ge3A_3310 = arith.cmpf oge, %select_n3A_3163, %get3A_3303 : vector<8x128xf32>
      %max3A_3311 = arith.maximumf %select_n3A_3163, %get3A_3303 : vector<8x128xf32>
      %select_n3A_3312 = arith.select %ge3A_3310, %select_n3A_3235, %add3A_3309 : vector<8x128xi1>, vector<8x128xi32>
      %ge3A_3313 = arith.cmpf oge, %select_n3A_3172, %get3A_3303 : vector<8x128xf32>
      %min3A_3314 = arith.minimumf %select_n3A_3163, %get3A_3303 : vector<8x128xf32>
      %max3A_3315 = arith.maximumf %min3A_3314, %select_n3A_3172 : vector<8x128xf32>
      %select_n3A_3316 = arith.select %ge3A_3310, %add3A_3309, %select_n3A_3235 : vector<8x128xi1>, vector<8x128xi32>
      %select_n3A_3317 = arith.select %ge3A_3313, %select_n3A_3244, %select_n3A_3316 : vector<8x128xi1>, vector<8x128xi32>
      %ge3A_3318 = arith.cmpf oge, %select_n3A_3181, %get3A_3303 : vector<8x128xf32>
      %min3A_3319 = arith.minimumf %select_n3A_3172, %get3A_3303 : vector<8x128xf32>
      %max3A_3320 = arith.maximumf %min3A_3319, %select_n3A_3181 : vector<8x128xf32>
      %select_n3A_3321 = arith.select %ge3A_3313, %add3A_3309, %select_n3A_3244 : vector<8x128xi1>, vector<8x128xi32>
      %select_n3A_3322 = arith.select %ge3A_3318, %select_n3A_3253, %select_n3A_3321 : vector<8x128xi1>, vector<8x128xi32>
      %ge3A_3323 = arith.cmpf oge, %select_n3A_3190, %get3A_3303 : vector<8x128xf32>
      %min3A_3324 = arith.minimumf %select_n3A_3181, %get3A_3303 : vector<8x128xf32>
      %max3A_3325 = arith.maximumf %min3A_3324, %select_n3A_3190 : vector<8x128xf32>
      %select_n3A_3326 = arith.select %ge3A_3318, %add3A_3309, %select_n3A_3253 : vector<8x128xi1>, vector<8x128xi32>
      %select_n3A_3327 = arith.select %ge3A_3323, %select_n3A_3262, %select_n3A_3326 : vector<8x128xi1>, vector<8x128xi32>
      %ge3A_3328 = arith.cmpf oge, %select_n3A_3199, %get3A_3303 : vector<8x128xf32>
      %min3A_3329 = arith.minimumf %select_n3A_3190, %get3A_3303 : vector<8x128xf32>
      %max3A_3330 = arith.maximumf %min3A_3329, %select_n3A_3199 : vector<8x128xf32>
      %select_n3A_3331 = arith.select %ge3A_3323, %add3A_3309, %select_n3A_3262 : vector<8x128xi1>, vector<8x128xi32>
      %select_n3A_3332 = arith.select %ge3A_3328, %select_n3A_3271, %select_n3A_3331 : vector<8x128xi1>, vector<8x128xi32>
      %ge3A_3333 = arith.cmpf oge, %select_n3A_3208, %get3A_3303 : vector<8x128xf32>
      %min3A_3334 = arith.minimumf %select_n3A_3199, %get3A_3303 : vector<8x128xf32>
      %max3A_3335 = arith.maximumf %min3A_3334, %select_n3A_3208 : vector<8x128xf32>
      %select_n3A_3336 = arith.select %ge3A_3328, %add3A_3309, %select_n3A_3271 : vector<8x128xi1>, vector<8x128xi32>
      %select_n3A_3337 = arith.select %ge3A_3333, %select_n3A_3280, %select_n3A_3336 : vector<8x128xi1>, vector<8x128xi32>
      %ge3A_3338 = arith.cmpf oge, %select_n3A_3217, %get3A_3303 : vector<8x128xf32>
      %min3A_3339 = arith.minimumf %select_n3A_3208, %get3A_3303 : vector<8x128xf32>
      %max3A_3340 = arith.maximumf %min3A_3339, %select_n3A_3217 : vector<8x128xf32>
      %select_n3A_3341 = arith.select %ge3A_3333, %add3A_3309, %select_n3A_3280 : vector<8x128xi1>, vector<8x128xi32>
      %select_n3A_3342 = arith.select %ge3A_3338, %select_n3A_3289, %select_n3A_3341 : vector<8x128xi1>, vector<8x128xi32>
      %ge3A_3343 = arith.cmpf oge, %select_n3A_3226, %get3A_3303 : vector<8x128xf32>
      %min3A_3344 = arith.minimumf %select_n3A_3217, %get3A_3303 : vector<8x128xf32>
      %max3A_3345 = arith.maximumf %min3A_3344, %select_n3A_3226 : vector<8x128xf32>
      %select_n3A_3346 = arith.select %ge3A_3338, %add3A_3309, %select_n3A_3289 : vector<8x128xi1>, vector<8x128xi32>
      %select_n3A_3347 = arith.select %ge3A_3343, %select_n3A_3298, %select_n3A_3346 : vector<8x128xi1>, vector<8x128xi32>
      %get3A_3348 = arith.index_cast %add3A_37 : i32 to index
      %get3A_3349 = arith.constant 0 : index
      %get3A_3350 = arith.constant 128 : index
      %get3A_3351 = vector.load %arg4[%get3A_3348, %get3A_3349, %get3A_3350] : memref<64x8x2048xf32, #tpu.memory_space<vmem>>, vector<1x8x128xf32>
      %get3A_3352 = vector.shape_cast %get3A_3351 : vector<1x8x128xf32> to vector<8x128xf32>
      %mul3A_3353 = arith.constant 16 : i32
      %mul3A_3354 = arith.muli %arg0, %mul3A_3353 : i32
      %add3A_3355 = arith.constant 1 : i32
      %add3A_3356 = arith.addi %mul3A_3354, %add3A_3355 : i32
      %add3A_3357 = vector.broadcast %add3A_3356 : i32 to vector<8x128xi32>
      %add3A_3358 = arith.addi %broadcast_in_dim3A_15, %add3A_3357 : vector<8x128xi32>
      %ge3A_3359 = arith.cmpf oge, %max3A_3311, %get3A_3352 : vector<8x128xf32>
      %max3A_3360 = arith.maximumf %max3A_3311, %get3A_3352 : vector<8x128xf32>
      %select_n3A_3361 = arith.select %ge3A_3359, %select_n3A_3312, %add3A_3358 : vector<8x128xi1>, vector<8x128xi32>
      %ge3A_3362 = arith.cmpf oge, %max3A_3315, %get3A_3352 : vector<8x128xf32>
      %min3A_3363 = arith.minimumf %max3A_3311, %get3A_3352 : vector<8x128xf32>
      %max3A_3364 = arith.maximumf %min3A_3363, %max3A_3315 : vector<8x128xf32>
      %select_n3A_3365 = arith.select %ge3A_3359, %add3A_3358, %select_n3A_3312 : vector<8x128xi1>, vector<8x128xi32>
      %select_n3A_3366 = arith.select %ge3A_3362, %select_n3A_3317, %select_n3A_3365 : vector<8x128xi1>, vector<8x128xi32>
      %ge3A_3367 = arith.cmpf oge, %max3A_3320, %get3A_3352 : vector<8x128xf32>
      %min3A_3368 = arith.minimumf %max3A_3315, %get3A_3352 : vector<8x128xf32>
      %max3A_3369 = arith.maximumf %min3A_3368, %max3A_3320 : vector<8x128xf32>
      %select_n3A_3370 = arith.select %ge3A_3362, %add3A_3358, %select_n3A_3317 : vector<8x128xi1>, vector<8x128xi32>
      %select_n3A_3371 = arith.select %ge3A_3367, %select_n3A_3322, %select_n3A_3370 : vector<8x128xi1>, vector<8x128xi32>
      %ge3A_3372 = arith.cmpf oge, %max3A_3325, %get3A_3352 : vector<8x128xf32>
      %min3A_3373 = arith.minimumf %max3A_3320, %get3A_3352 : vector<8x128xf32>
      %max3A_3374 = arith.maximumf %min3A_3373, %max3A_3325 : vector<8x128xf32>
      %select_n3A_3375 = arith.select %ge3A_3367, %add3A_3358, %select_n3A_3322 : vector<8x128xi1>, vector<8x128xi32>
      %select_n3A_3376 = arith.select %ge3A_3372, %select_n3A_3327, %select_n3A_3375 : vector<8x128xi1>, vector<8x128xi32>
      %ge3A_3377 = arith.cmpf oge, %max3A_3330, %get3A_3352 : vector<8x128xf32>
      %min3A_3378 = arith.minimumf %max3A_3325, %get3A_3352 : vector<8x128xf32>
      %max3A_3379 = arith.maximumf %min3A_3378, %max3A_3330 : vector<8x128xf32>
      %select_n3A_3380 = arith.select %ge3A_3372, %add3A_3358, %select_n3A_3327 : vector<8x128xi1>, vector<8x128xi32>
      %select_n3A_3381 = arith.select %ge3A_3377, %select_n3A_3332, %select_n3A_3380 : vector<8x128xi1>, vector<8x128xi32>
      %ge3A_3382 = arith.cmpf oge, %max3A_3335, %get3A_3352 : vector<8x128xf32>
      %min3A_3383 = arith.minimumf %max3A_3330, %get3A_3352 : vector<8x128xf32>
      %max3A_3384 = arith.maximumf %min3A_3383, %max3A_3335 : vector<8x128xf32>
      %select_n3A_3385 = arith.select %ge3A_3377, %add3A_3358, %select_n3A_3332 : vector<8x128xi1>, vector<8x128xi32>
      %select_n3A_3386 = arith.select %ge3A_3382, %select_n3A_3337, %select_n3A_3385 : vector<8x128xi1>, vector<8x128xi32>
      %ge3A_3387 = arith.cmpf oge, %max3A_3340, %get3A_3352 : vector<8x128xf32>
      %min3A_3388 = arith.minimumf %max3A_3335, %get3A_3352 : vector<8x128xf32>
      %max3A_3389 = arith.maximumf %min3A_3388, %max3A_3340 : vector<8x128xf32>
      %select_n3A_3390 = arith.select %ge3A_3382, %add3A_3358, %select_n3A_3337 : vector<8x128xi1>, vector<8x128xi32>
      %select_n3A_3391 = arith.select %ge3A_3387, %select_n3A_3342, %select_n3A_3390 : vector<8x128xi1>, vector<8x128xi32>
      %ge3A_3392 = arith.cmpf oge, %max3A_3345, %get3A_3352 : vector<8x128xf32>
      %min3A_3393 = arith.minimumf %max3A_3340, %get3A_3352 : vector<8x128xf32>
      %max3A_3394 = arith.maximumf %min3A_3393, %max3A_3345 : vector<8x128xf32>
      %select_n3A_3395 = arith.select %ge3A_3387, %add3A_3358, %select_n3A_3342 : vector<8x128xi1>, vector<8x128xi32>
      %select_n3A_3396 = arith.select %ge3A_3392, %select_n3A_3347, %select_n3A_3395 : vector<8x128xi1>, vector<8x128xi32>
      %get3A_3397 = arith.index_cast %add3A_37 : i32 to index
      %get3A_3398 = arith.constant 0 : index
      %get3A_3399 = arith.constant 256 : index
      %get3A_3400 = vector.load %arg4[%get3A_3397, %get3A_3398, %get3A_3399] : memref<64x8x2048xf32, #tpu.memory_space<vmem>>, vector<1x8x128xf32>
      %get3A_3401 = vector.shape_cast %get3A_3400 : vector<1x8x128xf32> to vector<8x128xf32>
      %mul3A_3402 = arith.constant 16 : i32
      %mul3A_3403 = arith.muli %arg0, %mul3A_3402 : i32
      %add3A_3404 = arith.constant 2 : i32
      %add3A_3405 = arith.addi %mul3A_3403, %add3A_3404 : i32
      %add3A_3406 = vector.broadcast %add3A_3405 : i32 to vector<8x128xi32>
      %add3A_3407 = arith.addi %broadcast_in_dim3A_15, %add3A_3406 : vector<8x128xi32>
      %ge3A_3408 = arith.cmpf oge, %max3A_3360, %get3A_3401 : vector<8x128xf32>
      %max3A_3409 = arith.maximumf %max3A_3360, %get3A_3401 : vector<8x128xf32>
      %select_n3A_3410 = arith.select %ge3A_3408, %select_n3A_3361, %add3A_3407 : vector<8x128xi1>, vector<8x128xi32>
      %ge3A_3411 = arith.cmpf oge, %max3A_3364, %get3A_3401 : vector<8x128xf32>
      %min3A_3412 = arith.minimumf %max3A_3360, %get3A_3401 : vector<8x128xf32>
      %max3A_3413 = arith.maximumf %min3A_3412, %max3A_3364 : vector<8x128xf32>
      %select_n3A_3414 = arith.select %ge3A_3408, %add3A_3407, %select_n3A_3361 : vector<8x128xi1>, vector<8x128xi32>
      %select_n3A_3415 = arith.select %ge3A_3411, %select_n3A_3366, %select_n3A_3414 : vector<8x128xi1>, vector<8x128xi32>
      %ge3A_3416 = arith.cmpf oge, %max3A_3369, %get3A_3401 : vector<8x128xf32>
      %min3A_3417 = arith.minimumf %max3A_3364, %get3A_3401 : vector<8x128xf32>
      %max3A_3418 = arith.maximumf %min3A_3417, %max3A_3369 : vector<8x128xf32>
      %select_n3A_3419 = arith.select %ge3A_3411, %add3A_3407, %select_n3A_3366 : vector<8x128xi1>, vector<8x128xi32>
      %select_n3A_3420 = arith.select %ge3A_3416, %select_n3A_3371, %select_n3A_3419 : vector<8x128xi1>, vector<8x128xi32>
      %ge3A_3421 = arith.cmpf oge, %max3A_3374, %get3A_3401 : vector<8x128xf32>
      %min3A_3422 = arith.minimumf %max3A_3369, %get3A_3401 : vector<8x128xf32>
      %max3A_3423 = arith.maximumf %min3A_3422, %max3A_3374 : vector<8x128xf32>
      %select_n3A_3424 = arith.select %ge3A_3416, %add3A_3407, %select_n3A_3371 : vector<8x128xi1>, vector<8x128xi32>
      %select_n3A_3425 = arith.select %ge3A_3421, %select_n3A_3376, %select_n3A_3424 : vector<8x128xi1>, vector<8x128xi32>
      %ge3A_3426 = arith.cmpf oge, %max3A_3379, %get3A_3401 : vector<8x128xf32>
      %min3A_3427 = arith.minimumf %max3A_3374, %get3A_3401 : vector<8x128xf32>
      %max3A_3428 = arith.maximumf %min3A_3427, %max3A_3379 : vector<8x128xf32>
      %select_n3A_3429 = arith.select %ge3A_3421, %add3A_3407, %select_n3A_3376 : vector<8x128xi1>, vector<8x128xi32>
      %select_n3A_3430 = arith.select %ge3A_3426, %select_n3A_3381, %select_n3A_3429 : vector<8x128xi1>, vector<8x128xi32>
      %ge3A_3431 = arith.cmpf oge, %max3A_3384, %get3A_3401 : vector<8x128xf32>
      %min3A_3432 = arith.minimumf %max3A_3379, %get3A_3401 : vector<8x128xf32>
      %max3A_3433 = arith.maximumf %min3A_3432, %max3A_3384 : vector<8x128xf32>
      %select_n3A_3434 = arith.select %ge3A_3426, %add3A_3407, %select_n3A_3381 : vector<8x128xi1>, vector<8x128xi32>
      %select_n3A_3435 = arith.select %ge3A_3431, %select_n3A_3386, %select_n3A_3434 : vector<8x128xi1>, vector<8x128xi32>
      %ge3A_3436 = arith.cmpf oge, %max3A_3389, %get3A_3401 : vector<8x128xf32>
      %min3A_3437 = arith.minimumf %max3A_3384, %get3A_3401 : vector<8x128xf32>
      %max3A_3438 = arith.maximumf %min3A_3437, %max3A_3389 : vector<8x128xf32>
      %select_n3A_3439 = arith.select %ge3A_3431, %add3A_3407, %select_n3A_3386 : vector<8x128xi1>, vector<8x128xi32>
      %select_n3A_3440 = arith.select %ge3A_3436, %select_n3A_3391, %select_n3A_3439 : vector<8x128xi1>, vector<8x128xi32>
      %ge3A_3441 = arith.cmpf oge, %max3A_3394, %get3A_3401 : vector<8x128xf32>
      %min3A_3442 = arith.minimumf %max3A_3389, %get3A_3401 : vector<8x128xf32>
      %max3A_3443 = arith.maximumf %min3A_3442, %max3A_3394 : vector<8x128xf32>
      %select_n3A_3444 = arith.select %ge3A_3436, %add3A_3407, %select_n3A_3391 : vector<8x128xi1>, vector<8x128xi32>
      %select_n3A_3445 = arith.select %ge3A_3441, %select_n3A_3396, %select_n3A_3444 : vector<8x128xi1>, vector<8x128xi32>
      %get3A_3446 = arith.index_cast %add3A_37 : i32 to index
      %get3A_3447 = arith.constant 0 : index
      %get3A_3448 = arith.constant 384 : index
      %get3A_3449 = vector.load %arg4[%get3A_3446, %get3A_3447, %get3A_3448] : memref<64x8x2048xf32, #tpu.memory_space<vmem>>, vector<1x8x128xf32>
      %get3A_3450 = vector.shape_cast %get3A_3449 : vector<1x8x128xf32> to vector<8x128xf32>
      %mul3A_3451 = arith.constant 16 : i32
      %mul3A_3452 = arith.muli %arg0, %mul3A_3451 : i32
      %add3A_3453 = arith.constant 3 : i32
      %add3A_3454 = arith.addi %mul3A_3452, %add3A_3453 : i32
      %add3A_3455 = vector.broadcast %add3A_3454 : i32 to vector<8x128xi32>
      %add3A_3456 = arith.addi %broadcast_in_dim3A_15, %add3A_3455 : vector<8x128xi32>
      %ge3A_3457 = arith.cmpf oge, %max3A_3409, %get3A_3450 : vector<8x128xf32>
      %max3A_3458 = arith.maximumf %max3A_3409, %get3A_3450 : vector<8x128xf32>
      %select_n3A_3459 = arith.select %ge3A_3457, %select_n3A_3410, %add3A_3456 : vector<8x128xi1>, vector<8x128xi32>
      %ge3A_3460 = arith.cmpf oge, %max3A_3413, %get3A_3450 : vector<8x128xf32>
      %min3A_3461 = arith.minimumf %max3A_3409, %get3A_3450 : vector<8x128xf32>
      %max3A_3462 = arith.maximumf %min3A_3461, %max3A_3413 : vector<8x128xf32>
      %select_n3A_3463 = arith.select %ge3A_3457, %add3A_3456, %select_n3A_3410 : vector<8x128xi1>, vector<8x128xi32>
      %select_n3A_3464 = arith.select %ge3A_3460, %select_n3A_3415, %select_n3A_3463 : vector<8x128xi1>, vector<8x128xi32>
      %ge3A_3465 = arith.cmpf oge, %max3A_3418, %get3A_3450 : vector<8x128xf32>
      %min3A_3466 = arith.minimumf %max3A_3413, %get3A_3450 : vector<8x128xf32>
      %max3A_3467 = arith.maximumf %min3A_3466, %max3A_3418 : vector<8x128xf32>
      %select_n3A_3468 = arith.select %ge3A_3460, %add3A_3456, %select_n3A_3415 : vector<8x128xi1>, vector<8x128xi32>
      %select_n3A_3469 = arith.select %ge3A_3465, %select_n3A_3420, %select_n3A_3468 : vector<8x128xi1>, vector<8x128xi32>
      %ge3A_3470 = arith.cmpf oge, %max3A_3423, %get3A_3450 : vector<8x128xf32>
      %min3A_3471 = arith.minimumf %max3A_3418, %get3A_3450 : vector<8x128xf32>
      %max3A_3472 = arith.maximumf %min3A_3471, %max3A_3423 : vector<8x128xf32>
      %select_n3A_3473 = arith.select %ge3A_3465, %add3A_3456, %select_n3A_3420 : vector<8x128xi1>, vector<8x128xi32>
      %select_n3A_3474 = arith.select %ge3A_3470, %select_n3A_3425, %select_n3A_3473 : vector<8x128xi1>, vector<8x128xi32>
      %ge3A_3475 = arith.cmpf oge, %max3A_3428, %get3A_3450 : vector<8x128xf32>
      %min3A_3476 = arith.minimumf %max3A_3423, %get3A_3450 : vector<8x128xf32>
      %max3A_3477 = arith.maximumf %min3A_3476, %max3A_3428 : vector<8x128xf32>
      %select_n3A_3478 = arith.select %ge3A_3470, %add3A_3456, %select_n3A_3425 : vector<8x128xi1>, vector<8x128xi32>
      %select_n3A_3479 = arith.select %ge3A_3475, %select_n3A_3430, %select_n3A_3478 : vector<8x128xi1>, vector<8x128xi32>
      %ge3A_3480 = arith.cmpf oge, %max3A_3433, %get3A_3450 : vector<8x128xf32>
      %min3A_3481 = arith.minimumf %max3A_3428, %get3A_3450 : vector<8x128xf32>
      %max3A_3482 = arith.maximumf %min3A_3481, %max3A_3433 : vector<8x128xf32>
      %select_n3A_3483 = arith.select %ge3A_3475, %add3A_3456, %select_n3A_3430 : vector<8x128xi1>, vector<8x128xi32>
      %select_n3A_3484 = arith.select %ge3A_3480, %select_n3A_3435, %select_n3A_3483 : vector<8x128xi1>, vector<8x128xi32>
      %ge3A_3485 = arith.cmpf oge, %max3A_3438, %get3A_3450 : vector<8x128xf32>
      %min3A_3486 = arith.minimumf %max3A_3433, %get3A_3450 : vector<8x128xf32>
      %max3A_3487 = arith.maximumf %min3A_3486, %max3A_3438 : vector<8x128xf32>
      %select_n3A_3488 = arith.select %ge3A_3480, %add3A_3456, %select_n3A_3435 : vector<8x128xi1>, vector<8x128xi32>
      %select_n3A_3489 = arith.select %ge3A_3485, %select_n3A_3440, %select_n3A_3488 : vector<8x128xi1>, vector<8x128xi32>
      %ge3A_3490 = arith.cmpf oge, %max3A_3443, %get3A_3450 : vector<8x128xf32>
      %min3A_3491 = arith.minimumf %max3A_3438, %get3A_3450 : vector<8x128xf32>
      %max3A_3492 = arith.maximumf %min3A_3491, %max3A_3443 : vector<8x128xf32>
      %select_n3A_3493 = arith.select %ge3A_3485, %add3A_3456, %select_n3A_3440 : vector<8x128xi1>, vector<8x128xi32>
      %select_n3A_3494 = arith.select %ge3A_3490, %select_n3A_3445, %select_n3A_3493 : vector<8x128xi1>, vector<8x128xi32>
      %get3A_3495 = arith.index_cast %add3A_37 : i32 to index
      %get3A_3496 = arith.constant 0 : index
      %get3A_3497 = arith.constant 512 : index
      %get3A_3498 = vector.load %arg4[%get3A_3495, %get3A_3496, %get3A_3497] : memref<64x8x2048xf32, #tpu.memory_space<vmem>>, vector<1x8x128xf32>
      %get3A_3499 = vector.shape_cast %get3A_3498 : vector<1x8x128xf32> to vector<8x128xf32>
      %mul3A_3500 = arith.constant 16 : i32
      %mul3A_3501 = arith.muli %arg0, %mul3A_3500 : i32
      %add3A_3502 = arith.constant 4 : i32
      %add3A_3503 = arith.addi %mul3A_3501, %add3A_3502 : i32
      %add3A_3504 = vector.broadcast %add3A_3503 : i32 to vector<8x128xi32>
      %add3A_3505 = arith.addi %broadcast_in_dim3A_15, %add3A_3504 : vector<8x128xi32>
      %ge3A_3506 = arith.cmpf oge, %max3A_3458, %get3A_3499 : vector<8x128xf32>
      %max3A_3507 = arith.maximumf %max3A_3458, %get3A_3499 : vector<8x128xf32>
      %select_n3A_3508 = arith.select %ge3A_3506, %select_n3A_3459, %add3A_3505 : vector<8x128xi1>, vector<8x128xi32>
      %ge3A_3509 = arith.cmpf oge, %max3A_3462, %get3A_3499 : vector<8x128xf32>
      %min3A_3510 = arith.minimumf %max3A_3458, %get3A_3499 : vector<8x128xf32>
      %max3A_3511 = arith.maximumf %min3A_3510, %max3A_3462 : vector<8x128xf32>
      %select_n3A_3512 = arith.select %ge3A_3506, %add3A_3505, %select_n3A_3459 : vector<8x128xi1>, vector<8x128xi32>
      %select_n3A_3513 = arith.select %ge3A_3509, %select_n3A_3464, %select_n3A_3512 : vector<8x128xi1>, vector<8x128xi32>
      %ge3A_3514 = arith.cmpf oge, %max3A_3467, %get3A_3499 : vector<8x128xf32>
      %min3A_3515 = arith.minimumf %max3A_3462, %get3A_3499 : vector<8x128xf32>
      %max3A_3516 = arith.maximumf %min3A_3515, %max3A_3467 : vector<8x128xf32>
      %select_n3A_3517 = arith.select %ge3A_3509, %add3A_3505, %select_n3A_3464 : vector<8x128xi1>, vector<8x128xi32>
      %select_n3A_3518 = arith.select %ge3A_3514, %select_n3A_3469, %select_n3A_3517 : vector<8x128xi1>, vector<8x128xi32>
      %ge3A_3519 = arith.cmpf oge, %max3A_3472, %get3A_3499 : vector<8x128xf32>
      %min3A_3520 = arith.minimumf %max3A_3467, %get3A_3499 : vector<8x128xf32>
      %max3A_3521 = arith.maximumf %min3A_3520, %max3A_3472 : vector<8x128xf32>
      %select_n3A_3522 = arith.select %ge3A_3514, %add3A_3505, %select_n3A_3469 : vector<8x128xi1>, vector<8x128xi32>
      %select_n3A_3523 = arith.select %ge3A_3519, %select_n3A_3474, %select_n3A_3522 : vector<8x128xi1>, vector<8x128xi32>
      %ge3A_3524 = arith.cmpf oge, %max3A_3477, %get3A_3499 : vector<8x128xf32>
      %min3A_3525 = arith.minimumf %max3A_3472, %get3A_3499 : vector<8x128xf32>
      %max3A_3526 = arith.maximumf %min3A_3525, %max3A_3477 : vector<8x128xf32>
      %select_n3A_3527 = arith.select %ge3A_3519, %add3A_3505, %select_n3A_3474 : vector<8x128xi1>, vector<8x128xi32>
      %select_n3A_3528 = arith.select %ge3A_3524, %select_n3A_3479, %select_n3A_3527 : vector<8x128xi1>, vector<8x128xi32>
      %ge3A_3529 = arith.cmpf oge, %max3A_3482, %get3A_3499 : vector<8x128xf32>
      %min3A_3530 = arith.minimumf %max3A_3477, %get3A_3499 : vector<8x128xf32>
      %max3A_3531 = arith.maximumf %min3A_3530, %max3A_3482 : vector<8x128xf32>
      %select_n3A_3532 = arith.select %ge3A_3524, %add3A_3505, %select_n3A_3479 : vector<8x128xi1>, vector<8x128xi32>
      %select_n3A_3533 = arith.select %ge3A_3529, %select_n3A_3484, %select_n3A_3532 : vector<8x128xi1>, vector<8x128xi32>
      %ge3A_3534 = arith.cmpf oge, %max3A_3487, %get3A_3499 : vector<8x128xf32>
      %min3A_3535 = arith.minimumf %max3A_3482, %get3A_3499 : vector<8x128xf32>
      %max3A_3536 = arith.maximumf %min3A_3535, %max3A_3487 : vector<8x128xf32>
      %select_n3A_3537 = arith.select %ge3A_3529, %add3A_3505, %select_n3A_3484 : vector<8x128xi1>, vector<8x128xi32>
      %select_n3A_3538 = arith.select %ge3A_3534, %select_n3A_3489, %select_n3A_3537 : vector<8x128xi1>, vector<8x128xi32>
      %ge3A_3539 = arith.cmpf oge, %max3A_3492, %get3A_3499 : vector<8x128xf32>
      %min3A_3540 = arith.minimumf %max3A_3487, %get3A_3499 : vector<8x128xf32>
      %max3A_3541 = arith.maximumf %min3A_3540, %max3A_3492 : vector<8x128xf32>
      %select_n3A_3542 = arith.select %ge3A_3534, %add3A_3505, %select_n3A_3489 : vector<8x128xi1>, vector<8x128xi32>
      %select_n3A_3543 = arith.select %ge3A_3539, %select_n3A_3494, %select_n3A_3542 : vector<8x128xi1>, vector<8x128xi32>
      %get3A_3544 = arith.index_cast %add3A_37 : i32 to index
      %get3A_3545 = arith.constant 0 : index
      %get3A_3546 = arith.constant 640 : index
      %get3A_3547 = vector.load %arg4[%get3A_3544, %get3A_3545, %get3A_3546] : memref<64x8x2048xf32, #tpu.memory_space<vmem>>, vector<1x8x128xf32>
      %get3A_3548 = vector.shape_cast %get3A_3547 : vector<1x8x128xf32> to vector<8x128xf32>
      %mul3A_3549 = arith.constant 16 : i32
      %mul3A_3550 = arith.muli %arg0, %mul3A_3549 : i32
      %add3A_3551 = arith.constant 5 : i32
      %add3A_3552 = arith.addi %mul3A_3550, %add3A_3551 : i32
      %add3A_3553 = vector.broadcast %add3A_3552 : i32 to vector<8x128xi32>
      %add3A_3554 = arith.addi %broadcast_in_dim3A_15, %add3A_3553 : vector<8x128xi32>
      %ge3A_3555 = arith.cmpf oge, %max3A_3507, %get3A_3548 : vector<8x128xf32>
      %max3A_3556 = arith.maximumf %max3A_3507, %get3A_3548 : vector<8x128xf32>
      %select_n3A_3557 = arith.select %ge3A_3555, %select_n3A_3508, %add3A_3554 : vector<8x128xi1>, vector<8x128xi32>
      %ge3A_3558 = arith.cmpf oge, %max3A_3511, %get3A_3548 : vector<8x128xf32>
      %min3A_3559 = arith.minimumf %max3A_3507, %get3A_3548 : vector<8x128xf32>
      %max3A_3560 = arith.maximumf %min3A_3559, %max3A_3511 : vector<8x128xf32>
      %select_n3A_3561 = arith.select %ge3A_3555, %add3A_3554, %select_n3A_3508 : vector<8x128xi1>, vector<8x128xi32>
      %select_n3A_3562 = arith.select %ge3A_3558, %select_n3A_3513, %select_n3A_3561 : vector<8x128xi1>, vector<8x128xi32>
      %ge3A_3563 = arith.cmpf oge, %max3A_3516, %get3A_3548 : vector<8x128xf32>
      %min3A_3564 = arith.minimumf %max3A_3511, %get3A_3548 : vector<8x128xf32>
      %max3A_3565 = arith.maximumf %min3A_3564, %max3A_3516 : vector<8x128xf32>
      %select_n3A_3566 = arith.select %ge3A_3558, %add3A_3554, %select_n3A_3513 : vector<8x128xi1>, vector<8x128xi32>
      %select_n3A_3567 = arith.select %ge3A_3563, %select_n3A_3518, %select_n3A_3566 : vector<8x128xi1>, vector<8x128xi32>
      %ge3A_3568 = arith.cmpf oge, %max3A_3521, %get3A_3548 : vector<8x128xf32>
      %min3A_3569 = arith.minimumf %max3A_3516, %get3A_3548 : vector<8x128xf32>
      %max3A_3570 = arith.maximumf %min3A_3569, %max3A_3521 : vector<8x128xf32>
      %select_n3A_3571 = arith.select %ge3A_3563, %add3A_3554, %select_n3A_3518 : vector<8x128xi1>, vector<8x128xi32>
      %select_n3A_3572 = arith.select %ge3A_3568, %select_n3A_3523, %select_n3A_3571 : vector<8x128xi1>, vector<8x128xi32>
      %ge3A_3573 = arith.cmpf oge, %max3A_3526, %get3A_3548 : vector<8x128xf32>
      %min3A_3574 = arith.minimumf %max3A_3521, %get3A_3548 : vector<8x128xf32>
      %max3A_3575 = arith.maximumf %min3A_3574, %max3A_3526 : vector<8x128xf32>
      %select_n3A_3576 = arith.select %ge3A_3568, %add3A_3554, %select_n3A_3523 : vector<8x128xi1>, vector<8x128xi32>
      %select_n3A_3577 = arith.select %ge3A_3573, %select_n3A_3528, %select_n3A_3576 : vector<8x128xi1>, vector<8x128xi32>
      %ge3A_3578 = arith.cmpf oge, %max3A_3531, %get3A_3548 : vector<8x128xf32>
      %min3A_3579 = arith.minimumf %max3A_3526, %get3A_3548 : vector<8x128xf32>
      %max3A_3580 = arith.maximumf %min3A_3579, %max3A_3531 : vector<8x128xf32>
      %select_n3A_3581 = arith.select %ge3A_3573, %add3A_3554, %select_n3A_3528 : vector<8x128xi1>, vector<8x128xi32>
      %select_n3A_3582 = arith.select %ge3A_3578, %select_n3A_3533, %select_n3A_3581 : vector<8x128xi1>, vector<8x128xi32>
      %ge3A_3583 = arith.cmpf oge, %max3A_3536, %get3A_3548 : vector<8x128xf32>
      %min3A_3584 = arith.minimumf %max3A_3531, %get3A_3548 : vector<8x128xf32>
      %max3A_3585 = arith.maximumf %min3A_3584, %max3A_3536 : vector<8x128xf32>
      %select_n3A_3586 = arith.select %ge3A_3578, %add3A_3554, %select_n3A_3533 : vector<8x128xi1>, vector<8x128xi32>
      %select_n3A_3587 = arith.select %ge3A_3583, %select_n3A_3538, %select_n3A_3586 : vector<8x128xi1>, vector<8x128xi32>
      %ge3A_3588 = arith.cmpf oge, %max3A_3541, %get3A_3548 : vector<8x128xf32>
      %min3A_3589 = arith.minimumf %max3A_3536, %get3A_3548 : vector<8x128xf32>
      %max3A_3590 = arith.maximumf %min3A_3589, %max3A_3541 : vector<8x128xf32>
      %select_n3A_3591 = arith.select %ge3A_3583, %add3A_3554, %select_n3A_3538 : vector<8x128xi1>, vector<8x128xi32>
      %select_n3A_3592 = arith.select %ge3A_3588, %select_n3A_3543, %select_n3A_3591 : vector<8x128xi1>, vector<8x128xi32>
      %get3A_3593 = arith.index_cast %add3A_37 : i32 to index
      %get3A_3594 = arith.constant 0 : index
      %get3A_3595 = arith.constant 768 : index
      %get3A_3596 = vector.load %arg4[%get3A_3593, %get3A_3594, %get3A_3595] : memref<64x8x2048xf32, #tpu.memory_space<vmem>>, vector<1x8x128xf32>
      %get3A_3597 = vector.shape_cast %get3A_3596 : vector<1x8x128xf32> to vector<8x128xf32>
      %mul3A_3598 = arith.constant 16 : i32
      %mul3A_3599 = arith.muli %arg0, %mul3A_3598 : i32
      %add3A_3600 = arith.constant 6 : i32
      %add3A_3601 = arith.addi %mul3A_3599, %add3A_3600 : i32
      %add3A_3602 = vector.broadcast %add3A_3601 : i32 to vector<8x128xi32>
      %add3A_3603 = arith.addi %broadcast_in_dim3A_15, %add3A_3602 : vector<8x128xi32>
      %ge3A_3604 = arith.cmpf oge, %max3A_3556, %get3A_3597 : vector<8x128xf32>
      %max3A_3605 = arith.maximumf %max3A_3556, %get3A_3597 : vector<8x128xf32>
      %select_n3A_3606 = arith.select %ge3A_3604, %select_n3A_3557, %add3A_3603 : vector<8x128xi1>, vector<8x128xi32>
      %ge3A_3607 = arith.cmpf oge, %max3A_3560, %get3A_3597 : vector<8x128xf32>
      %min3A_3608 = arith.minimumf %max3A_3556, %get3A_3597 : vector<8x128xf32>
      %max3A_3609 = arith.maximumf %min3A_3608, %max3A_3560 : vector<8x128xf32>
      %select_n3A_3610 = arith.select %ge3A_3604, %add3A_3603, %select_n3A_3557 : vector<8x128xi1>, vector<8x128xi32>
      %select_n3A_3611 = arith.select %ge3A_3607, %select_n3A_3562, %select_n3A_3610 : vector<8x128xi1>, vector<8x128xi32>
      %ge3A_3612 = arith.cmpf oge, %max3A_3565, %get3A_3597 : vector<8x128xf32>
      %min3A_3613 = arith.minimumf %max3A_3560, %get3A_3597 : vector<8x128xf32>
      %max3A_3614 = arith.maximumf %min3A_3613, %max3A_3565 : vector<8x128xf32>
      %select_n3A_3615 = arith.select %ge3A_3607, %add3A_3603, %select_n3A_3562 : vector<8x128xi1>, vector<8x128xi32>
      %select_n3A_3616 = arith.select %ge3A_3612, %select_n3A_3567, %select_n3A_3615 : vector<8x128xi1>, vector<8x128xi32>
      %ge3A_3617 = arith.cmpf oge, %max3A_3570, %get3A_3597 : vector<8x128xf32>
      %min3A_3618 = arith.minimumf %max3A_3565, %get3A_3597 : vector<8x128xf32>
      %max3A_3619 = arith.maximumf %min3A_3618, %max3A_3570 : vector<8x128xf32>
      %select_n3A_3620 = arith.select %ge3A_3612, %add3A_3603, %select_n3A_3567 : vector<8x128xi1>, vector<8x128xi32>
      %select_n3A_3621 = arith.select %ge3A_3617, %select_n3A_3572, %select_n3A_3620 : vector<8x128xi1>, vector<8x128xi32>
      %ge3A_3622 = arith.cmpf oge, %max3A_3575, %get3A_3597 : vector<8x128xf32>
      %min3A_3623 = arith.minimumf %max3A_3570, %get3A_3597 : vector<8x128xf32>
      %max3A_3624 = arith.maximumf %min3A_3623, %max3A_3575 : vector<8x128xf32>
      %select_n3A_3625 = arith.select %ge3A_3617, %add3A_3603, %select_n3A_3572 : vector<8x128xi1>, vector<8x128xi32>
      %select_n3A_3626 = arith.select %ge3A_3622, %select_n3A_3577, %select_n3A_3625 : vector<8x128xi1>, vector<8x128xi32>
      %ge3A_3627 = arith.cmpf oge, %max3A_3580, %get3A_3597 : vector<8x128xf32>
      %min3A_3628 = arith.minimumf %max3A_3575, %get3A_3597 : vector<8x128xf32>
      %max3A_3629 = arith.maximumf %min3A_3628, %max3A_3580 : vector<8x128xf32>
      %select_n3A_3630 = arith.select %ge3A_3622, %add3A_3603, %select_n3A_3577 : vector<8x128xi1>, vector<8x128xi32>
      %select_n3A_3631 = arith.select %ge3A_3627, %select_n3A_3582, %select_n3A_3630 : vector<8x128xi1>, vector<8x128xi32>
      %ge3A_3632 = arith.cmpf oge, %max3A_3585, %get3A_3597 : vector<8x128xf32>
      %min3A_3633 = arith.minimumf %max3A_3580, %get3A_3597 : vector<8x128xf32>
      %max3A_3634 = arith.maximumf %min3A_3633, %max3A_3585 : vector<8x128xf32>
      %select_n3A_3635 = arith.select %ge3A_3627, %add3A_3603, %select_n3A_3582 : vector<8x128xi1>, vector<8x128xi32>
      %select_n3A_3636 = arith.select %ge3A_3632, %select_n3A_3587, %select_n3A_3635 : vector<8x128xi1>, vector<8x128xi32>
      %ge3A_3637 = arith.cmpf oge, %max3A_3590, %get3A_3597 : vector<8x128xf32>
      %min3A_3638 = arith.minimumf %max3A_3585, %get3A_3597 : vector<8x128xf32>
      %max3A_3639 = arith.maximumf %min3A_3638, %max3A_3590 : vector<8x128xf32>
      %select_n3A_3640 = arith.select %ge3A_3632, %add3A_3603, %select_n3A_3587 : vector<8x128xi1>, vector<8x128xi32>
      %select_n3A_3641 = arith.select %ge3A_3637, %select_n3A_3592, %select_n3A_3640 : vector<8x128xi1>, vector<8x128xi32>
      %get3A_3642 = arith.index_cast %add3A_37 : i32 to index
      %get3A_3643 = arith.constant 0 : index
      %get3A_3644 = arith.constant 896 : index
      %get3A_3645 = vector.load %arg4[%get3A_3642, %get3A_3643, %get3A_3644] : memref<64x8x2048xf32, #tpu.memory_space<vmem>>, vector<1x8x128xf32>
      %get3A_3646 = vector.shape_cast %get3A_3645 : vector<1x8x128xf32> to vector<8x128xf32>
      %mul3A_3647 = arith.constant 16 : i32
      %mul3A_3648 = arith.muli %arg0, %mul3A_3647 : i32
      %add3A_3649 = arith.constant 7 : i32
      %add3A_3650 = arith.addi %mul3A_3648, %add3A_3649 : i32
      %add3A_3651 = vector.broadcast %add3A_3650 : i32 to vector<8x128xi32>
      %add3A_3652 = arith.addi %broadcast_in_dim3A_15, %add3A_3651 : vector<8x128xi32>
      %ge3A_3653 = arith.cmpf oge, %max3A_3605, %get3A_3646 : vector<8x128xf32>
      %max3A_3654 = arith.maximumf %max3A_3605, %get3A_3646 : vector<8x128xf32>
      %select_n3A_3655 = arith.select %ge3A_3653, %select_n3A_3606, %add3A_3652 : vector<8x128xi1>, vector<8x128xi32>
      %ge3A_3656 = arith.cmpf oge, %max3A_3609, %get3A_3646 : vector<8x128xf32>
      %min3A_3657 = arith.minimumf %max3A_3605, %get3A_3646 : vector<8x128xf32>
      %max3A_3658 = arith.maximumf %min3A_3657, %max3A_3609 : vector<8x128xf32>
      %select_n3A_3659 = arith.select %ge3A_3653, %add3A_3652, %select_n3A_3606 : vector<8x128xi1>, vector<8x128xi32>
      %select_n3A_3660 = arith.select %ge3A_3656, %select_n3A_3611, %select_n3A_3659 : vector<8x128xi1>, vector<8x128xi32>
      %ge3A_3661 = arith.cmpf oge, %max3A_3614, %get3A_3646 : vector<8x128xf32>
      %min3A_3662 = arith.minimumf %max3A_3609, %get3A_3646 : vector<8x128xf32>
      %max3A_3663 = arith.maximumf %min3A_3662, %max3A_3614 : vector<8x128xf32>
      %select_n3A_3664 = arith.select %ge3A_3656, %add3A_3652, %select_n3A_3611 : vector<8x128xi1>, vector<8x128xi32>
      %select_n3A_3665 = arith.select %ge3A_3661, %select_n3A_3616, %select_n3A_3664 : vector<8x128xi1>, vector<8x128xi32>
      %ge3A_3666 = arith.cmpf oge, %max3A_3619, %get3A_3646 : vector<8x128xf32>
      %min3A_3667 = arith.minimumf %max3A_3614, %get3A_3646 : vector<8x128xf32>
      %max3A_3668 = arith.maximumf %min3A_3667, %max3A_3619 : vector<8x128xf32>
      %select_n3A_3669 = arith.select %ge3A_3661, %add3A_3652, %select_n3A_3616 : vector<8x128xi1>, vector<8x128xi32>
      %select_n3A_3670 = arith.select %ge3A_3666, %select_n3A_3621, %select_n3A_3669 : vector<8x128xi1>, vector<8x128xi32>
      %ge3A_3671 = arith.cmpf oge, %max3A_3624, %get3A_3646 : vector<8x128xf32>
      %min3A_3672 = arith.minimumf %max3A_3619, %get3A_3646 : vector<8x128xf32>
      %max3A_3673 = arith.maximumf %min3A_3672, %max3A_3624 : vector<8x128xf32>
      %select_n3A_3674 = arith.select %ge3A_3666, %add3A_3652, %select_n3A_3621 : vector<8x128xi1>, vector<8x128xi32>
      %select_n3A_3675 = arith.select %ge3A_3671, %select_n3A_3626, %select_n3A_3674 : vector<8x128xi1>, vector<8x128xi32>
      %ge3A_3676 = arith.cmpf oge, %max3A_3629, %get3A_3646 : vector<8x128xf32>
      %min3A_3677 = arith.minimumf %max3A_3624, %get3A_3646 : vector<8x128xf32>
      %max3A_3678 = arith.maximumf %min3A_3677, %max3A_3629 : vector<8x128xf32>
      %select_n3A_3679 = arith.select %ge3A_3671, %add3A_3652, %select_n3A_3626 : vector<8x128xi1>, vector<8x128xi32>
      %select_n3A_3680 = arith.select %ge3A_3676, %select_n3A_3631, %select_n3A_3679 : vector<8x128xi1>, vector<8x128xi32>
      %ge3A_3681 = arith.cmpf oge, %max3A_3634, %get3A_3646 : vector<8x128xf32>
      %min3A_3682 = arith.minimumf %max3A_3629, %get3A_3646 : vector<8x128xf32>
      %max3A_3683 = arith.maximumf %min3A_3682, %max3A_3634 : vector<8x128xf32>
      %select_n3A_3684 = arith.select %ge3A_3676, %add3A_3652, %select_n3A_3631 : vector<8x128xi1>, vector<8x128xi32>
      %select_n3A_3685 = arith.select %ge3A_3681, %select_n3A_3636, %select_n3A_3684 : vector<8x128xi1>, vector<8x128xi32>
      %ge3A_3686 = arith.cmpf oge, %max3A_3639, %get3A_3646 : vector<8x128xf32>
      %min3A_3687 = arith.minimumf %max3A_3634, %get3A_3646 : vector<8x128xf32>
      %max3A_3688 = arith.maximumf %min3A_3687, %max3A_3639 : vector<8x128xf32>
      %select_n3A_3689 = arith.select %ge3A_3681, %add3A_3652, %select_n3A_3636 : vector<8x128xi1>, vector<8x128xi32>
      %select_n3A_3690 = arith.select %ge3A_3686, %select_n3A_3641, %select_n3A_3689 : vector<8x128xi1>, vector<8x128xi32>
      %get3A_3691 = arith.index_cast %add3A_37 : i32 to index
      %get3A_3692 = arith.constant 0 : index
      %get3A_3693 = arith.constant 1024 : index
      %get3A_3694 = vector.load %arg4[%get3A_3691, %get3A_3692, %get3A_3693] : memref<64x8x2048xf32, #tpu.memory_space<vmem>>, vector<1x8x128xf32>
      %get3A_3695 = vector.shape_cast %get3A_3694 : vector<1x8x128xf32> to vector<8x128xf32>
      %mul3A_3696 = arith.constant 16 : i32
      %mul3A_3697 = arith.muli %arg0, %mul3A_3696 : i32
      %add3A_3698 = arith.constant 8 : i32
      %add3A_3699 = arith.addi %mul3A_3697, %add3A_3698 : i32
      %add3A_3700 = vector.broadcast %add3A_3699 : i32 to vector<8x128xi32>
      %add3A_3701 = arith.addi %broadcast_in_dim3A_15, %add3A_3700 : vector<8x128xi32>
      %ge3A_3702 = arith.cmpf oge, %max3A_3654, %get3A_3695 : vector<8x128xf32>
      %max3A_3703 = arith.maximumf %max3A_3654, %get3A_3695 : vector<8x128xf32>
      %select_n3A_3704 = arith.select %ge3A_3702, %select_n3A_3655, %add3A_3701 : vector<8x128xi1>, vector<8x128xi32>
      %ge3A_3705 = arith.cmpf oge, %max3A_3658, %get3A_3695 : vector<8x128xf32>
      %min3A_3706 = arith.minimumf %max3A_3654, %get3A_3695 : vector<8x128xf32>
      %max3A_3707 = arith.maximumf %min3A_3706, %max3A_3658 : vector<8x128xf32>
      %select_n3A_3708 = arith.select %ge3A_3702, %add3A_3701, %select_n3A_3655 : vector<8x128xi1>, vector<8x128xi32>
      %select_n3A_3709 = arith.select %ge3A_3705, %select_n3A_3660, %select_n3A_3708 : vector<8x128xi1>, vector<8x128xi32>
      %ge3A_3710 = arith.cmpf oge, %max3A_3663, %get3A_3695 : vector<8x128xf32>
      %min3A_3711 = arith.minimumf %max3A_3658, %get3A_3695 : vector<8x128xf32>
      %max3A_3712 = arith.maximumf %min3A_3711, %max3A_3663 : vector<8x128xf32>
      %select_n3A_3713 = arith.select %ge3A_3705, %add3A_3701, %select_n3A_3660 : vector<8x128xi1>, vector<8x128xi32>
      %select_n3A_3714 = arith.select %ge3A_3710, %select_n3A_3665, %select_n3A_3713 : vector<8x128xi1>, vector<8x128xi32>
      %ge3A_3715 = arith.cmpf oge, %max3A_3668, %get3A_3695 : vector<8x128xf32>
      %min3A_3716 = arith.minimumf %max3A_3663, %get3A_3695 : vector<8x128xf32>
      %max3A_3717 = arith.maximumf %min3A_3716, %max3A_3668 : vector<8x128xf32>
      %select_n3A_3718 = arith.select %ge3A_3710, %add3A_3701, %select_n3A_3665 : vector<8x128xi1>, vector<8x128xi32>
      %select_n3A_3719 = arith.select %ge3A_3715, %select_n3A_3670, %select_n3A_3718 : vector<8x128xi1>, vector<8x128xi32>
      %ge3A_3720 = arith.cmpf oge, %max3A_3673, %get3A_3695 : vector<8x128xf32>
      %min3A_3721 = arith.minimumf %max3A_3668, %get3A_3695 : vector<8x128xf32>
      %max3A_3722 = arith.maximumf %min3A_3721, %max3A_3673 : vector<8x128xf32>
      %select_n3A_3723 = arith.select %ge3A_3715, %add3A_3701, %select_n3A_3670 : vector<8x128xi1>, vector<8x128xi32>
      %select_n3A_3724 = arith.select %ge3A_3720, %select_n3A_3675, %select_n3A_3723 : vector<8x128xi1>, vector<8x128xi32>
      %ge3A_3725 = arith.cmpf oge, %max3A_3678, %get3A_3695 : vector<8x128xf32>
      %min3A_3726 = arith.minimumf %max3A_3673, %get3A_3695 : vector<8x128xf32>
      %max3A_3727 = arith.maximumf %min3A_3726, %max3A_3678 : vector<8x128xf32>
      %select_n3A_3728 = arith.select %ge3A_3720, %add3A_3701, %select_n3A_3675 : vector<8x128xi1>, vector<8x128xi32>
      %select_n3A_3729 = arith.select %ge3A_3725, %select_n3A_3680, %select_n3A_3728 : vector<8x128xi1>, vector<8x128xi32>
      %ge3A_3730 = arith.cmpf oge, %max3A_3683, %get3A_3695 : vector<8x128xf32>
      %min3A_3731 = arith.minimumf %max3A_3678, %get3A_3695 : vector<8x128xf32>
      %max3A_3732 = arith.maximumf %min3A_3731, %max3A_3683 : vector<8x128xf32>
      %select_n3A_3733 = arith.select %ge3A_3725, %add3A_3701, %select_n3A_3680 : vector<8x128xi1>, vector<8x128xi32>
      %select_n3A_3734 = arith.select %ge3A_3730, %select_n3A_3685, %select_n3A_3733 : vector<8x128xi1>, vector<8x128xi32>
      %ge3A_3735 = arith.cmpf oge, %max3A_3688, %get3A_3695 : vector<8x128xf32>
      %min3A_3736 = arith.minimumf %max3A_3683, %get3A_3695 : vector<8x128xf32>
      %max3A_3737 = arith.maximumf %min3A_3736, %max3A_3688 : vector<8x128xf32>
      %select_n3A_3738 = arith.select %ge3A_3730, %add3A_3701, %select_n3A_3685 : vector<8x128xi1>, vector<8x128xi32>
      %select_n3A_3739 = arith.select %ge3A_3735, %select_n3A_3690, %select_n3A_3738 : vector<8x128xi1>, vector<8x128xi32>
      %get3A_3740 = arith.index_cast %add3A_37 : i32 to index
      %get3A_3741 = arith.constant 0 : index
      %get3A_3742 = arith.constant 1152 : index
      %get3A_3743 = vector.load %arg4[%get3A_3740, %get3A_3741, %get3A_3742] : memref<64x8x2048xf32, #tpu.memory_space<vmem>>, vector<1x8x128xf32>
      %get3A_3744 = vector.shape_cast %get3A_3743 : vector<1x8x128xf32> to vector<8x128xf32>
      %mul3A_3745 = arith.constant 16 : i32
      %mul3A_3746 = arith.muli %arg0, %mul3A_3745 : i32
      %add3A_3747 = arith.constant 9 : i32
      %add3A_3748 = arith.addi %mul3A_3746, %add3A_3747 : i32
      %add3A_3749 = vector.broadcast %add3A_3748 : i32 to vector<8x128xi32>
      %add3A_3750 = arith.addi %broadcast_in_dim3A_15, %add3A_3749 : vector<8x128xi32>
      %ge3A_3751 = arith.cmpf oge, %max3A_3703, %get3A_3744 : vector<8x128xf32>
      %max3A_3752 = arith.maximumf %max3A_3703, %get3A_3744 : vector<8x128xf32>
      %select_n3A_3753 = arith.select %ge3A_3751, %select_n3A_3704, %add3A_3750 : vector<8x128xi1>, vector<8x128xi32>
      %ge3A_3754 = arith.cmpf oge, %max3A_3707, %get3A_3744 : vector<8x128xf32>
      %min3A_3755 = arith.minimumf %max3A_3703, %get3A_3744 : vector<8x128xf32>
      %max3A_3756 = arith.maximumf %min3A_3755, %max3A_3707 : vector<8x128xf32>
      %select_n3A_3757 = arith.select %ge3A_3751, %add3A_3750, %select_n3A_3704 : vector<8x128xi1>, vector<8x128xi32>
      %select_n3A_3758 = arith.select %ge3A_3754, %select_n3A_3709, %select_n3A_3757 : vector<8x128xi1>, vector<8x128xi32>
      %ge3A_3759 = arith.cmpf oge, %max3A_3712, %get3A_3744 : vector<8x128xf32>
      %min3A_3760 = arith.minimumf %max3A_3707, %get3A_3744 : vector<8x128xf32>
      %max3A_3761 = arith.maximumf %min3A_3760, %max3A_3712 : vector<8x128xf32>
      %select_n3A_3762 = arith.select %ge3A_3754, %add3A_3750, %select_n3A_3709 : vector<8x128xi1>, vector<8x128xi32>
      %select_n3A_3763 = arith.select %ge3A_3759, %select_n3A_3714, %select_n3A_3762 : vector<8x128xi1>, vector<8x128xi32>
      %ge3A_3764 = arith.cmpf oge, %max3A_3717, %get3A_3744 : vector<8x128xf32>
      %min3A_3765 = arith.minimumf %max3A_3712, %get3A_3744 : vector<8x128xf32>
      %max3A_3766 = arith.maximumf %min3A_3765, %max3A_3717 : vector<8x128xf32>
      %select_n3A_3767 = arith.select %ge3A_3759, %add3A_3750, %select_n3A_3714 : vector<8x128xi1>, vector<8x128xi32>
      %select_n3A_3768 = arith.select %ge3A_3764, %select_n3A_3719, %select_n3A_3767 : vector<8x128xi1>, vector<8x128xi32>
      %ge3A_3769 = arith.cmpf oge, %max3A_3722, %get3A_3744 : vector<8x128xf32>
      %min3A_3770 = arith.minimumf %max3A_3717, %get3A_3744 : vector<8x128xf32>
      %max3A_3771 = arith.maximumf %min3A_3770, %max3A_3722 : vector<8x128xf32>
      %select_n3A_3772 = arith.select %ge3A_3764, %add3A_3750, %select_n3A_3719 : vector<8x128xi1>, vector<8x128xi32>
      %select_n3A_3773 = arith.select %ge3A_3769, %select_n3A_3724, %select_n3A_3772 : vector<8x128xi1>, vector<8x128xi32>
      %ge3A_3774 = arith.cmpf oge, %max3A_3727, %get3A_3744 : vector<8x128xf32>
      %min3A_3775 = arith.minimumf %max3A_3722, %get3A_3744 : vector<8x128xf32>
      %max3A_3776 = arith.maximumf %min3A_3775, %max3A_3727 : vector<8x128xf32>
      %select_n3A_3777 = arith.select %ge3A_3769, %add3A_3750, %select_n3A_3724 : vector<8x128xi1>, vector<8x128xi32>
      %select_n3A_3778 = arith.select %ge3A_3774, %select_n3A_3729, %select_n3A_3777 : vector<8x128xi1>, vector<8x128xi32>
      %ge3A_3779 = arith.cmpf oge, %max3A_3732, %get3A_3744 : vector<8x128xf32>
      %min3A_3780 = arith.minimumf %max3A_3727, %get3A_3744 : vector<8x128xf32>
      %max3A_3781 = arith.maximumf %min3A_3780, %max3A_3732 : vector<8x128xf32>
      %select_n3A_3782 = arith.select %ge3A_3774, %add3A_3750, %select_n3A_3729 : vector<8x128xi1>, vector<8x128xi32>
      %select_n3A_3783 = arith.select %ge3A_3779, %select_n3A_3734, %select_n3A_3782 : vector<8x128xi1>, vector<8x128xi32>
      %ge3A_3784 = arith.cmpf oge, %max3A_3737, %get3A_3744 : vector<8x128xf32>
      %min3A_3785 = arith.minimumf %max3A_3732, %get3A_3744 : vector<8x128xf32>
      %max3A_3786 = arith.maximumf %min3A_3785, %max3A_3737 : vector<8x128xf32>
      %select_n3A_3787 = arith.select %ge3A_3779, %add3A_3750, %select_n3A_3734 : vector<8x128xi1>, vector<8x128xi32>
      %select_n3A_3788 = arith.select %ge3A_3784, %select_n3A_3739, %select_n3A_3787 : vector<8x128xi1>, vector<8x128xi32>
      %get3A_3789 = arith.index_cast %add3A_37 : i32 to index
      %get3A_3790 = arith.constant 0 : index
      %get3A_3791 = arith.constant 1280 : index
      %get3A_3792 = vector.load %arg4[%get3A_3789, %get3A_3790, %get3A_3791] : memref<64x8x2048xf32, #tpu.memory_space<vmem>>, vector<1x8x128xf32>
      %get3A_3793 = vector.shape_cast %get3A_3792 : vector<1x8x128xf32> to vector<8x128xf32>
      %mul3A_3794 = arith.constant 16 : i32
      %mul3A_3795 = arith.muli %arg0, %mul3A_3794 : i32
      %add3A_3796 = arith.constant 10 : i32
      %add3A_3797 = arith.addi %mul3A_3795, %add3A_3796 : i32
      %add3A_3798 = vector.broadcast %add3A_3797 : i32 to vector<8x128xi32>
      %add3A_3799 = arith.addi %broadcast_in_dim3A_15, %add3A_3798 : vector<8x128xi32>
      %ge3A_3800 = arith.cmpf oge, %max3A_3752, %get3A_3793 : vector<8x128xf32>
      %max3A_3801 = arith.maximumf %max3A_3752, %get3A_3793 : vector<8x128xf32>
      %select_n3A_3802 = arith.select %ge3A_3800, %select_n3A_3753, %add3A_3799 : vector<8x128xi1>, vector<8x128xi32>
      %ge3A_3803 = arith.cmpf oge, %max3A_3756, %get3A_3793 : vector<8x128xf32>
      %min3A_3804 = arith.minimumf %max3A_3752, %get3A_3793 : vector<8x128xf32>
      %max3A_3805 = arith.maximumf %min3A_3804, %max3A_3756 : vector<8x128xf32>
      %select_n3A_3806 = arith.select %ge3A_3800, %add3A_3799, %select_n3A_3753 : vector<8x128xi1>, vector<8x128xi32>
      %select_n3A_3807 = arith.select %ge3A_3803, %select_n3A_3758, %select_n3A_3806 : vector<8x128xi1>, vector<8x128xi32>
      %ge3A_3808 = arith.cmpf oge, %max3A_3761, %get3A_3793 : vector<8x128xf32>
      %min3A_3809 = arith.minimumf %max3A_3756, %get3A_3793 : vector<8x128xf32>
      %max3A_3810 = arith.maximumf %min3A_3809, %max3A_3761 : vector<8x128xf32>
      %select_n3A_3811 = arith.select %ge3A_3803, %add3A_3799, %select_n3A_3758 : vector<8x128xi1>, vector<8x128xi32>
      %select_n3A_3812 = arith.select %ge3A_3808, %select_n3A_3763, %select_n3A_3811 : vector<8x128xi1>, vector<8x128xi32>
      %ge3A_3813 = arith.cmpf oge, %max3A_3766, %get3A_3793 : vector<8x128xf32>
      %min3A_3814 = arith.minimumf %max3A_3761, %get3A_3793 : vector<8x128xf32>
      %max3A_3815 = arith.maximumf %min3A_3814, %max3A_3766 : vector<8x128xf32>
      %select_n3A_3816 = arith.select %ge3A_3808, %add3A_3799, %select_n3A_3763 : vector<8x128xi1>, vector<8x128xi32>
      %select_n3A_3817 = arith.select %ge3A_3813, %select_n3A_3768, %select_n3A_3816 : vector<8x128xi1>, vector<8x128xi32>
      %ge3A_3818 = arith.cmpf oge, %max3A_3771, %get3A_3793 : vector<8x128xf32>
      %min3A_3819 = arith.minimumf %max3A_3766, %get3A_3793 : vector<8x128xf32>
      %max3A_3820 = arith.maximumf %min3A_3819, %max3A_3771 : vector<8x128xf32>
      %select_n3A_3821 = arith.select %ge3A_3813, %add3A_3799, %select_n3A_3768 : vector<8x128xi1>, vector<8x128xi32>
      %select_n3A_3822 = arith.select %ge3A_3818, %select_n3A_3773, %select_n3A_3821 : vector<8x128xi1>, vector<8x128xi32>
      %ge3A_3823 = arith.cmpf oge, %max3A_3776, %get3A_3793 : vector<8x128xf32>
      %min3A_3824 = arith.minimumf %max3A_3771, %get3A_3793 : vector<8x128xf32>
      %max3A_3825 = arith.maximumf %min3A_3824, %max3A_3776 : vector<8x128xf32>
      %select_n3A_3826 = arith.select %ge3A_3818, %add3A_3799, %select_n3A_3773 : vector<8x128xi1>, vector<8x128xi32>
      %select_n3A_3827 = arith.select %ge3A_3823, %select_n3A_3778, %select_n3A_3826 : vector<8x128xi1>, vector<8x128xi32>
      %ge3A_3828 = arith.cmpf oge, %max3A_3781, %get3A_3793 : vector<8x128xf32>
      %min3A_3829 = arith.minimumf %max3A_3776, %get3A_3793 : vector<8x128xf32>
      %max3A_3830 = arith.maximumf %min3A_3829, %max3A_3781 : vector<8x128xf32>
      %select_n3A_3831 = arith.select %ge3A_3823, %add3A_3799, %select_n3A_3778 : vector<8x128xi1>, vector<8x128xi32>
      %select_n3A_3832 = arith.select %ge3A_3828, %select_n3A_3783, %select_n3A_3831 : vector<8x128xi1>, vector<8x128xi32>
      %ge3A_3833 = arith.cmpf oge, %max3A_3786, %get3A_3793 : vector<8x128xf32>
      %min3A_3834 = arith.minimumf %max3A_3781, %get3A_3793 : vector<8x128xf32>
      %max3A_3835 = arith.maximumf %min3A_3834, %max3A_3786 : vector<8x128xf32>
      %select_n3A_3836 = arith.select %ge3A_3828, %add3A_3799, %select_n3A_3783 : vector<8x128xi1>, vector<8x128xi32>
      %select_n3A_3837 = arith.select %ge3A_3833, %select_n3A_3788, %select_n3A_3836 : vector<8x128xi1>, vector<8x128xi32>
      %get3A_3838 = arith.index_cast %add3A_37 : i32 to index
      %get3A_3839 = arith.constant 0 : index
      %get3A_3840 = arith.constant 1408 : index
      %get3A_3841 = vector.load %arg4[%get3A_3838, %get3A_3839, %get3A_3840] : memref<64x8x2048xf32, #tpu.memory_space<vmem>>, vector<1x8x128xf32>
      %get3A_3842 = vector.shape_cast %get3A_3841 : vector<1x8x128xf32> to vector<8x128xf32>
      %mul3A_3843 = arith.constant 16 : i32
      %mul3A_3844 = arith.muli %arg0, %mul3A_3843 : i32
      %add3A_3845 = arith.constant 11 : i32
      %add3A_3846 = arith.addi %mul3A_3844, %add3A_3845 : i32
      %add3A_3847 = vector.broadcast %add3A_3846 : i32 to vector<8x128xi32>
      %add3A_3848 = arith.addi %broadcast_in_dim3A_15, %add3A_3847 : vector<8x128xi32>
      %ge3A_3849 = arith.cmpf oge, %max3A_3801, %get3A_3842 : vector<8x128xf32>
      %max3A_3850 = arith.maximumf %max3A_3801, %get3A_3842 : vector<8x128xf32>
      %select_n3A_3851 = arith.select %ge3A_3849, %select_n3A_3802, %add3A_3848 : vector<8x128xi1>, vector<8x128xi32>
      %ge3A_3852 = arith.cmpf oge, %max3A_3805, %get3A_3842 : vector<8x128xf32>
      %min3A_3853 = arith.minimumf %max3A_3801, %get3A_3842 : vector<8x128xf32>
      %max3A_3854 = arith.maximumf %min3A_3853, %max3A_3805 : vector<8x128xf32>
      %select_n3A_3855 = arith.select %ge3A_3849, %add3A_3848, %select_n3A_3802 : vector<8x128xi1>, vector<8x128xi32>
      %select_n3A_3856 = arith.select %ge3A_3852, %select_n3A_3807, %select_n3A_3855 : vector<8x128xi1>, vector<8x128xi32>
      %ge3A_3857 = arith.cmpf oge, %max3A_3810, %get3A_3842 : vector<8x128xf32>
      %min3A_3858 = arith.minimumf %max3A_3805, %get3A_3842 : vector<8x128xf32>
      %max3A_3859 = arith.maximumf %min3A_3858, %max3A_3810 : vector<8x128xf32>
      %select_n3A_3860 = arith.select %ge3A_3852, %add3A_3848, %select_n3A_3807 : vector<8x128xi1>, vector<8x128xi32>
      %select_n3A_3861 = arith.select %ge3A_3857, %select_n3A_3812, %select_n3A_3860 : vector<8x128xi1>, vector<8x128xi32>
      %ge3A_3862 = arith.cmpf oge, %max3A_3815, %get3A_3842 : vector<8x128xf32>
      %min3A_3863 = arith.minimumf %max3A_3810, %get3A_3842 : vector<8x128xf32>
      %max3A_3864 = arith.maximumf %min3A_3863, %max3A_3815 : vector<8x128xf32>
      %select_n3A_3865 = arith.select %ge3A_3857, %add3A_3848, %select_n3A_3812 : vector<8x128xi1>, vector<8x128xi32>
      %select_n3A_3866 = arith.select %ge3A_3862, %select_n3A_3817, %select_n3A_3865 : vector<8x128xi1>, vector<8x128xi32>
      %ge3A_3867 = arith.cmpf oge, %max3A_3820, %get3A_3842 : vector<8x128xf32>
      %min3A_3868 = arith.minimumf %max3A_3815, %get3A_3842 : vector<8x128xf32>
      %max3A_3869 = arith.maximumf %min3A_3868, %max3A_3820 : vector<8x128xf32>
      %select_n3A_3870 = arith.select %ge3A_3862, %add3A_3848, %select_n3A_3817 : vector<8x128xi1>, vector<8x128xi32>
      %select_n3A_3871 = arith.select %ge3A_3867, %select_n3A_3822, %select_n3A_3870 : vector<8x128xi1>, vector<8x128xi32>
      %ge3A_3872 = arith.cmpf oge, %max3A_3825, %get3A_3842 : vector<8x128xf32>
      %min3A_3873 = arith.minimumf %max3A_3820, %get3A_3842 : vector<8x128xf32>
      %max3A_3874 = arith.maximumf %min3A_3873, %max3A_3825 : vector<8x128xf32>
      %select_n3A_3875 = arith.select %ge3A_3867, %add3A_3848, %select_n3A_3822 : vector<8x128xi1>, vector<8x128xi32>
      %select_n3A_3876 = arith.select %ge3A_3872, %select_n3A_3827, %select_n3A_3875 : vector<8x128xi1>, vector<8x128xi32>
      %ge3A_3877 = arith.cmpf oge, %max3A_3830, %get3A_3842 : vector<8x128xf32>
      %min3A_3878 = arith.minimumf %max3A_3825, %get3A_3842 : vector<8x128xf32>
      %max3A_3879 = arith.maximumf %min3A_3878, %max3A_3830 : vector<8x128xf32>
      %select_n3A_3880 = arith.select %ge3A_3872, %add3A_3848, %select_n3A_3827 : vector<8x128xi1>, vector<8x128xi32>
      %select_n3A_3881 = arith.select %ge3A_3877, %select_n3A_3832, %select_n3A_3880 : vector<8x128xi1>, vector<8x128xi32>
      %ge3A_3882 = arith.cmpf oge, %max3A_3835, %get3A_3842 : vector<8x128xf32>
      %min3A_3883 = arith.minimumf %max3A_3830, %get3A_3842 : vector<8x128xf32>
      %max3A_3884 = arith.maximumf %min3A_3883, %max3A_3835 : vector<8x128xf32>
      %select_n3A_3885 = arith.select %ge3A_3877, %add3A_3848, %select_n3A_3832 : vector<8x128xi1>, vector<8x128xi32>
      %select_n3A_3886 = arith.select %ge3A_3882, %select_n3A_3837, %select_n3A_3885 : vector<8x128xi1>, vector<8x128xi32>
      %get3A_3887 = arith.index_cast %add3A_37 : i32 to index
      %get3A_3888 = arith.constant 0 : index
      %get3A_3889 = arith.constant 1536 : index
      %get3A_3890 = vector.load %arg4[%get3A_3887, %get3A_3888, %get3A_3889] : memref<64x8x2048xf32, #tpu.memory_space<vmem>>, vector<1x8x128xf32>
      %get3A_3891 = vector.shape_cast %get3A_3890 : vector<1x8x128xf32> to vector<8x128xf32>
      %mul3A_3892 = arith.constant 16 : i32
      %mul3A_3893 = arith.muli %arg0, %mul3A_3892 : i32
      %add3A_3894 = arith.constant 12 : i32
      %add3A_3895 = arith.addi %mul3A_3893, %add3A_3894 : i32
      %add3A_3896 = vector.broadcast %add3A_3895 : i32 to vector<8x128xi32>
      %add3A_3897 = arith.addi %broadcast_in_dim3A_15, %add3A_3896 : vector<8x128xi32>
      %ge3A_3898 = arith.cmpf oge, %max3A_3850, %get3A_3891 : vector<8x128xf32>
      %max3A_3899 = arith.maximumf %max3A_3850, %get3A_3891 : vector<8x128xf32>
      %select_n3A_3900 = arith.select %ge3A_3898, %select_n3A_3851, %add3A_3897 : vector<8x128xi1>, vector<8x128xi32>
      %ge3A_3901 = arith.cmpf oge, %max3A_3854, %get3A_3891 : vector<8x128xf32>
      %min3A_3902 = arith.minimumf %max3A_3850, %get3A_3891 : vector<8x128xf32>
      %max3A_3903 = arith.maximumf %min3A_3902, %max3A_3854 : vector<8x128xf32>
      %select_n3A_3904 = arith.select %ge3A_3898, %add3A_3897, %select_n3A_3851 : vector<8x128xi1>, vector<8x128xi32>
      %select_n3A_3905 = arith.select %ge3A_3901, %select_n3A_3856, %select_n3A_3904 : vector<8x128xi1>, vector<8x128xi32>
      %ge3A_3906 = arith.cmpf oge, %max3A_3859, %get3A_3891 : vector<8x128xf32>
      %min3A_3907 = arith.minimumf %max3A_3854, %get3A_3891 : vector<8x128xf32>
      %max3A_3908 = arith.maximumf %min3A_3907, %max3A_3859 : vector<8x128xf32>
      %select_n3A_3909 = arith.select %ge3A_3901, %add3A_3897, %select_n3A_3856 : vector<8x128xi1>, vector<8x128xi32>
      %select_n3A_3910 = arith.select %ge3A_3906, %select_n3A_3861, %select_n3A_3909 : vector<8x128xi1>, vector<8x128xi32>
      %ge3A_3911 = arith.cmpf oge, %max3A_3864, %get3A_3891 : vector<8x128xf32>
      %min3A_3912 = arith.minimumf %max3A_3859, %get3A_3891 : vector<8x128xf32>
      %max3A_3913 = arith.maximumf %min3A_3912, %max3A_3864 : vector<8x128xf32>
      %select_n3A_3914 = arith.select %ge3A_3906, %add3A_3897, %select_n3A_3861 : vector<8x128xi1>, vector<8x128xi32>
      %select_n3A_3915 = arith.select %ge3A_3911, %select_n3A_3866, %select_n3A_3914 : vector<8x128xi1>, vector<8x128xi32>
      %ge3A_3916 = arith.cmpf oge, %max3A_3869, %get3A_3891 : vector<8x128xf32>
      %min3A_3917 = arith.minimumf %max3A_3864, %get3A_3891 : vector<8x128xf32>
      %max3A_3918 = arith.maximumf %min3A_3917, %max3A_3869 : vector<8x128xf32>
      %select_n3A_3919 = arith.select %ge3A_3911, %add3A_3897, %select_n3A_3866 : vector<8x128xi1>, vector<8x128xi32>
      %select_n3A_3920 = arith.select %ge3A_3916, %select_n3A_3871, %select_n3A_3919 : vector<8x128xi1>, vector<8x128xi32>
      %ge3A_3921 = arith.cmpf oge, %max3A_3874, %get3A_3891 : vector<8x128xf32>
      %min3A_3922 = arith.minimumf %max3A_3869, %get3A_3891 : vector<8x128xf32>
      %max3A_3923 = arith.maximumf %min3A_3922, %max3A_3874 : vector<8x128xf32>
      %select_n3A_3924 = arith.select %ge3A_3916, %add3A_3897, %select_n3A_3871 : vector<8x128xi1>, vector<8x128xi32>
      %select_n3A_3925 = arith.select %ge3A_3921, %select_n3A_3876, %select_n3A_3924 : vector<8x128xi1>, vector<8x128xi32>
      %ge3A_3926 = arith.cmpf oge, %max3A_3879, %get3A_3891 : vector<8x128xf32>
      %min3A_3927 = arith.minimumf %max3A_3874, %get3A_3891 : vector<8x128xf32>
      %max3A_3928 = arith.maximumf %min3A_3927, %max3A_3879 : vector<8x128xf32>
      %select_n3A_3929 = arith.select %ge3A_3921, %add3A_3897, %select_n3A_3876 : vector<8x128xi1>, vector<8x128xi32>
      %select_n3A_3930 = arith.select %ge3A_3926, %select_n3A_3881, %select_n3A_3929 : vector<8x128xi1>, vector<8x128xi32>
      %ge3A_3931 = arith.cmpf oge, %max3A_3884, %get3A_3891 : vector<8x128xf32>
      %min3A_3932 = arith.minimumf %max3A_3879, %get3A_3891 : vector<8x128xf32>
      %max3A_3933 = arith.maximumf %min3A_3932, %max3A_3884 : vector<8x128xf32>
      %select_n3A_3934 = arith.select %ge3A_3926, %add3A_3897, %select_n3A_3881 : vector<8x128xi1>, vector<8x128xi32>
      %select_n3A_3935 = arith.select %ge3A_3931, %select_n3A_3886, %select_n3A_3934 : vector<8x128xi1>, vector<8x128xi32>
      %get3A_3936 = arith.index_cast %add3A_37 : i32 to index
      %get3A_3937 = arith.constant 0 : index
      %get3A_3938 = arith.constant 1664 : index
      %get3A_3939 = vector.load %arg4[%get3A_3936, %get3A_3937, %get3A_3938] : memref<64x8x2048xf32, #tpu.memory_space<vmem>>, vector<1x8x128xf32>
      %get3A_3940 = vector.shape_cast %get3A_3939 : vector<1x8x128xf32> to vector<8x128xf32>
      %mul3A_3941 = arith.constant 16 : i32
      %mul3A_3942 = arith.muli %arg0, %mul3A_3941 : i32
      %add3A_3943 = arith.constant 13 : i32
      %add3A_3944 = arith.addi %mul3A_3942, %add3A_3943 : i32
      %add3A_3945 = vector.broadcast %add3A_3944 : i32 to vector<8x128xi32>
      %add3A_3946 = arith.addi %broadcast_in_dim3A_15, %add3A_3945 : vector<8x128xi32>
      %ge3A_3947 = arith.cmpf oge, %max3A_3899, %get3A_3940 : vector<8x128xf32>
      %max3A_3948 = arith.maximumf %max3A_3899, %get3A_3940 : vector<8x128xf32>
      %select_n3A_3949 = arith.select %ge3A_3947, %select_n3A_3900, %add3A_3946 : vector<8x128xi1>, vector<8x128xi32>
      %ge3A_3950 = arith.cmpf oge, %max3A_3903, %get3A_3940 : vector<8x128xf32>
      %min3A_3951 = arith.minimumf %max3A_3899, %get3A_3940 : vector<8x128xf32>
      %max3A_3952 = arith.maximumf %min3A_3951, %max3A_3903 : vector<8x128xf32>
      %select_n3A_3953 = arith.select %ge3A_3947, %add3A_3946, %select_n3A_3900 : vector<8x128xi1>, vector<8x128xi32>
      %select_n3A_3954 = arith.select %ge3A_3950, %select_n3A_3905, %select_n3A_3953 : vector<8x128xi1>, vector<8x128xi32>
      %ge3A_3955 = arith.cmpf oge, %max3A_3908, %get3A_3940 : vector<8x128xf32>
      %min3A_3956 = arith.minimumf %max3A_3903, %get3A_3940 : vector<8x128xf32>
      %max3A_3957 = arith.maximumf %min3A_3956, %max3A_3908 : vector<8x128xf32>
      %select_n3A_3958 = arith.select %ge3A_3950, %add3A_3946, %select_n3A_3905 : vector<8x128xi1>, vector<8x128xi32>
      %select_n3A_3959 = arith.select %ge3A_3955, %select_n3A_3910, %select_n3A_3958 : vector<8x128xi1>, vector<8x128xi32>
      %ge3A_3960 = arith.cmpf oge, %max3A_3913, %get3A_3940 : vector<8x128xf32>
      %min3A_3961 = arith.minimumf %max3A_3908, %get3A_3940 : vector<8x128xf32>
      %max3A_3962 = arith.maximumf %min3A_3961, %max3A_3913 : vector<8x128xf32>
      %select_n3A_3963 = arith.select %ge3A_3955, %add3A_3946, %select_n3A_3910 : vector<8x128xi1>, vector<8x128xi32>
      %select_n3A_3964 = arith.select %ge3A_3960, %select_n3A_3915, %select_n3A_3963 : vector<8x128xi1>, vector<8x128xi32>
      %ge3A_3965 = arith.cmpf oge, %max3A_3918, %get3A_3940 : vector<8x128xf32>
      %min3A_3966 = arith.minimumf %max3A_3913, %get3A_3940 : vector<8x128xf32>
      %max3A_3967 = arith.maximumf %min3A_3966, %max3A_3918 : vector<8x128xf32>
      %select_n3A_3968 = arith.select %ge3A_3960, %add3A_3946, %select_n3A_3915 : vector<8x128xi1>, vector<8x128xi32>
      %select_n3A_3969 = arith.select %ge3A_3965, %select_n3A_3920, %select_n3A_3968 : vector<8x128xi1>, vector<8x128xi32>
      %ge3A_3970 = arith.cmpf oge, %max3A_3923, %get3A_3940 : vector<8x128xf32>
      %min3A_3971 = arith.minimumf %max3A_3918, %get3A_3940 : vector<8x128xf32>
      %max3A_3972 = arith.maximumf %min3A_3971, %max3A_3923 : vector<8x128xf32>
      %select_n3A_3973 = arith.select %ge3A_3965, %add3A_3946, %select_n3A_3920 : vector<8x128xi1>, vector<8x128xi32>
      %select_n3A_3974 = arith.select %ge3A_3970, %select_n3A_3925, %select_n3A_3973 : vector<8x128xi1>, vector<8x128xi32>
      %ge3A_3975 = arith.cmpf oge, %max3A_3928, %get3A_3940 : vector<8x128xf32>
      %min3A_3976 = arith.minimumf %max3A_3923, %get3A_3940 : vector<8x128xf32>
      %max3A_3977 = arith.maximumf %min3A_3976, %max3A_3928 : vector<8x128xf32>
      %select_n3A_3978 = arith.select %ge3A_3970, %add3A_3946, %select_n3A_3925 : vector<8x128xi1>, vector<8x128xi32>
      %select_n3A_3979 = arith.select %ge3A_3975, %select_n3A_3930, %select_n3A_3978 : vector<8x128xi1>, vector<8x128xi32>
      %ge3A_3980 = arith.cmpf oge, %max3A_3933, %get3A_3940 : vector<8x128xf32>
      %min3A_3981 = arith.minimumf %max3A_3928, %get3A_3940 : vector<8x128xf32>
      %max3A_3982 = arith.maximumf %min3A_3981, %max3A_3933 : vector<8x128xf32>
      %select_n3A_3983 = arith.select %ge3A_3975, %add3A_3946, %select_n3A_3930 : vector<8x128xi1>, vector<8x128xi32>
      %select_n3A_3984 = arith.select %ge3A_3980, %select_n3A_3935, %select_n3A_3983 : vector<8x128xi1>, vector<8x128xi32>
      %get3A_3985 = arith.index_cast %add3A_37 : i32 to index
      %get3A_3986 = arith.constant 0 : index
      %get3A_3987 = arith.constant 1792 : index
      %get3A_3988 = vector.load %arg4[%get3A_3985, %get3A_3986, %get3A_3987] : memref<64x8x2048xf32, #tpu.memory_space<vmem>>, vector<1x8x128xf32>
      %get3A_3989 = vector.shape_cast %get3A_3988 : vector<1x8x128xf32> to vector<8x128xf32>
      %mul3A_3990 = arith.constant 16 : i32
      %mul3A_3991 = arith.muli %arg0, %mul3A_3990 : i32
      %add3A_3992 = arith.constant 14 : i32
      %add3A_3993 = arith.addi %mul3A_3991, %add3A_3992 : i32
      %add3A_3994 = vector.broadcast %add3A_3993 : i32 to vector<8x128xi32>
      %add3A_3995 = arith.addi %broadcast_in_dim3A_15, %add3A_3994 : vector<8x128xi32>
      %ge3A_3996 = arith.cmpf oge, %max3A_3948, %get3A_3989 : vector<8x128xf32>
      %max3A_3997 = arith.maximumf %max3A_3948, %get3A_3989 : vector<8x128xf32>
      %select_n3A_3998 = arith.select %ge3A_3996, %select_n3A_3949, %add3A_3995 : vector<8x128xi1>, vector<8x128xi32>
      %ge3A_3999 = arith.cmpf oge, %max3A_3952, %get3A_3989 : vector<8x128xf32>
      %min3A_4000 = arith.minimumf %max3A_3948, %get3A_3989 : vector<8x128xf32>
      %max3A_4001 = arith.maximumf %min3A_4000, %max3A_3952 : vector<8x128xf32>
      %select_n3A_4002 = arith.select %ge3A_3996, %add3A_3995, %select_n3A_3949 : vector<8x128xi1>, vector<8x128xi32>
      %select_n3A_4003 = arith.select %ge3A_3999, %select_n3A_3954, %select_n3A_4002 : vector<8x128xi1>, vector<8x128xi32>
      %ge3A_4004 = arith.cmpf oge, %max3A_3957, %get3A_3989 : vector<8x128xf32>
      %min3A_4005 = arith.minimumf %max3A_3952, %get3A_3989 : vector<8x128xf32>
      %max3A_4006 = arith.maximumf %min3A_4005, %max3A_3957 : vector<8x128xf32>
      %select_n3A_4007 = arith.select %ge3A_3999, %add3A_3995, %select_n3A_3954 : vector<8x128xi1>, vector<8x128xi32>
      %select_n3A_4008 = arith.select %ge3A_4004, %select_n3A_3959, %select_n3A_4007 : vector<8x128xi1>, vector<8x128xi32>
      %ge3A_4009 = arith.cmpf oge, %max3A_3962, %get3A_3989 : vector<8x128xf32>
      %min3A_4010 = arith.minimumf %max3A_3957, %get3A_3989 : vector<8x128xf32>
      %max3A_4011 = arith.maximumf %min3A_4010, %max3A_3962 : vector<8x128xf32>
      %select_n3A_4012 = arith.select %ge3A_4004, %add3A_3995, %select_n3A_3959 : vector<8x128xi1>, vector<8x128xi32>
      %select_n3A_4013 = arith.select %ge3A_4009, %select_n3A_3964, %select_n3A_4012 : vector<8x128xi1>, vector<8x128xi32>
      %ge3A_4014 = arith.cmpf oge, %max3A_3967, %get3A_3989 : vector<8x128xf32>
      %min3A_4015 = arith.minimumf %max3A_3962, %get3A_3989 : vector<8x128xf32>
      %max3A_4016 = arith.maximumf %min3A_4015, %max3A_3967 : vector<8x128xf32>
      %select_n3A_4017 = arith.select %ge3A_4009, %add3A_3995, %select_n3A_3964 : vector<8x128xi1>, vector<8x128xi32>
      %select_n3A_4018 = arith.select %ge3A_4014, %select_n3A_3969, %select_n3A_4017 : vector<8x128xi1>, vector<8x128xi32>
      %ge3A_4019 = arith.cmpf oge, %max3A_3972, %get3A_3989 : vector<8x128xf32>
      %min3A_4020 = arith.minimumf %max3A_3967, %get3A_3989 : vector<8x128xf32>
      %max3A_4021 = arith.maximumf %min3A_4020, %max3A_3972 : vector<8x128xf32>
      %select_n3A_4022 = arith.select %ge3A_4014, %add3A_3995, %select_n3A_3969 : vector<8x128xi1>, vector<8x128xi32>
      %select_n3A_4023 = arith.select %ge3A_4019, %select_n3A_3974, %select_n3A_4022 : vector<8x128xi1>, vector<8x128xi32>
      %ge3A_4024 = arith.cmpf oge, %max3A_3977, %get3A_3989 : vector<8x128xf32>
      %min3A_4025 = arith.minimumf %max3A_3972, %get3A_3989 : vector<8x128xf32>
      %max3A_4026 = arith.maximumf %min3A_4025, %max3A_3977 : vector<8x128xf32>
      %select_n3A_4027 = arith.select %ge3A_4019, %add3A_3995, %select_n3A_3974 : vector<8x128xi1>, vector<8x128xi32>
      %select_n3A_4028 = arith.select %ge3A_4024, %select_n3A_3979, %select_n3A_4027 : vector<8x128xi1>, vector<8x128xi32>
      %ge3A_4029 = arith.cmpf oge, %max3A_3982, %get3A_3989 : vector<8x128xf32>
      %min3A_4030 = arith.minimumf %max3A_3977, %get3A_3989 : vector<8x128xf32>
      %max3A_4031 = arith.maximumf %min3A_4030, %max3A_3982 : vector<8x128xf32>
      %select_n3A_4032 = arith.select %ge3A_4024, %add3A_3995, %select_n3A_3979 : vector<8x128xi1>, vector<8x128xi32>
      %select_n3A_4033 = arith.select %ge3A_4029, %select_n3A_3984, %select_n3A_4032 : vector<8x128xi1>, vector<8x128xi32>
      %get3A_4034 = arith.index_cast %add3A_37 : i32 to index
      %get3A_4035 = arith.constant 0 : index
      %get3A_4036 = arith.constant 1920 : index
      %get3A_4037 = vector.load %arg4[%get3A_4034, %get3A_4035, %get3A_4036] : memref<64x8x2048xf32, #tpu.memory_space<vmem>>, vector<1x8x128xf32>
      %get3A_4038 = vector.shape_cast %get3A_4037 : vector<1x8x128xf32> to vector<8x128xf32>
      %mul3A_4039 = arith.constant 16 : i32
      %mul3A_4040 = arith.muli %arg0, %mul3A_4039 : i32
      %add3A_4041 = arith.constant 15 : i32
      %add3A_4042 = arith.addi %mul3A_4040, %add3A_4041 : i32
      %add3A_4043 = vector.broadcast %add3A_4042 : i32 to vector<8x128xi32>
      %add3A_4044 = arith.addi %broadcast_in_dim3A_15, %add3A_4043 : vector<8x128xi32>
      %ge3A_4045 = arith.cmpf oge, %max3A_3997, %get3A_4038 : vector<8x128xf32>
      %max3A_4046 = arith.maximumf %max3A_3997, %get3A_4038 : vector<8x128xf32>
      %select_n3A_4047 = arith.select %ge3A_4045, %select_n3A_3998, %add3A_4044 : vector<8x128xi1>, vector<8x128xi32>
      %ge3A_4048 = arith.cmpf oge, %max3A_4001, %get3A_4038 : vector<8x128xf32>
      %min3A_4049 = arith.minimumf %max3A_3997, %get3A_4038 : vector<8x128xf32>
      %max3A_4050 = arith.maximumf %min3A_4049, %max3A_4001 : vector<8x128xf32>
      %select_n3A_4051 = arith.select %ge3A_4045, %add3A_4044, %select_n3A_3998 : vector<8x128xi1>, vector<8x128xi32>
      %select_n3A_4052 = arith.select %ge3A_4048, %select_n3A_4003, %select_n3A_4051 : vector<8x128xi1>, vector<8x128xi32>
      %ge3A_4053 = arith.cmpf oge, %max3A_4006, %get3A_4038 : vector<8x128xf32>
      %min3A_4054 = arith.minimumf %max3A_4001, %get3A_4038 : vector<8x128xf32>
      %max3A_4055 = arith.maximumf %min3A_4054, %max3A_4006 : vector<8x128xf32>
      %select_n3A_4056 = arith.select %ge3A_4048, %add3A_4044, %select_n3A_4003 : vector<8x128xi1>, vector<8x128xi32>
      %select_n3A_4057 = arith.select %ge3A_4053, %select_n3A_4008, %select_n3A_4056 : vector<8x128xi1>, vector<8x128xi32>
      %ge3A_4058 = arith.cmpf oge, %max3A_4011, %get3A_4038 : vector<8x128xf32>
      %min3A_4059 = arith.minimumf %max3A_4006, %get3A_4038 : vector<8x128xf32>
      %max3A_4060 = arith.maximumf %min3A_4059, %max3A_4011 : vector<8x128xf32>
      %select_n3A_4061 = arith.select %ge3A_4053, %add3A_4044, %select_n3A_4008 : vector<8x128xi1>, vector<8x128xi32>
      %select_n3A_4062 = arith.select %ge3A_4058, %select_n3A_4013, %select_n3A_4061 : vector<8x128xi1>, vector<8x128xi32>
      %ge3A_4063 = arith.cmpf oge, %max3A_4016, %get3A_4038 : vector<8x128xf32>
      %min3A_4064 = arith.minimumf %max3A_4011, %get3A_4038 : vector<8x128xf32>
      %max3A_4065 = arith.maximumf %min3A_4064, %max3A_4016 : vector<8x128xf32>
      %select_n3A_4066 = arith.select %ge3A_4058, %add3A_4044, %select_n3A_4013 : vector<8x128xi1>, vector<8x128xi32>
      %select_n3A_4067 = arith.select %ge3A_4063, %select_n3A_4018, %select_n3A_4066 : vector<8x128xi1>, vector<8x128xi32>
      %ge3A_4068 = arith.cmpf oge, %max3A_4021, %get3A_4038 : vector<8x128xf32>
      %min3A_4069 = arith.minimumf %max3A_4016, %get3A_4038 : vector<8x128xf32>
      %max3A_4070 = arith.maximumf %min3A_4069, %max3A_4021 : vector<8x128xf32>
      %select_n3A_4071 = arith.select %ge3A_4063, %add3A_4044, %select_n3A_4018 : vector<8x128xi1>, vector<8x128xi32>
      %select_n3A_4072 = arith.select %ge3A_4068, %select_n3A_4023, %select_n3A_4071 : vector<8x128xi1>, vector<8x128xi32>
      %ge3A_4073 = arith.cmpf oge, %max3A_4026, %get3A_4038 : vector<8x128xf32>
      %min3A_4074 = arith.minimumf %max3A_4021, %get3A_4038 : vector<8x128xf32>
      %max3A_4075 = arith.maximumf %min3A_4074, %max3A_4026 : vector<8x128xf32>
      %select_n3A_4076 = arith.select %ge3A_4068, %add3A_4044, %select_n3A_4023 : vector<8x128xi1>, vector<8x128xi32>
      %select_n3A_4077 = arith.select %ge3A_4073, %select_n3A_4028, %select_n3A_4076 : vector<8x128xi1>, vector<8x128xi32>
      %ge3A_4078 = arith.cmpf oge, %max3A_4031, %get3A_4038 : vector<8x128xf32>
      %min3A_4079 = arith.minimumf %max3A_4026, %get3A_4038 : vector<8x128xf32>
      %max3A_4080 = arith.maximumf %min3A_4079, %max3A_4031 : vector<8x128xf32>
      %select_n3A_4081 = arith.select %ge3A_4073, %add3A_4044, %select_n3A_4028 : vector<8x128xi1>, vector<8x128xi32>
      %select_n3A_4082 = arith.select %ge3A_4078, %select_n3A_4033, %select_n3A_4081 : vector<8x128xi1>, vector<8x128xi32>
      %swap3A_4083 = arith.index_cast %add3A_37 : i32 to index
      %swap3A_4084 = arith.constant 0 : index
      %swap3A_4085 = arith.constant 0 : index
      %swap3A_4086 = arith.constant 0 : index
      %swap3A_4087 = vector.load %arg5[%swap3A_4083, %swap3A_4084, %swap3A_4085, %swap3A_4086] : memref<64x8x8x128xf32, #tpu.memory_space<vmem>>, vector<1x1x8x128xf32>
      %swap3A_4088 = vector.shape_cast %swap3A_4087 : vector<1x1x8x128xf32> to vector<8x128xf32>
      %swap3A_4089 = vector.shape_cast %max3A_4046 : vector<8x128xf32> to vector<1x1x8x128xf32>
      tpu.vector_store %arg5[%swap3A_4083, %swap3A_4084, %swap3A_4085, %swap3A_4086], %swap3A_4089 {strides = array<i32>} : memref<64x8x8x128xf32, #tpu.memory_space<vmem>>, vector<1x1x8x128xf32>,
      %swap3A_4090 = arith.index_cast %add3A_37 : i32 to index
      %swap3A_4091 = arith.constant 0 : index
      %swap3A_4092 = arith.constant 0 : index
      %swap3A_4093 = arith.constant 0 : index
      %swap3A_4094 = vector.load %arg6[%swap3A_4090, %swap3A_4091, %swap3A_4092, %swap3A_4093] : memref<64x8x8x128xi32, #tpu.memory_space<vmem>>, vector<1x1x8x128xi32>
      %swap3A_4095 = vector.shape_cast %swap3A_4094 : vector<1x1x8x128xi32> to vector<8x128xi32>
      %swap3A_4096 = vector.shape_cast %select_n3A_4047 : vector<8x128xi32> to vector<1x1x8x128xi32>
      tpu.vector_store %arg6[%swap3A_4090, %swap3A_4091, %swap3A_4092, %swap3A_4093], %swap3A_4096 {strides = array<i32>} : memref<64x8x8x128xi32, #tpu.memory_space<vmem>>, vector<1x1x8x128xi32>,
      %swap3A_4097 = arith.index_cast %add3A_37 : i32 to index
      %swap3A_4098 = arith.constant 1 : index
      %swap3A_4099 = arith.constant 0 : index
      %swap3A_4100 = arith.constant 0 : index
      %swap3A_4101 = vector.load %arg5[%swap3A_4097, %swap3A_4098, %swap3A_4099, %swap3A_4100] : memref<64x8x8x128xf32, #tpu.memory_space<vmem>>, vector<1x1x8x128xf32>
      %swap3A_4102 = vector.shape_cast %swap3A_4101 : vector<1x1x8x128xf32> to vector<8x128xf32>
      %swap3A_4103 = vector.shape_cast %max3A_4050 : vector<8x128xf32> to vector<1x1x8x128xf32>
      tpu.vector_store %arg5[%swap3A_4097, %swap3A_4098, %swap3A_4099, %swap3A_4100], %swap3A_4103 {strides = array<i32>} : memref<64x8x8x128xf32, #tpu.memory_space<vmem>>, vector<1x1x8x128xf32>,
      %swap3A_4104 = arith.index_cast %add3A_37 : i32 to index
      %swap3A_4105 = arith.constant 1 : index
      %swap3A_4106 = arith.constant 0 : index
      %swap3A_4107 = arith.constant 0 : index
      %swap3A_4108 = vector.load %arg6[%swap3A_4104, %swap3A_4105, %swap3A_4106, %swap3A_4107] : memref<64x8x8x128xi32, #tpu.memory_space<vmem>>, vector<1x1x8x128xi32>
      %swap3A_4109 = vector.shape_cast %swap3A_4108 : vector<1x1x8x128xi32> to vector<8x128xi32>
      %swap3A_4110 = vector.shape_cast %select_n3A_4052 : vector<8x128xi32> to vector<1x1x8x128xi32>
      tpu.vector_store %arg6[%swap3A_4104, %swap3A_4105, %swap3A_4106, %swap3A_4107], %swap3A_4110 {strides = array<i32>} : memref<64x8x8x128xi32, #tpu.memory_space<vmem>>, vector<1x1x8x128xi32>,
      %swap3A_4111 = arith.index_cast %add3A_37 : i32 to index
      %swap3A_4112 = arith.constant 2 : index
      %swap3A_4113 = arith.constant 0 : index
      %swap3A_4114 = arith.constant 0 : index
      %swap3A_4115 = vector.load %arg5[%swap3A_4111, %swap3A_4112, %swap3A_4113, %swap3A_4114] : memref<64x8x8x128xf32, #tpu.memory_space<vmem>>, vector<1x1x8x128xf32>
      %swap3A_4116 = vector.shape_cast %swap3A_4115 : vector<1x1x8x128xf32> to vector<8x128xf32>
      %swap3A_4117 = vector.shape_cast %max3A_4055 : vector<8x128xf32> to vector<1x1x8x128xf32>
      tpu.vector_store %arg5[%swap3A_4111, %swap3A_4112, %swap3A_4113, %swap3A_4114], %swap3A_4117 {strides = array<i32>} : memref<64x8x8x128xf32, #tpu.memory_space<vmem>>, vector<1x1x8x128xf32>,
      %swap3A_4118 = arith.index_cast %add3A_37 : i32 to index
      %swap3A_4119 = arith.constant 2 : index
      %swap3A_4120 = arith.constant 0 : index
      %swap3A_4121 = arith.constant 0 : index
      %swap3A_4122 = vector.load %arg6[%swap3A_4118, %swap3A_4119, %swap3A_4120, %swap3A_4121] : memref<64x8x8x128xi32, #tpu.memory_space<vmem>>, vector<1x1x8x128xi32>
      %swap3A_4123 = vector.shape_cast %swap3A_4122 : vector<1x1x8x128xi32> to vector<8x128xi32>
      %swap3A_4124 = vector.shape_cast %select_n3A_4057 : vector<8x128xi32> to vector<1x1x8x128xi32>
      tpu.vector_store %arg6[%swap3A_4118, %swap3A_4119, %swap3A_4120, %swap3A_4121], %swap3A_4124 {strides = array<i32>} : memref<64x8x8x128xi32, #tpu.memory_space<vmem>>, vector<1x1x8x128xi32>,
      %swap3A_4125 = arith.index_cast %add3A_37 : i32 to index
      %swap3A_4126 = arith.constant 3 : index
      %swap3A_4127 = arith.constant 0 : index
      %swap3A_4128 = arith.constant 0 : index
      %swap3A_4129 = vector.load %arg5[%swap3A_4125, %swap3A_4126, %swap3A_4127, %swap3A_4128] : memref<64x8x8x128xf32, #tpu.memory_space<vmem>>, vector<1x1x8x128xf32>
      %swap3A_4130 = vector.shape_cast %swap3A_4129 : vector<1x1x8x128xf32> to vector<8x128xf32>
      %swap3A_4131 = vector.shape_cast %max3A_4060 : vector<8x128xf32> to vector<1x1x8x128xf32>
      tpu.vector_store %arg5[%swap3A_4125, %swap3A_4126, %swap3A_4127, %swap3A_4128], %swap3A_4131 {strides = array<i32>} : memref<64x8x8x128xf32, #tpu.memory_space<vmem>>, vector<1x1x8x128xf32>,
      %swap3A_4132 = arith.index_cast %add3A_37 : i32 to index
      %swap3A_4133 = arith.constant 3 : index
      %swap3A_4134 = arith.constant 0 : index
      %swap3A_4135 = arith.constant 0 : index
      %swap3A_4136 = vector.load %arg6[%swap3A_4132, %swap3A_4133, %swap3A_4134, %swap3A_4135] : memref<64x8x8x128xi32, #tpu.memory_space<vmem>>, vector<1x1x8x128xi32>
      %swap3A_4137 = vector.shape_cast %swap3A_4136 : vector<1x1x8x128xi32> to vector<8x128xi32>
      %swap3A_4138 = vector.shape_cast %select_n3A_4062 : vector<8x128xi32> to vector<1x1x8x128xi32>
      tpu.vector_store %arg6[%swap3A_4132, %swap3A_4133, %swap3A_4134, %swap3A_4135], %swap3A_4138 {strides = array<i32>} : memref<64x8x8x128xi32, #tpu.memory_space<vmem>>, vector<1x1x8x128xi32>,
      %swap3A_4139 = arith.index_cast %add3A_37 : i32 to index
      %swap3A_4140 = arith.constant 4 : index
      %swap3A_4141 = arith.constant 0 : index
      %swap3A_4142 = arith.constant 0 : index
      %swap3A_4143 = vector.load %arg5[%swap3A_4139, %swap3A_4140, %swap3A_4141, %swap3A_4142] : memref<64x8x8x128xf32, #tpu.memory_space<vmem>>, vector<1x1x8x128xf32>
      %swap3A_4144 = vector.shape_cast %swap3A_4143 : vector<1x1x8x128xf32> to vector<8x128xf32>
      %swap3A_4145 = vector.shape_cast %max3A_4065 : vector<8x128xf32> to vector<1x1x8x128xf32>
      tpu.vector_store %arg5[%swap3A_4139, %swap3A_4140, %swap3A_4141, %swap3A_4142], %swap3A_4145 {strides = array<i32>} : memref<64x8x8x128xf32, #tpu.memory_space<vmem>>, vector<1x1x8x128xf32>,
      %swap3A_4146 = arith.index_cast %add3A_37 : i32 to index
      %swap3A_4147 = arith.constant 4 : index
      %swap3A_4148 = arith.constant 0 : index
      %swap3A_4149 = arith.constant 0 : index
      %swap3A_4150 = vector.load %arg6[%swap3A_4146, %swap3A_4147, %swap3A_4148, %swap3A_4149] : memref<64x8x8x128xi32, #tpu.memory_space<vmem>>, vector<1x1x8x128xi32>
      %swap3A_4151 = vector.shape_cast %swap3A_4150 : vector<1x1x8x128xi32> to vector<8x128xi32>
      %swap3A_4152 = vector.shape_cast %select_n3A_4067 : vector<8x128xi32> to vector<1x1x8x128xi32>
      tpu.vector_store %arg6[%swap3A_4146, %swap3A_4147, %swap3A_4148, %swap3A_4149], %swap3A_4152 {strides = array<i32>} : memref<64x8x8x128xi32, #tpu.memory_space<vmem>>, vector<1x1x8x128xi32>,
      %swap3A_4153 = arith.index_cast %add3A_37 : i32 to index
      %swap3A_4154 = arith.constant 5 : index
      %swap3A_4155 = arith.constant 0 : index
      %swap3A_4156 = arith.constant 0 : index
      %swap3A_4157 = vector.load %arg5[%swap3A_4153, %swap3A_4154, %swap3A_4155, %swap3A_4156] : memref<64x8x8x128xf32, #tpu.memory_space<vmem>>, vector<1x1x8x128xf32>
      %swap3A_4158 = vector.shape_cast %swap3A_4157 : vector<1x1x8x128xf32> to vector<8x128xf32>
      %swap3A_4159 = vector.shape_cast %max3A_4070 : vector<8x128xf32> to vector<1x1x8x128xf32>
      tpu.vector_store %arg5[%swap3A_4153, %swap3A_4154, %swap3A_4155, %swap3A_4156], %swap3A_4159 {strides = array<i32>} : memref<64x8x8x128xf32, #tpu.memory_space<vmem>>, vector<1x1x8x128xf32>,
      %swap3A_4160 = arith.index_cast %add3A_37 : i32 to index
      %swap3A_4161 = arith.constant 5 : index
      %swap3A_4162 = arith.constant 0 : index
      %swap3A_4163 = arith.constant 0 : index
      %swap3A_4164 = vector.load %arg6[%swap3A_4160, %swap3A_4161, %swap3A_4162, %swap3A_4163] : memref<64x8x8x128xi32, #tpu.memory_space<vmem>>, vector<1x1x8x128xi32>
      %swap3A_4165 = vector.shape_cast %swap3A_4164 : vector<1x1x8x128xi32> to vector<8x128xi32>
      %swap3A_4166 = vector.shape_cast %select_n3A_4072 : vector<8x128xi32> to vector<1x1x8x128xi32>
      tpu.vector_store %arg6[%swap3A_4160, %swap3A_4161, %swap3A_4162, %swap3A_4163], %swap3A_4166 {strides = array<i32>} : memref<64x8x8x128xi32, #tpu.memory_space<vmem>>, vector<1x1x8x128xi32>,
      %swap3A_4167 = arith.index_cast %add3A_37 : i32 to index
      %swap3A_4168 = arith.constant 6 : index
      %swap3A_4169 = arith.constant 0 : index
      %swap3A_4170 = arith.constant 0 : index
      %swap3A_4171 = vector.load %arg5[%swap3A_4167, %swap3A_4168, %swap3A_4169, %swap3A_4170] : memref<64x8x8x128xf32, #tpu.memory_space<vmem>>, vector<1x1x8x128xf32>
      %swap3A_4172 = vector.shape_cast %swap3A_4171 : vector<1x1x8x128xf32> to vector<8x128xf32>
      %swap3A_4173 = vector.shape_cast %max3A_4075 : vector<8x128xf32> to vector<1x1x8x128xf32>
      tpu.vector_store %arg5[%swap3A_4167, %swap3A_4168, %swap3A_4169, %swap3A_4170], %swap3A_4173 {strides = array<i32>} : memref<64x8x8x128xf32, #tpu.memory_space<vmem>>, vector<1x1x8x128xf32>,
      %swap3A_4174 = arith.index_cast %add3A_37 : i32 to index
      %swap3A_4175 = arith.constant 6 : index
      %swap3A_4176 = arith.constant 0 : index
      %swap3A_4177 = arith.constant 0 : index
      %swap3A_4178 = vector.load %arg6[%swap3A_4174, %swap3A_4175, %swap3A_4176, %swap3A_4177] : memref<64x8x8x128xi32, #tpu.memory_space<vmem>>, vector<1x1x8x128xi32>
      %swap3A_4179 = vector.shape_cast %swap3A_4178 : vector<1x1x8x128xi32> to vector<8x128xi32>
      %swap3A_4180 = vector.shape_cast %select_n3A_4077 : vector<8x128xi32> to vector<1x1x8x128xi32>
      tpu.vector_store %arg6[%swap3A_4174, %swap3A_4175, %swap3A_4176, %swap3A_4177], %swap3A_4180 {strides = array<i32>} : memref<64x8x8x128xi32, #tpu.memory_space<vmem>>, vector<1x1x8x128xi32>,
      %swap3A_4181 = arith.index_cast %add3A_37 : i32 to index
      %swap3A_4182 = arith.constant 7 : index
      %swap3A_4183 = arith.constant 0 : index
      %swap3A_4184 = arith.constant 0 : index
      %swap3A_4185 = vector.load %arg5[%swap3A_4181, %swap3A_4182, %swap3A_4183, %swap3A_4184] : memref<64x8x8x128xf32, #tpu.memory_space<vmem>>, vector<1x1x8x128xf32>
      %swap3A_4186 = vector.shape_cast %swap3A_4185 : vector<1x1x8x128xf32> to vector<8x128xf32>
      %swap3A_4187 = vector.shape_cast %max3A_4080 : vector<8x128xf32> to vector<1x1x8x128xf32>
      tpu.vector_store %arg5[%swap3A_4181, %swap3A_4182, %swap3A_4183, %swap3A_4184], %swap3A_4187 {strides = array<i32>} : memref<64x8x8x128xf32, #tpu.memory_space<vmem>>, vector<1x1x8x128xf32>,
      %swap3A_4188 = arith.index_cast %add3A_37 : i32 to index
      %swap3A_4189 = arith.constant 7 : index
      %swap3A_4190 = arith.constant 0 : index
      %swap3A_4191 = arith.constant 0 : index
      %swap3A_4192 = vector.load %arg6[%swap3A_4188, %swap3A_4189, %swap3A_4190, %swap3A_4191] : memref<64x8x8x128xi32, #tpu.memory_space<vmem>>, vector<1x1x8x128xi32>
      %swap3A_4193 = vector.shape_cast %swap3A_4192 : vector<1x1x8x128xi32> to vector<8x128xi32>
      %swap3A_4194 = vector.shape_cast %select_n3A_4082 : vector<8x128xi32> to vector<1x1x8x128xi32>
      tpu.vector_store %arg6[%swap3A_4188, %swap3A_4189, %swap3A_4190, %swap3A_4191], %swap3A_4194 {strides = array<i32>} : memref<64x8x8x128xi32, #tpu.memory_space<vmem>>, vector<1x1x8x128xi32>,
    }
    %scan3A_19 = arith.constant 16 : i32
    %eq3A_20 = arith.constant 48 : i32
    %eq3A_21 = arith.cmpi eq, %arg0, %eq3A_20 : i32
    %convert_element_type3A = arith.extui %eq3A_21 : i1 to i32
    %cond3A = arith.constant 0 : i32
    %cond3A_22 = arith.cmpi ne, %convert_element_type3A, %cond3A : i32
    scf.if %cond3A_22 {
      %iota3A_23 = tpu.iota {dimensions = array<i32: 1>} : vector<8x32xi32>
      %iota3A_24 = tpu.iota {dimensions = array<i32: 1>} : vector<8x1024xi32>
      %jit3A_25 = arith.constant 128 : i32
      %eq3A_26 = arith.constant 0 : i32
      %eq3A_27 = arith.cmpi eq, %jit3A_25, %eq3A_26 : i32
      %jit3A_28 = arith.constant 1 : i32
      %select_n3A_29 = arith.select %eq3A_27, %jit3A_28, %jit3A_25 : i32
      %rem3A = vector.broadcast %select_n3A_29 : i32 to vector<8x1024xi32>
      %rem3A_30 = arith.remsi %iota3A_24, %rem3A : vector<8x1024xi32>
      %ne3A = arith.constant 0 : i32
      %ne3A_31 = vector.broadcast %ne3A : i32 to vector<8x1024xi32>
      %ne3A_32 = arith.cmpi ne, %rem3A_30, %ne3A_31 : vector<8x1024xi32>
      %lt3A_33 = arith.constant 0 : i32
      %lt3A_34 = vector.broadcast %lt3A_33 : i32 to vector<8x1024xi32>
      %lt3A_35 = arith.cmpi slt, %rem3A_30, %lt3A_34 : vector<8x1024xi32>
      %lt3A_36 = arith.constant 0 : i32
      %lt3A_37 = arith.cmpi slt, %select_n3A_29, %lt3A_36 : i32
      %ne3A_38 = vector.broadcast %lt3A_37 : i1 to vector<8x1024xi1>
      %ne3A_39 = vector.broadcast %ne3A_38 : vector<8x1024xi1> to vector<8x1024xi1>
      %ne3A_40 = arith.xori %lt3A_35, %ne3A_39 : vector<8x1024xi1>
      %and3A = arith.andi %ne3A_40, %ne3A_32 : vector<8x1024xi1>
      %add3A_41 = vector.broadcast %select_n3A_29 : i32 to vector<8x1024xi32>
      %add3A_42 = arith.addi %rem3A_30, %add3A_41 : vector<8x1024xi32>
      %select_n3A_43 = arith.select %and3A, %add3A_42, %rem3A_30 : vector<8x1024xi1>, vector<8x1024xi32>
      %scan3A_44 = arith.constant 0 : i32
      %scan3A_45 = arith.constant 64 : i32
      %scan3A_46 = arith.addi %scan3A_44, %scan3A_45 : i32
      %scan3A_47 = arith.constant 1 : i32
      scf.for %scan3A_57 = %scan3A_44 to %scan3A_46 step %scan3A_47  : i32 {
        %get3A_58 = arith.index_cast %scan3A_57 : i32 to index
        %get3A_59 = arith.constant 0 : index
        %get3A_60 = arith.constant 0 : index
        %get3A_61 = arith.constant 0 : index
        %get3A_62 = vector.load %arg5[%get3A_58, %get3A_59, %get3A_60, %get3A_61] : memref<64x8x8x128xf32, #tpu.memory_space<vmem>>, vector<1x1x8x128xf32>
        %get3A_63 = vector.shape_cast %get3A_62 : vector<1x1x8x128xf32> to vector<8x128xf32>
        %get3A_64 = arith.index_cast %scan3A_57 : i32 to index
        %get3A_65 = arith.constant 1 : index
        %get3A_66 = arith.constant 0 : index
        %get3A_67 = arith.constant 0 : index
        %get3A_68 = vector.load %arg5[%get3A_64, %get3A_65, %get3A_66, %get3A_67] : memref<64x8x8x128xf32, #tpu.memory_space<vmem>>, vector<1x1x8x128xf32>
        %get3A_69 = vector.shape_cast %get3A_68 : vector<1x1x8x128xf32> to vector<8x128xf32>
        %get3A_70 = arith.index_cast %scan3A_57 : i32 to index
        %get3A_71 = arith.constant 2 : index
        %get3A_72 = arith.constant 0 : index
        %get3A_73 = arith.constant 0 : index
        %get3A_74 = vector.load %arg5[%get3A_70, %get3A_71, %get3A_72, %get3A_73] : memref<64x8x8x128xf32, #tpu.memory_space<vmem>>, vector<1x1x8x128xf32>
        %get3A_75 = vector.shape_cast %get3A_74 : vector<1x1x8x128xf32> to vector<8x128xf32>
        %get3A_76 = arith.index_cast %scan3A_57 : i32 to index
        %get3A_77 = arith.constant 3 : index
        %get3A_78 = arith.constant 0 : index
        %get3A_79 = arith.constant 0 : index
        %get3A_80 = vector.load %arg5[%get3A_76, %get3A_77, %get3A_78, %get3A_79] : memref<64x8x8x128xf32, #tpu.memory_space<vmem>>, vector<1x1x8x128xf32>
        %get3A_81 = vector.shape_cast %get3A_80 : vector<1x1x8x128xf32> to vector<8x128xf32>
        %get3A_82 = arith.index_cast %scan3A_57 : i32 to index
        %get3A_83 = arith.constant 4 : index
        %get3A_84 = arith.constant 0 : index
        %get3A_85 = arith.constant 0 : index
        %get3A_86 = vector.load %arg5[%get3A_82, %get3A_83, %get3A_84, %get3A_85] : memref<64x8x8x128xf32, #tpu.memory_space<vmem>>, vector<1x1x8x128xf32>
        %get3A_87 = vector.shape_cast %get3A_86 : vector<1x1x8x128xf32> to vector<8x128xf32>
        %get3A_88 = arith.index_cast %scan3A_57 : i32 to index
        %get3A_89 = arith.constant 5 : index
        %get3A_90 = arith.constant 0 : index
        %get3A_91 = arith.constant 0 : index
        %get3A_92 = vector.load %arg5[%get3A_88, %get3A_89, %get3A_90, %get3A_91] : memref<64x8x8x128xf32, #tpu.memory_space<vmem>>, vector<1x1x8x128xf32>
        %get3A_93 = vector.shape_cast %get3A_92 : vector<1x1x8x128xf32> to vector<8x128xf32>
        %get3A_94 = arith.index_cast %scan3A_57 : i32 to index
        %get3A_95 = arith.constant 6 : index
        %get3A_96 = arith.constant 0 : index
        %get3A_97 = arith.constant 0 : index
        %get3A_98 = vector.load %arg5[%get3A_94, %get3A_95, %get3A_96, %get3A_97] : memref<64x8x8x128xf32, #tpu.memory_space<vmem>>, vector<1x1x8x128xf32>
        %get3A_99 = vector.shape_cast %get3A_98 : vector<1x1x8x128xf32> to vector<8x128xf32>
        %get3A_100 = arith.index_cast %scan3A_57 : i32 to index
        %get3A_101 = arith.constant 7 : index
        %get3A_102 = arith.constant 0 : index
        %get3A_103 = arith.constant 0 : index
        %get3A_104 = vector.load %arg5[%get3A_100, %get3A_101, %get3A_102, %get3A_103] : memref<64x8x8x128xf32, #tpu.memory_space<vmem>>, vector<1x1x8x128xf32>
        %get3A_105 = vector.shape_cast %get3A_104 : vector<1x1x8x128xf32> to vector<8x128xf32>
        %concatenate3A = tpu.concatenate %get3A_63, %get3A_69, %get3A_75, %get3A_81, %get3A_87, %get3A_93, %get3A_99, %get3A_105 in 1 : vector<8x128xf32>, vector<8x128xf32>, vector<8x128xf32>, vector<8x128xf32>, vector<8x128xf32>, vector<8x128xf32>, vector<8x128xf32>, vector<8x128xf32> -> vector<8x1024xf32>
        %get3A_106 = arith.index_cast %scan3A_57 : i32 to index
        %get3A_107 = arith.constant 0 : index
        %get3A_108 = arith.constant 0 : index
        %get3A_109 = arith.constant 0 : index
        %get3A_110 = vector.load %arg6[%get3A_106, %get3A_107, %get3A_108, %get3A_109] : memref<64x8x8x128xi32, #tpu.memory_space<vmem>>, vector<1x1x8x128xi32>
        %get3A_111 = vector.shape_cast %get3A_110 : vector<1x1x8x128xi32> to vector<8x128xi32>
        %get3A_112 = arith.index_cast %scan3A_57 : i32 to index
        %get3A_113 = arith.constant 1 : index
        %get3A_114 = arith.constant 0 : index
        %get3A_115 = arith.constant 0 : index
        %get3A_116 = vector.load %arg6[%get3A_112, %get3A_113, %get3A_114, %get3A_115] : memref<64x8x8x128xi32, #tpu.memory_space<vmem>>, vector<1x1x8x128xi32>
        %get3A_117 = vector.shape_cast %get3A_116 : vector<1x1x8x128xi32> to vector<8x128xi32>
        %get3A_118 = arith.index_cast %scan3A_57 : i32 to index
        %get3A_119 = arith.constant 2 : index
        %get3A_120 = arith.constant 0 : index
        %get3A_121 = arith.constant 0 : index
        %get3A_122 = vector.load %arg6[%get3A_118, %get3A_119, %get3A_120, %get3A_121] : memref<64x8x8x128xi32, #tpu.memory_space<vmem>>, vector<1x1x8x128xi32>
        %get3A_123 = vector.shape_cast %get3A_122 : vector<1x1x8x128xi32> to vector<8x128xi32>
        %get3A_124 = arith.index_cast %scan3A_57 : i32 to index
        %get3A_125 = arith.constant 3 : index
        %get3A_126 = arith.constant 0 : index
        %get3A_127 = arith.constant 0 : index
        %get3A_128 = vector.load %arg6[%get3A_124, %get3A_125, %get3A_126, %get3A_127] : memref<64x8x8x128xi32, #tpu.memory_space<vmem>>, vector<1x1x8x128xi32>
        %get3A_129 = vector.shape_cast %get3A_128 : vector<1x1x8x128xi32> to vector<8x128xi32>
        %get3A_130 = arith.index_cast %scan3A_57 : i32 to index
        %get3A_131 = arith.constant 4 : index
        %get3A_132 = arith.constant 0 : index
        %get3A_133 = arith.constant 0 : index
        %get3A_134 = vector.load %arg6[%get3A_130, %get3A_131, %get3A_132, %get3A_133] : memref<64x8x8x128xi32, #tpu.memory_space<vmem>>, vector<1x1x8x128xi32>
        %get3A_135 = vector.shape_cast %get3A_134 : vector<1x1x8x128xi32> to vector<8x128xi32>
        %get3A_136 = arith.index_cast %scan3A_57 : i32 to index
        %get3A_137 = arith.constant 5 : index
        %get3A_138 = arith.constant 0 : index
        %get3A_139 = arith.constant 0 : index
        %get3A_140 = vector.load %arg6[%get3A_136, %get3A_137, %get3A_138, %get3A_139] : memref<64x8x8x128xi32, #tpu.memory_space<vmem>>, vector<1x1x8x128xi32>
        %get3A_141 = vector.shape_cast %get3A_140 : vector<1x1x8x128xi32> to vector<8x128xi32>
        %get3A_142 = arith.index_cast %scan3A_57 : i32 to index
        %get3A_143 = arith.constant 6 : index
        %get3A_144 = arith.constant 0 : index
        %get3A_145 = arith.constant 0 : index
        %get3A_146 = vector.load %arg6[%get3A_142, %get3A_143, %get3A_144, %get3A_145] : memref<64x8x8x128xi32, #tpu.memory_space<vmem>>, vector<1x1x8x128xi32>
        %get3A_147 = vector.shape_cast %get3A_146 : vector<1x1x8x128xi32> to vector<8x128xi32>
        %get3A_148 = arith.index_cast %scan3A_57 : i32 to index
        %get3A_149 = arith.constant 7 : index
        %get3A_150 = arith.constant 0 : index
        %get3A_151 = arith.constant 0 : index
        %get3A_152 = vector.load %arg6[%get3A_148, %get3A_149, %get3A_150, %get3A_151] : memref<64x8x8x128xi32, #tpu.memory_space<vmem>>, vector<1x1x8x128xi32>
        %get3A_153 = vector.shape_cast %get3A_152 : vector<1x1x8x128xi32> to vector<8x128xi32>
        %concatenate3A_154 = tpu.concatenate %get3A_111, %get3A_117, %get3A_123, %get3A_129, %get3A_135, %get3A_141, %get3A_147, %get3A_153 in 1 : vector<8x128xi32>, vector<8x128xi32>, vector<8x128xi32>, vector<8x128xi32>, vector<8x128xi32>, vector<8x128xi32>, vector<8x128xi32>, vector<8x128xi32> -> vector<8x1024xi32>
        %mul3A_155 = arith.constant 128 : i32
        %mul3A_156 = vector.broadcast %mul3A_155 : i32 to vector<8x1024xi32>
        %mul3A_157 = arith.muli %concatenate3A_154, %mul3A_156 : vector<8x1024xi32>
        %add3A_158 = arith.addi %mul3A_157, %select_n3A_43 : vector<8x1024xi32>
        %broadcast_in_dim3A_159 = arith.constant 0 : i32
        %broadcast_in_dim3A_160 = vector.broadcast %broadcast_in_dim3A_159 : i32 to vector<8x32xi32>
        %scan3A_161 = arith.constant 0 : i32
        %scan3A_162 = arith.constant 32 : i32
        %scan3A_163 = arith.addi %scan3A_161, %scan3A_162 : i32
        %scan3A_164 = arith.constant 1 : i32
        %scan3A_165:2 = scf.for %scan3A_173 = %scan3A_161 to %scan3A_163 step %scan3A_164 iter_args(%scan3A_174 = %concatenate3A, %scan3A_175 = %broadcast_in_dim3A_160) -> (vector<8x1024xf32>, vector<8x32xi32>)  : i32 {
          %reduce_max3A = arith.constant dense<0xFF800000> : vector<8xf32>
          %reduce_max3A_176 = vector.multi_reduction <maximumf>, %scan3A_174, %reduce_max3A [1] : vector<8x1024xf32> to vector<8xf32>
          %broadcast_in_dim3A_177 = vector.shape_cast %reduce_max3A_176 : vector<8xf32> to vector<8x1xf32>
          %eq3A_178 = vector.broadcast %broadcast_in_dim3A_177 : vector<8x1xf32> to vector<8x1024xf32>
          %eq3A_179 = arith.cmpf oeq, %scan3A_174, %eq3A_178 : vector<8x1024xf32>
          %jit3A_180 = arith.constant 1073741824 : i32
          %broadcast_in_dim3A_181 = vector.broadcast %jit3A_180 : i32 to vector<8x1024xi32>
          %select_n3A_182 = arith.select %eq3A_179, %add3A_158, %broadcast_in_dim3A_181 : vector<8x1024xi1>, vector<8x1024xi32>
          %reduce_min3A = arith.constant dense<2147483647> : vector<8xi32>
          %reduce_min3A_183 = vector.multi_reduction <minsi>, %select_n3A_182, %reduce_min3A [1] : vector<8x1024xi32> to vector<8xi32>
          %broadcast_in_dim3A_184 = vector.shape_cast %reduce_min3A_183 : vector<8xi32> to vector<8x1xi32>
          %eq3A_185 = vector.broadcast %broadcast_in_dim3A_184 : vector<8x1xi32> to vector<8x1024xi32>
          %eq3A_186 = arith.cmpi eq, %add3A_158, %eq3A_185 : vector<8x1024xi32>
          %and3A_187 = arith.andi %eq3A_179, %eq3A_186 : vector<8x1024xi1>
          %jit3A_188 = arith.constant 0xFF800000 : f32
          %broadcast_in_dim3A_189 = vector.broadcast %jit3A_188 : f32 to vector<8x1024xf32>
          %select_n3A_190 = arith.select %and3A_187, %broadcast_in_dim3A_189, %scan3A_174 : vector<8x1024xi1>, vector<8x1024xf32>
          %eq3A_191 = vector.broadcast %scan3A_173 : i32 to vector<8x32xi32>
          %eq3A_192 = arith.cmpi eq, %iota3A_23, %eq3A_191 : vector<8x32xi32>
          %broadcast_in_dim3A_193 = vector.shape_cast %broadcast_in_dim3A_184 : vector<8x1xi32> to vector<8x1xi32>
          %broadcast_in_dim3A_194 = vector.broadcast %broadcast_in_dim3A_193 : vector<8x1xi32> to vector<8x32xi32>
          %select_n3A_195 = arith.select %eq3A_192, %broadcast_in_dim3A_194, %scan3A_175 : vector<8x32xi1>, vector<8x32xi32>
          scf.yield %select_n3A_190, %select_n3A_195 : vector<8x1024xf32>, vector<8x32xi32>
        }
        %scan3A_166 = arith.constant 32 : i32
        %swap3A_167 = arith.index_cast %scan3A_57 : i32 to index
        %swap3A_168 = arith.constant 0 : index
        %swap3A_169 = arith.constant 0 : index
        %swap3A_170 = vector.load %arg7[%swap3A_167, %swap3A_168, %swap3A_169] : memref<64x8x32xi32, #tpu.memory_space<vmem>>, vector<1x8x32xi32>
        %swap3A_171 = vector.shape_cast %swap3A_170 : vector<1x8x32xi32> to vector<8x32xi32>
        %swap3A_172 = vector.shape_cast %scan3A_165#1 : vector<8x32xi32> to vector<1x8x32xi32>
        tpu.vector_store %arg7[%swap3A_167, %swap3A_168, %swap3A_169], %swap3A_172 {strides = array<i32>} : memref<64x8x32xi32, #tpu.memory_space<vmem>>, vector<1x8x32xi32>,
      }
      %scan3A_48 = arith.constant 64 : i32
      %get3A_49 = arith.constant 0 : index
      %get3A_50 = arith.constant 0 : index
      %get3A_51 = arith.constant 0 : index
      %get3A_52 = vector.load %arg7[%get3A_49, %get3A_50, %get3A_51] : memref<64x8x32xi32, #tpu.memory_space<vmem>>, vector<64x8x32xi32>
      %reshape3A_53 = vector.shape_cast %get3A_52 : vector<64x8x32xi32> to vector<512x32xi32>
      %swap3A_54 = arith.constant 0 : index
      %swap3A_55 = arith.constant 0 : index
      %swap3A_56 = vector.load %arg3[%swap3A_54, %swap3A_55] : memref<512x32xi32, #tpu.memory_space<vmem>>, vector<512x32xi32>
      tpu.vector_store %arg3[%swap3A_54, %swap3A_55], %reshape3A_53 {strides = array<i32>} : memref<512x32xi32, #tpu.memory_space<vmem>>, vector<512x32xi32>,
    } else {
    }
    return
  }
  func.func @transform_0(%arg0: i32) -> (i32, i32) {
    %c0_i32 = arith.constant 0 : i32
    %c0_i32_0 = arith.constant 0 : i32
    %c0_i32_1 = arith.constant 0 : i32
    return %c0_i32, %c0_i32_0 : i32, i32
  }
  func.func @transform_1(%arg0: i32) -> (i32, i32) {
    %c0_i32 = arith.constant 0 : i32
    %c0_i32_0 = arith.constant 0 : i32
    return %arg0, %c0_i32 : i32, i32
  }
  func.func @transform_2(%arg0: i32) -> (i32, i32) {
    %c0_i32 = arith.constant 0 : i32
    %c0_i32_0 = arith.constant 0 : i32
    %c0_i32_1 = arith.constant 0 : i32
    return %c0_i32, %c0_i32_0 : i32, i32
  }
}

</mosaic_0001>

<sc_bundles>
// kernel: kernel.4.cloned.1.call-start
scs
__scs_entry_jumppad:
0x0: {  	(pc) =	sbr.rel $0x88, $3  }
0x1: {  	(tag) =	ssettag $0x0;
	lr =	simm.s32 $0x1  }
0x2: {  	[smem:$0x3F9E] =	sst lr;
	_ =	strace $0xD0000000  }
0x3: {  	_ = 	snop  }
0x4: {  	_ = 	snop  }
0x5: {  	_ = 	snop  }
0x6: {  	_ = 	snop  }
0x7: {  	_ = 	snop  }
__scs_overlays_trampoline_lowered:
0x8: {  	[smem:$0x3FAD] =	sst s0  }
0x9: {  	[smem:$0x3FAE] =	sst s1  }
0xa: {  	[smem:$0x3FAF] =	sst s2  }
0xb: {  	[smem:$0x3FB0] =	sst s3  }
0xc: {  	[smem:$0x3FB1] =	sst s4  }
0xd: {  	[smem:$0x3FB2] =	sst s5  }
0xe: {  	[smem:$0x3FB3] =	sst s6  }
0xf: {  	[smem:$0x3FB4] =	sst s7  }
0x10: {  	[smem:$0x3FB5] =	sst s8  }
0x11: {  	[smem:$0x3FB6] =	sst s9;
	s0 =	simm.s32 @!p0 $0x0  }
0x12: {  	s1 =	sld [smem:$0x3F9C];
	s0 =	simm.s32 @p0 $0x1  }
0x13: {  	[smem:$0x3FB7] =	sst s0;
	s0 =	simm.s32 @!p1 $0x0  }
0x14: {  	s2 =	sld [smem:$0x3F9B];
	s0 =	simm.s32 @p1 $0x1  }
0x15: {  	[smem:$0x3FB8] =	sst s0;
	s0 =	simm.s32 @!p2 $0x0  }
0x16: {  	s3 =	sld [smem:$0x3FDB];
	s0 =	simm.s32 @p2 $0x1  }
0x17: {  	s4 =	simm.s32 $0x1BF5;
	[smem:$0x3FBA] =	sst s0  }
0x18: {  	s0 =	sld [smem:$0x3F9D];
	_ =	swait.ge [sflag:s4], $0x0  }
0x19: {  	s7 =	sld [smem:$0x3F9E]  }
0x1a: {  	s8 =	sadd.s32 $0xFFFFE003, lr  }
0x1b: {  	s9 =	sadd.s32 $0xFFFFFEF7, lr;
	s5 =	simm.s32 $0xFFFFFFFF;
	p2 =	slt.u32 s8, $0xFFFFF086  }
0x1c: {  	p1 =	slt.u32 s9, $0xF7A;
	s5 =	simm.s32 @!p2 $0x0  }
0x1d: {  	s5 =	simm.s32 @p1 $0x1;
	p0 =	seq.s32 s7, s2  }
0x1e: {  	s7 =	smul.u32 @!p0 $0xF7A, s2;
	p2 =	seq.s32 @!p0 s5, $0x0  }
0x1f: {  	s9 =	smul.u32 $0xF7A, s1;
	s8 =	simm.s32 @!p0 $0x1BF5;
	p2 =	por !p2, p0  }
0x20: {  	[sflag:s8] =	ssyncset.s32 @!p0 $0xFFFFF086;
	s6 =	sadd.s32 @!p0 s3, s7;
	s7 =	simm.s32 @!p0 $0x108  }
0x21: {  	s3 =	sadd.s32 s3, s9;
	s6 =	sadd.s32 @!p0 $0x88, s6;
	s7 =	simm.s32 @p2 $0x1082  }
0x22: {  	[simem:s7], [sflag:s8] =	dma.local @!p0 [hbm:s6], $0xF7A  }
0x23: {  	s9 =	sor.u32 $0xD0000000, s2;
	s6 =	simm.s32 $0x108;
	_ =	swait.ge @!p0 [sflag:s8], $0x0  }
0x24: {  	s3 =	sadd.s32 $0x88, s3;
	s6 =	simm.s32 @!p1 $0x1082;
	[sflag:s4] =	ssyncset.s32 $0xFFFFF086  }
0x25: {  	[simem:s6], [sflag:s4] =	dma.local [hbm:s3], $0xF7A  }
0x26: {  	[smem:$0x3F9E] =	sst s1;
	(tag) =	ssettag s2;
	_ =	strace s9  }
0x27: {  	s1 =	sld [smem:$0x3FAE]  }
0x28: {  	s2 =	sld [smem:$0x3FAF]  }
0x29: {  	s4 =	sld [smem:$0x3FB1]  }
0x2a: {  	p0 =	seq.s32 s5, $0x0;
	s5 =	sld [smem:$0x3FB2]  }
0x2b: {  	s6 =	sld [smem:$0x3FB3]  }
0x2c: {  	s7 =	sld [smem:$0x3FB4]  }
0x2d: {  	s3 =	simm.s32 $0x108;
	s8 =	sld [smem:$0x3FB5]  }
0x2e: {  	s3 =	simm.s32 @!p0 $0x1082;
	s9 =	sld [smem:$0x3FB6]  }
0x2f: {  	lr =	sadd.s32 s0, s3;
	s0 =	sld [smem:$0x3FAD]  }
0x30: {  	s3 =	sld [smem:$0x3FB0]  }
0x31: {  	[smem:$0x3FB9] =	sst s10  }
0x32: {  	s10 =	sld [smem:$0x3FB7];
	_ =	sdelay $0x3  }
0x33: {  	p0 =	seq.s32 s10, $0x1;
	s10 =	sld [smem:$0x3FB9];
	_ =	sdelay $0x3  }
0x34: {  	[smem:$0x3FB9] =	sst s10  }
0x35: {  	s10 =	sld [smem:$0x3FB8];
	_ =	sdelay $0x3  }
0x36: {  	p1 =	seq.s32 s10, $0x1;
	s10 =	sld [smem:$0x3FB9];
	_ =	sdelay $0x3  }
0x37: {  	[smem:$0x3FB9] =	sst s10  }
0x38: {  	s10 =	sld [smem:$0x3FBA]  }
0x39: {  	_ = 	snop;
	(pc) =	sbr.ind lr, $3  }
0x3a: {  	_ = 	snop  }
0x3b: {  	_ = 	snop  }
0x3c: {  	p2 =	seq.s32 s10, $0x1;
	s10 =	sld [smem:$0x3FB9]  }
0x3d: {  	_ =	shalt  }
0x3e: {  	_ =	shalt  }
0x3f: {  	_ =	shalt  }
0x40: {  	_ =	shalt  }
0x41: {  	_ =	shalt  }
0x42: {  	_ =	shalt  }
0x43: {  	_ =	shalt  }
0x44: {  	_ =	shalt  }
0x45: {  	_ =	shalt  }
0x46: {  	_ =	shalt  }
0x47: {  	_ =	shalt  }
0x48: {  	_ =	shalt  }
0x49: {  	_ =	shalt  }
0x4a: {  	_ =	shalt  }
0x4b: {  	_ =	shalt  }
0x4c: {  	_ =	shalt  }
0x4d: {  	_ =	shalt  }
0x4e: {  	_ =	shalt  }
0x4f: {  	_ =	shalt  }
0x50: {  	_ =	shalt  }
0x51: {  	_ =	shalt  }
0x52: {  	_ =	shalt  }
0x53: {  	_ =	shalt  }
0x54: {  	_ =	shalt  }
0x55: {  	_ =	shalt  }
0x56: {  	_ =	shalt  }
0x57: {  	_ =	shalt  }
0x58: {  	_ =	shalt  }
0x59: {  	_ =	shalt  }
0x5a: {  	_ =	shalt  }
0x5b: {  	_ =	shalt  }
0x5c: {  	_ =	shalt  }
0x5d: {  	_ =	shalt  }
0x5e: {  	_ =	shalt  }
0x5f: {  	_ =	shalt  }
0x60: {  	_ =	shalt  }
0x61: {  	_ =	shalt  }
0x62: {  	_ =	shalt  }
0x63: {  	_ =	shalt  }
0x64: {  	_ =	shalt  }
0x65: {  	_ =	shalt  }
0x66: {  	_ =	shalt  }
0x67: {  	_ =	shalt  }
0x68: {  	_ =	shalt  }
0x69: {  	_ =	shalt  }
0x6a: {  	_ =	shalt  }
0x6b: {  	_ =	shalt  }
0x6c: {  	_ =	shalt  }
0x6d: {  	_ =	shalt  }
0x6e: {  	_ =	shalt  }
0x6f: {  	_ =	shalt  }
0x70: {  	_ =	shalt  }
0x71: {  	_ =	shalt  }
0x72: {  	_ =	shalt  }
0x73: {  	_ =	shalt  }
0x74: {  	_ =	shalt  }
0x75: {  	_ =	shalt  }
0x76: {  	_ =	shalt  }
0x77: {  	_ =	shalt  }
0x78: {  	_ =	shalt  }
0x79: {  	_ =	shalt  }
0x7a: {  	_ =	shalt  }
0x7b: {  	_ =	shalt  }
0x7c: {  	_ =	shalt  }
0x7d: {  	_ =	shalt  }
0x7e: {  	_ =	shalt  }
0x7f: {  	_ =	shalt  }
0x80: {  	_ =	shalt  }
0x81: {  	_ =	shalt  }
0x82: {  	_ =	shalt  }
0x83: {  	_ =	shalt  }
0x84: {  	_ =	shalt  }
0x85: {  	_ =	shalt  }
0x86: {  	_ =	shalt  }
0x87: {  	_ =	shalt  }
.Lfunc_end0:
.L_simem_size_0:
called_computation_lowered:
.L_overlay_start_0:
0x88: {  	s2 =	sld [smem:$0x3FD9]  }
0x89: {  	s3 =	sld [smem:$0x3FFE];
	_ =	sdelay $0x1  }
0x8a: {  	s1 =	srdreg.scid  }
0x8b: {  	s0 =	sand.u32 $0x1, s1  }
0x8c: {  	s14 =	sshll.u32 s0, $0xA;
	s2 =	sadd.s32 s3, s2  }
0x8d: {  	s2 =	sadd.s32 s2, s14  }
0x8e: {  	[smem:$0x3FC5] =	sst s2  }
0x8f: {  	_ = 	snop  }
0x90: {  	s2 =	sld [smem:$0x3FD0];
	_ =	sdelay $0x1  }
0x91: {  	s15 =	sld [smem:$0x3FC8]  }
0x92: {  	s5 =	simm.s32 $0xA;
	s6 =	simm.s32 $0x10;
	s4 =	sld [smem:$0x3FC7]  }
0x93: {  	[smem:s6], [sflag:s5] =	dma.local [hbm:s2], $0x1  }
0x94: {  	_ =	swait.eq [sflag:s5], $0x1  }
0x95: {  	[sflag:s5] =	ssyncset.done $0x0  }
0x96: {  	s16 =	sld [smem:$0x10];
	[sflag:s5] =	ssyncadd.s32 $0xFFFFFFFF  }
0x97: {  	s17 =	sld [smem:$0x11];
	(tm) =	ssettm $0x1  }
0x98: {  	s18 =	sld [smem:$0x3FFB];
	_ =	sdelay $0x3  }
0x99: {  	_ =	strace s18  }
0x9a: {  	s6 =	sld [smem:$0x3FFC];
	_ =	sdelay $0x3  }
0x9b: {  	_ =	strace s6  }
0x9c: {  	s6 =	sld [smem:$0x3FFD];
	_ =	sdelay $0x3  }
0x9d: {  	_ =	strace s6  }
0x9e: {  	_ =	strace $0x8FFFFFFF  }
0x9f: {  	s19 =	sld [smem:$0x3FDB];
	_ =	sdelay $0x1  }
0xa0: {  	s7 =	simm.s32 $_scs_section_size  }
0xa1: {  	s8 =	simm.s32 $_size__tile_overlayer_lowered;
	s9 =	simm.s32 $_tile_overlayer_lowered  }
0xa2: {  	s22 =	simm.s32 $0x1BFF;
	s21 =	sshll.u32 s9, $0x1;
	s6 =	sadd.s32 s7, s19  }
0xa3: {  	s10 =	simm.s32 $0x0;
	s20 =	sshll.u32 s8, $0x1;
	s8 =	sadd.s32 s21, s6  }
0xa4: {  	[timem:s10], [sflag:s22] =	dma.local [hbm:s8], s20  }
0xa5: {  	_ =	swait.ge [sflag:s22], s20  }
0xa6: {  	s7 =	ssub.s32 $0x0, s20;
	[sflag:s22] =	ssyncset.done $0x0  }
0xa7: {  	[sflag:s22] =	ssyncadd.s32 s7;
	_ =	sdelay $0x1  }
0xa8: {  	s23 =	simm.s32 $0x1B8B  }
0xa9: {  	_ =	swait.ge [sflag:s23], $0x1  }
0xaa: {  	[sflag:s23] =	ssyncset.done $0x0  }
0xab: {  	s25 =	simm.s32 $0x1B8E;
	s24 =	sld [smem:$0x3FFE];
	[sflag:s23] =	ssyncadd.s32 $0xFFFFFFFF  }
0xac: {  	s26 =	simm.s32 $execute0_lowered;
	[smem:$0x3FD2] =	sst s25  }
0xad: {  	s8 =	sshll.u32 s26, $0x1;
	_ =	strace $0x80000046;
	[dreg:$0x1] =	wrdreg $0xFFFFFFFF  }
0xae: {  	s28 =	simm.s32 $_size_execute0_lowered;
	s6 =	sadd.s32 s6, s8;
	[dreg:$0x0] =	wrdreg $0x0  }
0xaf: {  	s8 =	sshll.u32 s28, $0x1;
	[dreg:$0x2] =	wrdreg s6  }
0xb0: {  	[dreg:$0x3] =	wrdreg s8  }
0xb1: {  	[dreg:$0x4] =	wrdreg $0xC0  }
0xb2: {  	_ =	task [dreg:s10], $0x5FFFF  }
0xb3: {  	[dreg:$0x1] =	wrdreg $0xFFFFFFFF  }
0xb4: {  	[dreg:$0x0] =	wrdreg $0x60  }
0xb5: {  	[dreg:$0x2] =	wrdreg s15  }
0xb6: {  	[dreg:$0x3] =	wrdreg s4  }
0xb7: {  	[dreg:$0x4] =	wrdreg s24  }
0xb8: {  	[dreg:$0x5] =	wrdreg s16  }
0xb9: {  	[dreg:$0x6] =	wrdreg s17  }
0xba: {  	[dreg:$0x7] =	wrdreg $0x9  }
0xbb: {  	_ =	task.clear_ibuf [dreg:s10], $0x8FFFF;
	_ =	strace $0x90000046  }
0xbc: {  	s29 =	simm.s32 $0x9;
	_ =	strace $0x80000048  }
0xbd: {  	_ =	swait.ge [sflag:s29], $0x1  }
0xbe: {  	[sflag:s29] =	ssyncadd.s32 $0xFFFFFFFF  }
0xbf: {  	_ =	strace $0x90000048  }
0xc0: {  	_ =	sfence  }
0xc1: {  	s30 =	sld [smem:$0x0];
	_ =	sdelay $0x2  }
0xc2: {  	s31 =	sshll.u32 s1, $0xD;
	s1 =	sshrl.u32 s1, $0x2  }
0xc3: {  	s3 =	sand.u32 $0x4000, s31;
	s1 =	sadd.s32 s1, s30  }
0xc4: {  	s0 =	sor.u32 s3, s0;
	s1 =	sshll.u32 s1, $0x11  }
0xc5: {  	s0 =	sor.u32 s1, s0  }
0xc6: {  	s0 =	sadd.s32 $0x8F2B, s0  }
0xc7: {  	[sflag:s0] =	ssyncadd.remote.s32 $0x1  }
0xc8: {  	_ =	sfence.sel $0xFFFF  }
0xc9: {  	[dreg:$0x0] =	wrdreg $0xFFFFFFFF;
	(pc) =	sbr.abs _section_cstart, $3  }
0xca: {  	[dreg:$0x1] =	wrdreg $0xFFFFFFFF  }
0xcb: {  	_ =	task.clear_ibuf [dreg:s10], $0x2FFFF;
	_ =	strace $0x9FFFFFFF  }
0xcc: {  	(tm) =	ssettm $0x7FFFFFFF  }
0xcd: {  	_ =	shalt  }
tec
execute0_lowered:
.L_overlay_start_1:
0x0: {  	(tag) =	ssettag $0x1  }
0x1: {  	s1 =	rddreg [dreg:$0x0]  }
0x2: {  	s2 =	rddreg [dreg:$0x1];
	s0 =	srdreg.scid  }
0x3: {  	s3 =	rddreg [dreg:$0x2];
	s4 =	stileid.u32;
	s0 =	sand.u32 $0x1, s0  }
0x4: {  	s5 =	rddreg [dreg:$0x3];
	s4 =	sshll.u32 s4, $0xA;
	s6 =	sshll.u32 s0, $0x9  }
0x5: {  	s7 =	rddreg [dreg:$0x4];
	s6 =	sor.u32 s6, s4  }
0x6: {  	s4 =	simm.s32 $0x0;
	s8 =	sshrl.u32 s6, $0x3;
	s6 =	sshll.u32 s6, $0x5  }
0x7: {  	[smem:$0x7FF] =	sst s4;
	s3 =	sadd.s32 s8, s3;
	s8 =	sadd.s32 s5, s6  }
0x8: {  	_ =	strace $0x80000047;
	s9 =	sadd.s32 s7, s6;
	[dreg:$0x7] =	wrdreg s8  }
0x9: {  	s10 =	sor.u32 $0x800, s6;
	s3 =	sadd.s32 $0xA00, s3;
	[dreg:$0x8] =	wrdreg s9  }
0xa: {  	s11 =	sadd.s32 s5, s10;
	[dreg:$0x6] =	wrdreg s3  }
0xb: {  	s13 =	sor.u32 $0x1000, s6;
	s12 =	sadd.s32 s7, s10;
	[dreg:$0x9] =	wrdreg s11  }
0xc: {  	s14 =	sadd.s32 s5, s13;
	[dreg:$0xa] =	wrdreg s12  }
0xd: {  	s16 =	sor.u32 $0x1800, s6;
	s15 =	sadd.s32 s7, s13;
	[dreg:$0xb] =	wrdreg s14  }
0xe: {  	s0 =	ssub.s32 $0x2, s0;
	s17 =	sadd.s32 s5, s16;
	[dreg:$0xc] =	wrdreg s15  }
0xf: {  	s19 =	sor.u32 $0x2000, s6;
	s18 =	sadd.s32 s7, s16;
	[dreg:$0xd] =	wrdreg s17  }
0x10: {  	s30 =	sshrl.u32 s0, $0x1;
	s20 =	sadd.s32 s5, s19;
	[dreg:$0xe] =	wrdreg s18  }
0x11: {  	s22 =	sor.u32 $0x2800, s6;
	s21 =	sadd.s32 s7, s19;
	[dreg:$0xf] =	wrdreg s20  }
0x12: {  	s0 =	ssub.s32 s0, s30;
	s23 =	sadd.s32 s5, s22;
	[dreg:$0x10] =	wrdreg s21  }
0x13: {  	s25 =	sor.u32 $0x3000, s6;
	s24 =	sadd.s32 s7, s22;
	[dreg:$0x11] =	wrdreg s23  }
0x14: {  	s6 =	sor.u32 $0x3800, s6;
	s26 =	sadd.s32 s5, s25;
	[dreg:$0x12] =	wrdreg s24  }
0x15: {  	s28 =	sadd.s32 s7, s25;
	s29 =	sadd.s32 s5, s6;
	[dreg:$0x13] =	wrdreg s26  }
0x16: {  	s31 =	sadd.s32 s7, s6;
	s5 =	smax.u32 s0, $0x1;
	[dreg:$0x14] =	wrdreg s28  }
0x17: {  	v2 =	vlaneseq.u32;
	s6 =	simm.s32 $0x3;
	s9 =	simm.s32 $0x200;
	[dreg:$0x15] =	wrdreg s29  }
0x18: {  	vm0 =	vmmov $0xffff;
	v1 =	vshrl.u32 v2, $0x3;
	s16 =	simm.s32 $0x2;
	[dreg:$0x16] =	wrdreg s31;
	s15 =	simm.s32 $0x8200  }
0x19: {  	v0 =	vand.u32 $0x7, v2;
	v2 =	vor.u32 $0x8, v2;
	v1 =	vmul.u32 $0x8, v1;
	s23 =	simm.s32 $0x4200;
	s3 =	simm.s32 $0xC200;
	s14 =	simm.s32 $0x1  }
.LBB2_1:
0x1a: {  	s17 =	rddreg [dreg:$0x6]  }
0x1b: {  	[tilespmem:s4], [sflag:$0x3] =	stream.linear.gather [hbm4b:s17+s4], $0x200, $0x38;
	[tilespmem:$0x10200] =	vst v63  }
0x1c: {  	_ =	swait.ge [sflag:s6], $0x200  }
0x1d: {  	[sflag:s6] =	ssyncset.done $0x0  }
0x1e: {  	[sflag:s6] =	ssyncadd.s32 $0xFFFFFE00  }
0x1f: {  	v3 =	vld [tilespmem:$0x0];
	_ =	sdelay $0x4  }
0x20: {  	v4 =	vshll.u32 v3, $0x1  }
0x21: {  	v3 =	vand.u32 $0x7, v3;
	v4 =	vand.u32 $0xFFFFFFF0, v4  }
0x22: {  	v3 =	vor.u32 v3, v4  }
0x23: {  	v4 =	vperm.xlane v3, v0;
	_ =	sdelay $0x1  }
0x24: {  	v3 =	vperm.xlane v3, v2;
	v4 =	vadd.s32 v1, v4;
	_ =	sdelay $0x1  }
0x25: {  	v3 =	vadd.s32 v1, v3;
	_ =	sdelay $0x2  }
0x26: {  	[tilespmem:s9], [sflag:$0x1] =	stream.indirect_vreg.gather [hbm4b:s1+s4], $0x80, v4, vm0, $0xb8;
	[tilespmem:$0x10200] =	vst v63  }
0x27: {  	s0 =	simm.s32 $0xA00  }
0x28: {  	[tilespmem:s0], [sflag:$0x1] =	stream.indirect_vreg.gather [hbm4b:s1+s4], $0x80, v3, vm0, $0xb8;
	[tilespmem:$0x10200] =	vst v63  }
0x29: {  	v3 =	vld [tilespmem:$0x10];
	_ =	sdelay $0x4  }
0x2a: {  	v57 =	vshll.u32 v3, $0x1  }
0x2b: {  	v3 =	vand.u32 $0x7, v3;
	v4 =	vand.u32 $0xFFFFFFF0, v57  }
0x2c: {  	v3 =	vor.u32 v3, v4  }
0x2d: {  	v4 =	vperm.xlane v3, v0;
	_ =	sdelay $0x1  }
0x2e: {  	v3 =	vperm.xlane v3, v2;
	v4 =	vadd.s32 v1, v4;
	_ =	sdelay $0x1  }
0x2f: {  	v3 =	vadd.s32 v1, v3;
	_ =	sdelay $0x1  }
0x30: {  	s26 =	simm.s32 $0x1200  }
0x31: {  	[tilespmem:s26], [sflag:$0x1] =	stream.indirect_vreg.gather [hbm4b:s1+s4], $0x80, v4, vm0, $0xb8;
	[tilespmem:$0x10200] =	vst v63  }
0x32: {  	s28 =	simm.s32 $0x1A00  }
0x33: {  	[tilespmem:s28], [sflag:$0x1] =	stream.indirect_vreg.gather [hbm4b:s1+s4], $0x80, v3, vm0, $0xb8;
	[tilespmem:$0x10200] =	vst v63  }
0x34: {  	v3 =	vld [tilespmem:$0x20];
	_ =	sdelay $0x4  }
0x35: {  	v58 =	vshll.u32 v3, $0x1  }
0x36: {  	v3 =	vand.u32 $0x7, v3;
	v4 =	vand.u32 $0xFFFFFFF0, v58  }
0x37: {  	v3 =	vor.u32 v3, v4  }
0x38: {  	v4 =	vperm.xlane v3, v0;
	_ =	sdelay $0x1  }
0x39: {  	v3 =	vperm.xlane v3, v2;
	v4 =	vadd.s32 v1, v4;
	_ =	sdelay $0x1  }
0x3a: {  	v3 =	vadd.s32 v1, v3;
	_ =	sdelay $0x1  }
0x3b: {  	s29 =	simm.s32 $0x2200  }
0x3c: {  	[tilespmem:s29], [sflag:$0x1] =	stream.indirect_vreg.gather [hbm4b:s1+s4], $0x80, v4, vm0, $0xb8;
	[tilespmem:$0x10200] =	vst v63  }
0x3d: {  	s30 =	simm.s32 $0x2A00  }
0x3e: {  	[tilespmem:s30], [sflag:$0x1] =	stream.indirect_vreg.gather [hbm4b:s1+s4], $0x80, v3, vm0, $0xb8;
	[tilespmem:$0x10200] =	vst v63  }
0x3f: {  	v3 =	vld [tilespmem:$0x30];
	_ =	sdelay $0x4  }
0x40: {  	v59 =	vshll.u32 v3, $0x1  }
0x41: {  	v3 =	vand.u32 $0x7, v3;
	v4 =	vand.u32 $0xFFFFFFF0, v59  }
0x42: {  	v3 =	vor.u32 v3, v4  }
0x43: {  	v4 =	vperm.xlane v3, v0;
	_ =	sdelay $0x1  }
0x44: {  	v3 =	vperm.xlane v3, v2;
	v4 =	vadd.s32 v1, v4;
	_ =	sdelay $0x1  }
0x45: {  	v3 =	vadd.s32 v1, v3;
	_ =	sdelay $0x1  }
0x46: {  	s31 =	simm.s32 $0x3200  }
0x47: {  	[tilespmem:s31], [sflag:$0x1] =	stream.indirect_vreg.gather [hbm4b:s1+s4], $0x80, v4, vm0, $0xb8;
	[tilespmem:$0x10200] =	vst v63  }
0x48: {  	s7 =	simm.s32 $0x3A00  }
0x49: {  	[tilespmem:s7], [sflag:$0x1] =	stream.indirect_vreg.gather [hbm4b:s1+s4], $0x80, v3, vm0, $0xb8;
	[tilespmem:$0x10200] =	vst v63  }
0x4a: {  	v3 =	vld [tilespmem:$0x0];
	_ =	sdelay $0x4  }
0x4b: {  	v60 =	vshll.u32 v3, $0x1  }
0x4c: {  	v3 =	vand.u32 $0x7, v3;
	v4 =	vand.u32 $0xFFFFFFF0, v60  }
0x4d: {  	v3 =	vor.u32 v3, v4  }
0x4e: {  	v4 =	vperm.xlane v3, v0;
	_ =	sdelay $0x1  }
0x4f: {  	v3 =	vperm.xlane v3, v2;
	v4 =	vadd.s32 v1, v4;
	_ =	sdelay $0x1  }
0x50: {  	v3 =	vadd.s32 v1, v3;
	_ =	sdelay $0x2  }
0x51: {  	[tilespmem:s15], [sflag:$0x2] =	stream.indirect_vreg.gather [hbm4b:s2+s4], $0x80, v4, vm0, $0xb8;
	[tilespmem:$0x10200] =	vst v63  }
0x52: {  	s8 =	simm.s32 $0x8A00  }
0x53: {  	[tilespmem:s8], [sflag:$0x2] =	stream.indirect_vreg.gather [hbm4b:s2+s4], $0x80, v3, vm0, $0xb8;
	[tilespmem:$0x10200] =	vst v63  }
0x54: {  	v3 =	vld [tilespmem:$0x10];
	_ =	sdelay $0x4  }
0x55: {  	v61 =	vshll.u32 v3, $0x1  }
0x56: {  	v3 =	vand.u32 $0x7, v3;
	v4 =	vand.u32 $0xFFFFFFF0, v61  }
0x57: {  	v3 =	vor.u32 v3, v4  }
0x58: {  	v4 =	vperm.xlane v3, v0;
	_ =	sdelay $0x1  }
0x59: {  	v3 =	vperm.xlane v3, v2;
	v4 =	vadd.s32 v1, v4;
	_ =	sdelay $0x1  }
0x5a: {  	v3 =	vadd.s32 v1, v3;
	_ =	sdelay $0x1  }
0x5b: {  	s10 =	simm.s32 $0x9200  }
0x5c: {  	[tilespmem:s10], [sflag:$0x2] =	stream.indirect_vreg.gather [hbm4b:s2+s4], $0x80, v4, vm0, $0xb8;
	[tilespmem:$0x10200] =	vst v63  }
0x5d: {  	s11 =	simm.s32 $0x9A00  }
0x5e: {  	[tilespmem:s11], [sflag:$0x2] =	stream.indirect_vreg.gather [hbm4b:s2+s4], $0x80, v3, vm0, $0xb8;
	[tilespmem:$0x10200] =	vst v63  }
0x5f: {  	v3 =	vld [tilespmem:$0x20];
	_ =	sdelay $0x4  }
0x60: {  	v62 =	vshll.u32 v3, $0x1  }
0x61: {  	v3 =	vand.u32 $0x7, v3;
	v4 =	vand.u32 $0xFFFFFFF0, v62  }
0x62: {  	v3 =	vor.u32 v3, v4  }
0x63: {  	v4 =	vperm.xlane v3, v0;
	_ =	sdelay $0x1  }
0x64: {  	v3 =	vperm.xlane v3, v2;
	v4 =	vadd.s32 v1, v4;
	_ =	sdelay $0x1  }
0x65: {  	v3 =	vadd.s32 v1, v3;
	_ =	sdelay $0x1  }
0x66: {  	s13 =	simm.s32 $0xA200  }
0x67: {  	[tilespmem:s13], [sflag:$0x2] =	stream.indirect_vreg.gather [hbm4b:s2+s4], $0x80, v4, vm0, $0xb8;
	[tilespmem:$0x10200] =	vst v63  }
0x68: {  	s17 =	simm.s32 $0xAA00  }
0x69: {  	[tilespmem:s17], [sflag:$0x2] =	stream.indirect_vreg.gather [hbm4b:s2+s4], $0x80, v3, vm0, $0xb8;
	[tilespmem:$0x10200] =	vst v63  }
0x6a: {  	v3 =	vld [tilespmem:$0x30];
	_ =	sdelay $0x4  }
0x6b: {  	v63 =	vshll.u32 v3, $0x1  }
0x6c: {  	v3 =	vand.u32 $0x7, v3;
	v4 =	vand.u32 $0xFFFFFFF0, v63  }
0x6d: {  	v3 =	vor.u32 v3, v4  }
0x6e: {  	v4 =	vperm.xlane v3, v0;
	_ =	sdelay $0x1  }
0x6f: {  	v3 =	vperm.xlane v3, v2;
	v4 =	vadd.s32 v1, v4;
	_ =	sdelay $0x1  }
0x70: {  	v3 =	vadd.s32 v1, v3;
	_ =	sdelay $0x1  }
0x71: {  	s18 =	simm.s32 $0xB200  }
0x72: {  	[tilespmem:s18], [sflag:$0x2] =	stream.indirect_vreg.gather [hbm4b:s2+s4], $0x80, v4, vm0, $0xb8;
	[tilespmem:$0x10200] =	vst v63  }
0x73: {  	s19 =	simm.s32 $0xBA00  }
0x74: {  	[tilespmem:s19], [sflag:$0x2] =	stream.indirect_vreg.gather [hbm4b:s2+s4], $0x80, v3, vm0, $0xb8;
	[tilespmem:$0x10200] =	vst v63  }
0x75: {  	v3 =	vld [tilespmem:$0x40];
	_ =	sdelay $0x4  }
0x76: {  	v8 =	vshll.u32 v3, $0x1  }
0x77: {  	v3 =	vand.u32 $0x7, v3;
	v4 =	vand.u32 $0xFFFFFFF0, v8  }
0x78: {  	v3 =	vor.u32 v3, v4  }
0x79: {  	v4 =	vperm.xlane v3, v0;
	_ =	sdelay $0x1  }
0x7a: {  	v3 =	vperm.xlane v3, v2;
	v4 =	vadd.s32 v1, v4;
	_ =	sdelay $0x1  }
0x7b: {  	v3 =	vadd.s32 v1, v3;
	_ =	sdelay $0x2  }
0x7c: {  	[tilespmem:s23], [sflag:$0x1] =	stream.indirect_vreg.gather [hbm4b:s1+s4], $0x80, v4, vm0, $0xb8;
	[tilespmem:$0x10200] =	vst v63  }
0x7d: {  	s20 =	simm.s32 $0x4A00  }
0x7e: {  	[tilespmem:s20], [sflag:$0x1] =	stream.indirect_vreg.gather [hbm4b:s1+s4], $0x80, v3, vm0, $0xb8;
	[tilespmem:$0x10200] =	vst v63  }
0x7f: {  	v3 =	vld [tilespmem:$0x50];
	_ =	sdelay $0x4  }
0x80: {  	v9 =	vshll.u32 v3, $0x1  }
0x81: {  	v3 =	vand.u32 $0x7, v3;
	v4 =	vand.u32 $0xFFFFFFF0, v9  }
0x82: {  	v3 =	vor.u32 v3, v4  }
0x83: {  	v4 =	vperm.xlane v3, v0;
	_ =	sdelay $0x1  }
0x84: {  	v3 =	vperm.xlane v3, v2;
	v4 =	vadd.s32 v1, v4;
	_ =	sdelay $0x1  }
0x85: {  	v3 =	vadd.s32 v1, v3;
	_ =	sdelay $0x1  }
0x86: {  	s21 =	simm.s32 $0x5200  }
0x87: {  	[tilespmem:s21], [sflag:$0x1] =	stream.indirect_vreg.gather [hbm4b:s1+s4], $0x80, v4, vm0, $0xb8;
	[tilespmem:$0x10200] =	vst v63  }
0x88: {  	s24 =	simm.s32 $0x5A00  }
0x89: {  	[tilespmem:s24], [sflag:$0x1] =	stream.indirect_vreg.gather [hbm4b:s1+s4], $0x80, v3, vm0, $0xb8;
	[tilespmem:$0x10200] =	vst v63  }
0x8a: {  	v3 =	vld [tilespmem:$0x60];
	_ =	sdelay $0x4  }
0x8b: {  	v10 =	vshll.u32 v3, $0x1  }
0x8c: {  	v3 =	vand.u32 $0x7, v3;
	v4 =	vand.u32 $0xFFFFFFF0, v10  }
0x8d: {  	v3 =	vor.u32 v3, v4  }
0x8e: {  	v4 =	vperm.xlane v3, v0;
	_ =	sdelay $0x1  }
0x8f: {  	v3 =	vperm.xlane v3, v2;
	v4 =	vadd.s32 v1, v4;
	_ =	sdelay $0x1  }
0x90: {  	v3 =	vadd.s32 v1, v3;
	_ =	sdelay $0x1  }
0x91: {  	s28 =	simm.s32 $0x6200  }
0x92: {  	[tilespmem:s28], [sflag:$0x1] =	stream.indirect_vreg.gather [hbm4b:s1+s4], $0x80, v4, vm0, $0xb8;
	[tilespmem:$0x10200] =	vst v63  }
0x93: {  	s30 =	simm.s32 $0x6A00  }
0x94: {  	[tilespmem:s30], [sflag:$0x1] =	stream.indirect_vreg.gather [hbm4b:s1+s4], $0x80, v3, vm0, $0xb8;
	[tilespmem:$0x10200] =	vst v63  }
0x95: {  	v3 =	vld [tilespmem:$0x70];
	_ =	sdelay $0x4  }
0x96: {  	v11 =	vshll.u32 v3, $0x1  }
0x97: {  	v3 =	vand.u32 $0x7, v3;
	v4 =	vand.u32 $0xFFFFFFF0, v11  }
0x98: {  	v3 =	vor.u32 v3, v4  }
0x99: {  	v4 =	vperm.xlane v3, v0;
	_ =	sdelay $0x1  }
0x9a: {  	v3 =	vperm.xlane v3, v2;
	v4 =	vadd.s32 v1, v4;
	_ =	sdelay $0x1  }
0x9b: {  	v3 =	vadd.s32 v1, v3;
	_ =	sdelay $0x1  }
0x9c: {  	s31 =	simm.s32 $0x7200  }
0x9d: {  	[tilespmem:s31], [sflag:$0x1] =	stream.indirect_vreg.gather [hbm4b:s1+s4], $0x80, v4, vm0, $0xb8;
	[tilespmem:$0x10200] =	vst v63  }
0x9e: {  	s0 =	simm.s32 $0x7A00  }
0x9f: {  	[tilespmem:s0], [sflag:$0x1] =	stream.indirect_vreg.gather [hbm4b:s1+s4], $0x80, v3, vm0, $0xb8;
	[tilespmem:$0x10200] =	vst v63  }
0xa0: {  	v3 =	vld [tilespmem:$0x40];
	_ =	sdelay $0x4  }
0xa1: {  	v12 =	vshll.u32 v3, $0x1  }
0xa2: {  	v3 =	vand.u32 $0x7, v3;
	v4 =	vand.u32 $0xFFFFFFF0, v12  }
0xa3: {  	v3 =	vor.u32 v3, v4  }
0xa4: {  	v4 =	vperm.xlane v3, v0;
	_ =	sdelay $0x1  }
0xa5: {  	v3 =	vperm.xlane v3, v2;
	v4 =	vadd.s32 v1, v4;
	_ =	sdelay $0x1  }
0xa6: {  	v3 =	vadd.s32 v1, v3;
	_ =	sdelay $0x2  }
0xa7: {  	[tilespmem:s3], [sflag:$0x2] =	stream.indirect_vreg.gather [hbm4b:s2+s4], $0x80, v4, vm0, $0xb8;
	[tilespmem:$0x10200] =	vst v63  }
0xa8: {  	s8 =	simm.s32 $0xCA00  }
0xa9: {  	[tilespmem:s8], [sflag:$0x2] =	stream.indirect_vreg.gather [hbm4b:s2+s4], $0x80, v3, vm0, $0xb8;
	[tilespmem:$0x10200] =	vst v63  }
0xaa: {  	v3 =	vld [tilespmem:$0x50];
	_ =	sdelay $0x4  }
0xab: {  	v13 =	vshll.u32 v3, $0x1  }
0xac: {  	v3 =	vand.u32 $0x7, v3;
	v4 =	vand.u32 $0xFFFFFFF0, v13  }
0xad: {  	v3 =	vor.u32 v3, v4  }
0xae: {  	v4 =	vperm.xlane v3, v0;
	_ =	sdelay $0x1  }
0xaf: {  	v3 =	vperm.xlane v3, v2;
	v4 =	vadd.s32 v1, v4;
	_ =	sdelay $0x1  }
0xb0: {  	v3 =	vadd.s32 v1, v3;
	_ =	sdelay $0x1  }
0xb1: {  	s10 =	simm.s32 $0xD200  }
0xb2: {  	[tilespmem:s10], [sflag:$0x2] =	stream.indirect_vreg.gather [hbm4b:s2+s4], $0x80, v4, vm0, $0xb8;
	[tilespmem:$0x10200] =	vst v63  }
0xb3: {  	s11 =	simm.s32 $0xDA00  }
0xb4: {  	[tilespmem:s11], [sflag:$0x2] =	stream.indirect_vreg.gather [hbm4b:s2+s4], $0x80, v3, vm0, $0xb8;
	[tilespmem:$0x10200] =	vst v63  }
0xb5: {  	v3 =	vld [tilespmem:$0x60];
	_ =	sdelay $0x4  }
0xb6: {  	v14 =	vshll.u32 v3, $0x1  }
0xb7: {  	v3 =	vand.u32 $0x7, v3;
	v4 =	vand.u32 $0xFFFFFFF0, v14  }
0xb8: {  	v3 =	vor.u32 v3, v4  }
0xb9: {  	v4 =	vperm.xlane v3, v0;
	_ =	sdelay $0x1  }
0xba: {  	v3 =	vperm.xlane v3, v2;
	v4 =	vadd.s32 v1, v4;
	_ =	sdelay $0x1  }
0xbb: {  	v3 =	vadd.s32 v1, v3;
	_ =	sdelay $0x1  }
0xbc: {  	s13 =	simm.s32 $0xE200  }
0xbd: {  	[tilespmem:s13], [sflag:$0x2] =	stream.indirect_vreg.gather [hbm4b:s2+s4], $0x80, v4, vm0, $0xb8;
	[tilespmem:$0x10200] =	vst v63  }
0xbe: {  	s20 =	simm.s32 $0xEA00  }
0xbf: {  	[tilespmem:s20], [sflag:$0x2] =	stream.indirect_vreg.gather [hbm4b:s2+s4], $0x80, v3, vm0, $0xb8;
	[tilespmem:$0x10200] =	vst v63  }
0xc0: {  	v3 =	vld [tilespmem:$0x70];
	_ =	sdelay $0x4  }
0xc1: {  	v15 =	vshll.u32 v3, $0x1  }
0xc2: {  	v3 =	vand.u32 $0x7, v3;
	v4 =	vand.u32 $0xFFFFFFF0, v15  }
0xc3: {  	v3 =	vor.u32 v3, v4  }
0xc4: {  	v4 =	vperm.xlane v3, v0;
	_ =	sdelay $0x1  }
0xc5: {  	v3 =	vperm.xlane v3, v2;
	v4 =	vadd.s32 v1, v4;
	_ =	sdelay $0x1  }
0xc6: {  	v3 =	vadd.s32 v1, v3;
	_ =	sdelay $0x1  }
0xc7: {  	s24 =	simm.s32 $0xF200  }
0xc8: {  	[tilespmem:s24], [sflag:$0x2] =	stream.indirect_vreg.gather [hbm4b:s2+s4], $0x80, v4, vm0, $0xb8;
	[tilespmem:$0x10200] =	vst v63  }
0xc9: {  	s28 =	simm.s32 $0xFA00  }
0xca: {  	[tilespmem:s28], [sflag:$0x2] =	stream.indirect_vreg.gather [hbm4b:s2+s4], $0x80, v3, vm0, $0xb8;
	[tilespmem:$0x10200] =	vst v63  }
0xcb: {  	_ =	swait.ge [sflag:s14], $0x4000  }
0xcc: {  	[sflag:s14] =	ssyncset.done $0x0  }
0xcd: {  	[sflag:s14] =	ssyncadd.s32 $0xFFFFC000  }
0xce: {  	_ =	swait.ge [sflag:s16], $0x4000  }
0xcf: {  	[sflag:s16] =	ssyncset.done $0x0  }
0xd0: {  	s30 =	rddreg [dreg:$0x7];
	[sflag:s16] =	ssyncadd.s32 $0xFFFFC000  }
0xd1: {  	[hbm4b:s30+s4] =	stream.linear.scatter [tilespmem:s9], [sflag:$0x3], $0x4000, $0x38;
	[tilespmem:$0x10200] =	vst v63  }
0xd2: {  	_ =	swait.ge [sflag:s6], $0x4000  }
0xd3: {  	[sflag:s6] =	ssyncset.done $0x0  }
0xd4: {  	s31 =	rddreg [dreg:$0x8];
	[sflag:s6] =	ssyncadd.s32 $0xFFFFC000  }
0xd5: {  	[hbm4b:s31+s4] =	stream.linear.scatter [tilespmem:s15], [sflag:$0x3], $0x4000, $0x38;
	[tilespmem:$0x10200] =	vst v63  }
0xd6: {  	_ =	swait.ge [sflag:s6], $0x4000  }
0xd7: {  	[sflag:s6] =	ssyncset.done $0x0  }
0xd8: {  	[sflag:s6] =	ssyncadd.s32 $0xFFFFC000  }
0xd9: {  	v3 =	vld [tilespmem:$0x80];
	_ =	sdelay $0x4  }
0xda: {  	v16 =	vshll.u32 v3, $0x1  }
0xdb: {  	v3 =	vand.u32 $0x7, v3;
	v4 =	vand.u32 $0xFFFFFFF0, v16  }
0xdc: {  	v3 =	vor.u32 v3, v4  }
0xdd: {  	v4 =	vperm.xlane v3, v0;
	_ =	sdelay $0x1  }
0xde: {  	v3 =	vperm.xlane v3, v2;
	v4 =	vadd.s32 v1, v4;
	_ =	sdelay $0x1  }
0xdf: {  	v3 =	vadd.s32 v1, v3;
	_ =	sdelay $0x2  }
0xe0: {  	[tilespmem:s9], [sflag:$0x1] =	stream.indirect_vreg.gather [hbm4b:s1+s4], $0x80, v4, vm0, $0xb8;
	[tilespmem:$0x10200] =	vst v63  }
0xe1: {  	s22 =	simm.s32 $0xA00  }
0xe2: {  	[tilespmem:s22], [sflag:$0x1] =	stream.indirect_vreg.gather [hbm4b:s1+s4], $0x80, v3, vm0, $0xb8;
	[tilespmem:$0x10200] =	vst v63  }
0xe3: {  	v3 =	vld [tilespmem:$0x90];
	_ =	sdelay $0x4  }
0xe4: {  	v17 =	vshll.u32 v3, $0x1  }
0xe5: {  	v3 =	vand.u32 $0x7, v3;
	v4 =	vand.u32 $0xFFFFFFF0, v17  }
0xe6: {  	v3 =	vor.u32 v3, v4  }
0xe7: {  	v4 =	vperm.xlane v3, v0;
	_ =	sdelay $0x1  }
0xe8: {  	v3 =	vperm.xlane v3, v2;
	v4 =	vadd.s32 v1, v4;
	_ =	sdelay $0x1  }
0xe9: {  	v3 =	vadd.s32 v1, v3;
	_ =	sdelay $0x1  }
0xea: {  	s12 =	simm.s32 $0x1200  }
0xeb: {  	[tilespmem:s12], [sflag:$0x1] =	stream.indirect_vreg.gather [hbm4b:s1+s4], $0x80, v4, vm0, $0xb8;
	[tilespmem:$0x10200] =	vst v63  }
0xec: {  	s25 =	simm.s32 $0x1A00  }
0xed: {  	[tilespmem:s25], [sflag:$0x1] =	stream.indirect_vreg.gather [hbm4b:s1+s4], $0x80, v3, vm0, $0xb8;
	[tilespmem:$0x10200] =	vst v63  }
0xee: {  	v3 =	vld [tilespmem:$0xA0];
	_ =	sdelay $0x4  }
0xef: {  	v18 =	vshll.u32 v3, $0x1  }
0xf0: {  	v3 =	vand.u32 $0x7, v3;
	v4 =	vand.u32 $0xFFFFFFF0, v18  }
0xf1: {  	v3 =	vor.u32 v3, v4  }
0xf2: {  	v4 =	vperm.xlane v3, v0;
	_ =	sdelay $0x1  }
0xf3: {  	v3 =	vperm.xlane v3, v2;
	v4 =	vadd.s32 v1, v4;
	_ =	sdelay $0x1  }
0xf4: {  	v3 =	vadd.s32 v1, v3;
	_ =	sdelay $0x1  }
0xf5: {  	s22 =	simm.s32 $0x2200  }
0xf6: {  	[tilespmem:s22], [sflag:$0x1] =	stream.indirect_vreg.gather [hbm4b:s1+s4], $0x80, v4, vm0, $0xb8;
	[tilespmem:$0x10200] =	vst v63  }
0xf7: {  	s28 =	simm.s32 $0x2A00  }
0xf8: {  	[tilespmem:s28], [sflag:$0x1] =	stream.indirect_vreg.gather [hbm4b:s1+s4], $0x80, v3, vm0, $0xb8;
	[tilespmem:$0x10200] =	vst v63  }
0xf9: {  	v3 =	vld [tilespmem:$0xB0];
	_ =	sdelay $0x4  }
0xfa: {  	v19 =	vshll.u32 v3, $0x1  }
0xfb: {  	v3 =	vand.u32 $0x7, v3;
	v4 =	vand.u32 $0xFFFFFFF0, v19  }
0xfc: {  	v3 =	vor.u32 v3, v4  }
0xfd: {  	v4 =	vperm.xlane v3, v0;
	_ =	sdelay $0x1  }
0xfe: {  	v3 =	vperm.xlane v3, v2;
	v4 =	vadd.s32 v1, v4;
	_ =	sdelay $0x1  }
0xff: {  	v3 =	vadd.s32 v1, v3;
	_ =	sdelay $0x1  }
0x100: {  	s25 =	simm.s32 $0x3200  }
0x101: {  	[tilespmem:s25], [sflag:$0x1] =	stream.indirect_vreg.gather [hbm4b:s1+s4], $0x80, v4, vm0, $0xb8;
	[tilespmem:$0x10200] =	vst v63  }
0x102: {  	s30 =	simm.s32 $0x3A00  }
0x103: {  	[tilespmem:s30], [sflag:$0x1] =	stream.indirect_vreg.gather [hbm4b:s1+s4], $0x80, v3, vm0, $0xb8;
	[tilespmem:$0x10200] =	vst v63  }
0x104: {  	v3 =	vld [tilespmem:$0x80];
	_ =	sdelay $0x4  }
0x105: {  	v20 =	vshll.u32 v3, $0x1  }
0x106: {  	v3 =	vand.u32 $0x7, v3;
	v4 =	vand.u32 $0xFFFFFFF0, v20  }
0x107: {  	v3 =	vor.u32 v3, v4  }
0x108: {  	v4 =	vperm.xlane v3, v0;
	_ =	sdelay $0x1  }
0x109: {  	v3 =	vperm.xlane v3, v2;
	v4 =	vadd.s32 v1, v4;
	_ =	sdelay $0x1  }
0x10a: {  	v3 =	vadd.s32 v1, v3;
	_ =	sdelay $0x2  }
0x10b: {  	[tilespmem:s15], [sflag:$0x2] =	stream.indirect_vreg.gather [hbm4b:s2+s4], $0x80, v4, vm0, $0xb8;
	[tilespmem:$0x10200] =	vst v63  }
0x10c: {  	s31 =	simm.s32 $0x8A00  }
0x10d: {  	[tilespmem:s31], [sflag:$0x2] =	stream.indirect_vreg.gather [hbm4b:s2+s4], $0x80, v3, vm0, $0xb8;
	[tilespmem:$0x10200] =	vst v63  }
0x10e: {  	v3 =	vld [tilespmem:$0x90];
	_ =	sdelay $0x4  }
0x10f: {  	v21 =	vshll.u32 v3, $0x1  }
0x110: {  	v3 =	vand.u32 $0x7, v3;
	v4 =	vand.u32 $0xFFFFFFF0, v21  }
0x111: {  	v3 =	vor.u32 v3, v4  }
0x112: {  	v4 =	vperm.xlane v3, v0;
	_ =	sdelay $0x1  }
0x113: {  	v3 =	vperm.xlane v3, v2;
	v4 =	vadd.s32 v1, v4;
	_ =	sdelay $0x1  }
0x114: {  	v3 =	vadd.s32 v1, v3;
	_ =	sdelay $0x1  }
0x115: {  	s26 =	simm.s32 $0x9200  }
0x116: {  	[tilespmem:s26], [sflag:$0x2] =	stream.indirect_vreg.gather [hbm4b:s2+s4], $0x80, v4, vm0, $0xb8;
	[tilespmem:$0x10200] =	vst v63  }
0x117: {  	s20 =	simm.s32 $0x9A00  }
0x118: {  	[tilespmem:s20], [sflag:$0x2] =	stream.indirect_vreg.gather [hbm4b:s2+s4], $0x80, v3, vm0, $0xb8;
	[tilespmem:$0x10200] =	vst v63  }
0x119: {  	v3 =	vld [tilespmem:$0xA0];
	_ =	sdelay $0x4  }
0x11a: {  	v22 =	vshll.u32 v3, $0x1  }
0x11b: {  	v3 =	vand.u32 $0x7, v3;
	v4 =	vand.u32 $0xFFFFFFF0, v22  }
0x11c: {  	v3 =	vor.u32 v3, v4  }
0x11d: {  	v4 =	vperm.xlane v3, v0;
	_ =	sdelay $0x1  }
0x11e: {  	v3 =	vperm.xlane v3, v2;
	v4 =	vadd.s32 v1, v4;
	_ =	sdelay $0x1  }
0x11f: {  	v3 =	vadd.s32 v1, v3;
	_ =	sdelay $0x1  }
0x120: {  	s29 =	simm.s32 $0xA200  }
0x121: {  	[tilespmem:s29], [sflag:$0x2] =	stream.indirect_vreg.gather [hbm4b:s2+s4], $0x80, v4, vm0, $0xb8;
	[tilespmem:$0x10200] =	vst v63  }
0x122: {  	s8 =	simm.s32 $0xAA00  }
0x123: {  	[tilespmem:s8], [sflag:$0x2] =	stream.indirect_vreg.gather [hbm4b:s2+s4], $0x80, v3, vm0, $0xb8;
	[tilespmem:$0x10200] =	vst v63  }
0x124: {  	v3 =	vld [tilespmem:$0xB0];
	_ =	sdelay $0x4  }
0x125: {  	v23 =	vshll.u32 v3, $0x1  }
0x126: {  	v3 =	vand.u32 $0x7, v3;
	v4 =	vand.u32 $0xFFFFFFF0, v23  }
0x127: {  	v3 =	vor.u32 v3, v4  }
0x128: {  	v4 =	vperm.xlane v3, v0;
	_ =	sdelay $0x1  }
0x129: {  	v3 =	vperm.xlane v3, v2;
	v4 =	vadd.s32 v1, v4;
	_ =	sdelay $0x1  }
0x12a: {  	v3 =	vadd.s32 v1, v3;
	_ =	sdelay $0x1  }
0x12b: {  	s26 =	simm.s32 $0xB200  }
0x12c: {  	[tilespmem:s26], [sflag:$0x2] =	stream.indirect_vreg.gather [hbm4b:s2+s4], $0x80, v4, vm0, $0xb8;
	[tilespmem:$0x10200] =	vst v63  }
0x12d: {  	s29 =	simm.s32 $0xBA00  }
0x12e: {  	[tilespmem:s29], [sflag:$0x2] =	stream.indirect_vreg.gather [hbm4b:s2+s4], $0x80, v3, vm0, $0xb8;
	[tilespmem:$0x10200] =	vst v63  }
0x12f: {  	_ =	swait.ge [sflag:s14], $0x4000  }
0x130: {  	[sflag:s14] =	ssyncset.done $0x0  }
0x131: {  	[sflag:s14] =	ssyncadd.s32 $0xFFFFC000  }
0x132: {  	_ =	swait.ge [sflag:s16], $0x4000  }
0x133: {  	[sflag:s16] =	ssyncset.done $0x0  }
0x134: {  	s0 =	rddreg [dreg:$0x9];
	[sflag:s16] =	ssyncadd.s32 $0xFFFFC000  }
0x135: {  	[hbm4b:s0+s4] =	stream.linear.scatter [tilespmem:s23], [sflag:$0x3], $0x4000, $0x38;
	[tilespmem:$0x10200] =	vst v63  }
0x136: {  	_ =	swait.ge [sflag:s6], $0x4000  }
0x137: {  	[sflag:s6] =	ssyncset.done $0x0  }
0x138: {  	s12 =	rddreg [dreg:$0xa];
	[sflag:s6] =	ssyncadd.s32 $0xFFFFC000  }
0x139: {  	[hbm4b:s12+s4] =	stream.linear.scatter [tilespmem:s3], [sflag:$0x3], $0x4000, $0x38;
	[tilespmem:$0x10200] =	vst v63  }
0x13a: {  	_ =	swait.ge [sflag:s6], $0x4000  }
0x13b: {  	[sflag:s6] =	ssyncset.done $0x0  }
0x13c: {  	[sflag:s6] =	ssyncadd.s32 $0xFFFFC000  }
0x13d: {  	v3 =	vld [tilespmem:$0xC0];
	_ =	sdelay $0x4  }
0x13e: {  	v24 =	vshll.u32 v3, $0x1  }
0x13f: {  	v3 =	vand.u32 $0x7, v3;
	v4 =	vand.u32 $0xFFFFFFF0, v24  }
0x140: {  	v3 =	vor.u32 v3, v4  }
0x141: {  	v4 =	vperm.xlane v3, v0;
	_ =	sdelay $0x1  }
0x142: {  	v3 =	vperm.xlane v3, v2;
	v4 =	vadd.s32 v1, v4;
	_ =	sdelay $0x1  }
0x143: {  	v3 =	vadd.s32 v1, v3;
	_ =	sdelay $0x2  }
0x144: {  	[tilespmem:s23], [sflag:$0x1] =	stream.indirect_vreg.gather [hbm4b:s1+s4], $0x80, v4, vm0, $0xb8;
	[tilespmem:$0x10200] =	vst v63  }
0x145: {  	s7 =	simm.s32 $0x4A00  }
0x146: {  	[tilespmem:s7], [sflag:$0x1] =	stream.indirect_vreg.gather [hbm4b:s1+s4], $0x80, v3, vm0, $0xb8;
	[tilespmem:$0x10200] =	vst v63  }
0x147: {  	v3 =	vld [tilespmem:$0xD0];
	_ =	sdelay $0x4  }
0x148: {  	v25 =	vshll.u32 v3, $0x1  }
0x149: {  	v3 =	vand.u32 $0x7, v3;
	v4 =	vand.u32 $0xFFFFFFF0, v25  }
0x14a: {  	v3 =	vor.u32 v3, v4  }
0x14b: {  	v4 =	vperm.xlane v3, v0;
	_ =	sdelay $0x1  }
0x14c: {  	v3 =	vperm.xlane v3, v2;
	v4 =	vadd.s32 v1, v4;
	_ =	sdelay $0x1  }
0x14d: {  	v3 =	vadd.s32 v1, v3;
	_ =	sdelay $0x1  }
0x14e: {  	s0 =	simm.s32 $0x5200  }
0x14f: {  	[tilespmem:s0], [sflag:$0x1] =	stream.indirect_vreg.gather [hbm4b:s1+s4], $0x80, v4, vm0, $0xb8;
	[tilespmem:$0x10200] =	vst v63  }
0x150: {  	s12 =	simm.s32 $0x5A00  }
0x151: {  	[tilespmem:s12], [sflag:$0x1] =	stream.indirect_vreg.gather [hbm4b:s1+s4], $0x80, v3, vm0, $0xb8;
	[tilespmem:$0x10200] =	vst v63  }
0x152: {  	v3 =	vld [tilespmem:$0xE0];
	_ =	sdelay $0x4  }
0x153: {  	v26 =	vshll.u32 v3, $0x1  }
0x154: {  	v3 =	vand.u32 $0x7, v3;
	v4 =	vand.u32 $0xFFFFFFF0, v26  }
0x155: {  	v3 =	vor.u32 v3, v4  }
0x156: {  	v4 =	vperm.xlane v3, v0;
	_ =	sdelay $0x1  }
0x157: {  	v3 =	vperm.xlane v3, v2;
	v4 =	vadd.s32 v1, v4;
	_ =	sdelay $0x1  }
0x158: {  	v3 =	vadd.s32 v1, v3;
	_ =	sdelay $0x1  }
0x159: {  	s7 =	simm.s32 $0x6200  }
0x15a: {  	[tilespmem:s7], [sflag:$0x1] =	stream.indirect_vreg.gather [hbm4b:s1+s4], $0x80, v4, vm0, $0xb8;
	[tilespmem:$0x10200] =	vst v63  }
0x15b: {  	s18 =	simm.s32 $0x6A00  }
0x15c: {  	[tilespmem:s18], [sflag:$0x1] =	stream.indirect_vreg.gather [hbm4b:s1+s4], $0x80, v3, vm0, $0xb8;
	[tilespmem:$0x10200] =	vst v63  }
0x15d: {  	v3 =	vld [tilespmem:$0xF0];
	_ =	sdelay $0x4  }
0x15e: {  	v27 =	vshll.u32 v3, $0x1  }
0x15f: {  	v3 =	vand.u32 $0x7, v3;
	v4 =	vand.u32 $0xFFFFFFF0, v27  }
0x160: {  	v3 =	vor.u32 v3, v4  }
0x161: {  	v4 =	vperm.xlane v3, v0;
	_ =	sdelay $0x1  }
0x162: {  	v3 =	vperm.xlane v3, v2;
	v4 =	vadd.s32 v1, v4;
	_ =	sdelay $0x1  }
0x163: {  	v3 =	vadd.s32 v1, v3;
	_ =	sdelay $0x1  }
0x164: {  	s18 =	simm.s32 $0x7200  }
0x165: {  	[tilespmem:s18], [sflag:$0x1] =	stream.indirect_vreg.gather [hbm4b:s1+s4], $0x80, v4, vm0, $0xb8;
	[tilespmem:$0x10200] =	vst v63  }
0x166: {  	s19 =	simm.s32 $0x7A00  }
0x167: {  	[tilespmem:s19], [sflag:$0x1] =	stream.indirect_vreg.gather [hbm4b:s1+s4], $0x80, v3, vm0, $0xb8;
	[tilespmem:$0x10200] =	vst v63  }
0x168: {  	v3 =	vld [tilespmem:$0xC0];
	_ =	sdelay $0x4  }
0x169: {  	v28 =	vshll.u32 v3, $0x1  }
0x16a: {  	v3 =	vand.u32 $0x7, v3;
	v4 =	vand.u32 $0xFFFFFFF0, v28  }
0x16b: {  	v3 =	vor.u32 v3, v4  }
0x16c: {  	v4 =	vperm.xlane v3, v0;
	_ =	sdelay $0x1  }
0x16d: {  	v3 =	vperm.xlane v3, v2;
	v4 =	vadd.s32 v1, v4;
	_ =	sdelay $0x1  }
0x16e: {  	v3 =	vadd.s32 v1, v3;
	_ =	sdelay $0x2  }
0x16f: {  	[tilespmem:s3], [sflag:$0x2] =	stream.indirect_vreg.gather [hbm4b:s2+s4], $0x80, v4, vm0, $0xb8;
	[tilespmem:$0x10200] =	vst v63  }
0x170: {  	s21 =	simm.s32 $0xCA00  }
0x171: {  	[tilespmem:s21], [sflag:$0x2] =	stream.indirect_vreg.gather [hbm4b:s2+s4], $0x80, v3, vm0, $0xb8;
	[tilespmem:$0x10200] =	vst v63  }
0x172: {  	v3 =	vld [tilespmem:$0xD0];
	_ =	sdelay $0x4  }
0x173: {  	v29 =	vshll.u32 v3, $0x1  }
0x174: {  	v3 =	vand.u32 $0x7, v3;
	v4 =	vand.u32 $0xFFFFFFF0, v29  }
0x175: {  	v3 =	vor.u32 v3, v4  }
0x176: {  	v4 =	vperm.xlane v3, v0;
	_ =	sdelay $0x1  }
0x177: {  	v3 =	vperm.xlane v3, v2;
	v4 =	vadd.s32 v1, v4;
	_ =	sdelay $0x1  }
0x178: {  	v3 =	vadd.s32 v1, v3;
	_ =	sdelay $0x1  }
0x179: {  	s18 =	simm.s32 $0xD200  }
0x17a: {  	[tilespmem:s18], [sflag:$0x2] =	stream.indirect_vreg.gather [hbm4b:s2+s4], $0x80, v4, vm0, $0xb8;
	[tilespmem:$0x10200] =	vst v63  }
0x17b: {  	s10 =	simm.s32 $0xDA00  }
0x17c: {  	[tilespmem:s10], [sflag:$0x2] =	stream.indirect_vreg.gather [hbm4b:s2+s4], $0x80, v3, vm0, $0xb8;
	[tilespmem:$0x10200] =	vst v63  }
0x17d: {  	v3 =	vld [tilespmem:$0xE0];
	_ =	sdelay $0x4  }
0x17e: {  	v30 =	vshll.u32 v3, $0x1  }
0x17f: {  	v3 =	vand.u32 $0x7, v3;
	v4 =	vand.u32 $0xFFFFFFF0, v30  }
0x180: {  	v3 =	vor.u32 v3, v4  }
0x181: {  	v4 =	vperm.xlane v3, v0;
	_ =	sdelay $0x1  }
0x182: {  	v3 =	vperm.xlane v3, v2;
	v4 =	vadd.s32 v1, v4;
	_ =	sdelay $0x1  }
0x183: {  	v3 =	vadd.s32 v1, v3;
	_ =	sdelay $0x1  }
0x184: {  	s19 =	simm.s32 $0xE200  }
0x185: {  	[tilespmem:s19], [sflag:$0x2] =	stream.indirect_vreg.gather [hbm4b:s2+s4], $0x80, v4, vm0, $0xb8;
	[tilespmem:$0x10200] =	vst v63  }
0x186: {  	s11 =	simm.s32 $0xEA00  }
0x187: {  	[tilespmem:s11], [sflag:$0x2] =	stream.indirect_vreg.gather [hbm4b:s2+s4], $0x80, v3, vm0, $0xb8;
	[tilespmem:$0x10200] =	vst v63  }
0x188: {  	v3 =	vld [tilespmem:$0xF0];
	_ =	sdelay $0x4  }
0x189: {  	v31 =	vshll.u32 v3, $0x1  }
0x18a: {  	v3 =	vand.u32 $0x7, v3;
	v4 =	vand.u32 $0xFFFFFFF0, v31  }
0x18b: {  	v3 =	vor.u32 v3, v4  }
0x18c: {  	v4 =	vperm.xlane v3, v0;
	_ =	sdelay $0x1  }
0x18d: {  	v3 =	vperm.xlane v3, v2;
	v4 =	vadd.s32 v1, v4;
	_ =	sdelay $0x1  }
0x18e: {  	v3 =	vadd.s32 v1, v3;
	_ =	sdelay $0x1  }
0x18f: {  	s21 =	simm.s32 $0xF200  }
0x190: {  	[tilespmem:s21], [sflag:$0x2] =	stream.indirect_vreg.gather [hbm4b:s2+s4], $0x80, v4, vm0, $0xb8;
	[tilespmem:$0x10200] =	vst v63  }
0x191: {  	s13 =	simm.s32 $0xFA00  }
0x192: {  	[tilespmem:s13], [sflag:$0x2] =	stream.indirect_vreg.gather [hbm4b:s2+s4], $0x80, v3, vm0, $0xb8;
	[tilespmem:$0x10200] =	vst v63  }
0x193: {  	_ =	swait.ge [sflag:s14], $0x4000  }
0x194: {  	[sflag:s14] =	ssyncset.done $0x0  }
0x195: {  	[sflag:s14] =	ssyncadd.s32 $0xFFFFC000  }
0x196: {  	_ =	swait.ge [sflag:s16], $0x4000  }
0x197: {  	[sflag:s16] =	ssyncset.done $0x0  }
0x198: {  	s13 =	rddreg [dreg:$0xb];
	[sflag:s16] =	ssyncadd.s32 $0xFFFFC000  }
0x199: {  	[hbm4b:s13+s4] =	stream.linear.scatter [tilespmem:s9], [sflag:$0x3], $0x4000, $0x38;
	[tilespmem:$0x10200] =	vst v63  }
0x19a: {  	_ =	swait.ge [sflag:s6], $0x4000  }
0x19b: {  	[sflag:s6] =	ssyncset.done $0x0  }
0x19c: {  	s18 =	rddreg [dreg:$0xc];
	[sflag:s6] =	ssyncadd.s32 $0xFFFFC000  }
0x19d: {  	[hbm4b:s18+s4] =	stream.linear.scatter [tilespmem:s15], [sflag:$0x3], $0x4000, $0x38;
	[tilespmem:$0x10200] =	vst v63  }
0x19e: {  	_ =	swait.ge [sflag:s6], $0x4000  }
0x19f: {  	[sflag:s6] =	ssyncset.done $0x0  }
0x1a0: {  	[sflag:s6] =	ssyncadd.s32 $0xFFFFC000  }
0x1a1: {  	v3 =	vld [tilespmem:$0x100];
	_ =	sdelay $0x4  }
0x1a2: {  	v32 =	vshll.u32 v3, $0x1  }
0x1a3: {  	v3 =	vand.u32 $0x7, v3;
	v4 =	vand.u32 $0xFFFFFFF0, v32  }
0x1a4: {  	v3 =	vor.u32 v3, v4  }
0x1a5: {  	v4 =	vperm.xlane v3, v0;
	_ =	sdelay $0x1  }
0x1a6: {  	v3 =	vperm.xlane v3, v2;
	v4 =	vadd.s32 v1, v4;
	_ =	sdelay $0x1  }
0x1a7: {  	v3 =	vadd.s32 v1, v3;
	_ =	sdelay $0x2  }
0x1a8: {  	[tilespmem:s9], [sflag:$0x1] =	stream.indirect_vreg.gather [hbm4b:s1+s4], $0x80, v4, vm0, $0xb8;
	[tilespmem:$0x10200] =	vst v63  }
0x1a9: {  	s19 =	simm.s32 $0xA00  }
0x1aa: {  	[tilespmem:s19], [sflag:$0x1] =	stream.indirect_vreg.gather [hbm4b:s1+s4], $0x80, v3, vm0, $0xb8;
	[tilespmem:$0x10200] =	vst v63  }
0x1ab: {  	v3 =	vld [tilespmem:$0x110];
	_ =	sdelay $0x4  }
0x1ac: {  	v33 =	vshll.u32 v3, $0x1  }
0x1ad: {  	v3 =	vand.u32 $0x7, v3;
	v4 =	vand.u32 $0xFFFFFFF0, v33  }
0x1ae: {  	v3 =	vor.u32 v3, v4  }
0x1af: {  	v4 =	vperm.xlane v3, v0;
	_ =	sdelay $0x1  }
0x1b0: {  	v3 =	vperm.xlane v3, v2;
	v4 =	vadd.s32 v1, v4;
	_ =	sdelay $0x1  }
0x1b1: {  	v3 =	vadd.s32 v1, v3;
	_ =	sdelay $0x1  }
0x1b2: {  	s24 =	simm.s32 $0x1200  }
0x1b3: {  	[tilespmem:s24], [sflag:$0x1] =	stream.indirect_vreg.gather [hbm4b:s1+s4], $0x80, v4, vm0, $0xb8;
	[tilespmem:$0x10200] =	vst v63  }
0x1b4: {  	s21 =	simm.s32 $0x1A00  }
0x1b5: {  	[tilespmem:s21], [sflag:$0x1] =	stream.indirect_vreg.gather [hbm4b:s1+s4], $0x80, v3, vm0, $0xb8;
	[tilespmem:$0x10200] =	vst v63  }
0x1b6: {  	v3 =	vld [tilespmem:$0x120];
	_ =	sdelay $0x4  }
0x1b7: {  	v34 =	vshll.u32 v3, $0x1  }
0x1b8: {  	v3 =	vand.u32 $0x7, v3;
	v4 =	vand.u32 $0xFFFFFFF0, v34  }
0x1b9: {  	v3 =	vor.u32 v3, v4  }
0x1ba: {  	v4 =	vperm.xlane v3, v0;
	_ =	sdelay $0x1  }
0x1bb: {  	v3 =	vperm.xlane v3, v2;
	v4 =	vadd.s32 v1, v4;
	_ =	sdelay $0x1  }
0x1bc: {  	v3 =	vadd.s32 v1, v3;
	_ =	sdelay $0x2  }
0x1bd: {  	[tilespmem:s22], [sflag:$0x1] =	stream.indirect_vreg.gather [hbm4b:s1+s4], $0x80, v4, vm0, $0xb8;
	[tilespmem:$0x10200] =	vst v63  }
0x1be: {  	_ = 	snop  }
0x1bf: {  	[tilespmem:s28], [sflag:$0x1] =	stream.indirect_vreg.gather [hbm4b:s1+s4], $0x80, v3, vm0, $0xb8;
	[tilespmem:$0x10200] =	vst v63  }
0x1c0: {  	v3 =	vld [tilespmem:$0x130];
	_ =	sdelay $0x4  }
0x1c1: {  	v35 =	vshll.u32 v3, $0x1  }
0x1c2: {  	v3 =	vand.u32 $0x7, v3;
	v4 =	vand.u32 $0xFFFFFFF0, v35  }
0x1c3: {  	v3 =	vor.u32 v3, v4  }
0x1c4: {  	v4 =	vperm.xlane v3, v0;
	_ =	sdelay $0x1  }
0x1c5: {  	v3 =	vperm.xlane v3, v2;
	v4 =	vadd.s32 v1, v4;
	_ =	sdelay $0x1  }
0x1c6: {  	v3 =	vadd.s32 v1, v3;
	_ =	sdelay $0x2  }
0x1c7: {  	[tilespmem:s25], [sflag:$0x1] =	stream.indirect_vreg.gather [hbm4b:s1+s4], $0x80, v4, vm0, $0xb8;
	[tilespmem:$0x10200] =	vst v63  }
0x1c8: {  	_ = 	snop  }
0x1c9: {  	[tilespmem:s30], [sflag:$0x1] =	stream.indirect_vreg.gather [hbm4b:s1+s4], $0x80, v3, vm0, $0xb8;
	[tilespmem:$0x10200] =	vst v63  }
0x1ca: {  	v3 =	vld [tilespmem:$0x100];
	_ =	sdelay $0x4  }
0x1cb: {  	v36 =	vshll.u32 v3, $0x1  }
0x1cc: {  	v3 =	vand.u32 $0x7, v3;
	v4 =	vand.u32 $0xFFFFFFF0, v36  }
0x1cd: {  	v3 =	vor.u32 v3, v4  }
0x1ce: {  	v4 =	vperm.xlane v3, v0;
	_ =	sdelay $0x1  }
0x1cf: {  	v3 =	vperm.xlane v3, v2;
	v4 =	vadd.s32 v1, v4;
	_ =	sdelay $0x1  }
0x1d0: {  	v3 =	vadd.s32 v1, v3;
	_ =	sdelay $0x2  }
0x1d1: {  	[tilespmem:s15], [sflag:$0x2] =	stream.indirect_vreg.gather [hbm4b:s2+s4], $0x80, v4, vm0, $0xb8;
	[tilespmem:$0x10200] =	vst v63  }
0x1d2: {  	_ = 	snop  }
0x1d3: {  	[tilespmem:s31], [sflag:$0x2] =	stream.indirect_vreg.gather [hbm4b:s2+s4], $0x80, v3, vm0, $0xb8;
	[tilespmem:$0x10200] =	vst v63  }
0x1d4: {  	v3 =	vld [tilespmem:$0x110];
	_ =	sdelay $0x4  }
0x1d5: {  	v37 =	vshll.u32 v3, $0x1  }
0x1d6: {  	v3 =	vand.u32 $0x7, v3;
	v4 =	vand.u32 $0xFFFFFFF0, v37  }
0x1d7: {  	v3 =	vor.u32 v3, v4  }
0x1d8: {  	v4 =	vperm.xlane v3, v0;
	_ =	sdelay $0x1  }
0x1d9: {  	v3 =	vperm.xlane v3, v2;
	v4 =	vadd.s32 v1, v4;
	_ =	sdelay $0x1  }
0x1da: {  	v3 =	vadd.s32 v1, v3;
	_ =	sdelay $0x1  }
0x1db: {  	s22 =	simm.s32 $0x9200  }
0x1dc: {  	[tilespmem:s22], [sflag:$0x2] =	stream.indirect_vreg.gather [hbm4b:s2+s4], $0x80, v4, vm0, $0xb8;
	[tilespmem:$0x10200] =	vst v63  }
0x1dd: {  	_ = 	snop  }
0x1de: {  	[tilespmem:s20], [sflag:$0x2] =	stream.indirect_vreg.gather [hbm4b:s2+s4], $0x80, v3, vm0, $0xb8;
	[tilespmem:$0x10200] =	vst v63  }
0x1df: {  	v3 =	vld [tilespmem:$0x120];
	_ =	sdelay $0x4  }
0x1e0: {  	v38 =	vshll.u32 v3, $0x1  }
0x1e1: {  	v3 =	vand.u32 $0x7, v3;
	v4 =	vand.u32 $0xFFFFFFF0, v38  }
0x1e2: {  	v3 =	vor.u32 v3, v4  }
0x1e3: {  	v4 =	vperm.xlane v3, v0;
	_ =	sdelay $0x1  }
0x1e4: {  	v3 =	vperm.xlane v3, v2;
	v4 =	vadd.s32 v1, v4;
	_ =	sdelay $0x1  }
0x1e5: {  	v3 =	vadd.s32 v1, v3;
	_ =	sdelay $0x1  }
0x1e6: {  	s28 =	simm.s32 $0xA200  }
0x1e7: {  	[tilespmem:s28], [sflag:$0x2] =	stream.indirect_vreg.gather [hbm4b:s2+s4], $0x80, v4, vm0, $0xb8;
	[tilespmem:$0x10200] =	vst v63  }
0x1e8: {  	_ = 	snop  }
0x1e9: {  	[tilespmem:s8], [sflag:$0x2] =	stream.indirect_vreg.gather [hbm4b:s2+s4], $0x80, v3, vm0, $0xb8;
	[tilespmem:$0x10200] =	vst v63  }
0x1ea: {  	v3 =	vld [tilespmem:$0x130];
	_ =	sdelay $0x4  }
0x1eb: {  	v39 =	vshll.u32 v3, $0x1  }
0x1ec: {  	v3 =	vand.u32 $0x7, v3;
	v4 =	vand.u32 $0xFFFFFFF0, v39  }
0x1ed: {  	v3 =	vor.u32 v3, v4  }
0x1ee: {  	v4 =	vperm.xlane v3, v0;
	_ =	sdelay $0x1  }
0x1ef: {  	v3 =	vperm.xlane v3, v2;
	v4 =	vadd.s32 v1, v4;
	_ =	sdelay $0x1  }
0x1f0: {  	v3 =	vadd.s32 v1, v3;
	_ =	sdelay $0x2  }
0x1f1: {  	[tilespmem:s26], [sflag:$0x2] =	stream.indirect_vreg.gather [hbm4b:s2+s4], $0x80, v4, vm0, $0xb8;
	[tilespmem:$0x10200] =	vst v63  }
0x1f2: {  	_ = 	snop  }
0x1f3: {  	[tilespmem:s29], [sflag:$0x2] =	stream.indirect_vreg.gather [hbm4b:s2+s4], $0x80, v3, vm0, $0xb8;
	[tilespmem:$0x10200] =	vst v63  }
0x1f4: {  	_ =	swait.ge [sflag:s14], $0x4000  }
0x1f5: {  	[sflag:s14] =	ssyncset.done $0x0  }
0x1f6: {  	[sflag:s14] =	ssyncadd.s32 $0xFFFFC000  }
0x1f7: {  	_ =	swait.ge [sflag:s16], $0x4000  }
0x1f8: {  	[sflag:s16] =	ssyncset.done $0x0  }
0x1f9: {  	s30 =	rddreg [dreg:$0xd];
	[sflag:s16] =	ssyncadd.s32 $0xFFFFC000  }
0x1fa: {  	[hbm4b:s30+s4] =	stream.linear.scatter [tilespmem:s23], [sflag:$0x3], $0x4000, $0x38;
	[tilespmem:$0x10200] =	vst v63  }
0x1fb: {  	_ =	swait.ge [sflag:s6], $0x4000  }
0x1fc: {  	[sflag:s6] =	ssyncset.done $0x0  }
0x1fd: {  	s31 =	rddreg [dreg:$0xe];
	[sflag:s6] =	ssyncadd.s32 $0xFFFFC000  }
0x1fe: {  	[hbm4b:s31+s4] =	stream.linear.scatter [tilespmem:s3], [sflag:$0x3], $0x4000, $0x38;
	[tilespmem:$0x10200] =	vst v63  }
0x1ff: {  	_ =	swait.ge [sflag:s6], $0x4000  }
0x200: {  	[sflag:s6] =	ssyncset.done $0x0  }
0x201: {  	[sflag:s6] =	ssyncadd.s32 $0xFFFFC000  }
0x202: {  	v3 =	vld [tilespmem:$0x140];
	_ =	sdelay $0x4  }
0x203: {  	v40 =	vshll.u32 v3, $0x1  }
0x204: {  	v3 =	vand.u32 $0x7, v3;
	v4 =	vand.u32 $0xFFFFFFF0, v40  }
0x205: {  	v3 =	vor.u32 v3, v4  }
0x206: {  	v4 =	vperm.xlane v3, v0;
	_ =	sdelay $0x1  }
0x207: {  	v3 =	vperm.xlane v3, v2;
	v4 =	vadd.s32 v1, v4;
	_ =	sdelay $0x1  }
0x208: {  	v3 =	vadd.s32 v1, v3;
	_ =	sdelay $0x2  }
0x209: {  	[tilespmem:s23], [sflag:$0x1] =	stream.indirect_vreg.gather [hbm4b:s1+s4], $0x80, v4, vm0, $0xb8;
	[tilespmem:$0x10200] =	vst v63  }
0x20a: {  	s26 =	simm.s32 $0x4A00  }
0x20b: {  	[tilespmem:s26], [sflag:$0x1] =	stream.indirect_vreg.gather [hbm4b:s1+s4], $0x80, v3, vm0, $0xb8;
	[tilespmem:$0x10200] =	vst v63  }
0x20c: {  	v3 =	vld [tilespmem:$0x150];
	_ =	sdelay $0x4  }
0x20d: {  	v41 =	vshll.u32 v3, $0x1  }
0x20e: {  	v3 =	vand.u32 $0x7, v3;
	v4 =	vand.u32 $0xFFFFFFF0, v41  }
0x20f: {  	v3 =	vor.u32 v3, v4  }
0x210: {  	v4 =	vperm.xlane v3, v0;
	_ =	sdelay $0x1  }
0x211: {  	v3 =	vperm.xlane v3, v2;
	v4 =	vadd.s32 v1, v4;
	_ =	sdelay $0x1  }
0x212: {  	v3 =	vadd.s32 v1, v3;
	_ =	sdelay $0x2  }
0x213: {  	[tilespmem:s0], [sflag:$0x1] =	stream.indirect_vreg.gather [hbm4b:s1+s4], $0x80, v4, vm0, $0xb8;
	[tilespmem:$0x10200] =	vst v63  }
0x214: {  	_ = 	snop  }
0x215: {  	[tilespmem:s12], [sflag:$0x1] =	stream.indirect_vreg.gather [hbm4b:s1+s4], $0x80, v3, vm0, $0xb8;
	[tilespmem:$0x10200] =	vst v63  }
0x216: {  	v3 =	vld [tilespmem:$0x160];
	_ =	sdelay $0x4  }
0x217: {  	v42 =	vshll.u32 v3, $0x1  }
0x218: {  	v3 =	vand.u32 $0x7, v3;
	v4 =	vand.u32 $0xFFFFFFF0, v42  }
0x219: {  	v3 =	vor.u32 v3, v4  }
0x21a: {  	v4 =	vperm.xlane v3, v0;
	_ =	sdelay $0x1  }
0x21b: {  	v3 =	vperm.xlane v3, v2;
	v4 =	vadd.s32 v1, v4;
	_ =	sdelay $0x1  }
0x21c: {  	v3 =	vadd.s32 v1, v3;
	_ =	sdelay $0x2  }
0x21d: {  	[tilespmem:s7], [sflag:$0x1] =	stream.indirect_vreg.gather [hbm4b:s1+s4], $0x80, v4, vm0, $0xb8;
	[tilespmem:$0x10200] =	vst v63  }
0x21e: {  	s28 =	simm.s32 $0x6A00  }
0x21f: {  	[tilespmem:s28], [sflag:$0x1] =	stream.indirect_vreg.gather [hbm4b:s1+s4], $0x80, v3, vm0, $0xb8;
	[tilespmem:$0x10200] =	vst v63  }
0x220: {  	v3 =	vld [tilespmem:$0x170];
	_ =	sdelay $0x4  }
0x221: {  	v43 =	vshll.u32 v3, $0x1  }
0x222: {  	v3 =	vand.u32 $0x7, v3;
	v4 =	vand.u32 $0xFFFFFFF0, v43  }
0x223: {  	v3 =	vor.u32 v3, v4  }
0x224: {  	v4 =	vperm.xlane v3, v0;
	_ =	sdelay $0x1  }
0x225: {  	v3 =	vperm.xlane v3, v2;
	v4 =	vadd.s32 v1, v4;
	_ =	sdelay $0x1  }
0x226: {  	v3 =	vadd.s32 v1, v3;
	_ =	sdelay $0x1  }
0x227: {  	s29 =	simm.s32 $0x7200  }
0x228: {  	[tilespmem:s29], [sflag:$0x1] =	stream.indirect_vreg.gather [hbm4b:s1+s4], $0x80, v4, vm0, $0xb8;
	[tilespmem:$0x10200] =	vst v63  }
0x229: {  	s30 =	simm.s32 $0x7A00  }
0x22a: {  	[tilespmem:s30], [sflag:$0x1] =	stream.indirect_vreg.gather [hbm4b:s1+s4], $0x80, v3, vm0, $0xb8;
	[tilespmem:$0x10200] =	vst v63  }
0x22b: {  	v3 =	vld [tilespmem:$0x140];
	_ =	sdelay $0x4  }
0x22c: {  	v44 =	vshll.u32 v3, $0x1  }
0x22d: {  	v3 =	vand.u32 $0x7, v3;
	v4 =	vand.u32 $0xFFFFFFF0, v44  }
0x22e: {  	v3 =	vor.u32 v3, v4  }
0x22f: {  	v4 =	vperm.xlane v3, v0;
	_ =	sdelay $0x1  }
0x230: {  	v3 =	vperm.xlane v3, v2;
	v4 =	vadd.s32 v1, v4;
	_ =	sdelay $0x1  }
0x231: {  	v3 =	vadd.s32 v1, v3;
	_ =	sdelay $0x2  }
0x232: {  	[tilespmem:s3], [sflag:$0x2] =	stream.indirect_vreg.gather [hbm4b:s2+s4], $0x80, v4, vm0, $0xb8;
	[tilespmem:$0x10200] =	vst v63  }
0x233: {  	s31 =	simm.s32 $0xCA00  }
0x234: {  	[tilespmem:s31], [sflag:$0x2] =	stream.indirect_vreg.gather [hbm4b:s2+s4], $0x80, v3, vm0, $0xb8;
	[tilespmem:$0x10200] =	vst v63  }
0x235: {  	v3 =	vld [tilespmem:$0x150];
	_ =	sdelay $0x4  }
0x236: {  	v45 =	vshll.u32 v3, $0x1  }
0x237: {  	v3 =	vand.u32 $0x7, v3;
	v4 =	vand.u32 $0xFFFFFFF0, v45  }
0x238: {  	v3 =	vor.u32 v3, v4  }
0x239: {  	v4 =	vperm.xlane v3, v0;
	_ =	sdelay $0x1  }
0x23a: {  	v3 =	vperm.xlane v3, v2;
	v4 =	vadd.s32 v1, v4;
	_ =	sdelay $0x1  }
0x23b: {  	v3 =	vadd.s32 v1, v3;
	_ =	sdelay $0x1  }
0x23c: {  	s28 =	simm.s32 $0xD200  }
0x23d: {  	[tilespmem:s28], [sflag:$0x2] =	stream.indirect_vreg.gather [hbm4b:s2+s4], $0x80, v4, vm0, $0xb8;
	[tilespmem:$0x10200] =	vst v63  }
0x23e: {  	s29 =	simm.s32 $0xDA00  }
0x23f: {  	[tilespmem:s29], [sflag:$0x2] =	stream.indirect_vreg.gather [hbm4b:s2+s4], $0x80, v3, vm0, $0xb8;
	[tilespmem:$0x10200] =	vst v63  }
0x240: {  	v3 =	vld [tilespmem:$0x160];
	_ =	sdelay $0x4  }
0x241: {  	v46 =	vshll.u32 v3, $0x1  }
0x242: {  	v3 =	vand.u32 $0x7, v3;
	v4 =	vand.u32 $0xFFFFFFF0, v46  }
0x243: {  	v3 =	vor.u32 v3, v4  }
0x244: {  	v4 =	vperm.xlane v3, v0;
	_ =	sdelay $0x1  }
0x245: {  	v3 =	vperm.xlane v3, v2;
	v4 =	vadd.s32 v1, v4;
	_ =	sdelay $0x1  }
0x246: {  	v3 =	vadd.s32 v1, v3;
	_ =	sdelay $0x1  }
0x247: {  	s10 =	simm.s32 $0xE200  }
0x248: {  	[tilespmem:s10], [sflag:$0x2] =	stream.indirect_vreg.gather [hbm4b:s2+s4], $0x80, v4, vm0, $0xb8;
	[tilespmem:$0x10200] =	vst v63  }
0x249: {  	s17 =	simm.s32 $0xEA00  }
0x24a: {  	[tilespmem:s17], [sflag:$0x2] =	stream.indirect_vreg.gather [hbm4b:s2+s4], $0x80, v3, vm0, $0xb8;
	[tilespmem:$0x10200] =	vst v63  }
0x24b: {  	v3 =	vld [tilespmem:$0x170];
	_ =	sdelay $0x4  }
0x24c: {  	v47 =	vshll.u32 v3, $0x1  }
0x24d: {  	v3 =	vand.u32 $0x7, v3;
	v4 =	vand.u32 $0xFFFFFFF0, v47  }
0x24e: {  	v3 =	vor.u32 v3, v4  }
0x24f: {  	v4 =	vperm.xlane v3, v0;
	_ =	sdelay $0x1  }
0x250: {  	v3 =	vperm.xlane v3, v2;
	v4 =	vadd.s32 v1, v4;
	_ =	sdelay $0x1  }
0x251: {  	v3 =	vadd.s32 v1, v3;
	_ =	sdelay $0x1  }
0x252: {  	s11 =	simm.s32 $0xF200  }
0x253: {  	[tilespmem:s11], [sflag:$0x2] =	stream.indirect_vreg.gather [hbm4b:s2+s4], $0x80, v4, vm0, $0xb8;
	[tilespmem:$0x10200] =	vst v63  }
0x254: {  	s17 =	simm.s32 $0xFA00  }
0x255: {  	[tilespmem:s17], [sflag:$0x2] =	stream.indirect_vreg.gather [hbm4b:s2+s4], $0x80, v3, vm0, $0xb8;
	[tilespmem:$0x10200] =	vst v63  }
0x256: {  	_ =	swait.ge [sflag:s14], $0x4000  }
0x257: {  	[sflag:s14] =	ssyncset.done $0x0  }
0x258: {  	[sflag:s14] =	ssyncadd.s32 $0xFFFFC000  }
0x259: {  	_ =	swait.ge [sflag:s16], $0x4000  }
0x25a: {  	[sflag:s16] =	ssyncset.done $0x0  }
0x25b: {  	s17 =	rddreg [dreg:$0xf];
	[sflag:s16] =	ssyncadd.s32 $0xFFFFC000  }
0x25c: {  	[hbm4b:s17+s4] =	stream.linear.scatter [tilespmem:s9], [sflag:$0x3], $0x4000, $0x38;
	[tilespmem:$0x10200] =	vst v63  }
0x25d: {  	_ =	swait.ge [sflag:s6], $0x4000  }
0x25e: {  	[sflag:s6] =	ssyncset.done $0x0  }
0x25f: {  	s17 =	rddreg [dreg:$0x10];
	[sflag:s6] =	ssyncadd.s32 $0xFFFFC000  }
0x260: {  	[hbm4b:s17+s4] =	stream.linear.scatter [tilespmem:s15], [sflag:$0x3], $0x4000, $0x38;
	[tilespmem:$0x10200] =	vst v63  }
0x261: {  	_ =	swait.ge [sflag:s6], $0x4000  }
0x262: {  	[sflag:s6] =	ssyncset.done $0x0  }
0x263: {  	[sflag:s6] =	ssyncadd.s32 $0xFFFFC000  }
0x264: {  	v3 =	vld [tilespmem:$0x180];
	_ =	sdelay $0x4  }
0x265: {  	v48 =	vshll.u32 v3, $0x1  }
0x266: {  	v3 =	vand.u32 $0x7, v3;
	v4 =	vand.u32 $0xFFFFFFF0, v48  }
0x267: {  	v3 =	vor.u32 v3, v4  }
0x268: {  	v4 =	vperm.xlane v3, v0;
	_ =	sdelay $0x1  }
0x269: {  	v3 =	vperm.xlane v3, v2;
	v4 =	vadd.s32 v1, v4;
	_ =	sdelay $0x1  }
0x26a: {  	v3 =	vadd.s32 v1, v3;
	_ =	sdelay $0x2  }
0x26b: {  	[tilespmem:s9], [sflag:$0x1] =	stream.indirect_vreg.gather [hbm4b:s1+s4], $0x80, v4, vm0, $0xb8;
	[tilespmem:$0x10200] =	vst v63  }
0x26c: {  	s17 =	simm.s32 $0xA00  }
0x26d: {  	[tilespmem:s17], [sflag:$0x1] =	stream.indirect_vreg.gather [hbm4b:s1+s4], $0x80, v3, vm0, $0xb8;
	[tilespmem:$0x10200] =	vst v63  }
0x26e: {  	v3 =	vld [tilespmem:$0x190];
	_ =	sdelay $0x4  }
0x26f: {  	v49 =	vshll.u32 v3, $0x1  }
0x270: {  	v3 =	vand.u32 $0x7, v3;
	v4 =	vand.u32 $0xFFFFFFF0, v49  }
0x271: {  	v3 =	vor.u32 v3, v4  }
0x272: {  	v4 =	vperm.xlane v3, v0;
	_ =	sdelay $0x1  }
0x273: {  	v3 =	vperm.xlane v3, v2;
	v4 =	vadd.s32 v1, v4;
	_ =	sdelay $0x1  }
0x274: {  	v3 =	vadd.s32 v1, v3;
	_ =	sdelay $0x1  }
0x275: {  	s17 =	simm.s32 $0x1200  }
0x276: {  	[tilespmem:s17], [sflag:$0x1] =	stream.indirect_vreg.gather [hbm4b:s1+s4], $0x80, v4, vm0, $0xb8;
	[tilespmem:$0x10200] =	vst v63  }
0x277: {  	s17 =	simm.s32 $0x1A00  }
0x278: {  	[tilespmem:s17], [sflag:$0x1] =	stream.indirect_vreg.gather [hbm4b:s1+s4], $0x80, v3, vm0, $0xb8;
	[tilespmem:$0x10200] =	vst v63  }
0x279: {  	v3 =	vld [tilespmem:$0x1A0];
	_ =	sdelay $0x4  }
0x27a: {  	v50 =	vshll.u32 v3, $0x1  }
0x27b: {  	v3 =	vand.u32 $0x7, v3;
	v4 =	vand.u32 $0xFFFFFFF0, v50  }
0x27c: {  	v3 =	vor.u32 v3, v4  }
0x27d: {  	v4 =	vperm.xlane v3, v0;
	_ =	sdelay $0x1  }
0x27e: {  	v3 =	vperm.xlane v3, v2;
	v4 =	vadd.s32 v1, v4;
	_ =	sdelay $0x1  }
0x27f: {  	v3 =	vadd.s32 v1, v3;
	_ =	sdelay $0x1  }
0x280: {  	s13 =	simm.s32 $0x2200  }
0x281: {  	[tilespmem:s13], [sflag:$0x1] =	stream.indirect_vreg.gather [hbm4b:s1+s4], $0x80, v4, vm0, $0xb8;
	[tilespmem:$0x10200] =	vst v63  }
0x282: {  	s21 =	simm.s32 $0x2A00  }
0x283: {  	[tilespmem:s21], [sflag:$0x1] =	stream.indirect_vreg.gather [hbm4b:s1+s4], $0x80, v3, vm0, $0xb8;
	[tilespmem:$0x10200] =	vst v63  }
0x284: {  	v3 =	vld [tilespmem:$0x1B0];
	_ =	sdelay $0x4  }
0x285: {  	v51 =	vshll.u32 v3, $0x1  }
0x286: {  	v3 =	vand.u32 $0x7, v3;
	v4 =	vand.u32 $0xFFFFFFF0, v51  }
0x287: {  	v3 =	vor.u32 v3, v4  }
0x288: {  	v4 =	vperm.xlane v3, v0;
	_ =	sdelay $0x1  }
0x289: {  	v3 =	vperm.xlane v3, v2;
	v4 =	vadd.s32 v1, v4;
	_ =	sdelay $0x1  }
0x28a: {  	v3 =	vadd.s32 v1, v3;
	_ =	sdelay $0x1  }
0x28b: {  	s18 =	simm.s32 $0x3200  }
0x28c: {  	[tilespmem:s18], [sflag:$0x1] =	stream.indirect_vreg.gather [hbm4b:s1+s4], $0x80, v4, vm0, $0xb8;
	[tilespmem:$0x10200] =	vst v63  }
0x28d: {  	s24 =	simm.s32 $0x3A00  }
0x28e: {  	[tilespmem:s24], [sflag:$0x1] =	stream.indirect_vreg.gather [hbm4b:s1+s4], $0x80, v3, vm0, $0xb8;
	[tilespmem:$0x10200] =	vst v63  }
0x28f: {  	v3 =	vld [tilespmem:$0x180];
	_ =	sdelay $0x4  }
0x290: {  	v52 =	vshll.u32 v3, $0x1  }
0x291: {  	v3 =	vand.u32 $0x7, v3;
	v4 =	vand.u32 $0xFFFFFFF0, v52  }
0x292: {  	v3 =	vor.u32 v3, v4  }
0x293: {  	v4 =	vperm.xlane v3, v0;
	_ =	sdelay $0x1  }
0x294: {  	v3 =	vperm.xlane v3, v2;
	v4 =	vadd.s32 v1, v4;
	_ =	sdelay $0x1  }
0x295: {  	v3 =	vadd.s32 v1, v3;
	_ =	sdelay $0x2  }
0x296: {  	[tilespmem:s15], [sflag:$0x2] =	stream.indirect_vreg.gather [hbm4b:s2+s4], $0x80, v4, vm0, $0xb8;
	[tilespmem:$0x10200] =	vst v63  }
0x297: {  	s25 =	simm.s32 $0x8A00  }
0x298: {  	[tilespmem:s25], [sflag:$0x2] =	stream.indirect_vreg.gather [hbm4b:s2+s4], $0x80, v3, vm0, $0xb8;
	[tilespmem:$0x10200] =	vst v63  }
0x299: {  	v3 =	vld [tilespmem:$0x190];
	_ =	sdelay $0x4  }
0x29a: {  	v53 =	vshll.u32 v3, $0x1  }
0x29b: {  	v3 =	vand.u32 $0x7, v3;
	v4 =	vand.u32 $0xFFFFFFF0, v53  }
0x29c: {  	v3 =	vor.u32 v3, v4  }
0x29d: {  	v4 =	vperm.xlane v3, v0;
	_ =	sdelay $0x1  }
0x29e: {  	v3 =	vperm.xlane v3, v2;
	v4 =	vadd.s32 v1, v4;
	_ =	sdelay $0x1  }
0x29f: {  	v3 =	vadd.s32 v1, v3;
	_ =	sdelay $0x1  }
0x2a0: {  	s17 =	simm.s32 $0x9200  }
0x2a1: {  	[tilespmem:s17], [sflag:$0x2] =	stream.indirect_vreg.gather [hbm4b:s2+s4], $0x80, v4, vm0, $0xb8;
	[tilespmem:$0x10200] =	vst v63  }
0x2a2: {  	s20 =	simm.s32 $0x9A00  }
0x2a3: {  	[tilespmem:s20], [sflag:$0x2] =	stream.indirect_vreg.gather [hbm4b:s2+s4], $0x80, v3, vm0, $0xb8;
	[tilespmem:$0x10200] =	vst v63  }
0x2a4: {  	v3 =	vld [tilespmem:$0x1A0];
	_ =	sdelay $0x4  }
0x2a5: {  	v54 =	vshll.u32 v3, $0x1  }
0x2a6: {  	v3 =	vand.u32 $0x7, v3;
	v4 =	vand.u32 $0xFFFFFFF0, v54  }
0x2a7: {  	v3 =	vor.u32 v3, v4  }
0x2a8: {  	v4 =	vperm.xlane v3, v0;
	_ =	sdelay $0x1  }
0x2a9: {  	v3 =	vperm.xlane v3, v2;
	v4 =	vadd.s32 v1, v4;
	_ =	sdelay $0x1  }
0x2aa: {  	v3 =	vadd.s32 v1, v3;
	_ =	sdelay $0x1  }
0x2ab: {  	s18 =	simm.s32 $0xA200  }
0x2ac: {  	[tilespmem:s18], [sflag:$0x2] =	stream.indirect_vreg.gather [hbm4b:s2+s4], $0x80, v4, vm0, $0xb8;
	[tilespmem:$0x10200] =	vst v63  }
0x2ad: {  	s8 =	simm.s32 $0xAA00  }
0x2ae: {  	[tilespmem:s8], [sflag:$0x2] =	stream.indirect_vreg.gather [hbm4b:s2+s4], $0x80, v3, vm0, $0xb8;
	[tilespmem:$0x10200] =	vst v63  }
0x2af: {  	v3 =	vld [tilespmem:$0x1B0];
	_ =	sdelay $0x4  }
0x2b0: {  	v55 =	vshll.u32 v3, $0x1  }
0x2b1: {  	v3 =	vand.u32 $0x7, v3;
	v4 =	vand.u32 $0xFFFFFFF0, v55  }
0x2b2: {  	v3 =	vor.u32 v3, v4  }
0x2b3: {  	v4 =	vperm.xlane v3, v0;
	_ =	sdelay $0x1  }
0x2b4: {  	v3 =	vperm.xlane v3, v2;
	v4 =	vadd.s32 v1, v4;
	_ =	sdelay $0x1  }
0x2b5: {  	v3 =	vadd.s32 v1, v3;
	_ =	sdelay $0x1  }
0x2b6: {  	s19 =	simm.s32 $0xB200  }
0x2b7: {  	[tilespmem:s19], [sflag:$0x2] =	stream.indirect_vreg.gather [hbm4b:s2+s4], $0x80, v4, vm0, $0xb8;
	[tilespmem:$0x10200] =	vst v63  }
0x2b8: {  	s22 =	simm.s32 $0xBA00  }
0x2b9: {  	[tilespmem:s22], [sflag:$0x2] =	stream.indirect_vreg.gather [hbm4b:s2+s4], $0x80, v3, vm0, $0xb8;
	[tilespmem:$0x10200] =	vst v63  }
0x2ba: {  	_ =	swait.ge [sflag:s14], $0x4000  }
0x2bb: {  	[sflag:s14] =	ssyncset.done $0x0  }
0x2bc: {  	[sflag:s14] =	ssyncadd.s32 $0xFFFFC000  }
0x2bd: {  	_ =	swait.ge [sflag:s16], $0x4000  }
0x2be: {  	[sflag:s16] =	ssyncset.done $0x0  }
0x2bf: {  	s20 =	rddreg [dreg:$0x11];
	[sflag:s16] =	ssyncadd.s32 $0xFFFFC000  }
0x2c0: {  	[hbm4b:s20+s4] =	stream.linear.scatter [tilespmem:s23], [sflag:$0x3], $0x4000, $0x38;
	[tilespmem:$0x10200] =	vst v63  }
0x2c1: {  	_ =	swait.ge [sflag:s6], $0x4000  }
0x2c2: {  	[sflag:s6] =	ssyncset.done $0x0  }
0x2c3: {  	s21 =	rddreg [dreg:$0x12];
	[sflag:s6] =	ssyncadd.s32 $0xFFFFC000  }
0x2c4: {  	[hbm4b:s21+s4] =	stream.linear.scatter [tilespmem:s3], [sflag:$0x3], $0x4000, $0x38;
	[tilespmem:$0x10200] =	vst v63  }
0x2c5: {  	_ =	swait.ge [sflag:s6], $0x4000  }
0x2c6: {  	[sflag:s6] =	ssyncset.done $0x0  }
0x2c7: {  	[sflag:s6] =	ssyncadd.s32 $0xFFFFC000  }
0x2c8: {  	v3 =	vld [tilespmem:$0x1C0];
	_ =	sdelay $0x4  }
0x2c9: {  	v56 =	vshll.u32 v3, $0x1  }
0x2ca: {  	v3 =	vand.u32 $0x7, v3;
	v4 =	vand.u32 $0xFFFFFFF0, v56  }
0x2cb: {  	v3 =	vor.u32 v3, v4  }
0x2cc: {  	v4 =	vperm.xlane v3, v0;
	_ =	sdelay $0x1  }
0x2cd: {  	v3 =	vperm.xlane v3, v2;
	v4 =	vadd.s32 v1, v4;
	_ =	sdelay $0x1  }
0x2ce: {  	v3 =	vadd.s32 v1, v3;
	_ =	sdelay $0x2  }
0x2cf: {  	[tilespmem:s23], [sflag:$0x1] =	stream.indirect_vreg.gather [hbm4b:s1+s4], $0x80, v4, vm0, $0xb8;
	[tilespmem:$0x10200] =	vst v63  }
0x2d0: {  	s22 =	simm.s32 $0x4A00  }
0x2d1: {  	[tilespmem:s22], [sflag:$0x1] =	stream.indirect_vreg.gather [hbm4b:s1+s4], $0x80, v3, vm0, $0xb8;
	[tilespmem:$0x10200] =	vst v63  }
0x2d2: {  	v3 =	vld [tilespmem:$0x1D0];
	_ =	sdelay $0x4  }
0x2d3: {  	v57 =	vshll.u32 v3, $0x1  }
0x2d4: {  	v3 =	vand.u32 $0x7, v3;
	v4 =	vand.u32 $0xFFFFFFF0, v57  }
0x2d5: {  	v3 =	vor.u32 v3, v4  }
0x2d6: {  	v4 =	vperm.xlane v3, v0;
	_ =	sdelay $0x1  }
0x2d7: {  	v3 =	vperm.xlane v3, v2;
	v4 =	vadd.s32 v1, v4;
	_ =	sdelay $0x1  }
0x2d8: {  	v3 =	vadd.s32 v1, v3;
	_ =	sdelay $0x1  }
0x2d9: {  	s0 =	simm.s32 $0x5200  }
0x2da: {  	[tilespmem:s0], [sflag:$0x1] =	stream.indirect_vreg.gather [hbm4b:s1+s4], $0x80, v4, vm0, $0xb8;
	[tilespmem:$0x10200] =	vst v63  }
0x2db: {  	s12 =	simm.s32 $0x5A00  }
0x2dc: {  	[tilespmem:s12], [sflag:$0x1] =	stream.indirect_vreg.gather [hbm4b:s1+s4], $0x80, v3, vm0, $0xb8;
	[tilespmem:$0x10200] =	vst v63  }
0x2dd: {  	v3 =	vld [tilespmem:$0x1E0];
	_ =	sdelay $0x4  }
0x2de: {  	v58 =	vshll.u32 v3, $0x1  }
0x2df: {  	v3 =	vand.u32 $0x7, v3;
	v4 =	vand.u32 $0xFFFFFFF0, v58  }
0x2e0: {  	v3 =	vor.u32 v3, v4  }
0x2e1: {  	v4 =	vperm.xlane v3, v0;
	_ =	sdelay $0x1  }
0x2e2: {  	v3 =	vperm.xlane v3, v2;
	v4 =	vadd.s32 v1, v4;
	_ =	sdelay $0x1  }
0x2e3: {  	v3 =	vadd.s32 v1, v3;
	_ =	sdelay $0x1  }
0x2e4: {  	s7 =	simm.s32 $0x6200  }
0x2e5: {  	[tilespmem:s7], [sflag:$0x1] =	stream.indirect_vreg.gather [hbm4b:s1+s4], $0x80, v4, vm0, $0xb8;
	[tilespmem:$0x10200] =	vst v63  }
0x2e6: {  	s24 =	simm.s32 $0x6A00  }
0x2e7: {  	[tilespmem:s24], [sflag:$0x1] =	stream.indirect_vreg.gather [hbm4b:s1+s4], $0x80, v3, vm0, $0xb8;
	[tilespmem:$0x10200] =	vst v63  }
0x2e8: {  	v3 =	vld [tilespmem:$0x1F0];
	_ =	sdelay $0x4  }
0x2e9: {  	v59 =	vshll.u32 v3, $0x1  }
0x2ea: {  	v3 =	vand.u32 $0x7, v3;
	v4 =	vand.u32 $0xFFFFFFF0, v59  }
0x2eb: {  	v3 =	vor.u32 v3, v4  }
0x2ec: {  	v4 =	vperm.xlane v3, v0;
	_ =	sdelay $0x1  }
0x2ed: {  	v3 =	vperm.xlane v3, v2;
	v4 =	vadd.s32 v1, v4;
	_ =	sdelay $0x1  }
0x2ee: {  	v3 =	vadd.s32 v1, v3;
	_ =	sdelay $0x1  }
0x2ef: {  	s26 =	simm.s32 $0x7200  }
0x2f0: {  	[tilespmem:s26], [sflag:$0x1] =	stream.indirect_vreg.gather [hbm4b:s1+s4], $0x80, v4, vm0, $0xb8;
	[tilespmem:$0x10200] =	vst v63  }
0x2f1: {  	s30 =	simm.s32 $0x7A00  }
0x2f2: {  	[tilespmem:s30], [sflag:$0x1] =	stream.indirect_vreg.gather [hbm4b:s1+s4], $0x80, v3, vm0, $0xb8;
	[tilespmem:$0x10200] =	vst v63  }
0x2f3: {  	v3 =	vld [tilespmem:$0x1C0];
	_ =	sdelay $0x4  }
0x2f4: {  	v60 =	vshll.u32 v3, $0x1  }
0x2f5: {  	v3 =	vand.u32 $0x7, v3;
	v4 =	vand.u32 $0xFFFFFFF0, v60  }
0x2f6: {  	v3 =	vor.u32 v3, v4  }
0x2f7: {  	v4 =	vperm.xlane v3, v0;
	_ =	sdelay $0x1  }
0x2f8: {  	v3 =	vperm.xlane v3, v2;
	v4 =	vadd.s32 v1, v4;
	_ =	sdelay $0x1  }
0x2f9: {  	v3 =	vadd.s32 v1, v3;
	_ =	sdelay $0x2  }
0x2fa: {  	[tilespmem:s3], [sflag:$0x2] =	stream.indirect_vreg.gather [hbm4b:s2+s4], $0x80, v4, vm0, $0xb8;
	[tilespmem:$0x10200] =	vst v63  }
0x2fb: {  	s31 =	simm.s32 $0xCA00  }
0x2fc: {  	[tilespmem:s31], [sflag:$0x2] =	stream.indirect_vreg.gather [hbm4b:s2+s4], $0x80, v3, vm0, $0xb8;
	[tilespmem:$0x10200] =	vst v63  }
0x2fd: {  	v3 =	vld [tilespmem:$0x1D0];
	_ =	sdelay $0x4  }
0x2fe: {  	v61 =	vshll.u32 v3, $0x1  }
0x2ff: {  	v3 =	vand.u32 $0x7, v3;
	v4 =	vand.u32 $0xFFFFFFF0, v61  }
0x300: {  	v3 =	vor.u32 v3, v4  }
0x301: {  	v4 =	vperm.xlane v3, v0;
	_ =	sdelay $0x1  }
0x302: {  	v3 =	vperm.xlane v3, v2;
	v4 =	vadd.s32 v1, v4;
	_ =	sdelay $0x1  }
0x303: {  	v3 =	vadd.s32 v1, v3;
	_ =	sdelay $0x1  }
0x304: {  	s28 =	simm.s32 $0xD200  }
0x305: {  	[tilespmem:s28], [sflag:$0x2] =	stream.indirect_vreg.gather [hbm4b:s2+s4], $0x80, v4, vm0, $0xb8;
	[tilespmem:$0x10200] =	vst v63  }
0x306: {  	s25 =	simm.s32 $0xDA00  }
0x307: {  	[tilespmem:s25], [sflag:$0x2] =	stream.indirect_vreg.gather [hbm4b:s2+s4], $0x80, v3, vm0, $0xb8;
	[tilespmem:$0x10200] =	vst v63  }
0x308: {  	v3 =	vld [tilespmem:$0x1E0];
	_ =	sdelay $0x4  }
0x309: {  	v62 =	vshll.u32 v3, $0x1  }
0x30a: {  	v3 =	vand.u32 $0x7, v3;
	v4 =	vand.u32 $0xFFFFFFF0, v62  }
0x30b: {  	v3 =	vor.u32 v3, v4  }
0x30c: {  	v4 =	vperm.xlane v3, v0;
	_ =	sdelay $0x1  }
0x30d: {  	v3 =	vperm.xlane v3, v2;
	v4 =	vadd.s32 v1, v4;
	_ =	sdelay $0x1  }
0x30e: {  	v3 =	vadd.s32 v1, v3;
	_ =	sdelay $0x1  }
0x30f: {  	s29 =	simm.s32 $0xE200  }
0x310: {  	[tilespmem:s29], [sflag:$0x2] =	stream.indirect_vreg.gather [hbm4b:s2+s4], $0x80, v4, vm0, $0xb8;
	[tilespmem:$0x10200] =	vst v63  }
0x311: {  	s26 =	simm.s32 $0xEA00  }
0x312: {  	[tilespmem:s26], [sflag:$0x2] =	stream.indirect_vreg.gather [hbm4b:s2+s4], $0x80, v3, vm0, $0xb8;
	[tilespmem:$0x10200] =	vst v63  }
0x313: {  	v3 =	vld [tilespmem:$0x1F0];
	_ =	sdelay $0x4  }
0x314: {  	v63 =	vshll.u32 v3, $0x1  }
0x315: {  	v3 =	vand.u32 $0x7, v3;
	v4 =	vand.u32 $0xFFFFFFF0, v63  }
0x316: {  	v3 =	vor.u32 v3, v4  }
0x317: {  	v4 =	vperm.xlane v3, v0;
	_ =	sdelay $0x1  }
0x318: {  	v3 =	vperm.xlane v3, v2;
	v4 =	vadd.s32 v1, v4;
	_ =	sdelay $0x1  }
0x319: {  	v3 =	vadd.s32 v1, v3;
	_ =	sdelay $0x1  }
0x31a: {  	s10 =	simm.s32 $0xF200  }
0x31b: {  	[tilespmem:s10], [sflag:$0x2] =	stream.indirect_vreg.gather [hbm4b:s2+s4], $0x80, v4, vm0, $0xb8;
	[tilespmem:$0x10200] =	vst v63  }
0x31c: {  	s11 =	simm.s32 $0xFA00  }
0x31d: {  	[tilespmem:s11], [sflag:$0x2] =	stream.indirect_vreg.gather [hbm4b:s2+s4], $0x80, v3, vm0, $0xb8;
	[tilespmem:$0x10200] =	vst v63  }
0x31e: {  	_ =	swait.ge [sflag:s14], $0x4000  }
0x31f: {  	[sflag:s14] =	ssyncset.done $0x0  }
0x320: {  	[sflag:s14] =	ssyncadd.s32 $0xFFFFC000  }
0x321: {  	_ =	swait.ge [sflag:s16], $0x4000  }
0x322: {  	[sflag:s16] =	ssyncset.done $0x0  }
0x323: {  	s28 =	rddreg [dreg:$0x13];
	[sflag:s16] =	ssyncadd.s32 $0xFFFFC000  }
0x324: {  	[hbm4b:s28+s4] =	stream.linear.scatter [tilespmem:s9], [sflag:$0x3], $0x4000, $0x38;
	[tilespmem:$0x10200] =	vst v63  }
0x325: {  	_ =	swait.ge [sflag:s6], $0x4000  }
0x326: {  	[sflag:s6] =	ssyncset.done $0x0  }
0x327: {  	s29 =	rddreg [dreg:$0x14];
	[sflag:s6] =	ssyncadd.s32 $0xFFFFC000  }
0x328: {  	[hbm4b:s29+s4] =	stream.linear.scatter [tilespmem:s15], [sflag:$0x3], $0x4000, $0x38;
	[tilespmem:$0x10200] =	vst v63  }
0x329: {  	_ =	swait.ge [sflag:s6], $0x4000  }
0x32a: {  	[sflag:s6] =	ssyncset.done $0x0  }
0x32b: {  	[sflag:s6] =	ssyncadd.s32 $0xFFFFC000  }
0x32c: {  	_ =	swait.ge [sflag:s14], $0x4000  }
0x32d: {  	[sflag:s14] =	ssyncset.done $0x0  }
0x32e: {  	[sflag:s14] =	ssyncadd.s32 $0xFFFFC000  }
0x32f: {  	_ =	swait.ge [sflag:s16], $0x4000  }
0x330: {  	[sflag:s16] =	ssyncset.done $0x0  }
0x331: {  	s30 =	rddreg [dreg:$0x15];
	[sflag:s16] =	ssyncadd.s32 $0xFFFFC000  }
0x332: {  	[hbm4b:s30+s4] =	stream.linear.scatter [tilespmem:s23], [sflag:$0x3], $0x4000, $0x38;
	[tilespmem:$0x10200] =	vst v63  }
0x333: {  	_ =	swait.ge [sflag:s6], $0x4000  }
0x334: {  	p0 =	sne.s32 s5, $0x1;
	[sflag:s6] =	ssyncset.done $0x0  }
.Ltmp0:
0x335: {  	s31 =	rddreg [dreg:$0x16];
	[sflag:s6] =	ssyncadd.s32 $0xFFFFC000;
	(pc) =	sbr.rel @p0 .LBB2_1-.Ltmp0, $4  }
0x336: {  	[hbm4b:s31+s4] =	stream.linear.scatter [tilespmem:s3], [sflag:$0x3], $0x4000, $0x38;
	[tilespmem:$0x10200] =	vst v63  }
0x337: {  	_ =	swait.ge [sflag:s6], $0x4000  }
0x338: {  	[sflag:s6] =	ssyncset.done $0x0  }
0x339: {  	s5 =	sadd.s32 $0xFFFFFFFF, s5;
	[sflag:s6] =	ssyncadd.s32 $0xFFFFC000  }
0x33a: {  	_ =	sfence.sel $0x180000  }
0x33b: {  	[bflag:$0x0] =	sbarrier.arrive $0xFFFF  }
0x33c: {  	_ =	strace $0x90000047  }
0x33d: {  	s0 =	stileid.u32;
	[bflag:$0x2] =	sbarrier.arrive $0xFFFF  }
0x33e: {  	p0 =	sne.s32 s0, $0x0;
	s0 =	rddreg [dreg:$0x5]  }
0x33f: {  	s0 =	sadd.s32 @!p0 $0x100000, s0  }
0x340: {  	[sflag:s0] =	ssyncadd.tile.s32 @!p0 $0x1;
	_ =	shalt  }
.Lfunc_end2:
_tile_overlayer_lowered:
.L_overlay_start_2:
0x341: {  	(tag) =	ssettag $0x2  }
0x342: {  	s0 =	rddreg [dreg:$0x0];
	s2 =	stileid.u32  }
0x343: {  	s1 =	rddreg [dreg:$0x1];
	p0 =	sne.s32 s2, $0x0  }
0x344: {  	s3 =	rddreg [dreg:$0x2];
	[bflag:$0x3] =	sbarrier.arrive $0xFFFF;
	s2 =	simm.s32 @!p0 $0x1C03  }
0x345: {  	[timem:s3], [sflag:s2] =	dma.local @!p0 [hbm:s0], s1  }
0x346: {  	s0 =	simm.s32 @!p0 $0x3  }
0x347: {  	_ =	swait.ge @!p0 [sflag:s0], s1  }
0x348: {  	s1 =	ssub.s32 @!p0 $0x0, s1;
	[sflag:s0] =	ssyncset.done @!p0 $0x0  }
0x349: {  	[sflag:s0] =	ssyncadd.s32 @!p0 s1  }
0x34a: {  	[bflag:$0x3] =	sbarrier.arrive $0xFFFF  }
0x34b: {  	_ =	shalt  }

</sc_bundles>
